<compile_context>
chip_gen: v7x
topology: tpu7x:2x2x1
jax: 0.10.2.dev20260603
libtpu: 0.0.44.dev20260713+nightly
codegen_flags: <defaults>
</compile_context>

<pallas_src>
import functools

import jax
import jax.numpy as jnp
from jax import lax
from jax.experimental import pallas as pl
from jax.experimental.pallas import tpu as pltpu
from jax.experimental.pallas import tpu_sc as plsc

N = 10000
E = 320000
H = 128
NC, NS = 2, 16
NW = NC * NS
CHUNK = 128
CPT = 80
EPAD = NW * CPT * CHUNK
R = 10240
ZROWS = R // NS

_mesh = plsc.VectorSubcoreMesh(core_axis_name="c", subcore_axis_name="s",
                               num_cores=NC, num_subcores=NS)


@functools.partial(
    pl.kernel,
    out_type=jax.ShapeDtypeStruct((NC, R, H), jnp.float32),
    mesh=_mesh,
    scratch_types=[
        pltpu.VMEM((CPT, CHUNK), jnp.int32),
        pltpu.VMEM((CHUNK, H), jnp.float32),
        pltpu.VMEM_SHARED((R, H), jnp.float32),
    ],
)
def _sc_degree(dstb_hbm, ones_hbm, out_hbm, dst_v, ones_v, accum):
    c = lax.axis_index("c")
    s = lax.axis_index("s")
    w = s * NC + c

    def zrow(i, carry):
        for k in range(H // 16):
            ones_v[i, pl.ds(k * 16, 16)] = jnp.zeros((16,), jnp.float32)
        return carry

    lax.fori_loop(0, CHUNK, zrow, 0)
    for q in range(ZROWS // CHUNK):
        pltpu.sync_copy(ones_v,
                        accum.at[pl.ds(s * ZROWS + q * CHUNK, CHUNK)])
    pltpu.sync_copy(ones_hbm, ones_v)
    pltpu.sync_copy(dstb_hbm.at[pl.ds(w * CPT, CPT)], dst_v)
    plsc.subcore_barrier()

    def body(j, carry):
        pltpu.sync_copy(ones_v, accum.at[dst_v.at[j]], add=True)
        return carry

    lax.fori_loop(0, CPT, body, 0)
    plsc.subcore_barrier()
    pltpu.sync_copy(accum.at[pl.ds(s * ZROWS, ZROWS)],
                    out_hbm.at[c].at[pl.ds(s * ZROWS, ZROWS)])


NB = 2
SLOW_C = 0
SLOW_CPT = 40
FAST_CPT = 120
PAIR = SLOW_CPT + FAST_CPT
QC = 40
SLOW_NST = SLOW_CPT // QC
FAST_NST = FAST_CPT // QC


@functools.partial(
    pl.kernel,
    out_type=jax.ShapeDtypeStruct((NC, R, H), jnp.float32),
    mesh=_mesh,
    scratch_types=[
        pltpu.VMEM((QC, CHUNK), jnp.int32),
        pltpu.VMEM((QC, CHUNK), jnp.int32),
        pltpu.VMEM((CHUNK, H), jnp.float32),
        pltpu.VMEM((CHUNK, H), jnp.float32),
        pltpu.VMEM_SHARED((R, H), jnp.float32),
        pltpu.SemaphoreType.DMA,
        pltpu.SemaphoreType.DMA,
    ],
)
def _sc_scatter(h_hbm, srcb_hbm, dstb_hbm, out_hbm,
                src_v, dst_v, r0, r1, accum, s0, s1):
    rows = (r0, r1)
    sems = (s0, s1)
    c = lax.axis_index("c")
    s = lax.axis_index("s")

    def zrow(i, carry):
        for k in range(H // 16):
            r0[i, pl.ds(k * 16, 16)] = jnp.zeros((16,), jnp.float32)
        return carry

    lax.fori_loop(0, CHUNK, zrow, 0)
    for q in range(ZROWS // CHUNK):
        pltpu.sync_copy(r0, accum.at[pl.ds(s * ZROWS + q * CHUNK, CHUNK)])
    plsc.subcore_barrier()

    def _run(base_w, nstages):
        for st in range(nstages):
            sbase = pl.multiple_of(base_w + st * QC, 8)
            pltpu.sync_copy(srcb_hbm.at[pl.ds(sbase, QC)], src_v)
            pltpu.sync_copy(dstb_hbm.at[pl.ds(sbase, QC)], dst_v)

            def body(i, carry2):
                j0 = i * NB
                for b in range(NB):
                    pltpu.async_copy(h_hbm.at[src_v.at[j0 + b]], rows[b],
                                     sems[b])
                for b in range(NB):
                    pltpu.make_async_copy(h_hbm.at[src_v.at[j0 + b]],
                                          rows[b], sems[b]).wait()
                    pltpu.sync_copy(rows[b], accum.at[dst_v.at[j0 + b]],
                                    add=True)
                return carry2

            lax.fori_loop(0, QC // NB, body, 0)

    @pl.when(c == SLOW_C)
    def _():
        _run(s * PAIR + FAST_CPT, SLOW_NST)

    @pl.when(c != SLOW_C)
    def _():
        _run(s * PAIR, FAST_NST)

    plsc.subcore_barrier()
    pltpu.sync_copy(accum.at[pl.ds(s * ZROWS, ZROWS)],
                    out_hbm.at[c].at[pl.ds(s * ZROWS, ZROWS)])


def _tcmm_body(x_ref, w_ref, h_ref):
    h_ref[...] = jnp.dot(x_ref[...], w_ref[...],
                         preferred_element_type=jnp.float32)


def _tcmm(x, w1):
    return pl.pallas_call(
        _tcmm_body,
        out_shape=jax.ShapeDtypeStruct((N, H), jnp.float32),
    )(x, w1)


def _tc1_body(h_ref, d0_ref, d1_ref, hp_ref, dinv_ref):
    deg = d0_ref[...] + d1_ref[...] + 1.0
    dinv = lax.rsqrt(deg)
    dinv_ref[...] = dinv
    hp_ref[...] = h_ref[...] * dinv


def _tc1(h1, d0, d1):
    return pl.pallas_call(
        _tc1_body,
        out_shape=[jax.ShapeDtypeStruct((N, H), jnp.float32),
                   jax.ShapeDtypeStruct((N, 1), jnp.float32)],
    )(h1, d0, d1)


def _tcmid_body(a0_ref, a1_ref, hp_ref, dinv_ref, b_ref, g_ref, be_ref,
                wn_ref, out_ref):
    dinv = dinv_ref[...]
    z = jnp.maximum(dinv * (a0_ref[...] + a1_ref[...] + hp_ref[...])
                    + b_ref[...], 0.0)
    m = jnp.mean(z, axis=0, keepdims=True)
    v = jnp.mean((z - m) ** 2, axis=0, keepdims=True)
    zn = (z - m) * lax.rsqrt(v + 1e-5) * g_ref[...] + be_ref[...]
    out_ref[...] = jnp.dot(zn, wn_ref[...],
                           preferred_element_type=jnp.float32) * dinv


def _tcmid(a0, a1, hp, dinv, b, g, be, wn):
    return pl.pallas_call(
        _tcmid_body,
        out_shape=jax.ShapeDtypeStruct((N, H), jnp.float32),
    )(a0, a1, hp, dinv, b, g, be, wn)


def _tcfin_body(a0_ref, a1_ref, hp_ref, dinv_ref, b_ref, g_ref, be_ref,
                wc_ref, bc_ref, out_ref):
    dinv = dinv_ref[...]
    z = jnp.maximum(dinv * (a0_ref[...] + a1_ref[...] + hp_ref[...])
                    + b_ref[...], 0.0)
    m = jnp.mean(z, axis=0, keepdims=True)
    v = jnp.mean((z - m) ** 2, axis=0, keepdims=True)
    zn = (z - m) * lax.rsqrt(v + 1e-5) * g_ref[...] + be_ref[...]
    out_ref[...] = jnp.dot(zn, wc_ref[...],
                           preferred_element_type=jnp.float32) + bc_ref[...]


def _tcfin(a0, a1, hp, dinv, b, g, be, wc, bc):
    return pl.pallas_call(
        _tcfin_body,
        out_shape=jax.ShapeDtypeStruct((N, 2), jnp.float32),
    )(a0, a1, hp, dinv, b, g, be, wc, bc)


def kernel(x, edge_index, W1, b1, W2, b2, W3, b3,
           g1, be1, g2, be2, g3, be3, Wc, bc):
    src = edge_index[0]
    dst = edge_index[1]
    padlen = EPAD - E
    srcb = jnp.concatenate(
        [src, jnp.zeros((padlen,), src.dtype)]).reshape(NW * CPT, CHUNK)
    pad_dst = N + jnp.arange(padlen, dtype=dst.dtype) % (R - N)
    dstb = jnp.concatenate([dst, pad_dst]).reshape(NW * CPT, CHUNK)
    srcb = jnp.pad(srcb, ((0, 32), (0, 0)))
    dstb = jnp.pad(dstb, ((0, 32), (0, 0)))
    ones_deg = jnp.ones((CHUNK, H), jnp.float32)

    h1 = _tcmm(x, W1)
    degp = _sc_degree(dstb, ones_deg)
    d0 = degp[0, :N, 0:1]
    d1 = degp[1, :N, 0:1]
    hp, dinv = _tc1(h1, d0, d1)

    layer_params = [(b1, g1, be1, W2), (b2, g2, be2, W3)]
    for b, g, be, wn in layer_params:
        agg = _sc_scatter(hp, srcb, dstb)
        hp = _tcmid(agg[0, :N], agg[1, :N], hp, dinv,
                    b.reshape(1, H), g.reshape(1, H), be.reshape(1, H), wn)

    agg = _sc_scatter(hp, srcb, dstb)
    out = _tcfin(agg[0, :N], agg[1, :N], hp, dinv,
                 b3.reshape(1, H), g3.reshape(1, H), be3.reshape(1, H),
                 Wc, bc.reshape(1, 2))
    return out

# --- scband reference (transcript-rebuilt; emitter-appended) ---
"""Pipeline reference for scband-patient-gnn-10153302688286 (READ-ONLY COPY).

The authoritative reference and input builder live on the scoring server;
editing this copy changes nothing except your own understanding.
"""

import jax, jax.numpy as jnp
import numpy as np

N = 10000
E = 320000
D = 128
H = 128


def gcn_conv(x, src, dst, W, b):
    # linear transform first (PyG GCNConv order)
    h = x @ W
    # add self loops
    loop = jnp.arange(N, dtype=src.dtype)
    src2 = jnp.concatenate([src, loop])
    dst2 = jnp.concatenate([dst, loop])
    # symmetric normalization D^-1/2 (A+I) D^-1/2
    deg = jnp.zeros((N,), jnp.float32).at[dst2].add(1.0)
    dinv = jnp.where(deg > 0, deg ** -0.5, 0.0)
    norm = dinv[src2] * dinv[dst2]
    msg = h[src2] * norm[:, None]
    out = jnp.zeros((N, h.shape[1]), h.dtype).at[dst2].add(msg)
    return out + b


def bn(x, gamma, beta):
    # BatchNorm1d in training mode: batch statistics, eps=1e-5
    m = jnp.mean(x, axis=0)
    v = jnp.var(x, axis=0)
    return (x - m) / jnp.sqrt(v + 1e-5) * gamma + beta


def setup_inputs(seed: int = 0) -> dict:
    key = jax.random.key(seed)
    ks = jax.random.split(key, 8)
    x = jax.random.normal(ks[0], (N, D), dtype=jnp.float32)
    edge_index = jax.random.randint(ks[1], (2, E), 0, N, dtype=jnp.int32)
    W1 = jax.random.normal(ks[2], (D, H), dtype=jnp.float32) * (1.0 / np.sqrt(D))
    b1 = jnp.zeros((H,), jnp.float32)
    W2 = jax.random.normal(ks[3], (H, H), dtype=jnp.float32) * (1.0 / np.sqrt(H))
    b2 = jnp.zeros((H,), jnp.float32)
    W3 = jax.random.normal(ks[4], (H, H), dtype=jnp.float32) * (1.0 / np.sqrt(H))
    b3 = jnp.zeros((H,), jnp.float32)
    g1 = jnp.ones((H,), jnp.float32); be1 = jnp.zeros((H,), jnp.float32)
    g2 = jnp.ones((H,), jnp.float32); be2 = jnp.zeros((H,), jnp.float32)
    g3 = jnp.ones((H,), jnp.float32); be3 = jnp.zeros((H,), jnp.float32)
    Wc = jax.random.normal(ks[5], (H, 2), dtype=jnp.float32) * (1.0 / np.sqrt(H))
    bc = jnp.zeros((2,), jnp.float32)
    return {"x": x, "edge_index": edge_index, "W1": W1, "b1": b1, "W2": W2, "b2": b2, "W3": W3, "b3": b3, "g1": g1, "be1": be1, "g2": g2, "be2": be2, "g3": g3, "be3": be3, "Wc": Wc, "bc": bc}


def reference(x, edge_index, W1, b1, W2, b2, W3, b3, g1, be1, g2, be2, g3, be3, Wc, bc):
    src, dst = edge_index[0], edge_index[1]
    h = gcn_conv(x, src, dst, W1, b1)
    h = bn(jax.nn.relu(h), g1, be1)
    # dropout is identity in eval / deterministic reference
    h = gcn_conv(h, src, dst, W2, b2)
    h = bn(jax.nn.relu(h), g2, be2)
    h = gcn_conv(h, src, dst, W3, b3)
    h = bn(jax.nn.relu(h), g3, be3)
    out = h @ Wc + bc
    return out

if __name__ == "__main__":
    import jax
    _d = setup_inputs()
    print(jax.jit(kernel)(*tuple(_d.values())))

</pallas_src>

<mosaic_0001>
#map = affine_map<(d0, d1) -> (0, 0)>
#map1 = affine_map<(d0, d1) -> (0, 0, 0)>
module attributes {stable_mosaic.version = 14 : i64} {
  func.func @_sc_scatter(%arg0: i32, %arg1: i32, %arg2: memref<10000x128xf32, #tpu.memory_space<hbm>>, %arg3: memref<2592x128xi32, #tpu.memory_space<hbm>>, %arg4: memref<2592x128xi32, #tpu.memory_space<hbm>>, %arg5: memref<2x10240x128xf32, #tpu.memory_space<hbm>>, %arg6: memref<40x128xi32, #tpu.memory_space<vmem>>, %arg7: memref<40x128xi32, #tpu.memory_space<vmem>>, %arg8: memref<128x128xf32, #tpu.memory_space<vmem>>, %arg9: memref<128x128xf32, #tpu.memory_space<vmem>>, %arg10: memref<10240x128xf32, #tpu.memory_space<vmem_shared>>, %arg11: memref<!tpu.dma_semaphore, #tpu.memory_space<semaphore_mem>>, %arg12: memref<!tpu.dma_semaphore, #tpu.memory_space<semaphore_mem>>) attributes {dimension_semantics = [#tpu.dimension_semantics<core_parallel>, #tpu.dimension_semantics<subcore_parallel>], iteration_bounds = array<i64: 2, 16>, scalar_prefetch = 0 : i64, scratch_operands = 7 : i64, tpu.core_type = #tpu.core_type<sc_vector_subcore>, window_params = [{transform_indices = #map}, {transform_indices = #map}, {transform_indices = #map}, {transform_indices = #map1}]} {
    %scan3A = arith.constant 0 : i32
    %scan3A_0 = arith.constant 0 : i32
    %scan3A_1 = arith.constant 128 : i32
    %scan3A_2 = arith.addi %scan3A_0, %scan3A_1 : i32
    %scan3A_3 = arith.constant 1 : i32
    scf.for %scan3A_34 = %scan3A_0 to %scan3A_2 step %scan3A_3  : i32 {
      %broadcast_in_dim3A = arith.constant 0.000000e+00 : f32
      %broadcast_in_dim3A_35 = vector.broadcast %broadcast_in_dim3A : f32 to vector<16xf32>
      %swap3A = arith.index_cast %scan3A_34 : i32 to index
      %swap3A_36 = arith.constant 0 : index
      %swap3A_37 = tpu.vector_load %arg8[%swap3A, %swap3A_36] {strides = array<i32>} : memref<128x128xf32, #tpu.memory_space<vmem>>, vector<1x16xf32>,
      %swap3A_38 = vector.shape_cast %swap3A_37 : vector<1x16xf32> to vector<16xf32>
      %swap3A_39 = vector.shape_cast %broadcast_in_dim3A_35 : vector<16xf32> to vector<1x16xf32>
      tpu.vector_store %arg8[%swap3A, %swap3A_36], %swap3A_39 {strides = array<i32>} : memref<128x128xf32, #tpu.memory_space<vmem>>, vector<1x16xf32>,
      %broadcast_in_dim3A_40 = arith.constant 0.000000e+00 : f32
      %broadcast_in_dim3A_41 = vector.broadcast %broadcast_in_dim3A_40 : f32 to vector<16xf32>
      %swap3A_42 = arith.index_cast %scan3A_34 : i32 to index
      %swap3A_43 = arith.constant 16 : index
      %swap3A_44 = tpu.vector_load %arg8[%swap3A_42, %swap3A_43] {strides = array<i32>} : memref<128x128xf32, #tpu.memory_space<vmem>>, vector<1x16xf32>,
      %swap3A_45 = vector.shape_cast %swap3A_44 : vector<1x16xf32> to vector<16xf32>
      %swap3A_46 = vector.shape_cast %broadcast_in_dim3A_41 : vector<16xf32> to vector<1x16xf32>
      tpu.vector_store %arg8[%swap3A_42, %swap3A_43], %swap3A_46 {strides = array<i32>} : memref<128x128xf32, #tpu.memory_space<vmem>>, vector<1x16xf32>,
      %broadcast_in_dim3A_47 = arith.constant 0.000000e+00 : f32
      %broadcast_in_dim3A_48 = vector.broadcast %broadcast_in_dim3A_47 : f32 to vector<16xf32>
      %swap3A_49 = arith.index_cast %scan3A_34 : i32 to index
      %swap3A_50 = arith.constant 32 : index
      %swap3A_51 = tpu.vector_load %arg8[%swap3A_49, %swap3A_50] {strides = array<i32>} : memref<128x128xf32, #tpu.memory_space<vmem>>, vector<1x16xf32>,
      %swap3A_52 = vector.shape_cast %swap3A_51 : vector<1x16xf32> to vector<16xf32>
      %swap3A_53 = vector.shape_cast %broadcast_in_dim3A_48 : vector<16xf32> to vector<1x16xf32>
      tpu.vector_store %arg8[%swap3A_49, %swap3A_50], %swap3A_53 {strides = array<i32>} : memref<128x128xf32, #tpu.memory_space<vmem>>, vector<1x16xf32>,
      %broadcast_in_dim3A_54 = arith.constant 0.000000e+00 : f32
      %broadcast_in_dim3A_55 = vector.broadcast %broadcast_in_dim3A_54 : f32 to vector<16xf32>
      %swap3A_56 = arith.index_cast %scan3A_34 : i32 to index
      %swap3A_57 = arith.constant 48 : index
      %swap3A_58 = tpu.vector_load %arg8[%swap3A_56, %swap3A_57] {strides = array<i32>} : memref<128x128xf32, #tpu.memory_space<vmem>>, vector<1x16xf32>,
      %swap3A_59 = vector.shape_cast %swap3A_58 : vector<1x16xf32> to vector<16xf32>
      %swap3A_60 = vector.shape_cast %broadcast_in_dim3A_55 : vector<16xf32> to vector<1x16xf32>
      tpu.vector_store %arg8[%swap3A_56, %swap3A_57], %swap3A_60 {strides = array<i32>} : memref<128x128xf32, #tpu.memory_space<vmem>>, vector<1x16xf32>,
      %broadcast_in_dim3A_61 = arith.constant 0.000000e+00 : f32
      %broadcast_in_dim3A_62 = vector.broadcast %broadcast_in_dim3A_61 : f32 to vector<16xf32>
      %swap3A_63 = arith.index_cast %scan3A_34 : i32 to index
      %swap3A_64 = arith.constant 64 : index
      %swap3A_65 = tpu.vector_load %arg8[%swap3A_63, %swap3A_64] {strides = array<i32>} : memref<128x128xf32, #tpu.memory_space<vmem>>, vector<1x16xf32>,
      %swap3A_66 = vector.shape_cast %swap3A_65 : vector<1x16xf32> to vector<16xf32>
      %swap3A_67 = vector.shape_cast %broadcast_in_dim3A_62 : vector<16xf32> to vector<1x16xf32>
      tpu.vector_store %arg8[%swap3A_63, %swap3A_64], %swap3A_67 {strides = array<i32>} : memref<128x128xf32, #tpu.memory_space<vmem>>, vector<1x16xf32>,
      %broadcast_in_dim3A_68 = arith.constant 0.000000e+00 : f32
      %broadcast_in_dim3A_69 = vector.broadcast %broadcast_in_dim3A_68 : f32 to vector<16xf32>
      %swap3A_70 = arith.index_cast %scan3A_34 : i32 to index
      %swap3A_71 = arith.constant 80 : index
      %swap3A_72 = tpu.vector_load %arg8[%swap3A_70, %swap3A_71] {strides = array<i32>} : memref<128x128xf32, #tpu.memory_space<vmem>>, vector<1x16xf32>,
      %swap3A_73 = vector.shape_cast %swap3A_72 : vector<1x16xf32> to vector<16xf32>
      %swap3A_74 = vector.shape_cast %broadcast_in_dim3A_69 : vector<16xf32> to vector<1x16xf32>
      tpu.vector_store %arg8[%swap3A_70, %swap3A_71], %swap3A_74 {strides = array<i32>} : memref<128x128xf32, #tpu.memory_space<vmem>>, vector<1x16xf32>,
      %broadcast_in_dim3A_75 = arith.constant 0.000000e+00 : f32
      %broadcast_in_dim3A_76 = vector.broadcast %broadcast_in_dim3A_75 : f32 to vector<16xf32>
      %swap3A_77 = arith.index_cast %scan3A_34 : i32 to index
      %swap3A_78 = arith.constant 96 : index
      %swap3A_79 = tpu.vector_load %arg8[%swap3A_77, %swap3A_78] {strides = array<i32>} : memref<128x128xf32, #tpu.memory_space<vmem>>, vector<1x16xf32>,
      %swap3A_80 = vector.shape_cast %swap3A_79 : vector<1x16xf32> to vector<16xf32>
      %swap3A_81 = vector.shape_cast %broadcast_in_dim3A_76 : vector<16xf32> to vector<1x16xf32>
      tpu.vector_store %arg8[%swap3A_77, %swap3A_78], %swap3A_81 {strides = array<i32>} : memref<128x128xf32, #tpu.memory_space<vmem>>, vector<1x16xf32>,
      %broadcast_in_dim3A_82 = arith.constant 0.000000e+00 : f32
      %broadcast_in_dim3A_83 = vector.broadcast %broadcast_in_dim3A_82 : f32 to vector<16xf32>
      %swap3A_84 = arith.index_cast %scan3A_34 : i32 to index
      %swap3A_85 = arith.constant 112 : index
      %swap3A_86 = tpu.vector_load %arg8[%swap3A_84, %swap3A_85] {strides = array<i32>} : memref<128x128xf32, #tpu.memory_space<vmem>>, vector<1x16xf32>,
      %swap3A_87 = vector.shape_cast %swap3A_86 : vector<1x16xf32> to vector<16xf32>
      %swap3A_88 = vector.shape_cast %broadcast_in_dim3A_83 : vector<16xf32> to vector<1x16xf32>
      tpu.vector_store %arg8[%swap3A_84, %swap3A_85], %swap3A_88 {strides = array<i32>} : memref<128x128xf32, #tpu.memory_space<vmem>>, vector<1x16xf32>,
    }
    %scan3A_4 = arith.constant 128 : i32
    %mul3A = arith.constant 640 : i32
    %mul3A_5 = arith.muli %arg1, %mul3A : i32
    %add3A = arith.constant 0 : i32
    %add3A_6 = arith.addi %mul3A_5, %add3A : i32
    "tpu.region"() ({
      %run_scoped3A = tpu.sem_alloc : memref<!tpu.dma_semaphore, #tpu.memory_space<semaphore_mem>>
      %dma_start3A = arith.constant 0 : i32
      %dma_start3A_34 = tpu.memref_slice %arg10[%add3A_6, %dma_start3A] : memref<10240x128xf32, #tpu.memory_space<vmem_shared>> -> memref<128x128xf32, #tpu.memory_space<vmem_shared>>
      %dma_start3A_35 = arith.constant 0 : i32
      %dma_start3A_36 = tpu.memref_slice %arg10[%add3A_6, %dma_start3A_35] : memref<10240x128xf32, #tpu.memory_space<vmem_shared>> -> memref<128x128xf32, #tpu.memory_space<vmem_shared>>
      tpu.enqueue_dma source(%arg8 : memref<128x128xf32, #tpu.memory_space<vmem>>) target(%dma_start3A_36 : memref<128x128xf32, #tpu.memory_space<vmem_shared>>) target_semaphore(%run_scoped3A : memref<!tpu.dma_semaphore, #tpu.memory_space<semaphore_mem>>)
      %dma_wait3A = arith.constant 0 : i32
      %dma_wait3A_37 = tpu.memref_slice %arg10[%add3A_6, %dma_wait3A] : memref<10240x128xf32, #tpu.memory_space<vmem_shared>> -> memref<128x128xf32, #tpu.memory_space<vmem_shared>>
      %dma_wait3A_38 = arith.constant 0 : i32
      %dma_wait3A_39 = tpu.memref_slice %arg10[%add3A_6, %dma_wait3A_38] : memref<10240x128xf32, #tpu.memory_space<vmem_shared>> -> memref<128x128xf32, #tpu.memory_space<vmem_shared>>
      tpu.wait_dma2 semaphore(%run_scoped3A : memref<!tpu.dma_semaphore, #tpu.memory_space<semaphore_mem>>) src(%arg8 : memref<128x128xf32, #tpu.memory_space<vmem>>) dst(%dma_wait3A_39 : memref<128x128xf32, #tpu.memory_space<vmem_shared>>)
      tpu.yield
    }) : () -> ()
    %mul3A_7 = arith.constant 640 : i32
    %mul3A_8 = arith.muli %arg1, %mul3A_7 : i32
    %add3A_9 = arith.constant 128 : i32
    %add3A_10 = arith.addi %mul3A_8, %add3A_9 : i32
    "tpu.region"() ({
      %run_scoped3A = tpu.sem_alloc : memref<!tpu.dma_semaphore, #tpu.memory_space<semaphore_mem>>
      %dma_start3A = arith.constant 0 : i32
      %dma_start3A_34 = tpu.memref_slice %arg10[%add3A_10, %dma_start3A] : memref<10240x128xf32, #tpu.memory_space<vmem_shared>> -> memref<128x128xf32, #tpu.memory_space<vmem_shared>>
      %dma_start3A_35 = arith.constant 0 : i32
      %dma_start3A_36 = tpu.memref_slice %arg10[%add3A_10, %dma_start3A_35] : memref<10240x128xf32, #tpu.memory_space<vmem_shared>> -> memref<128x128xf32, #tpu.memory_space<vmem_shared>>
      tpu.enqueue_dma source(%arg8 : memref<128x128xf32, #tpu.memory_space<vmem>>) target(%dma_start3A_36 : memref<128x128xf32, #tpu.memory_space<vmem_shared>>) target_semaphore(%run_scoped3A : memref<!tpu.dma_semaphore, #tpu.memory_space<semaphore_mem>>)
      %dma_wait3A = arith.constant 0 : i32
      %dma_wait3A_37 = tpu.memref_slice %arg10[%add3A_10, %dma_wait3A] : memref<10240x128xf32, #tpu.memory_space<vmem_shared>> -> memref<128x128xf32, #tpu.memory_space<vmem_shared>>
      %dma_wait3A_38 = arith.constant 0 : i32
      %dma_wait3A_39 = tpu.memref_slice %arg10[%add3A_10, %dma_wait3A_38] : memref<10240x128xf32, #tpu.memory_space<vmem_shared>> -> memref<128x128xf32, #tpu.memory_space<vmem_shared>>
      tpu.wait_dma2 semaphore(%run_scoped3A : memref<!tpu.dma_semaphore, #tpu.memory_space<semaphore_mem>>) src(%arg8 : memref<128x128xf32, #tpu.memory_space<vmem>>) dst(%dma_wait3A_39 : memref<128x128xf32, #tpu.memory_space<vmem_shared>>)
      tpu.yield
    }) : () -> ()
    %mul3A_11 = arith.constant 640 : i32
    %mul3A_12 = arith.muli %arg1, %mul3A_11 : i32
    %add3A_13 = arith.constant 256 : i32
    %add3A_14 = arith.addi %mul3A_12, %add3A_13 : i32
    "tpu.region"() ({
      %run_scoped3A = tpu.sem_alloc : memref<!tpu.dma_semaphore, #tpu.memory_space<semaphore_mem>>
      %dma_start3A = arith.constant 0 : i32
      %dma_start3A_34 = tpu.memref_slice %arg10[%add3A_14, %dma_start3A] : memref<10240x128xf32, #tpu.memory_space<vmem_shared>> -> memref<128x128xf32, #tpu.memory_space<vmem_shared>>
      %dma_start3A_35 = arith.constant 0 : i32
      %dma_start3A_36 = tpu.memref_slice %arg10[%add3A_14, %dma_start3A_35] : memref<10240x128xf32, #tpu.memory_space<vmem_shared>> -> memref<128x128xf32, #tpu.memory_space<vmem_shared>>
      tpu.enqueue_dma source(%arg8 : memref<128x128xf32, #tpu.memory_space<vmem>>) target(%dma_start3A_36 : memref<128x128xf32, #tpu.memory_space<vmem_shared>>) target_semaphore(%run_scoped3A : memref<!tpu.dma_semaphore, #tpu.memory_space<semaphore_mem>>)
      %dma_wait3A = arith.constant 0 : i32
      %dma_wait3A_37 = tpu.memref_slice %arg10[%add3A_14, %dma_wait3A] : memref<10240x128xf32, #tpu.memory_space<vmem_shared>> -> memref<128x128xf32, #tpu.memory_space<vmem_shared>>
      %dma_wait3A_38 = arith.constant 0 : i32
      %dma_wait3A_39 = tpu.memref_slice %arg10[%add3A_14, %dma_wait3A_38] : memref<10240x128xf32, #tpu.memory_space<vmem_shared>> -> memref<128x128xf32, #tpu.memory_space<vmem_shared>>
      tpu.wait_dma2 semaphore(%run_scoped3A : memref<!tpu.dma_semaphore, #tpu.memory_space<semaphore_mem>>) src(%arg8 : memref<128x128xf32, #tpu.memory_space<vmem>>) dst(%dma_wait3A_39 : memref<128x128xf32, #tpu.memory_space<vmem_shared>>)
      tpu.yield
    }) : () -> ()
    %mul3A_15 = arith.constant 640 : i32
    %mul3A_16 = arith.muli %arg1, %mul3A_15 : i32
    %add3A_17 = arith.constant 384 : i32
    %add3A_18 = arith.addi %mul3A_16, %add3A_17 : i32
    "tpu.region"() ({
      %run_scoped3A = tpu.sem_alloc : memref<!tpu.dma_semaphore, #tpu.memory_space<semaphore_mem>>
      %dma_start3A = arith.constant 0 : i32
      %dma_start3A_34 = tpu.memref_slice %arg10[%add3A_18, %dma_start3A] : memref<10240x128xf32, #tpu.memory_space<vmem_shared>> -> memref<128x128xf32, #tpu.memory_space<vmem_shared>>
      %dma_start3A_35 = arith.constant 0 : i32
      %dma_start3A_36 = tpu.memref_slice %arg10[%add3A_18, %dma_start3A_35] : memref<10240x128xf32, #tpu.memory_space<vmem_shared>> -> memref<128x128xf32, #tpu.memory_space<vmem_shared>>
      tpu.enqueue_dma source(%arg8 : memref<128x128xf32, #tpu.memory_space<vmem>>) target(%dma_start3A_36 : memref<128x128xf32, #tpu.memory_space<vmem_shared>>) target_semaphore(%run_scoped3A : memref<!tpu.dma_semaphore, #tpu.memory_space<semaphore_mem>>)
      %dma_wait3A = arith.constant 0 : i32
      %dma_wait3A_37 = tpu.memref_slice %arg10[%add3A_18, %dma_wait3A] : memref<10240x128xf32, #tpu.memory_space<vmem_shared>> -> memref<128x128xf32, #tpu.memory_space<vmem_shared>>
      %dma_wait3A_38 = arith.constant 0 : i32
      %dma_wait3A_39 = tpu.memref_slice %arg10[%add3A_18, %dma_wait3A_38] : memref<10240x128xf32, #tpu.memory_space<vmem_shared>> -> memref<128x128xf32, #tpu.memory_space<vmem_shared>>
      tpu.wait_dma2 semaphore(%run_scoped3A : memref<!tpu.dma_semaphore, #tpu.memory_space<semaphore_mem>>) src(%arg8 : memref<128x128xf32, #tpu.memory_space<vmem>>) dst(%dma_wait3A_39 : memref<128x128xf32, #tpu.memory_space<vmem_shared>>)
      tpu.yield
    }) : () -> ()
    %mul3A_19 = arith.constant 640 : i32
    %mul3A_20 = arith.muli %arg1, %mul3A_19 : i32
    %add3A_21 = arith.constant 512 : i32
    %add3A_22 = arith.addi %mul3A_20, %add3A_21 : i32
    "tpu.region"() ({
      %run_scoped3A = tpu.sem_alloc : memref<!tpu.dma_semaphore, #tpu.memory_space<semaphore_mem>>
      %dma_start3A = arith.constant 0 : i32
      %dma_start3A_34 = tpu.memref_slice %arg10[%add3A_22, %dma_start3A] : memref<10240x128xf32, #tpu.memory_space<vmem_shared>> -> memref<128x128xf32, #tpu.memory_space<vmem_shared>>
      %dma_start3A_35 = arith.constant 0 : i32
      %dma_start3A_36 = tpu.memref_slice %arg10[%add3A_22, %dma_start3A_35] : memref<10240x128xf32, #tpu.memory_space<vmem_shared>> -> memref<128x128xf32, #tpu.memory_space<vmem_shared>>
      tpu.enqueue_dma source(%arg8 : memref<128x128xf32, #tpu.memory_space<vmem>>) target(%dma_start3A_36 : memref<128x128xf32, #tpu.memory_space<vmem_shared>>) target_semaphore(%run_scoped3A : memref<!tpu.dma_semaphore, #tpu.memory_space<semaphore_mem>>)
      %dma_wait3A = arith.constant 0 : i32
      %dma_wait3A_37 = tpu.memref_slice %arg10[%add3A_22, %dma_wait3A] : memref<10240x128xf32, #tpu.memory_space<vmem_shared>> -> memref<128x128xf32, #tpu.memory_space<vmem_shared>>
      %dma_wait3A_38 = arith.constant 0 : i32
      %dma_wait3A_39 = tpu.memref_slice %arg10[%add3A_22, %dma_wait3A_38] : memref<10240x128xf32, #tpu.memory_space<vmem_shared>> -> memref<128x128xf32, #tpu.memory_space<vmem_shared>>
      tpu.wait_dma2 semaphore(%run_scoped3A : memref<!tpu.dma_semaphore, #tpu.memory_space<semaphore_mem>>) src(%arg8 : memref<128x128xf32, #tpu.memory_space<vmem>>) dst(%dma_wait3A_39 : memref<128x128xf32, #tpu.memory_space<vmem_shared>>)
      tpu.yield
    }) : () -> ()
    %barrier3A = arith.constant 0 : index
    tpu.barrier barrier_id(%barrier3A)
    %eq3A = arith.constant 0 : i32
    %eq3A_23 = arith.cmpi eq, %arg0, %eq3A : i32
    %convert_element_type3A = arith.extui %eq3A_23 : i1 to i32
    %cond3A = arith.constant 0 : i32
    %cond3A_24 = arith.cmpi ne, %convert_element_type3A, %cond3A : i32
    scf.if %cond3A_24 {
      %mul3A_34 = arith.constant 160 : i32
      %mul3A_35 = arith.muli %arg1, %mul3A_34 : i32
      %add3A_36 = arith.constant 120 : i32
      %add3A_37 = arith.addi %mul3A_35, %add3A_36 : i32
      %add3A_38 = arith.constant 0 : i32
      %add3A_39 = arith.addi %add3A_37, %add3A_38 : i32
      %multiple_of3A = tpu.assume_multiple %add3A_39, 8 : i32
      "tpu.region"() ({
        %run_scoped3A = tpu.sem_alloc : memref<!tpu.dma_semaphore, #tpu.memory_space<semaphore_mem>>
        %dma_start3A = arith.constant 0 : i32
        %dma_start3A_46 = tpu.memref_slice %arg3[%multiple_of3A, %dma_start3A] : memref<2592x128xi32, #tpu.memory_space<hbm>> -> memref<40x128xi32, #tpu.memory_space<hbm>>
        %dma_start3A_47 = arith.constant 0 : i32
        %dma_start3A_48 = tpu.memref_slice %arg3[%multiple_of3A, %dma_start3A_47] : memref<2592x128xi32, #tpu.memory_space<hbm>> -> memref<40x128xi32, #tpu.memory_space<hbm>>
        tpu.enqueue_dma source(%dma_start3A_48 : memref<40x128xi32, #tpu.memory_space<hbm>>) target(%arg6 : memref<40x128xi32, #tpu.memory_space<vmem>>) target_semaphore(%run_scoped3A : memref<!tpu.dma_semaphore, #tpu.memory_space<semaphore_mem>>)
        %dma_wait3A = arith.constant 0 : i32
        %dma_wait3A_49 = tpu.memref_slice %arg3[%multiple_of3A, %dma_wait3A] : memref<2592x128xi32, #tpu.memory_space<hbm>> -> memref<40x128xi32, #tpu.memory_space<hbm>>
        %dma_wait3A_50 = arith.constant 0 : i32
        %dma_wait3A_51 = tpu.memref_slice %arg3[%multiple_of3A, %dma_wait3A_50] : memref<2592x128xi32, #tpu.memory_space<hbm>> -> memref<40x128xi32, #tpu.memory_space<hbm>>
        tpu.wait_dma2 semaphore(%run_scoped3A : memref<!tpu.dma_semaphore, #tpu.memory_space<semaphore_mem>>) src(%dma_wait3A_51 : memref<40x128xi32, #tpu.memory_space<hbm>>) dst(%arg6 : memref<40x128xi32, #tpu.memory_space<vmem>>)
        tpu.yield
      }) : () -> ()
      "tpu.region"() ({
        %run_scoped3A = tpu.sem_alloc : memref<!tpu.dma_semaphore, #tpu.memory_space<semaphore_mem>>
        %dma_start3A = arith.constant 0 : i32
        %dma_start3A_46 = tpu.memref_slice %arg4[%multiple_of3A, %dma_start3A] : memref<2592x128xi32, #tpu.memory_space<hbm>> -> memref<40x128xi32, #tpu.memory_space<hbm>>
        %dma_start3A_47 = arith.constant 0 : i32
        %dma_start3A_48 = tpu.memref_slice %arg4[%multiple_of3A, %dma_start3A_47] : memref<2592x128xi32, #tpu.memory_space<hbm>> -> memref<40x128xi32, #tpu.memory_space<hbm>>
        tpu.enqueue_dma source(%dma_start3A_48 : memref<40x128xi32, #tpu.memory_space<hbm>>) target(%arg7 : memref<40x128xi32, #tpu.memory_space<vmem>>) target_semaphore(%run_scoped3A : memref<!tpu.dma_semaphore, #tpu.memory_space<semaphore_mem>>)
        %dma_wait3A = arith.constant 0 : i32
        %dma_wait3A_49 = tpu.memref_slice %arg4[%multiple_of3A, %dma_wait3A] : memref<2592x128xi32, #tpu.memory_space<hbm>> -> memref<40x128xi32, #tpu.memory_space<hbm>>
        %dma_wait3A_50 = arith.constant 0 : i32
        %dma_wait3A_51 = tpu.memref_slice %arg4[%multiple_of3A, %dma_wait3A_50] : memref<2592x128xi32, #tpu.memory_space<hbm>> -> memref<40x128xi32, #tpu.memory_space<hbm>>
        tpu.wait_dma2 semaphore(%run_scoped3A : memref<!tpu.dma_semaphore, #tpu.memory_space<semaphore_mem>>) src(%dma_wait3A_51 : memref<40x128xi32, #tpu.memory_space<hbm>>) dst(%arg7 : memref<40x128xi32, #tpu.memory_space<vmem>>)
        tpu.yield
      }) : () -> ()
      %scan3A_40 = arith.constant 0 : i32
      %scan3A_41 = arith.constant 0 : i32
      %scan3A_42 = arith.constant 20 : i32
      %scan3A_43 = arith.addi %scan3A_41, %scan3A_42 : i32
      %scan3A_44 = arith.constant 1 : i32
      scf.for %scan3A_46 = %scan3A_41 to %scan3A_43 step %scan3A_44  : i32 {
        %mul3A_47 = arith.constant 2 : i32
        %mul3A_48 = arith.muli %scan3A_46, %mul3A_47 : i32
        %add3A_49 = arith.constant 0 : i32
        %add3A_50 = arith.addi %mul3A_48, %add3A_49 : i32
        %dma_start3A = arith.constant 0 : i32
        %dma_start3A_51 = tpu.memref_slice %arg6[%add3A_50, %dma_start3A] : memref<40x128xi32, #tpu.memory_space<vmem>> -> memref<1x128xi32, #tpu.memory_space<vmem>>
        %dma_start3A_52 = tpu.memref_squeeze %dma_start3A_51 : memref<1x128xi32, #tpu.memory_space<vmem>> -> memref<128xi32, #tpu.memory_space<vmem>>
        %dma_start3A_53 = arith.constant 0 : i32
        %dma_start3A_54 = arith.constant 0 : i32
        %dma_start3A_55 = tpu.memref_slice %arg2[%dma_start3A_53, %dma_start3A_54] : memref<10000x128xf32, #tpu.memory_space<hbm>> -> memref<10000x128xf32, #tpu.memory_space<hbm>>
        tpu.enqueue_indirect_dma source(%dma_start3A_55 : memref<10000x128xf32, #tpu.memory_space<hbm>>) target(%arg8 : memref<128x128xf32, #tpu.memory_space<vmem>>) offsets(%dma_start3A_52 : memref<128xi32, #tpu.memory_space<vmem>>) semaphore(%arg11 : memref<!tpu.dma_semaphore, #tpu.memory_space<semaphore_mem>>)
        %add3A_56 = arith.constant 1 : i32
        %add3A_57 = arith.addi %mul3A_48, %add3A_56 : i32
        %dma_start3A_58 = arith.constant 0 : i32
        %dma_start3A_59 = tpu.memref_slice %arg6[%add3A_57, %dma_start3A_58] : memref<40x128xi32, #tpu.memory_space<vmem>> -> memref<1x128xi32, #tpu.memory_space<vmem>>
        %dma_start3A_60 = tpu.memref_squeeze %dma_start3A_59 : memref<1x128xi32, #tpu.memory_space<vmem>> -> memref<128xi32, #tpu.memory_space<vmem>>
        %dma_start3A_61 = arith.constant 0 : i32
        %dma_start3A_62 = arith.constant 0 : i32
        %dma_start3A_63 = tpu.memref_slice %arg2[%dma_start3A_61, %dma_start3A_62] : memref<10000x128xf32, #tpu.memory_space<hbm>> -> memref<10000x128xf32, #tpu.memory_space<hbm>>
        tpu.enqueue_indirect_dma source(%dma_start3A_63 : memref<10000x128xf32, #tpu.memory_space<hbm>>) target(%arg9 : memref<128x128xf32, #tpu.memory_space<vmem>>) offsets(%dma_start3A_60 : memref<128xi32, #tpu.memory_space<vmem>>) semaphore(%arg12 : memref<!tpu.dma_semaphore, #tpu.memory_space<semaphore_mem>>)
        %add3A_64 = arith.constant 0 : i32
        %add3A_65 = arith.addi %mul3A_48, %add3A_64 : i32
        %dma_wait3A = arith.constant 0 : i32
        %dma_wait3A_66 = tpu.memref_slice %arg6[%add3A_65, %dma_wait3A] : memref<40x128xi32, #tpu.memory_space<vmem>> -> memref<1x128xi32, #tpu.memory_space<vmem>>
        %dma_wait3A_67 = tpu.memref_squeeze %dma_wait3A_66 : memref<1x128xi32, #tpu.memory_space<vmem>> -> memref<128xi32, #tpu.memory_space<vmem>>
        %dma_wait3A_68 = arith.constant 0 : i32
        %dma_wait3A_69 = arith.constant 0 : i32
        %dma_wait3A_70 = tpu.memref_slice %arg2[%dma_wait3A_68, %dma_wait3A_69] : memref<10000x128xf32, #tpu.memory_space<hbm>> -> memref<10000x128xf32, #tpu.memory_space<hbm>>
        tpu.wait_indirect_dma semaphore(%arg11 : memref<!tpu.dma_semaphore, #tpu.memory_space<semaphore_mem>>) src(%dma_wait3A_70 : memref<10000x128xf32, #tpu.memory_space<hbm>>) dst(%arg8 : memref<128x128xf32, #tpu.memory_space<vmem>>)
        %add3A_71 = arith.constant 0 : i32
        %add3A_72 = arith.addi %mul3A_48, %add3A_71 : i32
        "tpu.region"() ({
          %run_scoped3A = tpu.sem_alloc : memref<!tpu.dma_semaphore, #tpu.memory_space<semaphore_mem>>
          %dma_start3A_83 = arith.constant 0 : i32
          %dma_start3A_84 = tpu.memref_slice %arg7[%add3A_72, %dma_start3A_83] : memref<40x128xi32, #tpu.memory_space<vmem>> -> memref<1x128xi32, #tpu.memory_space<vmem>>
          %dma_start3A_85 = tpu.memref_squeeze %dma_start3A_84 : memref<1x128xi32, #tpu.memory_space<vmem>> -> memref<128xi32, #tpu.memory_space<vmem>>
          %dma_start3A_86 = arith.constant 0 : i32
          %dma_start3A_87 = arith.constant 0 : i32
          %dma_start3A_88 = tpu.memref_slice %arg10[%dma_start3A_86, %dma_start3A_87] : memref<10240x128xf32, #tpu.memory_space<vmem_shared>> -> memref<10240x128xf32, #tpu.memory_space<vmem_shared>>
          tpu.enqueue_indirect_dma source(%arg8 : memref<128x128xf32, #tpu.memory_space<vmem>>) target(%dma_start3A_88 : memref<10240x128xf32, #tpu.memory_space<vmem_shared>>) offsets(%dma_start3A_85 : memref<128xi32, #tpu.memory_space<vmem>>) semaphore(%run_scoped3A : memref<!tpu.dma_semaphore, #tpu.memory_space<semaphore_mem>>) {add = true}
          %dma_wait3A_89 = arith.constant 0 : i32
          %dma_wait3A_90 = tpu.memref_slice %arg7[%add3A_72, %dma_wait3A_89] : memref<40x128xi32, #tpu.memory_space<vmem>> -> memref<1x128xi32, #tpu.memory_space<vmem>>
          %dma_wait3A_91 = tpu.memref_squeeze %dma_wait3A_90 : memref<1x128xi32, #tpu.memory_space<vmem>> -> memref<128xi32, #tpu.memory_space<vmem>>
          %dma_wait3A_92 = arith.constant 0 : i32
          %dma_wait3A_93 = arith.constant 0 : i32
          %dma_wait3A_94 = tpu.memref_slice %arg10[%dma_wait3A_92, %dma_wait3A_93] : memref<10240x128xf32, #tpu.memory_space<vmem_shared>> -> memref<10240x128xf32, #tpu.memory_space<vmem_shared>>
          tpu.wait_indirect_dma semaphore(%run_scoped3A : memref<!tpu.dma_semaphore, #tpu.memory_space<semaphore_mem>>) src(%arg8 : memref<128x128xf32, #tpu.memory_space<vmem>>) dst(%dma_wait3A_94 : memref<10240x128xf32, #tpu.memory_space<vmem_shared>>)
          tpu.yield
        }) : () -> ()
        %add3A_73 = arith.constant 1 : i32
        %add3A_74 = arith.addi %mul3A_48, %add3A_73 : i32
        %dma_wait3A_75 = arith.constant 0 : i32
        %dma_wait3A_76 = tpu.memref_slice %arg6[%add3A_74, %dma_wait3A_75] : memref<40x128xi32, #tpu.memory_space<vmem>> -> memref<1x128xi32, #tpu.memory_space<vmem>>
        %dma_wait3A_77 = tpu.memref_squeeze %dma_wait3A_76 : memref<1x128xi32, #tpu.memory_space<vmem>> -> memref<128xi32, #tpu.memory_space<vmem>>
        %dma_wait3A_78 = arith.constant 0 : i32
        %dma_wait3A_79 = arith.constant 0 : i32
        %dma_wait3A_80 = tpu.memref_slice %arg2[%dma_wait3A_78, %dma_wait3A_79] : memref<10000x128xf32, #tpu.memory_space<hbm>> -> memref<10000x128xf32, #tpu.memory_space<hbm>>
        tpu.wait_indirect_dma semaphore(%arg12 : memref<!tpu.dma_semaphore, #tpu.memory_space<semaphore_mem>>) src(%dma_wait3A_80 : memref<10000x128xf32, #tpu.memory_space<hbm>>) dst(%arg9 : memref<128x128xf32, #tpu.memory_space<vmem>>)
        %add3A_81 = arith.constant 1 : i32
        %add3A_82 = arith.addi %mul3A_48, %add3A_81 : i32
        "tpu.region"() ({
          %run_scoped3A = tpu.sem_alloc : memref<!tpu.dma_semaphore, #tpu.memory_space<semaphore_mem>>
          %dma_start3A_83 = arith.constant 0 : i32
          %dma_start3A_84 = tpu.memref_slice %arg7[%add3A_82, %dma_start3A_83] : memref<40x128xi32, #tpu.memory_space<vmem>> -> memref<1x128xi32, #tpu.memory_space<vmem>>
          %dma_start3A_85 = tpu.memref_squeeze %dma_start3A_84 : memref<1x128xi32, #tpu.memory_space<vmem>> -> memref<128xi32, #tpu.memory_space<vmem>>
          %dma_start3A_86 = arith.constant 0 : i32
          %dma_start3A_87 = arith.constant 0 : i32
          %dma_start3A_88 = tpu.memref_slice %arg10[%dma_start3A_86, %dma_start3A_87] : memref<10240x128xf32, #tpu.memory_space<vmem_shared>> -> memref<10240x128xf32, #tpu.memory_space<vmem_shared>>
          tpu.enqueue_indirect_dma source(%arg9 : memref<128x128xf32, #tpu.memory_space<vmem>>) target(%dma_start3A_88 : memref<10240x128xf32, #tpu.memory_space<vmem_shared>>) offsets(%dma_start3A_85 : memref<128xi32, #tpu.memory_space<vmem>>) semaphore(%run_scoped3A : memref<!tpu.dma_semaphore, #tpu.memory_space<semaphore_mem>>) {add = true}
          %dma_wait3A_89 = arith.constant 0 : i32
          %dma_wait3A_90 = tpu.memref_slice %arg7[%add3A_82, %dma_wait3A_89] : memref<40x128xi32, #tpu.memory_space<vmem>> -> memref<1x128xi32, #tpu.memory_space<vmem>>
          %dma_wait3A_91 = tpu.memref_squeeze %dma_wait3A_90 : memref<1x128xi32, #tpu.memory_space<vmem>> -> memref<128xi32, #tpu.memory_space<vmem>>
          %dma_wait3A_92 = arith.constant 0 : i32
          %dma_wait3A_93 = arith.constant 0 : i32
          %dma_wait3A_94 = tpu.memref_slice %arg10[%dma_wait3A_92, %dma_wait3A_93] : memref<10240x128xf32, #tpu.memory_space<vmem_shared>> -> memref<10240x128xf32, #tpu.memory_space<vmem_shared>>
          tpu.wait_indirect_dma semaphore(%run_scoped3A : memref<!tpu.dma_semaphore, #tpu.memory_space<semaphore_mem>>) src(%arg9 : memref<128x128xf32, #tpu.memory_space<vmem>>) dst(%dma_wait3A_94 : memref<10240x128xf32, #tpu.memory_space<vmem_shared>>)
          tpu.yield
        }) : () -> ()
      }
      %scan3A_45 = arith.constant 20 : i32
    } else {
    }
    %ne3A = arith.constant 0 : i32
    %ne3A_25 = arith.cmpi ne, %arg0, %ne3A : i32
    %convert_element_type3A_26 = arith.extui %ne3A_25 : i1 to i32
    %cond3A_27 = arith.constant 0 : i32
    %cond3A_28 = arith.cmpi ne, %convert_element_type3A_26, %cond3A_27 : i32
    scf.if %cond3A_28 {
      %mul3A_34 = arith.constant 160 : i32
      %mul3A_35 = arith.muli %arg1, %mul3A_34 : i32
      %add3A_36 = arith.constant 0 : i32
      %add3A_37 = arith.addi %mul3A_35, %add3A_36 : i32
      %multiple_of3A = tpu.assume_multiple %add3A_37, 8 : i32
      "tpu.region"() ({
        %run_scoped3A = tpu.sem_alloc : memref<!tpu.dma_semaphore, #tpu.memory_space<semaphore_mem>>
        %dma_start3A = arith.constant 0 : i32
        %dma_start3A_62 = tpu.memref_slice %arg3[%multiple_of3A, %dma_start3A] : memref<2592x128xi32, #tpu.memory_space<hbm>> -> memref<40x128xi32, #tpu.memory_space<hbm>>
        %dma_start3A_63 = arith.constant 0 : i32
        %dma_start3A_64 = tpu.memref_slice %arg3[%multiple_of3A, %dma_start3A_63] : memref<2592x128xi32, #tpu.memory_space<hbm>> -> memref<40x128xi32, #tpu.memory_space<hbm>>
        tpu.enqueue_dma source(%dma_start3A_64 : memref<40x128xi32, #tpu.memory_space<hbm>>) target(%arg6 : memref<40x128xi32, #tpu.memory_space<vmem>>) target_semaphore(%run_scoped3A : memref<!tpu.dma_semaphore, #tpu.memory_space<semaphore_mem>>)
        %dma_wait3A = arith.constant 0 : i32
        %dma_wait3A_65 = tpu.memref_slice %arg3[%multiple_of3A, %dma_wait3A] : memref<2592x128xi32, #tpu.memory_space<hbm>> -> memref<40x128xi32, #tpu.memory_space<hbm>>
        %dma_wait3A_66 = arith.constant 0 : i32
        %dma_wait3A_67 = tpu.memref_slice %arg3[%multiple_of3A, %dma_wait3A_66] : memref<2592x128xi32, #tpu.memory_space<hbm>> -> memref<40x128xi32, #tpu.memory_space<hbm>>
        tpu.wait_dma2 semaphore(%run_scoped3A : memref<!tpu.dma_semaphore, #tpu.memory_space<semaphore_mem>>) src(%dma_wait3A_67 : memref<40x128xi32, #tpu.memory_space<hbm>>) dst(%arg6 : memref<40x128xi32, #tpu.memory_space<vmem>>)
        tpu.yield
      }) : () -> ()
      "tpu.region"() ({
        %run_scoped3A = tpu.sem_alloc : memref<!tpu.dma_semaphore, #tpu.memory_space<semaphore_mem>>
        %dma_start3A = arith.constant 0 : i32
        %dma_start3A_62 = tpu.memref_slice %arg4[%multiple_of3A, %dma_start3A] : memref<2592x128xi32, #tpu.memory_space<hbm>> -> memref<40x128xi32, #tpu.memory_space<hbm>>
        %dma_start3A_63 = arith.constant 0 : i32
        %dma_start3A_64 = tpu.memref_slice %arg4[%multiple_of3A, %dma_start3A_63] : memref<2592x128xi32, #tpu.memory_space<hbm>> -> memref<40x128xi32, #tpu.memory_space<hbm>>
        tpu.enqueue_dma source(%dma_start3A_64 : memref<40x128xi32, #tpu.memory_space<hbm>>) target(%arg7 : memref<40x128xi32, #tpu.memory_space<vmem>>) target_semaphore(%run_scoped3A : memref<!tpu.dma_semaphore, #tpu.memory_space<semaphore_mem>>)
        %dma_wait3A = arith.constant 0 : i32
        %dma_wait3A_65 = tpu.memref_slice %arg4[%multiple_of3A, %dma_wait3A] : memref<2592x128xi32, #tpu.memory_space<hbm>> -> memref<40x128xi32, #tpu.memory_space<hbm>>
        %dma_wait3A_66 = arith.constant 0 : i32
        %dma_wait3A_67 = tpu.memref_slice %arg4[%multiple_of3A, %dma_wait3A_66] : memref<2592x128xi32, #tpu.memory_space<hbm>> -> memref<40x128xi32, #tpu.memory_space<hbm>>
        tpu.wait_dma2 semaphore(%run_scoped3A : memref<!tpu.dma_semaphore, #tpu.memory_space<semaphore_mem>>) src(%dma_wait3A_67 : memref<40x128xi32, #tpu.memory_space<hbm>>) dst(%arg7 : memref<40x128xi32, #tpu.memory_space<vmem>>)
        tpu.yield
      }) : () -> ()
      %scan3A_38 = arith.constant 0 : i32
      %scan3A_39 = arith.constant 0 : i32
      %scan3A_40 = arith.constant 20 : i32
      %scan3A_41 = arith.addi %scan3A_39, %scan3A_40 : i32
      %scan3A_42 = arith.constant 1 : i32
      scf.for %scan3A_62 = %scan3A_39 to %scan3A_41 step %scan3A_42  : i32 {
        %mul3A_63 = arith.constant 2 : i32
        %mul3A_64 = arith.muli %scan3A_62, %mul3A_63 : i32
        %add3A_65 = arith.constant 0 : i32
        %add3A_66 = arith.addi %mul3A_64, %add3A_65 : i32
        %dma_start3A = arith.constant 0 : i32
        %dma_start3A_67 = tpu.memref_slice %arg6[%add3A_66, %dma_start3A] : memref<40x128xi32, #tpu.memory_space<vmem>> -> memref<1x128xi32, #tpu.memory_space<vmem>>
        %dma_start3A_68 = tpu.memref_squeeze %dma_start3A_67 : memref<1x128xi32, #tpu.memory_space<vmem>> -> memref<128xi32, #tpu.memory_space<vmem>>
        %dma_start3A_69 = arith.constant 0 : i32
        %dma_start3A_70 = arith.constant 0 : i32
        %dma_start3A_71 = tpu.memref_slice %arg2[%dma_start3A_69, %dma_start3A_70] : memref<10000x128xf32, #tpu.memory_space<hbm>> -> memref<10000x128xf32, #tpu.memory_space<hbm>>
        tpu.enqueue_indirect_dma source(%dma_start3A_71 : memref<10000x128xf32, #tpu.memory_space<hbm>>) target(%arg8 : memref<128x128xf32, #tpu.memory_space<vmem>>) offsets(%dma_start3A_68 : memref<128xi32, #tpu.memory_space<vmem>>) semaphore(%arg11 : memref<!tpu.dma_semaphore, #tpu.memory_space<semaphore_mem>>)
        %add3A_72 = arith.constant 1 : i32
        %add3A_73 = arith.addi %mul3A_64, %add3A_72 : i32
        %dma_start3A_74 = arith.constant 0 : i32
        %dma_start3A_75 = tpu.memref_slice %arg6[%add3A_73, %dma_start3A_74] : memref<40x128xi32, #tpu.memory_space<vmem>> -> memref<1x128xi32, #tpu.memory_space<vmem>>
        %dma_start3A_76 = tpu.memref_squeeze %dma_start3A_75 : memref<1x128xi32, #tpu.memory_space<vmem>> -> memref<128xi32, #tpu.memory_space<vmem>>
        %dma_start3A_77 = arith.constant 0 : i32
        %dma_start3A_78 = arith.constant 0 : i32
        %dma_start3A_79 = tpu.memref_slice %arg2[%dma_start3A_77, %dma_start3A_78] : memref<10000x128xf32, #tpu.memory_space<hbm>> -> memref<10000x128xf32, #tpu.memory_space<hbm>>
        tpu.enqueue_indirect_dma source(%dma_start3A_79 : memref<10000x128xf32, #tpu.memory_space<hbm>>) target(%arg9 : memref<128x128xf32, #tpu.memory_space<vmem>>) offsets(%dma_start3A_76 : memref<128xi32, #tpu.memory_space<vmem>>) semaphore(%arg12 : memref<!tpu.dma_semaphore, #tpu.memory_space<semaphore_mem>>)
        %add3A_80 = arith.constant 0 : i32
        %add3A_81 = arith.addi %mul3A_64, %add3A_80 : i32
        %dma_wait3A = arith.constant 0 : i32
        %dma_wait3A_82 = tpu.memref_slice %arg6[%add3A_81, %dma_wait3A] : memref<40x128xi32, #tpu.memory_space<vmem>> -> memref<1x128xi32, #tpu.memory_space<vmem>>
        %dma_wait3A_83 = tpu.memref_squeeze %dma_wait3A_82 : memref<1x128xi32, #tpu.memory_space<vmem>> -> memref<128xi32, #tpu.memory_space<vmem>>
        %dma_wait3A_84 = arith.constant 0 : i32
        %dma_wait3A_85 = arith.constant 0 : i32
        %dma_wait3A_86 = tpu.memref_slice %arg2[%dma_wait3A_84, %dma_wait3A_85] : memref<10000x128xf32, #tpu.memory_space<hbm>> -> memref<10000x128xf32, #tpu.memory_space<hbm>>
        tpu.wait_indirect_dma semaphore(%arg11 : memref<!tpu.dma_semaphore, #tpu.memory_space<semaphore_mem>>) src(%dma_wait3A_86 : memref<10000x128xf32, #tpu.memory_space<hbm>>) dst(%arg8 : memref<128x128xf32, #tpu.memory_space<vmem>>)
        %add3A_87 = arith.constant 0 : i32
        %add3A_88 = arith.addi %mul3A_64, %add3A_87 : i32
        "tpu.region"() ({
          %run_scoped3A = tpu.sem_alloc : memref<!tpu.dma_semaphore, #tpu.memory_space<semaphore_mem>>
          %dma_start3A_99 = arith.constant 0 : i32
          %dma_start3A_100 = tpu.memref_slice %arg7[%add3A_88, %dma_start3A_99] : memref<40x128xi32, #tpu.memory_space<vmem>> -> memref<1x128xi32, #tpu.memory_space<vmem>>
          %dma_start3A_101 = tpu.memref_squeeze %dma_start3A_100 : memref<1x128xi32, #tpu.memory_space<vmem>> -> memref<128xi32, #tpu.memory_space<vmem>>
          %dma_start3A_102 = arith.constant 0 : i32
          %dma_start3A_103 = arith.constant 0 : i32
          %dma_start3A_104 = tpu.memref_slice %arg10[%dma_start3A_102, %dma_start3A_103] : memref<10240x128xf32, #tpu.memory_space<vmem_shared>> -> memref<10240x128xf32, #tpu.memory_space<vmem_shared>>
          tpu.enqueue_indirect_dma source(%arg8 : memref<128x128xf32, #tpu.memory_space<vmem>>) target(%dma_start3A_104 : memref<10240x128xf32, #tpu.memory_space<vmem_shared>>) offsets(%dma_start3A_101 : memref<128xi32, #tpu.memory_space<vmem>>) semaphore(%run_scoped3A : memref<!tpu.dma_semaphore, #tpu.memory_space<semaphore_mem>>) {add = true}
          %dma_wait3A_105 = arith.constant 0 : i32
          %dma_wait3A_106 = tpu.memref_slice %arg7[%add3A_88, %dma_wait3A_105] : memref<40x128xi32, #tpu.memory_space<vmem>> -> memref<1x128xi32, #tpu.memory_space<vmem>>
          %dma_wait3A_107 = tpu.memref_squeeze %dma_wait3A_106 : memref<1x128xi32, #tpu.memory_space<vmem>> -> memref<128xi32, #tpu.memory_space<vmem>>
          %dma_wait3A_108 = arith.constant 0 : i32
          %dma_wait3A_109 = arith.constant 0 : i32
          %dma_wait3A_110 = tpu.memref_slice %arg10[%dma_wait3A_108, %dma_wait3A_109] : memref<10240x128xf32, #tpu.memory_space<vmem_shared>> -> memref<10240x128xf32, #tpu.memory_space<vmem_shared>>
          tpu.wait_indirect_dma semaphore(%run_scoped3A : memref<!tpu.dma_semaphore, #tpu.memory_space<semaphore_mem>>) src(%arg8 : memref<128x128xf32, #tpu.memory_space<vmem>>) dst(%dma_wait3A_110 : memref<10240x128xf32, #tpu.memory_space<vmem_shared>>)
          tpu.yield
        }) : () -> ()
        %add3A_89 = arith.constant 1 : i32
        %add3A_90 = arith.addi %mul3A_64, %add3A_89 : i32
        %dma_wait3A_91 = arith.constant 0 : i32
        %dma_wait3A_92 = tpu.memref_slice %arg6[%add3A_90, %dma_wait3A_91] : memref<40x128xi32, #tpu.memory_space<vmem>> -> memref<1x128xi32, #tpu.memory_space<vmem>>
        %dma_wait3A_93 = tpu.memref_squeeze %dma_wait3A_92 : memref<1x128xi32, #tpu.memory_space<vmem>> -> memref<128xi32, #tpu.memory_space<vmem>>
        %dma_wait3A_94 = arith.constant 0 : i32
        %dma_wait3A_95 = arith.constant 0 : i32
        %dma_wait3A_96 = tpu.memref_slice %arg2[%dma_wait3A_94, %dma_wait3A_95] : memref<10000x128xf32, #tpu.memory_space<hbm>> -> memref<10000x128xf32, #tpu.memory_space<hbm>>
        tpu.wait_indirect_dma semaphore(%arg12 : memref<!tpu.dma_semaphore, #tpu.memory_space<semaphore_mem>>) src(%dma_wait3A_96 : memref<10000x128xf32, #tpu.memory_space<hbm>>) dst(%arg9 : memref<128x128xf32, #tpu.memory_space<vmem>>)
        %add3A_97 = arith.constant 1 : i32
        %add3A_98 = arith.addi %mul3A_64, %add3A_97 : i32
        "tpu.region"() ({
          %run_scoped3A = tpu.sem_alloc : memref<!tpu.dma_semaphore, #tpu.memory_space<semaphore_mem>>
          %dma_start3A_99 = arith.constant 0 : i32
          %dma_start3A_100 = tpu.memref_slice %arg7[%add3A_98, %dma_start3A_99] : memref<40x128xi32, #tpu.memory_space<vmem>> -> memref<1x128xi32, #tpu.memory_space<vmem>>
          %dma_start3A_101 = tpu.memref_squeeze %dma_start3A_100 : memref<1x128xi32, #tpu.memory_space<vmem>> -> memref<128xi32, #tpu.memory_space<vmem>>
          %dma_start3A_102 = arith.constant 0 : i32
          %dma_start3A_103 = arith.constant 0 : i32
          %dma_start3A_104 = tpu.memref_slice %arg10[%dma_start3A_102, %dma_start3A_103] : memref<10240x128xf32, #tpu.memory_space<vmem_shared>> -> memref<10240x128xf32, #tpu.memory_space<vmem_shared>>
          tpu.enqueue_indirect_dma source(%arg9 : memref<128x128xf32, #tpu.memory_space<vmem>>) target(%dma_start3A_104 : memref<10240x128xf32, #tpu.memory_space<vmem_shared>>) offsets(%dma_start3A_101 : memref<128xi32, #tpu.memory_space<vmem>>) semaphore(%run_scoped3A : memref<!tpu.dma_semaphore, #tpu.memory_space<semaphore_mem>>) {add = true}
          %dma_wait3A_105 = arith.constant 0 : i32
          %dma_wait3A_106 = tpu.memref_slice %arg7[%add3A_98, %dma_wait3A_105] : memref<40x128xi32, #tpu.memory_space<vmem>> -> memref<1x128xi32, #tpu.memory_space<vmem>>
          %dma_wait3A_107 = tpu.memref_squeeze %dma_wait3A_106 : memref<1x128xi32, #tpu.memory_space<vmem>> -> memref<128xi32, #tpu.memory_space<vmem>>
          %dma_wait3A_108 = arith.constant 0 : i32
          %dma_wait3A_109 = arith.constant 0 : i32
          %dma_wait3A_110 = tpu.memref_slice %arg10[%dma_wait3A_108, %dma_wait3A_109] : memref<10240x128xf32, #tpu.memory_space<vmem_shared>> -> memref<10240x128xf32, #tpu.memory_space<vmem_shared>>
          tpu.wait_indirect_dma semaphore(%run_scoped3A : memref<!tpu.dma_semaphore, #tpu.memory_space<semaphore_mem>>) src(%arg9 : memref<128x128xf32, #tpu.memory_space<vmem>>) dst(%dma_wait3A_110 : memref<10240x128xf32, #tpu.memory_space<vmem_shared>>)
          tpu.yield
        }) : () -> ()
      }
      %scan3A_43 = arith.constant 20 : i32
      %add3A_44 = arith.constant 40 : i32
      %add3A_45 = arith.addi %mul3A_35, %add3A_44 : i32
      %multiple_of3A_46 = tpu.assume_multiple %add3A_45, 8 : i32
      "tpu.region"() ({
        %run_scoped3A = tpu.sem_alloc : memref<!tpu.dma_semaphore, #tpu.memory_space<semaphore_mem>>
        %dma_start3A = arith.constant 0 : i32
        %dma_start3A_62 = tpu.memref_slice %arg3[%multiple_of3A_46, %dma_start3A] : memref<2592x128xi32, #tpu.memory_space<hbm>> -> memref<40x128xi32, #tpu.memory_space<hbm>>
        %dma_start3A_63 = arith.constant 0 : i32
        %dma_start3A_64 = tpu.memref_slice %arg3[%multiple_of3A_46, %dma_start3A_63] : memref<2592x128xi32, #tpu.memory_space<hbm>> -> memref<40x128xi32, #tpu.memory_space<hbm>>
        tpu.enqueue_dma source(%dma_start3A_64 : memref<40x128xi32, #tpu.memory_space<hbm>>) target(%arg6 : memref<40x128xi32, #tpu.memory_space<vmem>>) target_semaphore(%run_scoped3A : memref<!tpu.dma_semaphore, #tpu.memory_space<semaphore_mem>>)
        %dma_wait3A = arith.constant 0 : i32
        %dma_wait3A_65 = tpu.memref_slice %arg3[%multiple_of3A_46, %dma_wait3A] : memref<2592x128xi32, #tpu.memory_space<hbm>> -> memref<40x128xi32, #tpu.memory_space<hbm>>
        %dma_wait3A_66 = arith.constant 0 : i32
        %dma_wait3A_67 = tpu.memref_slice %arg3[%multiple_of3A_46, %dma_wait3A_66] : memref<2592x128xi32, #tpu.memory_space<hbm>> -> memref<40x128xi32, #tpu.memory_space<hbm>>
        tpu.wait_dma2 semaphore(%run_scoped3A : memref<!tpu.dma_semaphore, #tpu.memory_space<semaphore_mem>>) src(%dma_wait3A_67 : memref<40x128xi32, #tpu.memory_space<hbm>>) dst(%arg6 : memref<40x128xi32, #tpu.memory_space<vmem>>)
        tpu.yield
      }) : () -> ()
      "tpu.region"() ({
        %run_scoped3A = tpu.sem_alloc : memref<!tpu.dma_semaphore, #tpu.memory_space<semaphore_mem>>
        %dma_start3A = arith.constant 0 : i32
        %dma_start3A_62 = tpu.memref_slice %arg4[%multiple_of3A_46, %dma_start3A] : memref<2592x128xi32, #tpu.memory_space<hbm>> -> memref<40x128xi32, #tpu.memory_space<hbm>>
        %dma_start3A_63 = arith.constant 0 : i32
        %dma_start3A_64 = tpu.memref_slice %arg4[%multiple_of3A_46, %dma_start3A_63] : memref<2592x128xi32, #tpu.memory_space<hbm>> -> memref<40x128xi32, #tpu.memory_space<hbm>>
        tpu.enqueue_dma source(%dma_start3A_64 : memref<40x128xi32, #tpu.memory_space<hbm>>) target(%arg7 : memref<40x128xi32, #tpu.memory_space<vmem>>) target_semaphore(%run_scoped3A : memref<!tpu.dma_semaphore, #tpu.memory_space<semaphore_mem>>)
        %dma_wait3A = arith.constant 0 : i32
        %dma_wait3A_65 = tpu.memref_slice %arg4[%multiple_of3A_46, %dma_wait3A] : memref<2592x128xi32, #tpu.memory_space<hbm>> -> memref<40x128xi32, #tpu.memory_space<hbm>>
        %dma_wait3A_66 = arith.constant 0 : i32
        %dma_wait3A_67 = tpu.memref_slice %arg4[%multiple_of3A_46, %dma_wait3A_66] : memref<2592x128xi32, #tpu.memory_space<hbm>> -> memref<40x128xi32, #tpu.memory_space<hbm>>
        tpu.wait_dma2 semaphore(%run_scoped3A : memref<!tpu.dma_semaphore, #tpu.memory_space<semaphore_mem>>) src(%dma_wait3A_67 : memref<40x128xi32, #tpu.memory_space<hbm>>) dst(%arg7 : memref<40x128xi32, #tpu.memory_space<vmem>>)
        tpu.yield
      }) : () -> ()
      %scan3A_47 = arith.constant 0 : i32
      %scan3A_48 = arith.constant 0 : i32
      %scan3A_49 = arith.constant 20 : i32
      %scan3A_50 = arith.addi %scan3A_48, %scan3A_49 : i32
      %scan3A_51 = arith.constant 1 : i32
      scf.for %scan3A_62 = %scan3A_48 to %scan3A_50 step %scan3A_51  : i32 {
        %mul3A_63 = arith.constant 2 : i32
        %mul3A_64 = arith.muli %scan3A_62, %mul3A_63 : i32
        %add3A_65 = arith.constant 0 : i32
        %add3A_66 = arith.addi %mul3A_64, %add3A_65 : i32
        %dma_start3A = arith.constant 0 : i32
        %dma_start3A_67 = tpu.memref_slice %arg6[%add3A_66, %dma_start3A] : memref<40x128xi32, #tpu.memory_space<vmem>> -> memref<1x128xi32, #tpu.memory_space<vmem>>
        %dma_start3A_68 = tpu.memref_squeeze %dma_start3A_67 : memref<1x128xi32, #tpu.memory_space<vmem>> -> memref<128xi32, #tpu.memory_space<vmem>>
        %dma_start3A_69 = arith.constant 0 : i32
        %dma_start3A_70 = arith.constant 0 : i32
        %dma_start3A_71 = tpu.memref_slice %arg2[%dma_start3A_69, %dma_start3A_70] : memref<10000x128xf32, #tpu.memory_space<hbm>> -> memref<10000x128xf32, #tpu.memory_space<hbm>>
        tpu.enqueue_indirect_dma source(%dma_start3A_71 : memref<10000x128xf32, #tpu.memory_space<hbm>>) target(%arg8 : memref<128x128xf32, #tpu.memory_space<vmem>>) offsets(%dma_start3A_68 : memref<128xi32, #tpu.memory_space<vmem>>) semaphore(%arg11 : memref<!tpu.dma_semaphore, #tpu.memory_space<semaphore_mem>>)
        %add3A_72 = arith.constant 1 : i32
        %add3A_73 = arith.addi %mul3A_64, %add3A_72 : i32
        %dma_start3A_74 = arith.constant 0 : i32
        %dma_start3A_75 = tpu.memref_slice %arg6[%add3A_73, %dma_start3A_74] : memref<40x128xi32, #tpu.memory_space<vmem>> -> memref<1x128xi32, #tpu.memory_space<vmem>>
        %dma_start3A_76 = tpu.memref_squeeze %dma_start3A_75 : memref<1x128xi32, #tpu.memory_space<vmem>> -> memref<128xi32, #tpu.memory_space<vmem>>
        %dma_start3A_77 = arith.constant 0 : i32
        %dma_start3A_78 = arith.constant 0 : i32
        %dma_start3A_79 = tpu.memref_slice %arg2[%dma_start3A_77, %dma_start3A_78] : memref<10000x128xf32, #tpu.memory_space<hbm>> -> memref<10000x128xf32, #tpu.memory_space<hbm>>
        tpu.enqueue_indirect_dma source(%dma_start3A_79 : memref<10000x128xf32, #tpu.memory_space<hbm>>) target(%arg9 : memref<128x128xf32, #tpu.memory_space<vmem>>) offsets(%dma_start3A_76 : memref<128xi32, #tpu.memory_space<vmem>>) semaphore(%arg12 : memref<!tpu.dma_semaphore, #tpu.memory_space<semaphore_mem>>)
        %add3A_80 = arith.constant 0 : i32
        %add3A_81 = arith.addi %mul3A_64, %add3A_80 : i32
        %dma_wait3A = arith.constant 0 : i32
        %dma_wait3A_82 = tpu.memref_slice %arg6[%add3A_81, %dma_wait3A] : memref<40x128xi32, #tpu.memory_space<vmem>> -> memref<1x128xi32, #tpu.memory_space<vmem>>
        %dma_wait3A_83 = tpu.memref_squeeze %dma_wait3A_82 : memref<1x128xi32, #tpu.memory_space<vmem>> -> memref<128xi32, #tpu.memory_space<vmem>>
        %dma_wait3A_84 = arith.constant 0 : i32
        %dma_wait3A_85 = arith.constant 0 : i32
        %dma_wait3A_86 = tpu.memref_slice %arg2[%dma_wait3A_84, %dma_wait3A_85] : memref<10000x128xf32, #tpu.memory_space<hbm>> -> memref<10000x128xf32, #tpu.memory_space<hbm>>
        tpu.wait_indirect_dma semaphore(%arg11 : memref<!tpu.dma_semaphore, #tpu.memory_space<semaphore_mem>>) src(%dma_wait3A_86 : memref<10000x128xf32, #tpu.memory_space<hbm>>) dst(%arg8 : memref<128x128xf32, #tpu.memory_space<vmem>>)
        %add3A_87 = arith.constant 0 : i32
        %add3A_88 = arith.addi %mul3A_64, %add3A_87 : i32
        "tpu.region"() ({
          %run_scoped3A = tpu.sem_alloc : memref<!tpu.dma_semaphore, #tpu.memory_space<semaphore_mem>>
          %dma_start3A_99 = arith.constant 0 : i32
          %dma_start3A_100 = tpu.memref_slice %arg7[%add3A_88, %dma_start3A_99] : memref<40x128xi32, #tpu.memory_space<vmem>> -> memref<1x128xi32, #tpu.memory_space<vmem>>
          %dma_start3A_101 = tpu.memref_squeeze %dma_start3A_100 : memref<1x128xi32, #tpu.memory_space<vmem>> -> memref<128xi32, #tpu.memory_space<vmem>>
          %dma_start3A_102 = arith.constant 0 : i32
          %dma_start3A_103 = arith.constant 0 : i32
          %dma_start3A_104 = tpu.memref_slice %arg10[%dma_start3A_102, %dma_start3A_103] : memref<10240x128xf32, #tpu.memory_space<vmem_shared>> -> memref<10240x128xf32, #tpu.memory_space<vmem_shared>>
          tpu.enqueue_indirect_dma source(%arg8 : memref<128x128xf32, #tpu.memory_space<vmem>>) target(%dma_start3A_104 : memref<10240x128xf32, #tpu.memory_space<vmem_shared>>) offsets(%dma_start3A_101 : memref<128xi32, #tpu.memory_space<vmem>>) semaphore(%run_scoped3A : memref<!tpu.dma_semaphore, #tpu.memory_space<semaphore_mem>>) {add = true}
          %dma_wait3A_105 = arith.constant 0 : i32
          %dma_wait3A_106 = tpu.memref_slice %arg7[%add3A_88, %dma_wait3A_105] : memref<40x128xi32, #tpu.memory_space<vmem>> -> memref<1x128xi32, #tpu.memory_space<vmem>>
          %dma_wait3A_107 = tpu.memref_squeeze %dma_wait3A_106 : memref<1x128xi32, #tpu.memory_space<vmem>> -> memref<128xi32, #tpu.memory_space<vmem>>
          %dma_wait3A_108 = arith.constant 0 : i32
          %dma_wait3A_109 = arith.constant 0 : i32
          %dma_wait3A_110 = tpu.memref_slice %arg10[%dma_wait3A_108, %dma_wait3A_109] : memref<10240x128xf32, #tpu.memory_space<vmem_shared>> -> memref<10240x128xf32, #tpu.memory_space<vmem_shared>>
          tpu.wait_indirect_dma semaphore(%run_scoped3A : memref<!tpu.dma_semaphore, #tpu.memory_space<semaphore_mem>>) src(%arg8 : memref<128x128xf32, #tpu.memory_space<vmem>>) dst(%dma_wait3A_110 : memref<10240x128xf32, #tpu.memory_space<vmem_shared>>)
          tpu.yield
        }) : () -> ()
        %add3A_89 = arith.constant 1 : i32
        %add3A_90 = arith.addi %mul3A_64, %add3A_89 : i32
        %dma_wait3A_91 = arith.constant 0 : i32
        %dma_wait3A_92 = tpu.memref_slice %arg6[%add3A_90, %dma_wait3A_91] : memref<40x128xi32, #tpu.memory_space<vmem>> -> memref<1x128xi32, #tpu.memory_space<vmem>>
        %dma_wait3A_93 = tpu.memref_squeeze %dma_wait3A_92 : memref<1x128xi32, #tpu.memory_space<vmem>> -> memref<128xi32, #tpu.memory_space<vmem>>
        %dma_wait3A_94 = arith.constant 0 : i32
        %dma_wait3A_95 = arith.constant 0 : i32
        %dma_wait3A_96 = tpu.memref_slice %arg2[%dma_wait3A_94, %dma_wait3A_95] : memref<10000x128xf32, #tpu.memory_space<hbm>> -> memref<10000x128xf32, #tpu.memory_space<hbm>>
        tpu.wait_indirect_dma semaphore(%arg12 : memref<!tpu.dma_semaphore, #tpu.memory_space<semaphore_mem>>) src(%dma_wait3A_96 : memref<10000x128xf32, #tpu.memory_space<hbm>>) dst(%arg9 : memref<128x128xf32, #tpu.memory_space<vmem>>)
        %add3A_97 = arith.constant 1 : i32
        %add3A_98 = arith.addi %mul3A_64, %add3A_97 : i32
        "tpu.region"() ({
          %run_scoped3A = tpu.sem_alloc : memref<!tpu.dma_semaphore, #tpu.memory_space<semaphore_mem>>
          %dma_start3A_99 = arith.constant 0 : i32
          %dma_start3A_100 = tpu.memref_slice %arg7[%add3A_98, %dma_start3A_99] : memref<40x128xi32, #tpu.memory_space<vmem>> -> memref<1x128xi32, #tpu.memory_space<vmem>>
          %dma_start3A_101 = tpu.memref_squeeze %dma_start3A_100 : memref<1x128xi32, #tpu.memory_space<vmem>> -> memref<128xi32, #tpu.memory_space<vmem>>
          %dma_start3A_102 = arith.constant 0 : i32
          %dma_start3A_103 = arith.constant 0 : i32
          %dma_start3A_104 = tpu.memref_slice %arg10[%dma_start3A_102, %dma_start3A_103] : memref<10240x128xf32, #tpu.memory_space<vmem_shared>> -> memref<10240x128xf32, #tpu.memory_space<vmem_shared>>
          tpu.enqueue_indirect_dma source(%arg9 : memref<128x128xf32, #tpu.memory_space<vmem>>) target(%dma_start3A_104 : memref<10240x128xf32, #tpu.memory_space<vmem_shared>>) offsets(%dma_start3A_101 : memref<128xi32, #tpu.memory_space<vmem>>) semaphore(%run_scoped3A : memref<!tpu.dma_semaphore, #tpu.memory_space<semaphore_mem>>) {add = true}
          %dma_wait3A_105 = arith.constant 0 : i32
          %dma_wait3A_106 = tpu.memref_slice %arg7[%add3A_98, %dma_wait3A_105] : memref<40x128xi32, #tpu.memory_space<vmem>> -> memref<1x128xi32, #tpu.memory_space<vmem>>
          %dma_wait3A_107 = tpu.memref_squeeze %dma_wait3A_106 : memref<1x128xi32, #tpu.memory_space<vmem>> -> memref<128xi32, #tpu.memory_space<vmem>>
          %dma_wait3A_108 = arith.constant 0 : i32
          %dma_wait3A_109 = arith.constant 0 : i32
          %dma_wait3A_110 = tpu.memref_slice %arg10[%dma_wait3A_108, %dma_wait3A_109] : memref<10240x128xf32, #tpu.memory_space<vmem_shared>> -> memref<10240x128xf32, #tpu.memory_space<vmem_shared>>
          tpu.wait_indirect_dma semaphore(%run_scoped3A : memref<!tpu.dma_semaphore, #tpu.memory_space<semaphore_mem>>) src(%arg9 : memref<128x128xf32, #tpu.memory_space<vmem>>) dst(%dma_wait3A_110 : memref<10240x128xf32, #tpu.memory_space<vmem_shared>>)
          tpu.yield
        }) : () -> ()
      }
      %scan3A_52 = arith.constant 20 : i32
      %add3A_53 = arith.constant 80 : i32
      %add3A_54 = arith.addi %mul3A_35, %add3A_53 : i32
      %multiple_of3A_55 = tpu.assume_multiple %add3A_54, 8 : i32
      "tpu.region"() ({
        %run_scoped3A = tpu.sem_alloc : memref<!tpu.dma_semaphore, #tpu.memory_space<semaphore_mem>>
        %dma_start3A = arith.constant 0 : i32
        %dma_start3A_62 = tpu.memref_slice %arg3[%multiple_of3A_55, %dma_start3A] : memref<2592x128xi32, #tpu.memory_space<hbm>> -> memref<40x128xi32, #tpu.memory_space<hbm>>
        %dma_start3A_63 = arith.constant 0 : i32
        %dma_start3A_64 = tpu.memref_slice %arg3[%multiple_of3A_55, %dma_start3A_63] : memref<2592x128xi32, #tpu.memory_space<hbm>> -> memref<40x128xi32, #tpu.memory_space<hbm>>
        tpu.enqueue_dma source(%dma_start3A_64 : memref<40x128xi32, #tpu.memory_space<hbm>>) target(%arg6 : memref<40x128xi32, #tpu.memory_space<vmem>>) target_semaphore(%run_scoped3A : memref<!tpu.dma_semaphore, #tpu.memory_space<semaphore_mem>>)
        %dma_wait3A = arith.constant 0 : i32
        %dma_wait3A_65 = tpu.memref_slice %arg3[%multiple_of3A_55, %dma_wait3A] : memref<2592x128xi32, #tpu.memory_space<hbm>> -> memref<40x128xi32, #tpu.memory_space<hbm>>
        %dma_wait3A_66 = arith.constant 0 : i32
        %dma_wait3A_67 = tpu.memref_slice %arg3[%multiple_of3A_55, %dma_wait3A_66] : memref<2592x128xi32, #tpu.memory_space<hbm>> -> memref<40x128xi32, #tpu.memory_space<hbm>>
        tpu.wait_dma2 semaphore(%run_scoped3A : memref<!tpu.dma_semaphore, #tpu.memory_space<semaphore_mem>>) src(%dma_wait3A_67 : memref<40x128xi32, #tpu.memory_space<hbm>>) dst(%arg6 : memref<40x128xi32, #tpu.memory_space<vmem>>)
        tpu.yield
      }) : () -> ()
      "tpu.region"() ({
        %run_scoped3A = tpu.sem_alloc : memref<!tpu.dma_semaphore, #tpu.memory_space<semaphore_mem>>
        %dma_start3A = arith.constant 0 : i32
        %dma_start3A_62 = tpu.memref_slice %arg4[%multiple_of3A_55, %dma_start3A] : memref<2592x128xi32, #tpu.memory_space<hbm>> -> memref<40x128xi32, #tpu.memory_space<hbm>>
        %dma_start3A_63 = arith.constant 0 : i32
        %dma_start3A_64 = tpu.memref_slice %arg4[%multiple_of3A_55, %dma_start3A_63] : memref<2592x128xi32, #tpu.memory_space<hbm>> -> memref<40x128xi32, #tpu.memory_space<hbm>>
        tpu.enqueue_dma source(%dma_start3A_64 : memref<40x128xi32, #tpu.memory_space<hbm>>) target(%arg7 : memref<40x128xi32, #tpu.memory_space<vmem>>) target_semaphore(%run_scoped3A : memref<!tpu.dma_semaphore, #tpu.memory_space<semaphore_mem>>)
        %dma_wait3A = arith.constant 0 : i32
        %dma_wait3A_65 = tpu.memref_slice %arg4[%multiple_of3A_55, %dma_wait3A] : memref<2592x128xi32, #tpu.memory_space<hbm>> -> memref<40x128xi32, #tpu.memory_space<hbm>>
        %dma_wait3A_66 = arith.constant 0 : i32
        %dma_wait3A_67 = tpu.memref_slice %arg4[%multiple_of3A_55, %dma_wait3A_66] : memref<2592x128xi32, #tpu.memory_space<hbm>> -> memref<40x128xi32, #tpu.memory_space<hbm>>
        tpu.wait_dma2 semaphore(%run_scoped3A : memref<!tpu.dma_semaphore, #tpu.memory_space<semaphore_mem>>) src(%dma_wait3A_67 : memref<40x128xi32, #tpu.memory_space<hbm>>) dst(%arg7 : memref<40x128xi32, #tpu.memory_space<vmem>>)
        tpu.yield
      }) : () -> ()
      %scan3A_56 = arith.constant 0 : i32
      %scan3A_57 = arith.constant 0 : i32
      %scan3A_58 = arith.constant 20 : i32
      %scan3A_59 = arith.addi %scan3A_57, %scan3A_58 : i32
      %scan3A_60 = arith.constant 1 : i32
      scf.for %scan3A_62 = %scan3A_57 to %scan3A_59 step %scan3A_60  : i32 {
        %mul3A_63 = arith.constant 2 : i32
        %mul3A_64 = arith.muli %scan3A_62, %mul3A_63 : i32
        %add3A_65 = arith.constant 0 : i32
        %add3A_66 = arith.addi %mul3A_64, %add3A_65 : i32
        %dma_start3A = arith.constant 0 : i32
        %dma_start3A_67 = tpu.memref_slice %arg6[%add3A_66, %dma_start3A] : memref<40x128xi32, #tpu.memory_space<vmem>> -> memref<1x128xi32, #tpu.memory_space<vmem>>
        %dma_start3A_68 = tpu.memref_squeeze %dma_start3A_67 : memref<1x128xi32, #tpu.memory_space<vmem>> -> memref<128xi32, #tpu.memory_space<vmem>>
        %dma_start3A_69 = arith.constant 0 : i32
        %dma_start3A_70 = arith.constant 0 : i32
        %dma_start3A_71 = tpu.memref_slice %arg2[%dma_start3A_69, %dma_start3A_70] : memref<10000x128xf32, #tpu.memory_space<hbm>> -> memref<10000x128xf32, #tpu.memory_space<hbm>>
        tpu.enqueue_indirect_dma source(%dma_start3A_71 : memref<10000x128xf32, #tpu.memory_space<hbm>>) target(%arg8 : memref<128x128xf32, #tpu.memory_space<vmem>>) offsets(%dma_start3A_68 : memref<128xi32, #tpu.memory_space<vmem>>) semaphore(%arg11 : memref<!tpu.dma_semaphore, #tpu.memory_space<semaphore_mem>>)
        %add3A_72 = arith.constant 1 : i32
        %add3A_73 = arith.addi %mul3A_64, %add3A_72 : i32
        %dma_start3A_74 = arith.constant 0 : i32
        %dma_start3A_75 = tpu.memref_slice %arg6[%add3A_73, %dma_start3A_74] : memref<40x128xi32, #tpu.memory_space<vmem>> -> memref<1x128xi32, #tpu.memory_space<vmem>>
        %dma_start3A_76 = tpu.memref_squeeze %dma_start3A_75 : memref<1x128xi32, #tpu.memory_space<vmem>> -> memref<128xi32, #tpu.memory_space<vmem>>
        %dma_start3A_77 = arith.constant 0 : i32
        %dma_start3A_78 = arith.constant 0 : i32
        %dma_start3A_79 = tpu.memref_slice %arg2[%dma_start3A_77, %dma_start3A_78] : memref<10000x128xf32, #tpu.memory_space<hbm>> -> memref<10000x128xf32, #tpu.memory_space<hbm>>
        tpu.enqueue_indirect_dma source(%dma_start3A_79 : memref<10000x128xf32, #tpu.memory_space<hbm>>) target(%arg9 : memref<128x128xf32, #tpu.memory_space<vmem>>) offsets(%dma_start3A_76 : memref<128xi32, #tpu.memory_space<vmem>>) semaphore(%arg12 : memref<!tpu.dma_semaphore, #tpu.memory_space<semaphore_mem>>)
        %add3A_80 = arith.constant 0 : i32
        %add3A_81 = arith.addi %mul3A_64, %add3A_80 : i32
        %dma_wait3A = arith.constant 0 : i32
        %dma_wait3A_82 = tpu.memref_slice %arg6[%add3A_81, %dma_wait3A] : memref<40x128xi32, #tpu.memory_space<vmem>> -> memref<1x128xi32, #tpu.memory_space<vmem>>
        %dma_wait3A_83 = tpu.memref_squeeze %dma_wait3A_82 : memref<1x128xi32, #tpu.memory_space<vmem>> -> memref<128xi32, #tpu.memory_space<vmem>>
        %dma_wait3A_84 = arith.constant 0 : i32
        %dma_wait3A_85 = arith.constant 0 : i32
        %dma_wait3A_86 = tpu.memref_slice %arg2[%dma_wait3A_84, %dma_wait3A_85] : memref<10000x128xf32, #tpu.memory_space<hbm>> -> memref<10000x128xf32, #tpu.memory_space<hbm>>
        tpu.wait_indirect_dma semaphore(%arg11 : memref<!tpu.dma_semaphore, #tpu.memory_space<semaphore_mem>>) src(%dma_wait3A_86 : memref<10000x128xf32, #tpu.memory_space<hbm>>) dst(%arg8 : memref<128x128xf32, #tpu.memory_space<vmem>>)
        %add3A_87 = arith.constant 0 : i32
        %add3A_88 = arith.addi %mul3A_64, %add3A_87 : i32
        "tpu.region"() ({
          %run_scoped3A = tpu.sem_alloc : memref<!tpu.dma_semaphore, #tpu.memory_space<semaphore_mem>>
          %dma_start3A_99 = arith.constant 0 : i32
          %dma_start3A_100 = tpu.memref_slice %arg7[%add3A_88, %dma_start3A_99] : memref<40x128xi32, #tpu.memory_space<vmem>> -> memref<1x128xi32, #tpu.memory_space<vmem>>
          %dma_start3A_101 = tpu.memref_squeeze %dma_start3A_100 : memref<1x128xi32, #tpu.memory_space<vmem>> -> memref<128xi32, #tpu.memory_space<vmem>>
          %dma_start3A_102 = arith.constant 0 : i32
          %dma_start3A_103 = arith.constant 0 : i32
          %dma_start3A_104 = tpu.memref_slice %arg10[%dma_start3A_102, %dma_start3A_103] : memref<10240x128xf32, #tpu.memory_space<vmem_shared>> -> memref<10240x128xf32, #tpu.memory_space<vmem_shared>>
          tpu.enqueue_indirect_dma source(%arg8 : memref<128x128xf32, #tpu.memory_space<vmem>>) target(%dma_start3A_104 : memref<10240x128xf32, #tpu.memory_space<vmem_shared>>) offsets(%dma_start3A_101 : memref<128xi32, #tpu.memory_space<vmem>>) semaphore(%run_scoped3A : memref<!tpu.dma_semaphore, #tpu.memory_space<semaphore_mem>>) {add = true}
          %dma_wait3A_105 = arith.constant 0 : i32
          %dma_wait3A_106 = tpu.memref_slice %arg7[%add3A_88, %dma_wait3A_105] : memref<40x128xi32, #tpu.memory_space<vmem>> -> memref<1x128xi32, #tpu.memory_space<vmem>>
          %dma_wait3A_107 = tpu.memref_squeeze %dma_wait3A_106 : memref<1x128xi32, #tpu.memory_space<vmem>> -> memref<128xi32, #tpu.memory_space<vmem>>
          %dma_wait3A_108 = arith.constant 0 : i32
          %dma_wait3A_109 = arith.constant 0 : i32
          %dma_wait3A_110 = tpu.memref_slice %arg10[%dma_wait3A_108, %dma_wait3A_109] : memref<10240x128xf32, #tpu.memory_space<vmem_shared>> -> memref<10240x128xf32, #tpu.memory_space<vmem_shared>>
          tpu.wait_indirect_dma semaphore(%run_scoped3A : memref<!tpu.dma_semaphore, #tpu.memory_space<semaphore_mem>>) src(%arg8 : memref<128x128xf32, #tpu.memory_space<vmem>>) dst(%dma_wait3A_110 : memref<10240x128xf32, #tpu.memory_space<vmem_shared>>)
          tpu.yield
        }) : () -> ()
        %add3A_89 = arith.constant 1 : i32
        %add3A_90 = arith.addi %mul3A_64, %add3A_89 : i32
        %dma_wait3A_91 = arith.constant 0 : i32
        %dma_wait3A_92 = tpu.memref_slice %arg6[%add3A_90, %dma_wait3A_91] : memref<40x128xi32, #tpu.memory_space<vmem>> -> memref<1x128xi32, #tpu.memory_space<vmem>>
        %dma_wait3A_93 = tpu.memref_squeeze %dma_wait3A_92 : memref<1x128xi32, #tpu.memory_space<vmem>> -> memref<128xi32, #tpu.memory_space<vmem>>
        %dma_wait3A_94 = arith.constant 0 : i32
        %dma_wait3A_95 = arith.constant 0 : i32
        %dma_wait3A_96 = tpu.memref_slice %arg2[%dma_wait3A_94, %dma_wait3A_95] : memref<10000x128xf32, #tpu.memory_space<hbm>> -> memref<10000x128xf32, #tpu.memory_space<hbm>>
        tpu.wait_indirect_dma semaphore(%arg12 : memref<!tpu.dma_semaphore, #tpu.memory_space<semaphore_mem>>) src(%dma_wait3A_96 : memref<10000x128xf32, #tpu.memory_space<hbm>>) dst(%arg9 : memref<128x128xf32, #tpu.memory_space<vmem>>)
        %add3A_97 = arith.constant 1 : i32
        %add3A_98 = arith.addi %mul3A_64, %add3A_97 : i32
        "tpu.region"() ({
          %run_scoped3A = tpu.sem_alloc : memref<!tpu.dma_semaphore, #tpu.memory_space<semaphore_mem>>
          %dma_start3A_99 = arith.constant 0 : i32
          %dma_start3A_100 = tpu.memref_slice %arg7[%add3A_98, %dma_start3A_99] : memref<40x128xi32, #tpu.memory_space<vmem>> -> memref<1x128xi32, #tpu.memory_space<vmem>>
          %dma_start3A_101 = tpu.memref_squeeze %dma_start3A_100 : memref<1x128xi32, #tpu.memory_space<vmem>> -> memref<128xi32, #tpu.memory_space<vmem>>
          %dma_start3A_102 = arith.constant 0 : i32
          %dma_start3A_103 = arith.constant 0 : i32
          %dma_start3A_104 = tpu.memref_slice %arg10[%dma_start3A_102, %dma_start3A_103] : memref<10240x128xf32, #tpu.memory_space<vmem_shared>> -> memref<10240x128xf32, #tpu.memory_space<vmem_shared>>
          tpu.enqueue_indirect_dma source(%arg9 : memref<128x128xf32, #tpu.memory_space<vmem>>) target(%dma_start3A_104 : memref<10240x128xf32, #tpu.memory_space<vmem_shared>>) offsets(%dma_start3A_101 : memref<128xi32, #tpu.memory_space<vmem>>) semaphore(%run_scoped3A : memref<!tpu.dma_semaphore, #tpu.memory_space<semaphore_mem>>) {add = true}
          %dma_wait3A_105 = arith.constant 0 : i32
          %dma_wait3A_106 = tpu.memref_slice %arg7[%add3A_98, %dma_wait3A_105] : memref<40x128xi32, #tpu.memory_space<vmem>> -> memref<1x128xi32, #tpu.memory_space<vmem>>
          %dma_wait3A_107 = tpu.memref_squeeze %dma_wait3A_106 : memref<1x128xi32, #tpu.memory_space<vmem>> -> memref<128xi32, #tpu.memory_space<vmem>>
          %dma_wait3A_108 = arith.constant 0 : i32
          %dma_wait3A_109 = arith.constant 0 : i32
          %dma_wait3A_110 = tpu.memref_slice %arg10[%dma_wait3A_108, %dma_wait3A_109] : memref<10240x128xf32, #tpu.memory_space<vmem_shared>> -> memref<10240x128xf32, #tpu.memory_space<vmem_shared>>
          tpu.wait_indirect_dma semaphore(%run_scoped3A : memref<!tpu.dma_semaphore, #tpu.memory_space<semaphore_mem>>) src(%arg9 : memref<128x128xf32, #tpu.memory_space<vmem>>) dst(%dma_wait3A_110 : memref<10240x128xf32, #tpu.memory_space<vmem_shared>>)
          tpu.yield
        }) : () -> ()
      }
      %scan3A_61 = arith.constant 20 : i32
    } else {
    }
    %barrier3A_29 = arith.constant 0 : index
    tpu.barrier barrier_id(%barrier3A_29)
    %mul3A_30 = arith.constant 640 : i32
    %mul3A_31 = arith.muli %arg1, %mul3A_30 : i32
    %mul3A_32 = arith.constant 640 : i32
    %mul3A_33 = arith.muli %arg1, %mul3A_32 : i32
    "tpu.region"() ({
      %run_scoped3A = tpu.sem_alloc : memref<!tpu.dma_semaphore, #tpu.memory_space<semaphore_mem>>
      %dma_start3A = arith.constant 0 : i32
      %dma_start3A_34 = arith.constant 0 : i32
      %dma_start3A_35 = tpu.memref_slice %arg5[%arg0, %dma_start3A, %dma_start3A_34] : memref<2x10240x128xf32, #tpu.memory_space<hbm>> -> memref<1x10240x128xf32, #tpu.memory_space<hbm>>
      %dma_start3A_36 = tpu.memref_squeeze %dma_start3A_35 : memref<1x10240x128xf32, #tpu.memory_space<hbm>> -> memref<10240x128xf32, #tpu.memory_space<hbm>>
      %dma_start3A_37 = arith.constant 0 : i32
      %dma_start3A_38 = tpu.memref_slice %dma_start3A_36[%mul3A_33, %dma_start3A_37] : memref<10240x128xf32, #tpu.memory_space<hbm>> -> memref<640x128xf32, #tpu.memory_space<hbm>>
      %dma_start3A_39 = arith.constant 0 : i32
      %dma_start3A_40 = tpu.memref_slice %arg10[%mul3A_31, %dma_start3A_39] : memref<10240x128xf32, #tpu.memory_space<vmem_shared>> -> memref<640x128xf32, #tpu.memory_space<vmem_shared>>
      tpu.enqueue_dma source(%dma_start3A_40 : memref<640x128xf32, #tpu.memory_space<vmem_shared>>) target(%dma_start3A_38 : memref<640x128xf32, #tpu.memory_space<hbm>>) target_semaphore(%run_scoped3A : memref<!tpu.dma_semaphore, #tpu.memory_space<semaphore_mem>>)
      %dma_wait3A = arith.constant 0 : i32
      %dma_wait3A_41 = arith.constant 0 : i32
      %dma_wait3A_42 = tpu.memref_slice %arg5[%arg0, %dma_wait3A, %dma_wait3A_41] : memref<2x10240x128xf32, #tpu.memory_space<hbm>> -> memref<1x10240x128xf32, #tpu.memory_space<hbm>>
      %dma_wait3A_43 = tpu.memref_squeeze %dma_wait3A_42 : memref<1x10240x128xf32, #tpu.memory_space<hbm>> -> memref<10240x128xf32, #tpu.memory_space<hbm>>
      %dma_wait3A_44 = arith.constant 0 : i32
      %dma_wait3A_45 = tpu.memref_slice %dma_wait3A_43[%mul3A_33, %dma_wait3A_44] : memref<10240x128xf32, #tpu.memory_space<hbm>> -> memref<640x128xf32, #tpu.memory_space<hbm>>
      %dma_wait3A_46 = arith.constant 0 : i32
      %dma_wait3A_47 = tpu.memref_slice %arg10[%mul3A_31, %dma_wait3A_46] : memref<10240x128xf32, #tpu.memory_space<vmem_shared>> -> memref<640x128xf32, #tpu.memory_space<vmem_shared>>
      tpu.wait_dma2 semaphore(%run_scoped3A : memref<!tpu.dma_semaphore, #tpu.memory_space<semaphore_mem>>) src(%dma_wait3A_47 : memref<640x128xf32, #tpu.memory_space<vmem_shared>>) dst(%dma_wait3A_45 : memref<640x128xf32, #tpu.memory_space<hbm>>)
      tpu.yield
    }) : () -> ()
    return
  }
}

#map = affine_map<(d0, d1) -> (0, 0)>
#map1 = affine_map<(d0, d1) -> (0, 0, 0)>
module attributes {stable_mosaic.version = 14 : i64} {
  func.func @_sc_degree(%arg0: i32, %arg1: i32, %arg2: memref<2592x128xi32, #tpu.memory_space<hbm>>, %arg3: memref<128x128xf32, #tpu.memory_space<hbm>>, %arg4: memref<2x10240x128xf32, #tpu.memory_space<hbm>>, %arg5: memref<80x128xi32, #tpu.memory_space<vmem>>, %arg6: memref<128x128xf32, #tpu.memory_space<vmem>>, %arg7: memref<10240x128xf32, #tpu.memory_space<vmem_shared>>) attributes {dimension_semantics = [#tpu.dimension_semantics<core_parallel>, #tpu.dimension_semantics<subcore_parallel>], iteration_bounds = array<i64: 2, 16>, scalar_prefetch = 0 : i64, scratch_operands = 3 : i64, tpu.core_type = #tpu.core_type<sc_vector_subcore>, window_params = [{transform_indices = #map}, {transform_indices = #map}, {transform_indices = #map1}]} {
    %mul3A = arith.constant 2 : i32
    %mul3A_0 = arith.muli %arg1, %mul3A : i32
    %add3A = arith.addi %mul3A_0, %arg0 : i32
    %scan3A = arith.constant 0 : i32
    %scan3A_1 = arith.constant 0 : i32
    %scan3A_2 = arith.constant 128 : i32
    %scan3A_3 = arith.addi %scan3A_1, %scan3A_2 : i32
    %scan3A_4 = arith.constant 1 : i32
    scf.for %scan3A_39 = %scan3A_1 to %scan3A_3 step %scan3A_4  : i32 {
      %broadcast_in_dim3A = arith.constant 0.000000e+00 : f32
      %broadcast_in_dim3A_40 = vector.broadcast %broadcast_in_dim3A : f32 to vector<16xf32>
      %swap3A = arith.index_cast %scan3A_39 : i32 to index
      %swap3A_41 = arith.constant 0 : index
      %swap3A_42 = tpu.vector_load %arg6[%swap3A, %swap3A_41] {strides = array<i32>} : memref<128x128xf32, #tpu.memory_space<vmem>>, vector<1x16xf32>,
      %swap3A_43 = vector.shape_cast %swap3A_42 : vector<1x16xf32> to vector<16xf32>
      %swap3A_44 = vector.shape_cast %broadcast_in_dim3A_40 : vector<16xf32> to vector<1x16xf32>
      tpu.vector_store %arg6[%swap3A, %swap3A_41], %swap3A_44 {strides = array<i32>} : memref<128x128xf32, #tpu.memory_space<vmem>>, vector<1x16xf32>,
      %broadcast_in_dim3A_45 = arith.constant 0.000000e+00 : f32
      %broadcast_in_dim3A_46 = vector.broadcast %broadcast_in_dim3A_45 : f32 to vector<16xf32>
      %swap3A_47 = arith.index_cast %scan3A_39 : i32 to index
      %swap3A_48 = arith.constant 16 : index
      %swap3A_49 = tpu.vector_load %arg6[%swap3A_47, %swap3A_48] {strides = array<i32>} : memref<128x128xf32, #tpu.memory_space<vmem>>, vector<1x16xf32>,
      %swap3A_50 = vector.shape_cast %swap3A_49 : vector<1x16xf32> to vector<16xf32>
      %swap3A_51 = vector.shape_cast %broadcast_in_dim3A_46 : vector<16xf32> to vector<1x16xf32>
      tpu.vector_store %arg6[%swap3A_47, %swap3A_48], %swap3A_51 {strides = array<i32>} : memref<128x128xf32, #tpu.memory_space<vmem>>, vector<1x16xf32>,
      %broadcast_in_dim3A_52 = arith.constant 0.000000e+00 : f32
      %broadcast_in_dim3A_53 = vector.broadcast %broadcast_in_dim3A_52 : f32 to vector<16xf32>
      %swap3A_54 = arith.index_cast %scan3A_39 : i32 to index
      %swap3A_55 = arith.constant 32 : index
      %swap3A_56 = tpu.vector_load %arg6[%swap3A_54, %swap3A_55] {strides = array<i32>} : memref<128x128xf32, #tpu.memory_space<vmem>>, vector<1x16xf32>,
      %swap3A_57 = vector.shape_cast %swap3A_56 : vector<1x16xf32> to vector<16xf32>
      %swap3A_58 = vector.shape_cast %broadcast_in_dim3A_53 : vector<16xf32> to vector<1x16xf32>
      tpu.vector_store %arg6[%swap3A_54, %swap3A_55], %swap3A_58 {strides = array<i32>} : memref<128x128xf32, #tpu.memory_space<vmem>>, vector<1x16xf32>,
      %broadcast_in_dim3A_59 = arith.constant 0.000000e+00 : f32
      %broadcast_in_dim3A_60 = vector.broadcast %broadcast_in_dim3A_59 : f32 to vector<16xf32>
      %swap3A_61 = arith.index_cast %scan3A_39 : i32 to index
      %swap3A_62 = arith.constant 48 : index
      %swap3A_63 = tpu.vector_load %arg6[%swap3A_61, %swap3A_62] {strides = array<i32>} : memref<128x128xf32, #tpu.memory_space<vmem>>, vector<1x16xf32>,
      %swap3A_64 = vector.shape_cast %swap3A_63 : vector<1x16xf32> to vector<16xf32>
      %swap3A_65 = vector.shape_cast %broadcast_in_dim3A_60 : vector<16xf32> to vector<1x16xf32>
      tpu.vector_store %arg6[%swap3A_61, %swap3A_62], %swap3A_65 {strides = array<i32>} : memref<128x128xf32, #tpu.memory_space<vmem>>, vector<1x16xf32>,
      %broadcast_in_dim3A_66 = arith.constant 0.000000e+00 : f32
      %broadcast_in_dim3A_67 = vector.broadcast %broadcast_in_dim3A_66 : f32 to vector<16xf32>
      %swap3A_68 = arith.index_cast %scan3A_39 : i32 to index
      %swap3A_69 = arith.constant 64 : index
      %swap3A_70 = tpu.vector_load %arg6[%swap3A_68, %swap3A_69] {strides = array<i32>} : memref<128x128xf32, #tpu.memory_space<vmem>>, vector<1x16xf32>,
      %swap3A_71 = vector.shape_cast %swap3A_70 : vector<1x16xf32> to vector<16xf32>
      %swap3A_72 = vector.shape_cast %broadcast_in_dim3A_67 : vector<16xf32> to vector<1x16xf32>
      tpu.vector_store %arg6[%swap3A_68, %swap3A_69], %swap3A_72 {strides = array<i32>} : memref<128x128xf32, #tpu.memory_space<vmem>>, vector<1x16xf32>,
      %broadcast_in_dim3A_73 = arith.constant 0.000000e+00 : f32
      %broadcast_in_dim3A_74 = vector.broadcast %broadcast_in_dim3A_73 : f32 to vector<16xf32>
      %swap3A_75 = arith.index_cast %scan3A_39 : i32 to index
      %swap3A_76 = arith.constant 80 : index
      %swap3A_77 = tpu.vector_load %arg6[%swap3A_75, %swap3A_76] {strides = array<i32>} : memref<128x128xf32, #tpu.memory_space<vmem>>, vector<1x16xf32>,
      %swap3A_78 = vector.shape_cast %swap3A_77 : vector<1x16xf32> to vector<16xf32>
      %swap3A_79 = vector.shape_cast %broadcast_in_dim3A_74 : vector<16xf32> to vector<1x16xf32>
      tpu.vector_store %arg6[%swap3A_75, %swap3A_76], %swap3A_79 {strides = array<i32>} : memref<128x128xf32, #tpu.memory_space<vmem>>, vector<1x16xf32>,
      %broadcast_in_dim3A_80 = arith.constant 0.000000e+00 : f32
      %broadcast_in_dim3A_81 = vector.broadcast %broadcast_in_dim3A_80 : f32 to vector<16xf32>
      %swap3A_82 = arith.index_cast %scan3A_39 : i32 to index
      %swap3A_83 = arith.constant 96 : index
      %swap3A_84 = tpu.vector_load %arg6[%swap3A_82, %swap3A_83] {strides = array<i32>} : memref<128x128xf32, #tpu.memory_space<vmem>>, vector<1x16xf32>,
      %swap3A_85 = vector.shape_cast %swap3A_84 : vector<1x16xf32> to vector<16xf32>
      %swap3A_86 = vector.shape_cast %broadcast_in_dim3A_81 : vector<16xf32> to vector<1x16xf32>
      tpu.vector_store %arg6[%swap3A_82, %swap3A_83], %swap3A_86 {strides = array<i32>} : memref<128x128xf32, #tpu.memory_space<vmem>>, vector<1x16xf32>,
      %broadcast_in_dim3A_87 = arith.constant 0.000000e+00 : f32
      %broadcast_in_dim3A_88 = vector.broadcast %broadcast_in_dim3A_87 : f32 to vector<16xf32>
      %swap3A_89 = arith.index_cast %scan3A_39 : i32 to index
      %swap3A_90 = arith.constant 112 : index
      %swap3A_91 = tpu.vector_load %arg6[%swap3A_89, %swap3A_90] {strides = array<i32>} : memref<128x128xf32, #tpu.memory_space<vmem>>, vector<1x16xf32>,
      %swap3A_92 = vector.shape_cast %swap3A_91 : vector<1x16xf32> to vector<16xf32>
      %swap3A_93 = vector.shape_cast %broadcast_in_dim3A_88 : vector<16xf32> to vector<1x16xf32>
      tpu.vector_store %arg6[%swap3A_89, %swap3A_90], %swap3A_93 {strides = array<i32>} : memref<128x128xf32, #tpu.memory_space<vmem>>, vector<1x16xf32>,
    }
    %scan3A_5 = arith.constant 128 : i32
    %mul3A_6 = arith.constant 640 : i32
    %mul3A_7 = arith.muli %arg1, %mul3A_6 : i32
    %add3A_8 = arith.constant 0 : i32
    %add3A_9 = arith.addi %mul3A_7, %add3A_8 : i32
    "tpu.region"() ({
      %run_scoped3A = tpu.sem_alloc : memref<!tpu.dma_semaphore, #tpu.memory_space<semaphore_mem>>
      %dma_start3A = arith.constant 0 : i32
      %dma_start3A_39 = tpu.memref_slice %arg7[%add3A_9, %dma_start3A] : memref<10240x128xf32, #tpu.memory_space<vmem_shared>> -> memref<128x128xf32, #tpu.memory_space<vmem_shared>>
      %dma_start3A_40 = arith.constant 0 : i32
      %dma_start3A_41 = tpu.memref_slice %arg7[%add3A_9, %dma_start3A_40] : memref<10240x128xf32, #tpu.memory_space<vmem_shared>> -> memref<128x128xf32, #tpu.memory_space<vmem_shared>>
      tpu.enqueue_dma source(%arg6 : memref<128x128xf32, #tpu.memory_space<vmem>>) target(%dma_start3A_41 : memref<128x128xf32, #tpu.memory_space<vmem_shared>>) target_semaphore(%run_scoped3A : memref<!tpu.dma_semaphore, #tpu.memory_space<semaphore_mem>>)
      %dma_wait3A = arith.constant 0 : i32
      %dma_wait3A_42 = tpu.memref_slice %arg7[%add3A_9, %dma_wait3A] : memref<10240x128xf32, #tpu.memory_space<vmem_shared>> -> memref<128x128xf32, #tpu.memory_space<vmem_shared>>
      %dma_wait3A_43 = arith.constant 0 : i32
      %dma_wait3A_44 = tpu.memref_slice %arg7[%add3A_9, %dma_wait3A_43] : memref<10240x128xf32, #tpu.memory_space<vmem_shared>> -> memref<128x128xf32, #tpu.memory_space<vmem_shared>>
      tpu.wait_dma2 semaphore(%run_scoped3A : memref<!tpu.dma_semaphore, #tpu.memory_space<semaphore_mem>>) src(%arg6 : memref<128x128xf32, #tpu.memory_space<vmem>>) dst(%dma_wait3A_44 : memref<128x128xf32, #tpu.memory_space<vmem_shared>>)
      tpu.yield
    }) : () -> ()
    %mul3A_10 = arith.constant 640 : i32
    %mul3A_11 = arith.muli %arg1, %mul3A_10 : i32
    %add3A_12 = arith.constant 128 : i32
    %add3A_13 = arith.addi %mul3A_11, %add3A_12 : i32
    "tpu.region"() ({
      %run_scoped3A = tpu.sem_alloc : memref<!tpu.dma_semaphore, #tpu.memory_space<semaphore_mem>>
      %dma_start3A = arith.constant 0 : i32
      %dma_start3A_39 = tpu.memref_slice %arg7[%add3A_13, %dma_start3A] : memref<10240x128xf32, #tpu.memory_space<vmem_shared>> -> memref<128x128xf32, #tpu.memory_space<vmem_shared>>
      %dma_start3A_40 = arith.constant 0 : i32
      %dma_start3A_41 = tpu.memref_slice %arg7[%add3A_13, %dma_start3A_40] : memref<10240x128xf32, #tpu.memory_space<vmem_shared>> -> memref<128x128xf32, #tpu.memory_space<vmem_shared>>
      tpu.enqueue_dma source(%arg6 : memref<128x128xf32, #tpu.memory_space<vmem>>) target(%dma_start3A_41 : memref<128x128xf32, #tpu.memory_space<vmem_shared>>) target_semaphore(%run_scoped3A : memref<!tpu.dma_semaphore, #tpu.memory_space<semaphore_mem>>)
      %dma_wait3A = arith.constant 0 : i32
      %dma_wait3A_42 = tpu.memref_slice %arg7[%add3A_13, %dma_wait3A] : memref<10240x128xf32, #tpu.memory_space<vmem_shared>> -> memref<128x128xf32, #tpu.memory_space<vmem_shared>>
      %dma_wait3A_43 = arith.constant 0 : i32
      %dma_wait3A_44 = tpu.memref_slice %arg7[%add3A_13, %dma_wait3A_43] : memref<10240x128xf32, #tpu.memory_space<vmem_shared>> -> memref<128x128xf32, #tpu.memory_space<vmem_shared>>
      tpu.wait_dma2 semaphore(%run_scoped3A : memref<!tpu.dma_semaphore, #tpu.memory_space<semaphore_mem>>) src(%arg6 : memref<128x128xf32, #tpu.memory_space<vmem>>) dst(%dma_wait3A_44 : memref<128x128xf32, #tpu.memory_space<vmem_shared>>)
      tpu.yield
    }) : () -> ()
    %mul3A_14 = arith.constant 640 : i32
    %mul3A_15 = arith.muli %arg1, %mul3A_14 : i32
    %add3A_16 = arith.constant 256 : i32
    %add3A_17 = arith.addi %mul3A_15, %add3A_16 : i32
    "tpu.region"() ({
      %run_scoped3A = tpu.sem_alloc : memref<!tpu.dma_semaphore, #tpu.memory_space<semaphore_mem>>
      %dma_start3A = arith.constant 0 : i32
      %dma_start3A_39 = tpu.memref_slice %arg7[%add3A_17, %dma_start3A] : memref<10240x128xf32, #tpu.memory_space<vmem_shared>> -> memref<128x128xf32, #tpu.memory_space<vmem_shared>>
      %dma_start3A_40 = arith.constant 0 : i32
      %dma_start3A_41 = tpu.memref_slice %arg7[%add3A_17, %dma_start3A_40] : memref<10240x128xf32, #tpu.memory_space<vmem_shared>> -> memref<128x128xf32, #tpu.memory_space<vmem_shared>>
      tpu.enqueue_dma source(%arg6 : memref<128x128xf32, #tpu.memory_space<vmem>>) target(%dma_start3A_41 : memref<128x128xf32, #tpu.memory_space<vmem_shared>>) target_semaphore(%run_scoped3A : memref<!tpu.dma_semaphore, #tpu.memory_space<semaphore_mem>>)
      %dma_wait3A = arith.constant 0 : i32
      %dma_wait3A_42 = tpu.memref_slice %arg7[%add3A_17, %dma_wait3A] : memref<10240x128xf32, #tpu.memory_space<vmem_shared>> -> memref<128x128xf32, #tpu.memory_space<vmem_shared>>
      %dma_wait3A_43 = arith.constant 0 : i32
      %dma_wait3A_44 = tpu.memref_slice %arg7[%add3A_17, %dma_wait3A_43] : memref<10240x128xf32, #tpu.memory_space<vmem_shared>> -> memref<128x128xf32, #tpu.memory_space<vmem_shared>>
      tpu.wait_dma2 semaphore(%run_scoped3A : memref<!tpu.dma_semaphore, #tpu.memory_space<semaphore_mem>>) src(%arg6 : memref<128x128xf32, #tpu.memory_space<vmem>>) dst(%dma_wait3A_44 : memref<128x128xf32, #tpu.memory_space<vmem_shared>>)
      tpu.yield
    }) : () -> ()
    %mul3A_18 = arith.constant 640 : i32
    %mul3A_19 = arith.muli %arg1, %mul3A_18 : i32
    %add3A_20 = arith.constant 384 : i32
    %add3A_21 = arith.addi %mul3A_19, %add3A_20 : i32
    "tpu.region"() ({
      %run_scoped3A = tpu.sem_alloc : memref<!tpu.dma_semaphore, #tpu.memory_space<semaphore_mem>>
      %dma_start3A = arith.constant 0 : i32
      %dma_start3A_39 = tpu.memref_slice %arg7[%add3A_21, %dma_start3A] : memref<10240x128xf32, #tpu.memory_space<vmem_shared>> -> memref<128x128xf32, #tpu.memory_space<vmem_shared>>
      %dma_start3A_40 = arith.constant 0 : i32
      %dma_start3A_41 = tpu.memref_slice %arg7[%add3A_21, %dma_start3A_40] : memref<10240x128xf32, #tpu.memory_space<vmem_shared>> -> memref<128x128xf32, #tpu.memory_space<vmem_shared>>
      tpu.enqueue_dma source(%arg6 : memref<128x128xf32, #tpu.memory_space<vmem>>) target(%dma_start3A_41 : memref<128x128xf32, #tpu.memory_space<vmem_shared>>) target_semaphore(%run_scoped3A : memref<!tpu.dma_semaphore, #tpu.memory_space<semaphore_mem>>)
      %dma_wait3A = arith.constant 0 : i32
      %dma_wait3A_42 = tpu.memref_slice %arg7[%add3A_21, %dma_wait3A] : memref<10240x128xf32, #tpu.memory_space<vmem_shared>> -> memref<128x128xf32, #tpu.memory_space<vmem_shared>>
      %dma_wait3A_43 = arith.constant 0 : i32
      %dma_wait3A_44 = tpu.memref_slice %arg7[%add3A_21, %dma_wait3A_43] : memref<10240x128xf32, #tpu.memory_space<vmem_shared>> -> memref<128x128xf32, #tpu.memory_space<vmem_shared>>
      tpu.wait_dma2 semaphore(%run_scoped3A : memref<!tpu.dma_semaphore, #tpu.memory_space<semaphore_mem>>) src(%arg6 : memref<128x128xf32, #tpu.memory_space<vmem>>) dst(%dma_wait3A_44 : memref<128x128xf32, #tpu.memory_space<vmem_shared>>)
      tpu.yield
    }) : () -> ()
    %mul3A_22 = arith.constant 640 : i32
    %mul3A_23 = arith.muli %arg1, %mul3A_22 : i32
    %add3A_24 = arith.constant 512 : i32
    %add3A_25 = arith.addi %mul3A_23, %add3A_24 : i32
    "tpu.region"() ({
      %run_scoped3A = tpu.sem_alloc : memref<!tpu.dma_semaphore, #tpu.memory_space<semaphore_mem>>
      %dma_start3A = arith.constant 0 : i32
      %dma_start3A_39 = tpu.memref_slice %arg7[%add3A_25, %dma_start3A] : memref<10240x128xf32, #tpu.memory_space<vmem_shared>> -> memref<128x128xf32, #tpu.memory_space<vmem_shared>>
      %dma_start3A_40 = arith.constant 0 : i32
      %dma_start3A_41 = tpu.memref_slice %arg7[%add3A_25, %dma_start3A_40] : memref<10240x128xf32, #tpu.memory_space<vmem_shared>> -> memref<128x128xf32, #tpu.memory_space<vmem_shared>>
      tpu.enqueue_dma source(%arg6 : memref<128x128xf32, #tpu.memory_space<vmem>>) target(%dma_start3A_41 : memref<128x128xf32, #tpu.memory_space<vmem_shared>>) target_semaphore(%run_scoped3A : memref<!tpu.dma_semaphore, #tpu.memory_space<semaphore_mem>>)
      %dma_wait3A = arith.constant 0 : i32
      %dma_wait3A_42 = tpu.memref_slice %arg7[%add3A_25, %dma_wait3A] : memref<10240x128xf32, #tpu.memory_space<vmem_shared>> -> memref<128x128xf32, #tpu.memory_space<vmem_shared>>
      %dma_wait3A_43 = arith.constant 0 : i32
      %dma_wait3A_44 = tpu.memref_slice %arg7[%add3A_25, %dma_wait3A_43] : memref<10240x128xf32, #tpu.memory_space<vmem_shared>> -> memref<128x128xf32, #tpu.memory_space<vmem_shared>>
      tpu.wait_dma2 semaphore(%run_scoped3A : memref<!tpu.dma_semaphore, #tpu.memory_space<semaphore_mem>>) src(%arg6 : memref<128x128xf32, #tpu.memory_space<vmem>>) dst(%dma_wait3A_44 : memref<128x128xf32, #tpu.memory_space<vmem_shared>>)
      tpu.yield
    }) : () -> ()
    "tpu.region"() ({
      %run_scoped3A = tpu.sem_alloc : memref<!tpu.dma_semaphore, #tpu.memory_space<semaphore_mem>>
      tpu.enqueue_dma source(%arg3 : memref<128x128xf32, #tpu.memory_space<hbm>>) target(%arg6 : memref<128x128xf32, #tpu.memory_space<vmem>>) target_semaphore(%run_scoped3A : memref<!tpu.dma_semaphore, #tpu.memory_space<semaphore_mem>>)
      tpu.wait_dma2 semaphore(%run_scoped3A : memref<!tpu.dma_semaphore, #tpu.memory_space<semaphore_mem>>) src(%arg3 : memref<128x128xf32, #tpu.memory_space<hbm>>) dst(%arg6 : memref<128x128xf32, #tpu.memory_space<vmem>>)
      tpu.yield
    }) : () -> ()
    %mul3A_26 = arith.constant 80 : i32
    %mul3A_27 = arith.muli %add3A, %mul3A_26 : i32
    "tpu.region"() ({
      %run_scoped3A = tpu.sem_alloc : memref<!tpu.dma_semaphore, #tpu.memory_space<semaphore_mem>>
      %dma_start3A = arith.constant 0 : i32
      %dma_start3A_39 = tpu.memref_slice %arg2[%mul3A_27, %dma_start3A] : memref<2592x128xi32, #tpu.memory_space<hbm>> -> memref<80x128xi32, #tpu.memory_space<hbm>>
      %dma_start3A_40 = arith.constant 0 : i32
      %dma_start3A_41 = tpu.memref_slice %arg2[%mul3A_27, %dma_start3A_40] : memref<2592x128xi32, #tpu.memory_space<hbm>> -> memref<80x128xi32, #tpu.memory_space<hbm>>
      tpu.enqueue_dma source(%dma_start3A_41 : memref<80x128xi32, #tpu.memory_space<hbm>>) target(%arg5 : memref<80x128xi32, #tpu.memory_space<vmem>>) target_semaphore(%run_scoped3A : memref<!tpu.dma_semaphore, #tpu.memory_space<semaphore_mem>>)
      %dma_wait3A = arith.constant 0 : i32
      %dma_wait3A_42 = tpu.memref_slice %arg2[%mul3A_27, %dma_wait3A] : memref<2592x128xi32, #tpu.memory_space<hbm>> -> memref<80x128xi32, #tpu.memory_space<hbm>>
      %dma_wait3A_43 = arith.constant 0 : i32
      %dma_wait3A_44 = tpu.memref_slice %arg2[%mul3A_27, %dma_wait3A_43] : memref<2592x128xi32, #tpu.memory_space<hbm>> -> memref<80x128xi32, #tpu.memory_space<hbm>>
      tpu.wait_dma2 semaphore(%run_scoped3A : memref<!tpu.dma_semaphore, #tpu.memory_space<semaphore_mem>>) src(%dma_wait3A_44 : memref<80x128xi32, #tpu.memory_space<hbm>>) dst(%arg5 : memref<80x128xi32, #tpu.memory_space<vmem>>)
      tpu.yield
    }) : () -> ()
    %barrier3A = arith.constant 0 : index
    tpu.barrier barrier_id(%barrier3A)
    %scan3A_28 = arith.constant 0 : i32
    %scan3A_29 = arith.constant 0 : i32
    %scan3A_30 = arith.constant 80 : i32
    %scan3A_31 = arith.addi %scan3A_29, %scan3A_30 : i32
    %scan3A_32 = arith.constant 1 : i32
    scf.for %scan3A_39 = %scan3A_29 to %scan3A_31 step %scan3A_32  : i32 {
      "tpu.region"() ({
        %run_scoped3A = tpu.sem_alloc : memref<!tpu.dma_semaphore, #tpu.memory_space<semaphore_mem>>
        %dma_start3A = arith.constant 0 : i32
        %dma_start3A_40 = tpu.memref_slice %arg5[%scan3A_39, %dma_start3A] : memref<80x128xi32, #tpu.memory_space<vmem>> -> memref<1x128xi32, #tpu.memory_space<vmem>>
        %dma_start3A_41 = tpu.memref_squeeze %dma_start3A_40 : memref<1x128xi32, #tpu.memory_space<vmem>> -> memref<128xi32, #tpu.memory_space<vmem>>
        %dma_start3A_42 = arith.constant 0 : i32
        %dma_start3A_43 = arith.constant 0 : i32
        %dma_start3A_44 = tpu.memref_slice %arg7[%dma_start3A_42, %dma_start3A_43] : memref<10240x128xf32, #tpu.memory_space<vmem_shared>> -> memref<10240x128xf32, #tpu.memory_space<vmem_shared>>
        tpu.enqueue_indirect_dma source(%arg6 : memref<128x128xf32, #tpu.memory_space<vmem>>) target(%dma_start3A_44 : memref<10240x128xf32, #tpu.memory_space<vmem_shared>>) offsets(%dma_start3A_41 : memref<128xi32, #tpu.memory_space<vmem>>) semaphore(%run_scoped3A : memref<!tpu.dma_semaphore, #tpu.memory_space<semaphore_mem>>) {add = true}
        %dma_wait3A = arith.constant 0 : i32
        %dma_wait3A_45 = tpu.memref_slice %arg5[%scan3A_39, %dma_wait3A] : memref<80x128xi32, #tpu.memory_space<vmem>> -> memref<1x128xi32, #tpu.memory_space<vmem>>
        %dma_wait3A_46 = tpu.memref_squeeze %dma_wait3A_45 : memref<1x128xi32, #tpu.memory_space<vmem>> -> memref<128xi32, #tpu.memory_space<vmem>>
        %dma_wait3A_47 = arith.constant 0 : i32
        %dma_wait3A_48 = arith.constant 0 : i32
        %dma_wait3A_49 = tpu.memref_slice %arg7[%dma_wait3A_47, %dma_wait3A_48] : memref<10240x128xf32, #tpu.memory_space<vmem_shared>> -> memref<10240x128xf32, #tpu.memory_space<vmem_shared>>
        tpu.wait_indirect_dma semaphore(%run_scoped3A : memref<!tpu.dma_semaphore, #tpu.memory_space<semaphore_mem>>) src(%arg6 : memref<128x128xf32, #tpu.memory_space<vmem>>) dst(%dma_wait3A_49 : memref<10240x128xf32, #tpu.memory_space<vmem_shared>>)
        tpu.yield
      }) : () -> ()
    }
    %scan3A_33 = arith.constant 80 : i32
    %barrier3A_34 = arith.constant 0 : index
    tpu.barrier barrier_id(%barrier3A_34)
    %mul3A_35 = arith.constant 640 : i32
    %mul3A_36 = arith.muli %arg1, %mul3A_35 : i32
    %mul3A_37 = arith.constant 640 : i32
    %mul3A_38 = arith.muli %arg1, %mul3A_37 : i32
    "tpu.region"() ({
      %run_scoped3A = tpu.sem_alloc : memref<!tpu.dma_semaphore, #tpu.memory_space<semaphore_mem>>
      %dma_start3A = arith.constant 0 : i32
      %dma_start3A_39 = arith.constant 0 : i32
      %dma_start3A_40 = tpu.memref_slice %arg4[%arg0, %dma_start3A, %dma_start3A_39] : memref<2x10240x128xf32, #tpu.memory_space<hbm>> -> memref<1x10240x128xf32, #tpu.memory_space<hbm>>
      %dma_start3A_41 = tpu.memref_squeeze %dma_start3A_40 : memref<1x10240x128xf32, #tpu.memory_space<hbm>> -> memref<10240x128xf32, #tpu.memory_space<hbm>>
      %dma_start3A_42 = arith.constant 0 : i32
      %dma_start3A_43 = tpu.memref_slice %dma_start3A_41[%mul3A_38, %dma_start3A_42] : memref<10240x128xf32, #tpu.memory_space<hbm>> -> memref<640x128xf32, #tpu.memory_space<hbm>>
      %dma_start3A_44 = arith.constant 0 : i32
      %dma_start3A_45 = tpu.memref_slice %arg7[%mul3A_36, %dma_start3A_44] : memref<10240x128xf32, #tpu.memory_space<vmem_shared>> -> memref<640x128xf32, #tpu.memory_space<vmem_shared>>
      tpu.enqueue_dma source(%dma_start3A_45 : memref<640x128xf32, #tpu.memory_space<vmem_shared>>) target(%dma_start3A_43 : memref<640x128xf32, #tpu.memory_space<hbm>>) target_semaphore(%run_scoped3A : memref<!tpu.dma_semaphore, #tpu.memory_space<semaphore_mem>>)
      %dma_wait3A = arith.constant 0 : i32
      %dma_wait3A_46 = arith.constant 0 : i32
      %dma_wait3A_47 = tpu.memref_slice %arg4[%arg0, %dma_wait3A, %dma_wait3A_46] : memref<2x10240x128xf32, #tpu.memory_space<hbm>> -> memref<1x10240x128xf32, #tpu.memory_space<hbm>>
      %dma_wait3A_48 = tpu.memref_squeeze %dma_wait3A_47 : memref<1x10240x128xf32, #tpu.memory_space<hbm>> -> memref<10240x128xf32, #tpu.memory_space<hbm>>
      %dma_wait3A_49 = arith.constant 0 : i32
      %dma_wait3A_50 = tpu.memref_slice %dma_wait3A_48[%mul3A_38, %dma_wait3A_49] : memref<10240x128xf32, #tpu.memory_space<hbm>> -> memref<640x128xf32, #tpu.memory_space<hbm>>
      %dma_wait3A_51 = arith.constant 0 : i32
      %dma_wait3A_52 = tpu.memref_slice %arg7[%mul3A_36, %dma_wait3A_51] : memref<10240x128xf32, #tpu.memory_space<vmem_shared>> -> memref<640x128xf32, #tpu.memory_space<vmem_shared>>
      tpu.wait_dma2 semaphore(%run_scoped3A : memref<!tpu.dma_semaphore, #tpu.memory_space<semaphore_mem>>) src(%dma_wait3A_52 : memref<640x128xf32, #tpu.memory_space<vmem_shared>>) dst(%dma_wait3A_50 : memref<640x128xf32, #tpu.memory_space<hbm>>)
      tpu.yield
    }) : () -> ()
    return
  }
}

#map = affine_map<(d0, d1) -> (0, 0)>
#map1 = affine_map<(d0, d1) -> (0, 0, 0)>
module attributes {stable_mosaic.version = 14 : i64} {
  func.func @_sc_scatter(%arg0: i32, %arg1: i32, %arg2: memref<10000x128xf32, #tpu.memory_space<hbm>>, %arg3: memref<2592x128xi32, #tpu.memory_space<hbm>>, %arg4: memref<2592x128xi32, #tpu.memory_space<hbm>>, %arg5: memref<2x10240x128xf32, #tpu.memory_space<hbm>>, %arg6: memref<40x128xi32, #tpu.memory_space<vmem>>, %arg7: memref<40x128xi32, #tpu.memory_space<vmem>>, %arg8: memref<128x128xf32, #tpu.memory_space<vmem>>, %arg9: memref<128x128xf32, #tpu.memory_space<vmem>>, %arg10: memref<10240x128xf32, #tpu.memory_space<vmem_shared>>, %arg11: memref<!tpu.dma_semaphore, #tpu.memory_space<semaphore_mem>>, %arg12: memref<!tpu.dma_semaphore, #tpu.memory_space<semaphore_mem>>) attributes {dimension_semantics = [#tpu.dimension_semantics<core_parallel>, #tpu.dimension_semantics<subcore_parallel>], iteration_bounds = array<i64: 2, 16>, scalar_prefetch = 0 : i64, scratch_operands = 7 : i64, tpu.core_type = #tpu.core_type<sc_vector_subcore>, window_params = [{transform_indices = #map}, {transform_indices = #map}, {transform_indices = #map}, {transform_indices = #map1}]} {
    %scan3A = arith.constant 0 : i32
    %scan3A_0 = arith.constant 0 : i32
    %scan3A_1 = arith.constant 128 : i32
    %scan3A_2 = arith.addi %scan3A_0, %scan3A_1 : i32
    %scan3A_3 = arith.constant 1 : i32
    scf.for %scan3A_34 = %scan3A_0 to %scan3A_2 step %scan3A_3  : i32 {
      %broadcast_in_dim3A = arith.constant 0.000000e+00 : f32
      %broadcast_in_dim3A_35 = vector.broadcast %broadcast_in_dim3A : f32 to vector<16xf32>
      %swap3A = arith.index_cast %scan3A_34 : i32 to index
      %swap3A_36 = arith.constant 0 : index
      %swap3A_37 = tpu.vector_load %arg8[%swap3A, %swap3A_36] {strides = array<i32>} : memref<128x128xf32, #tpu.memory_space<vmem>>, vector<1x16xf32>,
      %swap3A_38 = vector.shape_cast %swap3A_37 : vector<1x16xf32> to vector<16xf32>
      %swap3A_39 = vector.shape_cast %broadcast_in_dim3A_35 : vector<16xf32> to vector<1x16xf32>
      tpu.vector_store %arg8[%swap3A, %swap3A_36], %swap3A_39 {strides = array<i32>} : memref<128x128xf32, #tpu.memory_space<vmem>>, vector<1x16xf32>,
      %broadcast_in_dim3A_40 = arith.constant 0.000000e+00 : f32
      %broadcast_in_dim3A_41 = vector.broadcast %broadcast_in_dim3A_40 : f32 to vector<16xf32>
      %swap3A_42 = arith.index_cast %scan3A_34 : i32 to index
      %swap3A_43 = arith.constant 16 : index
      %swap3A_44 = tpu.vector_load %arg8[%swap3A_42, %swap3A_43] {strides = array<i32>} : memref<128x128xf32, #tpu.memory_space<vmem>>, vector<1x16xf32>,
      %swap3A_45 = vector.shape_cast %swap3A_44 : vector<1x16xf32> to vector<16xf32>
      %swap3A_46 = vector.shape_cast %broadcast_in_dim3A_41 : vector<16xf32> to vector<1x16xf32>
      tpu.vector_store %arg8[%swap3A_42, %swap3A_43], %swap3A_46 {strides = array<i32>} : memref<128x128xf32, #tpu.memory_space<vmem>>, vector<1x16xf32>,
      %broadcast_in_dim3A_47 = arith.constant 0.000000e+00 : f32
      %broadcast_in_dim3A_48 = vector.broadcast %broadcast_in_dim3A_47 : f32 to vector<16xf32>
      %swap3A_49 = arith.index_cast %scan3A_34 : i32 to index
      %swap3A_50 = arith.constant 32 : index
      %swap3A_51 = tpu.vector_load %arg8[%swap3A_49, %swap3A_50] {strides = array<i32>} : memref<128x128xf32, #tpu.memory_space<vmem>>, vector<1x16xf32>,
      %swap3A_52 = vector.shape_cast %swap3A_51 : vector<1x16xf32> to vector<16xf32>
      %swap3A_53 = vector.shape_cast %broadcast_in_dim3A_48 : vector<16xf32> to vector<1x16xf32>
      tpu.vector_store %arg8[%swap3A_49, %swap3A_50], %swap3A_53 {strides = array<i32>} : memref<128x128xf32, #tpu.memory_space<vmem>>, vector<1x16xf32>,
      %broadcast_in_dim3A_54 = arith.constant 0.000000e+00 : f32
      %broadcast_in_dim3A_55 = vector.broadcast %broadcast_in_dim3A_54 : f32 to vector<16xf32>
      %swap3A_56 = arith.index_cast %scan3A_34 : i32 to index
      %swap3A_57 = arith.constant 48 : index
      %swap3A_58 = tpu.vector_load %arg8[%swap3A_56, %swap3A_57] {strides = array<i32>} : memref<128x128xf32, #tpu.memory_space<vmem>>, vector<1x16xf32>,
      %swap3A_59 = vector.shape_cast %swap3A_58 : vector<1x16xf32> to vector<16xf32>
      %swap3A_60 = vector.shape_cast %broadcast_in_dim3A_55 : vector<16xf32> to vector<1x16xf32>
      tpu.vector_store %arg8[%swap3A_56, %swap3A_57], %swap3A_60 {strides = array<i32>} : memref<128x128xf32, #tpu.memory_space<vmem>>, vector<1x16xf32>,
      %broadcast_in_dim3A_61 = arith.constant 0.000000e+00 : f32
      %broadcast_in_dim3A_62 = vector.broadcast %broadcast_in_dim3A_61 : f32 to vector<16xf32>
      %swap3A_63 = arith.index_cast %scan3A_34 : i32 to index
      %swap3A_64 = arith.constant 64 : index
      %swap3A_65 = tpu.vector_load %arg8[%swap3A_63, %swap3A_64] {strides = array<i32>} : memref<128x128xf32, #tpu.memory_space<vmem>>, vector<1x16xf32>,
      %swap3A_66 = vector.shape_cast %swap3A_65 : vector<1x16xf32> to vector<16xf32>
      %swap3A_67 = vector.shape_cast %broadcast_in_dim3A_62 : vector<16xf32> to vector<1x16xf32>
      tpu.vector_store %arg8[%swap3A_63, %swap3A_64], %swap3A_67 {strides = array<i32>} : memref<128x128xf32, #tpu.memory_space<vmem>>, vector<1x16xf32>,
      %broadcast_in_dim3A_68 = arith.constant 0.000000e+00 : f32
      %broadcast_in_dim3A_69 = vector.broadcast %broadcast_in_dim3A_68 : f32 to vector<16xf32>
      %swap3A_70 = arith.index_cast %scan3A_34 : i32 to index
      %swap3A_71 = arith.constant 80 : index
      %swap3A_72 = tpu.vector_load %arg8[%swap3A_70, %swap3A_71] {strides = array<i32>} : memref<128x128xf32, #tpu.memory_space<vmem>>, vector<1x16xf32>,
      %swap3A_73 = vector.shape_cast %swap3A_72 : vector<1x16xf32> to vector<16xf32>
      %swap3A_74 = vector.shape_cast %broadcast_in_dim3A_69 : vector<16xf32> to vector<1x16xf32>
      tpu.vector_store %arg8[%swap3A_70, %swap3A_71], %swap3A_74 {strides = array<i32>} : memref<128x128xf32, #tpu.memory_space<vmem>>, vector<1x16xf32>,
      %broadcast_in_dim3A_75 = arith.constant 0.000000e+00 : f32
      %broadcast_in_dim3A_76 = vector.broadcast %broadcast_in_dim3A_75 : f32 to vector<16xf32>
      %swap3A_77 = arith.index_cast %scan3A_34 : i32 to index
      %swap3A_78 = arith.constant 96 : index
      %swap3A_79 = tpu.vector_load %arg8[%swap3A_77, %swap3A_78] {strides = array<i32>} : memref<128x128xf32, #tpu.memory_space<vmem>>, vector<1x16xf32>,
      %swap3A_80 = vector.shape_cast %swap3A_79 : vector<1x16xf32> to vector<16xf32>
      %swap3A_81 = vector.shape_cast %broadcast_in_dim3A_76 : vector<16xf32> to vector<1x16xf32>
      tpu.vector_store %arg8[%swap3A_77, %swap3A_78], %swap3A_81 {strides = array<i32>} : memref<128x128xf32, #tpu.memory_space<vmem>>, vector<1x16xf32>,
      %broadcast_in_dim3A_82 = arith.constant 0.000000e+00 : f32
      %broadcast_in_dim3A_83 = vector.broadcast %broadcast_in_dim3A_82 : f32 to vector<16xf32>
      %swap3A_84 = arith.index_cast %scan3A_34 : i32 to index
      %swap3A_85 = arith.constant 112 : index
      %swap3A_86 = tpu.vector_load %arg8[%swap3A_84, %swap3A_85] {strides = array<i32>} : memref<128x128xf32, #tpu.memory_space<vmem>>, vector<1x16xf32>,
      %swap3A_87 = vector.shape_cast %swap3A_86 : vector<1x16xf32> to vector<16xf32>
      %swap3A_88 = vector.shape_cast %broadcast_in_dim3A_83 : vector<16xf32> to vector<1x16xf32>
      tpu.vector_store %arg8[%swap3A_84, %swap3A_85], %swap3A_88 {strides = array<i32>} : memref<128x128xf32, #tpu.memory_space<vmem>>, vector<1x16xf32>,
    }
    %scan3A_4 = arith.constant 128 : i32
    %mul3A = arith.constant 640 : i32
    %mul3A_5 = arith.muli %arg1, %mul3A : i32
    %add3A = arith.constant 0 : i32
    %add3A_6 = arith.addi %mul3A_5, %add3A : i32
    "tpu.region"() ({
      %run_scoped3A = tpu.sem_alloc : memref<!tpu.dma_semaphore, #tpu.memory_space<semaphore_mem>>
      %dma_start3A = arith.constant 0 : i32
      %dma_start3A_34 = tpu.memref_slice %arg10[%add3A_6, %dma_start3A] : memref<10240x128xf32, #tpu.memory_space<vmem_shared>> -> memref<128x128xf32, #tpu.memory_space<vmem_shared>>
      %dma_start3A_35 = arith.constant 0 : i32
      %dma_start3A_36 = tpu.memref_slice %arg10[%add3A_6, %dma_start3A_35] : memref<10240x128xf32, #tpu.memory_space<vmem_shared>> -> memref<128x128xf32, #tpu.memory_space<vmem_shared>>
      tpu.enqueue_dma source(%arg8 : memref<128x128xf32, #tpu.memory_space<vmem>>) target(%dma_start3A_36 : memref<128x128xf32, #tpu.memory_space<vmem_shared>>) target_semaphore(%run_scoped3A : memref<!tpu.dma_semaphore, #tpu.memory_space<semaphore_mem>>)
      %dma_wait3A = arith.constant 0 : i32
      %dma_wait3A_37 = tpu.memref_slice %arg10[%add3A_6, %dma_wait3A] : memref<10240x128xf32, #tpu.memory_space<vmem_shared>> -> memref<128x128xf32, #tpu.memory_space<vmem_shared>>
      %dma_wait3A_38 = arith.constant 0 : i32
      %dma_wait3A_39 = tpu.memref_slice %arg10[%add3A_6, %dma_wait3A_38] : memref<10240x128xf32, #tpu.memory_space<vmem_shared>> -> memref<128x128xf32, #tpu.memory_space<vmem_shared>>
      tpu.wait_dma2 semaphore(%run_scoped3A : memref<!tpu.dma_semaphore, #tpu.memory_space<semaphore_mem>>) src(%arg8 : memref<128x128xf32, #tpu.memory_space<vmem>>) dst(%dma_wait3A_39 : memref<128x128xf32, #tpu.memory_space<vmem_shared>>)
      tpu.yield
    }) : () -> ()
    %mul3A_7 = arith.constant 640 : i32
    %mul3A_8 = arith.muli %arg1, %mul3A_7 : i32
    %add3A_9 = arith.constant 128 : i32
    %add3A_10 = arith.addi %mul3A_8, %add3A_9 : i32
    "tpu.region"() ({
      %run_scoped3A = tpu.sem_alloc : memref<!tpu.dma_semaphore, #tpu.memory_space<semaphore_mem>>
      %dma_start3A = arith.constant 0 : i32
      %dma_start3A_34 = tpu.memref_slice %arg10[%add3A_10, %dma_start3A] : memref<10240x128xf32, #tpu.memory_space<vmem_shared>> -> memref<128x128xf32, #tpu.memory_space<vmem_shared>>
      %dma_start3A_35 = arith.constant 0 : i32
      %dma_start3A_36 = tpu.memref_slice %arg10[%add3A_10, %dma_start3A_35] : memref<10240x128xf32, #tpu.memory_space<vmem_shared>> -> memref<128x128xf32, #tpu.memory_space<vmem_shared>>
      tpu.enqueue_dma source(%arg8 : memref<128x128xf32, #tpu.memory_space<vmem>>) target(%dma_start3A_36 : memref<128x128xf32, #tpu.memory_space<vmem_shared>>) target_semaphore(%run_scoped3A : memref<!tpu.dma_semaphore, #tpu.memory_space<semaphore_mem>>)
      %dma_wait3A = arith.constant 0 : i32
      %dma_wait3A_37 = tpu.memref_slice %arg10[%add3A_10, %dma_wait3A] : memref<10240x128xf32, #tpu.memory_space<vmem_shared>> -> memref<128x128xf32, #tpu.memory_space<vmem_shared>>
      %dma_wait3A_38 = arith.constant 0 : i32
      %dma_wait3A_39 = tpu.memref_slice %arg10[%add3A_10, %dma_wait3A_38] : memref<10240x128xf32, #tpu.memory_space<vmem_shared>> -> memref<128x128xf32, #tpu.memory_space<vmem_shared>>
      tpu.wait_dma2 semaphore(%run_scoped3A : memref<!tpu.dma_semaphore, #tpu.memory_space<semaphore_mem>>) src(%arg8 : memref<128x128xf32, #tpu.memory_space<vmem>>) dst(%dma_wait3A_39 : memref<128x128xf32, #tpu.memory_space<vmem_shared>>)
      tpu.yield
    }) : () -> ()
    %mul3A_11 = arith.constant 640 : i32
    %mul3A_12 = arith.muli %arg1, %mul3A_11 : i32
    %add3A_13 = arith.constant 256 : i32
    %add3A_14 = arith.addi %mul3A_12, %add3A_13 : i32
    "tpu.region"() ({
      %run_scoped3A = tpu.sem_alloc : memref<!tpu.dma_semaphore, #tpu.memory_space<semaphore_mem>>
      %dma_start3A = arith.constant 0 : i32
      %dma_start3A_34 = tpu.memref_slice %arg10[%add3A_14, %dma_start3A] : memref<10240x128xf32, #tpu.memory_space<vmem_shared>> -> memref<128x128xf32, #tpu.memory_space<vmem_shared>>
      %dma_start3A_35 = arith.constant 0 : i32
      %dma_start3A_36 = tpu.memref_slice %arg10[%add3A_14, %dma_start3A_35] : memref<10240x128xf32, #tpu.memory_space<vmem_shared>> -> memref<128x128xf32, #tpu.memory_space<vmem_shared>>
      tpu.enqueue_dma source(%arg8 : memref<128x128xf32, #tpu.memory_space<vmem>>) target(%dma_start3A_36 : memref<128x128xf32, #tpu.memory_space<vmem_shared>>) target_semaphore(%run_scoped3A : memref<!tpu.dma_semaphore, #tpu.memory_space<semaphore_mem>>)
      %dma_wait3A = arith.constant 0 : i32
      %dma_wait3A_37 = tpu.memref_slice %arg10[%add3A_14, %dma_wait3A] : memref<10240x128xf32, #tpu.memory_space<vmem_shared>> -> memref<128x128xf32, #tpu.memory_space<vmem_shared>>
      %dma_wait3A_38 = arith.constant 0 : i32
      %dma_wait3A_39 = tpu.memref_slice %arg10[%add3A_14, %dma_wait3A_38] : memref<10240x128xf32, #tpu.memory_space<vmem_shared>> -> memref<128x128xf32, #tpu.memory_space<vmem_shared>>
      tpu.wait_dma2 semaphore(%run_scoped3A : memref<!tpu.dma_semaphore, #tpu.memory_space<semaphore_mem>>) src(%arg8 : memref<128x128xf32, #tpu.memory_space<vmem>>) dst(%dma_wait3A_39 : memref<128x128xf32, #tpu.memory_space<vmem_shared>>)
      tpu.yield
    }) : () -> ()
    %mul3A_15 = arith.constant 640 : i32
    %mul3A_16 = arith.muli %arg1, %mul3A_15 : i32
    %add3A_17 = arith.constant 384 : i32
    %add3A_18 = arith.addi %mul3A_16, %add3A_17 : i32
    "tpu.region"() ({
      %run_scoped3A = tpu.sem_alloc : memref<!tpu.dma_semaphore, #tpu.memory_space<semaphore_mem>>
      %dma_start3A = arith.constant 0 : i32
      %dma_start3A_34 = tpu.memref_slice %arg10[%add3A_18, %dma_start3A] : memref<10240x128xf32, #tpu.memory_space<vmem_shared>> -> memref<128x128xf32, #tpu.memory_space<vmem_shared>>
      %dma_start3A_35 = arith.constant 0 : i32
      %dma_start3A_36 = tpu.memref_slice %arg10[%add3A_18, %dma_start3A_35] : memref<10240x128xf32, #tpu.memory_space<vmem_shared>> -> memref<128x128xf32, #tpu.memory_space<vmem_shared>>
      tpu.enqueue_dma source(%arg8 : memref<128x128xf32, #tpu.memory_space<vmem>>) target(%dma_start3A_36 : memref<128x128xf32, #tpu.memory_space<vmem_shared>>) target_semaphore(%run_scoped3A : memref<!tpu.dma_semaphore, #tpu.memory_space<semaphore_mem>>)
      %dma_wait3A = arith.constant 0 : i32
      %dma_wait3A_37 = tpu.memref_slice %arg10[%add3A_18, %dma_wait3A] : memref<10240x128xf32, #tpu.memory_space<vmem_shared>> -> memref<128x128xf32, #tpu.memory_space<vmem_shared>>
      %dma_wait3A_38 = arith.constant 0 : i32
      %dma_wait3A_39 = tpu.memref_slice %arg10[%add3A_18, %dma_wait3A_38] : memref<10240x128xf32, #tpu.memory_space<vmem_shared>> -> memref<128x128xf32, #tpu.memory_space<vmem_shared>>
      tpu.wait_dma2 semaphore(%run_scoped3A : memref<!tpu.dma_semaphore, #tpu.memory_space<semaphore_mem>>) src(%arg8 : memref<128x128xf32, #tpu.memory_space<vmem>>) dst(%dma_wait3A_39 : memref<128x128xf32, #tpu.memory_space<vmem_shared>>)
      tpu.yield
    }) : () -> ()
    %mul3A_19 = arith.constant 640 : i32
    %mul3A_20 = arith.muli %arg1, %mul3A_19 : i32
    %add3A_21 = arith.constant 512 : i32
    %add3A_22 = arith.addi %mul3A_20, %add3A_21 : i32
    "tpu.region"() ({
      %run_scoped3A = tpu.sem_alloc : memref<!tpu.dma_semaphore, #tpu.memory_space<semaphore_mem>>
      %dma_start3A = arith.constant 0 : i32
      %dma_start3A_34 = tpu.memref_slice %arg10[%add3A_22, %dma_start3A] : memref<10240x128xf32, #tpu.memory_space<vmem_shared>> -> memref<128x128xf32, #tpu.memory_space<vmem_shared>>
      %dma_start3A_35 = arith.constant 0 : i32
      %dma_start3A_36 = tpu.memref_slice %arg10[%add3A_22, %dma_start3A_35] : memref<10240x128xf32, #tpu.memory_space<vmem_shared>> -> memref<128x128xf32, #tpu.memory_space<vmem_shared>>
      tpu.enqueue_dma source(%arg8 : memref<128x128xf32, #tpu.memory_space<vmem>>) target(%dma_start3A_36 : memref<128x128xf32, #tpu.memory_space<vmem_shared>>) target_semaphore(%run_scoped3A : memref<!tpu.dma_semaphore, #tpu.memory_space<semaphore_mem>>)
      %dma_wait3A = arith.constant 0 : i32
      %dma_wait3A_37 = tpu.memref_slice %arg10[%add3A_22, %dma_wait3A] : memref<10240x128xf32, #tpu.memory_space<vmem_shared>> -> memref<128x128xf32, #tpu.memory_space<vmem_shared>>
      %dma_wait3A_38 = arith.constant 0 : i32
      %dma_wait3A_39 = tpu.memref_slice %arg10[%add3A_22, %dma_wait3A_38] : memref<10240x128xf32, #tpu.memory_space<vmem_shared>> -> memref<128x128xf32, #tpu.memory_space<vmem_shared>>
      tpu.wait_dma2 semaphore(%run_scoped3A : memref<!tpu.dma_semaphore, #tpu.memory_space<semaphore_mem>>) src(%arg8 : memref<128x128xf32, #tpu.memory_space<vmem>>) dst(%dma_wait3A_39 : memref<128x128xf32, #tpu.memory_space<vmem_shared>>)
      tpu.yield
    }) : () -> ()
    %barrier3A = arith.constant 0 : index
    tpu.barrier barrier_id(%barrier3A)
    %eq3A = arith.constant 0 : i32
    %eq3A_23 = arith.cmpi eq, %arg0, %eq3A : i32
    %convert_element_type3A = arith.extui %eq3A_23 : i1 to i32
    %cond3A = arith.constant 0 : i32
    %cond3A_24 = arith.cmpi ne, %convert_element_type3A, %cond3A : i32
    scf.if %cond3A_24 {
      %mul3A_34 = arith.constant 160 : i32
      %mul3A_35 = arith.muli %arg1, %mul3A_34 : i32
      %add3A_36 = arith.constant 120 : i32
      %add3A_37 = arith.addi %mul3A_35, %add3A_36 : i32
      %add3A_38 = arith.constant 0 : i32
      %add3A_39 = arith.addi %add3A_37, %add3A_38 : i32
      %multiple_of3A = tpu.assume_multiple %add3A_39, 8 : i32
      "tpu.region"() ({
        %run_scoped3A = tpu.sem_alloc : memref<!tpu.dma_semaphore, #tpu.memory_space<semaphore_mem>>
        %dma_start3A = arith.constant 0 : i32
        %dma_start3A_46 = tpu.memref_slice %arg3[%multiple_of3A, %dma_start3A] : memref<2592x128xi32, #tpu.memory_space<hbm>> -> memref<40x128xi32, #tpu.memory_space<hbm>>
        %dma_start3A_47 = arith.constant 0 : i32
        %dma_start3A_48 = tpu.memref_slice %arg3[%multiple_of3A, %dma_start3A_47] : memref<2592x128xi32, #tpu.memory_space<hbm>> -> memref<40x128xi32, #tpu.memory_space<hbm>>
        tpu.enqueue_dma source(%dma_start3A_48 : memref<40x128xi32, #tpu.memory_space<hbm>>) target(%arg6 : memref<40x128xi32, #tpu.memory_space<vmem>>) target_semaphore(%run_scoped3A : memref<!tpu.dma_semaphore, #tpu.memory_space<semaphore_mem>>)
        %dma_wait3A = arith.constant 0 : i32
        %dma_wait3A_49 = tpu.memref_slice %arg3[%multiple_of3A, %dma_wait3A] : memref<2592x128xi32, #tpu.memory_space<hbm>> -> memref<40x128xi32, #tpu.memory_space<hbm>>
        %dma_wait3A_50 = arith.constant 0 : i32
        %dma_wait3A_51 = tpu.memref_slice %arg3[%multiple_of3A, %dma_wait3A_50] : memref<2592x128xi32, #tpu.memory_space<hbm>> -> memref<40x128xi32, #tpu.memory_space<hbm>>
        tpu.wait_dma2 semaphore(%run_scoped3A : memref<!tpu.dma_semaphore, #tpu.memory_space<semaphore_mem>>) src(%dma_wait3A_51 : memref<40x128xi32, #tpu.memory_space<hbm>>) dst(%arg6 : memref<40x128xi32, #tpu.memory_space<vmem>>)
        tpu.yield
      }) : () -> ()
      "tpu.region"() ({
        %run_scoped3A = tpu.sem_alloc : memref<!tpu.dma_semaphore, #tpu.memory_space<semaphore_mem>>
        %dma_start3A = arith.constant 0 : i32
        %dma_start3A_46 = tpu.memref_slice %arg4[%multiple_of3A, %dma_start3A] : memref<2592x128xi32, #tpu.memory_space<hbm>> -> memref<40x128xi32, #tpu.memory_space<hbm>>
        %dma_start3A_47 = arith.constant 0 : i32
        %dma_start3A_48 = tpu.memref_slice %arg4[%multiple_of3A, %dma_start3A_47] : memref<2592x128xi32, #tpu.memory_space<hbm>> -> memref<40x128xi32, #tpu.memory_space<hbm>>
        tpu.enqueue_dma source(%dma_start3A_48 : memref<40x128xi32, #tpu.memory_space<hbm>>) target(%arg7 : memref<40x128xi32, #tpu.memory_space<vmem>>) target_semaphore(%run_scoped3A : memref<!tpu.dma_semaphore, #tpu.memory_space<semaphore_mem>>)
        %dma_wait3A = arith.constant 0 : i32
        %dma_wait3A_49 = tpu.memref_slice %arg4[%multiple_of3A, %dma_wait3A] : memref<2592x128xi32, #tpu.memory_space<hbm>> -> memref<40x128xi32, #tpu.memory_space<hbm>>
        %dma_wait3A_50 = arith.constant 0 : i32
        %dma_wait3A_51 = tpu.memref_slice %arg4[%multiple_of3A, %dma_wait3A_50] : memref<2592x128xi32, #tpu.memory_space<hbm>> -> memref<40x128xi32, #tpu.memory_space<hbm>>
        tpu.wait_dma2 semaphore(%run_scoped3A : memref<!tpu.dma_semaphore, #tpu.memory_space<semaphore_mem>>) src(%dma_wait3A_51 : memref<40x128xi32, #tpu.memory_space<hbm>>) dst(%arg7 : memref<40x128xi32, #tpu.memory_space<vmem>>)
        tpu.yield
      }) : () -> ()
      %scan3A_40 = arith.constant 0 : i32
      %scan3A_41 = arith.constant 0 : i32
      %scan3A_42 = arith.constant 20 : i32
      %scan3A_43 = arith.addi %scan3A_41, %scan3A_42 : i32
      %scan3A_44 = arith.constant 1 : i32
      scf.for %scan3A_46 = %scan3A_41 to %scan3A_43 step %scan3A_44  : i32 {
        %mul3A_47 = arith.constant 2 : i32
        %mul3A_48 = arith.muli %scan3A_46, %mul3A_47 : i32
        %add3A_49 = arith.constant 0 : i32
        %add3A_50 = arith.addi %mul3A_48, %add3A_49 : i32
        %dma_start3A = arith.constant 0 : i32
        %dma_start3A_51 = tpu.memref_slice %arg6[%add3A_50, %dma_start3A] : memref<40x128xi32, #tpu.memory_space<vmem>> -> memref<1x128xi32, #tpu.memory_space<vmem>>
        %dma_start3A_52 = tpu.memref_squeeze %dma_start3A_51 : memref<1x128xi32, #tpu.memory_space<vmem>> -> memref<128xi32, #tpu.memory_space<vmem>>
        %dma_start3A_53 = arith.constant 0 : i32
        %dma_start3A_54 = arith.constant 0 : i32
        %dma_start3A_55 = tpu.memref_slice %arg2[%dma_start3A_53, %dma_start3A_54] : memref<10000x128xf32, #tpu.memory_space<hbm>> -> memref<10000x128xf32, #tpu.memory_space<hbm>>
        tpu.enqueue_indirect_dma source(%dma_start3A_55 : memref<10000x128xf32, #tpu.memory_space<hbm>>) target(%arg8 : memref<128x128xf32, #tpu.memory_space<vmem>>) offsets(%dma_start3A_52 : memref<128xi32, #tpu.memory_space<vmem>>) semaphore(%arg11 : memref<!tpu.dma_semaphore, #tpu.memory_space<semaphore_mem>>)
        %add3A_56 = arith.constant 1 : i32
        %add3A_57 = arith.addi %mul3A_48, %add3A_56 : i32
        %dma_start3A_58 = arith.constant 0 : i32
        %dma_start3A_59 = tpu.memref_slice %arg6[%add3A_57, %dma_start3A_58] : memref<40x128xi32, #tpu.memory_space<vmem>> -> memref<1x128xi32, #tpu.memory_space<vmem>>
        %dma_start3A_60 = tpu.memref_squeeze %dma_start3A_59 : memref<1x128xi32, #tpu.memory_space<vmem>> -> memref<128xi32, #tpu.memory_space<vmem>>
        %dma_start3A_61 = arith.constant 0 : i32
        %dma_start3A_62 = arith.constant 0 : i32
        %dma_start3A_63 = tpu.memref_slice %arg2[%dma_start3A_61, %dma_start3A_62] : memref<10000x128xf32, #tpu.memory_space<hbm>> -> memref<10000x128xf32, #tpu.memory_space<hbm>>
        tpu.enqueue_indirect_dma source(%dma_start3A_63 : memref<10000x128xf32, #tpu.memory_space<hbm>>) target(%arg9 : memref<128x128xf32, #tpu.memory_space<vmem>>) offsets(%dma_start3A_60 : memref<128xi32, #tpu.memory_space<vmem>>) semaphore(%arg12 : memref<!tpu.dma_semaphore, #tpu.memory_space<semaphore_mem>>)
        %add3A_64 = arith.constant 0 : i32
        %add3A_65 = arith.addi %mul3A_48, %add3A_64 : i32
        %dma_wait3A = arith.constant 0 : i32
        %dma_wait3A_66 = tpu.memref_slice %arg6[%add3A_65, %dma_wait3A] : memref<40x128xi32, #tpu.memory_space<vmem>> -> memref<1x128xi32, #tpu.memory_space<vmem>>
        %dma_wait3A_67 = tpu.memref_squeeze %dma_wait3A_66 : memref<1x128xi32, #tpu.memory_space<vmem>> -> memref<128xi32, #tpu.memory_space<vmem>>
        %dma_wait3A_68 = arith.constant 0 : i32
        %dma_wait3A_69 = arith.constant 0 : i32
        %dma_wait3A_70 = tpu.memref_slice %arg2[%dma_wait3A_68, %dma_wait3A_69] : memref<10000x128xf32, #tpu.memory_space<hbm>> -> memref<10000x128xf32, #tpu.memory_space<hbm>>
        tpu.wait_indirect_dma semaphore(%arg11 : memref<!tpu.dma_semaphore, #tpu.memory_space<semaphore_mem>>) src(%dma_wait3A_70 : memref<10000x128xf32, #tpu.memory_space<hbm>>) dst(%arg8 : memref<128x128xf32, #tpu.memory_space<vmem>>)
        %add3A_71 = arith.constant 0 : i32
        %add3A_72 = arith.addi %mul3A_48, %add3A_71 : i32
        "tpu.region"() ({
          %run_scoped3A = tpu.sem_alloc : memref<!tpu.dma_semaphore, #tpu.memory_space<semaphore_mem>>
          %dma_start3A_83 = arith.constant 0 : i32
          %dma_start3A_84 = tpu.memref_slice %arg7[%add3A_72, %dma_start3A_83] : memref<40x128xi32, #tpu.memory_space<vmem>> -> memref<1x128xi32, #tpu.memory_space<vmem>>
          %dma_start3A_85 = tpu.memref_squeeze %dma_start3A_84 : memref<1x128xi32, #tpu.memory_space<vmem>> -> memref<128xi32, #tpu.memory_space<vmem>>
          %dma_start3A_86 = arith.constant 0 : i32
          %dma_start3A_87 = arith.constant 0 : i32
          %dma_start3A_88 = tpu.memref_slice %arg10[%dma_start3A_86, %dma_start3A_87] : memref<10240x128xf32, #tpu.memory_space<vmem_shared>> -> memref<10240x128xf32, #tpu.memory_space<vmem_shared>>
          tpu.enqueue_indirect_dma source(%arg8 : memref<128x128xf32, #tpu.memory_space<vmem>>) target(%dma_start3A_88 : memref<10240x128xf32, #tpu.memory_space<vmem_shared>>) offsets(%dma_start3A_85 : memref<128xi32, #tpu.memory_space<vmem>>) semaphore(%run_scoped3A : memref<!tpu.dma_semaphore, #tpu.memory_space<semaphore_mem>>) {add = true}
          %dma_wait3A_89 = arith.constant 0 : i32
          %dma_wait3A_90 = tpu.memref_slice %arg7[%add3A_72, %dma_wait3A_89] : memref<40x128xi32, #tpu.memory_space<vmem>> -> memref<1x128xi32, #tpu.memory_space<vmem>>
          %dma_wait3A_91 = tpu.memref_squeeze %dma_wait3A_90 : memref<1x128xi32, #tpu.memory_space<vmem>> -> memref<128xi32, #tpu.memory_space<vmem>>
          %dma_wait3A_92 = arith.constant 0 : i32
          %dma_wait3A_93 = arith.constant 0 : i32
          %dma_wait3A_94 = tpu.memref_slice %arg10[%dma_wait3A_92, %dma_wait3A_93] : memref<10240x128xf32, #tpu.memory_space<vmem_shared>> -> memref<10240x128xf32, #tpu.memory_space<vmem_shared>>
          tpu.wait_indirect_dma semaphore(%run_scoped3A : memref<!tpu.dma_semaphore, #tpu.memory_space<semaphore_mem>>) src(%arg8 : memref<128x128xf32, #tpu.memory_space<vmem>>) dst(%dma_wait3A_94 : memref<10240x128xf32, #tpu.memory_space<vmem_shared>>)
          tpu.yield
        }) : () -> ()
        %add3A_73 = arith.constant 1 : i32
        %add3A_74 = arith.addi %mul3A_48, %add3A_73 : i32
        %dma_wait3A_75 = arith.constant 0 : i32
        %dma_wait3A_76 = tpu.memref_slice %arg6[%add3A_74, %dma_wait3A_75] : memref<40x128xi32, #tpu.memory_space<vmem>> -> memref<1x128xi32, #tpu.memory_space<vmem>>
        %dma_wait3A_77 = tpu.memref_squeeze %dma_wait3A_76 : memref<1x128xi32, #tpu.memory_space<vmem>> -> memref<128xi32, #tpu.memory_space<vmem>>
        %dma_wait3A_78 = arith.constant 0 : i32
        %dma_wait3A_79 = arith.constant 0 : i32
        %dma_wait3A_80 = tpu.memref_slice %arg2[%dma_wait3A_78, %dma_wait3A_79] : memref<10000x128xf32, #tpu.memory_space<hbm>> -> memref<10000x128xf32, #tpu.memory_space<hbm>>
        tpu.wait_indirect_dma semaphore(%arg12 : memref<!tpu.dma_semaphore, #tpu.memory_space<semaphore_mem>>) src(%dma_wait3A_80 : memref<10000x128xf32, #tpu.memory_space<hbm>>) dst(%arg9 : memref<128x128xf32, #tpu.memory_space<vmem>>)
        %add3A_81 = arith.constant 1 : i32
        %add3A_82 = arith.addi %mul3A_48, %add3A_81 : i32
        "tpu.region"() ({
          %run_scoped3A = tpu.sem_alloc : memref<!tpu.dma_semaphore, #tpu.memory_space<semaphore_mem>>
          %dma_start3A_83 = arith.constant 0 : i32
          %dma_start3A_84 = tpu.memref_slice %arg7[%add3A_82, %dma_start3A_83] : memref<40x128xi32, #tpu.memory_space<vmem>> -> memref<1x128xi32, #tpu.memory_space<vmem>>
          %dma_start3A_85 = tpu.memref_squeeze %dma_start3A_84 : memref<1x128xi32, #tpu.memory_space<vmem>> -> memref<128xi32, #tpu.memory_space<vmem>>
          %dma_start3A_86 = arith.constant 0 : i32
          %dma_start3A_87 = arith.constant 0 : i32
          %dma_start3A_88 = tpu.memref_slice %arg10[%dma_start3A_86, %dma_start3A_87] : memref<10240x128xf32, #tpu.memory_space<vmem_shared>> -> memref<10240x128xf32, #tpu.memory_space<vmem_shared>>
          tpu.enqueue_indirect_dma source(%arg9 : memref<128x128xf32, #tpu.memory_space<vmem>>) target(%dma_start3A_88 : memref<10240x128xf32, #tpu.memory_space<vmem_shared>>) offsets(%dma_start3A_85 : memref<128xi32, #tpu.memory_space<vmem>>) semaphore(%run_scoped3A : memref<!tpu.dma_semaphore, #tpu.memory_space<semaphore_mem>>) {add = true}
          %dma_wait3A_89 = arith.constant 0 : i32
          %dma_wait3A_90 = tpu.memref_slice %arg7[%add3A_82, %dma_wait3A_89] : memref<40x128xi32, #tpu.memory_space<vmem>> -> memref<1x128xi32, #tpu.memory_space<vmem>>
          %dma_wait3A_91 = tpu.memref_squeeze %dma_wait3A_90 : memref<1x128xi32, #tpu.memory_space<vmem>> -> memref<128xi32, #tpu.memory_space<vmem>>
          %dma_wait3A_92 = arith.constant 0 : i32
          %dma_wait3A_93 = arith.constant 0 : i32
          %dma_wait3A_94 = tpu.memref_slice %arg10[%dma_wait3A_92, %dma_wait3A_93] : memref<10240x128xf32, #tpu.memory_space<vmem_shared>> -> memref<10240x128xf32, #tpu.memory_space<vmem_shared>>
          tpu.wait_indirect_dma semaphore(%run_scoped3A : memref<!tpu.dma_semaphore, #tpu.memory_space<semaphore_mem>>) src(%arg9 : memref<128x128xf32, #tpu.memory_space<vmem>>) dst(%dma_wait3A_94 : memref<10240x128xf32, #tpu.memory_space<vmem_shared>>)
          tpu.yield
        }) : () -> ()
      }
      %scan3A_45 = arith.constant 20 : i32
    } else {
    }
    %ne3A = arith.constant 0 : i32
    %ne3A_25 = arith.cmpi ne, %arg0, %ne3A : i32
    %convert_element_type3A_26 = arith.extui %ne3A_25 : i1 to i32
    %cond3A_27 = arith.constant 0 : i32
    %cond3A_28 = arith.cmpi ne, %convert_element_type3A_26, %cond3A_27 : i32
    scf.if %cond3A_28 {
      %mul3A_34 = arith.constant 160 : i32
      %mul3A_35 = arith.muli %arg1, %mul3A_34 : i32
      %add3A_36 = arith.constant 0 : i32
      %add3A_37 = arith.addi %mul3A_35, %add3A_36 : i32
      %multiple_of3A = tpu.assume_multiple %add3A_37, 8 : i32
      "tpu.region"() ({
        %run_scoped3A = tpu.sem_alloc : memref<!tpu.dma_semaphore, #tpu.memory_space<semaphore_mem>>
        %dma_start3A = arith.constant 0 : i32
        %dma_start3A_62 = tpu.memref_slice %arg3[%multiple_of3A, %dma_start3A] : memref<2592x128xi32, #tpu.memory_space<hbm>> -> memref<40x128xi32, #tpu.memory_space<hbm>>
        %dma_start3A_63 = arith.constant 0 : i32
        %dma_start3A_64 = tpu.memref_slice %arg3[%multiple_of3A, %dma_start3A_63] : memref<2592x128xi32, #tpu.memory_space<hbm>> -> memref<40x128xi32, #tpu.memory_space<hbm>>
        tpu.enqueue_dma source(%dma_start3A_64 : memref<40x128xi32, #tpu.memory_space<hbm>>) target(%arg6 : memref<40x128xi32, #tpu.memory_space<vmem>>) target_semaphore(%run_scoped3A : memref<!tpu.dma_semaphore, #tpu.memory_space<semaphore_mem>>)
        %dma_wait3A = arith.constant 0 : i32
        %dma_wait3A_65 = tpu.memref_slice %arg3[%multiple_of3A, %dma_wait3A] : memref<2592x128xi32, #tpu.memory_space<hbm>> -> memref<40x128xi32, #tpu.memory_space<hbm>>
        %dma_wait3A_66 = arith.constant 0 : i32
        %dma_wait3A_67 = tpu.memref_slice %arg3[%multiple_of3A, %dma_wait3A_66] : memref<2592x128xi32, #tpu.memory_space<hbm>> -> memref<40x128xi32, #tpu.memory_space<hbm>>
        tpu.wait_dma2 semaphore(%run_scoped3A : memref<!tpu.dma_semaphore, #tpu.memory_space<semaphore_mem>>) src(%dma_wait3A_67 : memref<40x128xi32, #tpu.memory_space<hbm>>) dst(%arg6 : memref<40x128xi32, #tpu.memory_space<vmem>>)
        tpu.yield
      }) : () -> ()
      "tpu.region"() ({
        %run_scoped3A = tpu.sem_alloc : memref<!tpu.dma_semaphore, #tpu.memory_space<semaphore_mem>>
        %dma_start3A = arith.constant 0 : i32
        %dma_start3A_62 = tpu.memref_slice %arg4[%multiple_of3A, %dma_start3A] : memref<2592x128xi32, #tpu.memory_space<hbm>> -> memref<40x128xi32, #tpu.memory_space<hbm>>
        %dma_start3A_63 = arith.constant 0 : i32
        %dma_start3A_64 = tpu.memref_slice %arg4[%multiple_of3A, %dma_start3A_63] : memref<2592x128xi32, #tpu.memory_space<hbm>> -> memref<40x128xi32, #tpu.memory_space<hbm>>
        tpu.enqueue_dma source(%dma_start3A_64 : memref<40x128xi32, #tpu.memory_space<hbm>>) target(%arg7 : memref<40x128xi32, #tpu.memory_space<vmem>>) target_semaphore(%run_scoped3A : memref<!tpu.dma_semaphore, #tpu.memory_space<semaphore_mem>>)
        %dma_wait3A = arith.constant 0 : i32
        %dma_wait3A_65 = tpu.memref_slice %arg4[%multiple_of3A, %dma_wait3A] : memref<2592x128xi32, #tpu.memory_space<hbm>> -> memref<40x128xi32, #tpu.memory_space<hbm>>
        %dma_wait3A_66 = arith.constant 0 : i32
        %dma_wait3A_67 = tpu.memref_slice %arg4[%multiple_of3A, %dma_wait3A_66] : memref<2592x128xi32, #tpu.memory_space<hbm>> -> memref<40x128xi32, #tpu.memory_space<hbm>>
        tpu.wait_dma2 semaphore(%run_scoped3A : memref<!tpu.dma_semaphore, #tpu.memory_space<semaphore_mem>>) src(%dma_wait3A_67 : memref<40x128xi32, #tpu.memory_space<hbm>>) dst(%arg7 : memref<40x128xi32, #tpu.memory_space<vmem>>)
        tpu.yield
      }) : () -> ()
      %scan3A_38 = arith.constant 0 : i32
      %scan3A_39 = arith.constant 0 : i32
      %scan3A_40 = arith.constant 20 : i32
      %scan3A_41 = arith.addi %scan3A_39, %scan3A_40 : i32
      %scan3A_42 = arith.constant 1 : i32
      scf.for %scan3A_62 = %scan3A_39 to %scan3A_41 step %scan3A_42  : i32 {
        %mul3A_63 = arith.constant 2 : i32
        %mul3A_64 = arith.muli %scan3A_62, %mul3A_63 : i32
        %add3A_65 = arith.constant 0 : i32
        %add3A_66 = arith.addi %mul3A_64, %add3A_65 : i32
        %dma_start3A = arith.constant 0 : i32
        %dma_start3A_67 = tpu.memref_slice %arg6[%add3A_66, %dma_start3A] : memref<40x128xi32, #tpu.memory_space<vmem>> -> memref<1x128xi32, #tpu.memory_space<vmem>>
        %dma_start3A_68 = tpu.memref_squeeze %dma_start3A_67 : memref<1x128xi32, #tpu.memory_space<vmem>> -> memref<128xi32, #tpu.memory_space<vmem>>
        %dma_start3A_69 = arith.constant 0 : i32
        %dma_start3A_70 = arith.constant 0 : i32
        %dma_start3A_71 = tpu.memref_slice %arg2[%dma_start3A_69, %dma_start3A_70] : memref<10000x128xf32, #tpu.memory_space<hbm>> -> memref<10000x128xf32, #tpu.memory_space<hbm>>
        tpu.enqueue_indirect_dma source(%dma_start3A_71 : memref<10000x128xf32, #tpu.memory_space<hbm>>) target(%arg8 : memref<128x128xf32, #tpu.memory_space<vmem>>) offsets(%dma_start3A_68 : memref<128xi32, #tpu.memory_space<vmem>>) semaphore(%arg11 : memref<!tpu.dma_semaphore, #tpu.memory_space<semaphore_mem>>)
        %add3A_72 = arith.constant 1 : i32
        %add3A_73 = arith.addi %mul3A_64, %add3A_72 : i32
        %dma_start3A_74 = arith.constant 0 : i32
        %dma_start3A_75 = tpu.memref_slice %arg6[%add3A_73, %dma_start3A_74] : memref<40x128xi32, #tpu.memory_space<vmem>> -> memref<1x128xi32, #tpu.memory_space<vmem>>
        %dma_start3A_76 = tpu.memref_squeeze %dma_start3A_75 : memref<1x128xi32, #tpu.memory_space<vmem>> -> memref<128xi32, #tpu.memory_space<vmem>>
        %dma_start3A_77 = arith.constant 0 : i32
        %dma_start3A_78 = arith.constant 0 : i32
        %dma_start3A_79 = tpu.memref_slice %arg2[%dma_start3A_77, %dma_start3A_78] : memref<10000x128xf32, #tpu.memory_space<hbm>> -> memref<10000x128xf32, #tpu.memory_space<hbm>>
        tpu.enqueue_indirect_dma source(%dma_start3A_79 : memref<10000x128xf32, #tpu.memory_space<hbm>>) target(%arg9 : memref<128x128xf32, #tpu.memory_space<vmem>>) offsets(%dma_start3A_76 : memref<128xi32, #tpu.memory_space<vmem>>) semaphore(%arg12 : memref<!tpu.dma_semaphore, #tpu.memory_space<semaphore_mem>>)
        %add3A_80 = arith.constant 0 : i32
        %add3A_81 = arith.addi %mul3A_64, %add3A_80 : i32
        %dma_wait3A = arith.constant 0 : i32
        %dma_wait3A_82 = tpu.memref_slice %arg6[%add3A_81, %dma_wait3A] : memref<40x128xi32, #tpu.memory_space<vmem>> -> memref<1x128xi32, #tpu.memory_space<vmem>>
        %dma_wait3A_83 = tpu.memref_squeeze %dma_wait3A_82 : memref<1x128xi32, #tpu.memory_space<vmem>> -> memref<128xi32, #tpu.memory_space<vmem>>
        %dma_wait3A_84 = arith.constant 0 : i32
        %dma_wait3A_85 = arith.constant 0 : i32
        %dma_wait3A_86 = tpu.memref_slice %arg2[%dma_wait3A_84, %dma_wait3A_85] : memref<10000x128xf32, #tpu.memory_space<hbm>> -> memref<10000x128xf32, #tpu.memory_space<hbm>>
        tpu.wait_indirect_dma semaphore(%arg11 : memref<!tpu.dma_semaphore, #tpu.memory_space<semaphore_mem>>) src(%dma_wait3A_86 : memref<10000x128xf32, #tpu.memory_space<hbm>>) dst(%arg8 : memref<128x128xf32, #tpu.memory_space<vmem>>)
        %add3A_87 = arith.constant 0 : i32
        %add3A_88 = arith.addi %mul3A_64, %add3A_87 : i32
        "tpu.region"() ({
          %run_scoped3A = tpu.sem_alloc : memref<!tpu.dma_semaphore, #tpu.memory_space<semaphore_mem>>
          %dma_start3A_99 = arith.constant 0 : i32
          %dma_start3A_100 = tpu.memref_slice %arg7[%add3A_88, %dma_start3A_99] : memref<40x128xi32, #tpu.memory_space<vmem>> -> memref<1x128xi32, #tpu.memory_space<vmem>>
          %dma_start3A_101 = tpu.memref_squeeze %dma_start3A_100 : memref<1x128xi32, #tpu.memory_space<vmem>> -> memref<128xi32, #tpu.memory_space<vmem>>
          %dma_start3A_102 = arith.constant 0 : i32
          %dma_start3A_103 = arith.constant 0 : i32
          %dma_start3A_104 = tpu.memref_slice %arg10[%dma_start3A_102, %dma_start3A_103] : memref<10240x128xf32, #tpu.memory_space<vmem_shared>> -> memref<10240x128xf32, #tpu.memory_space<vmem_shared>>
          tpu.enqueue_indirect_dma source(%arg8 : memref<128x128xf32, #tpu.memory_space<vmem>>) target(%dma_start3A_104 : memref<10240x128xf32, #tpu.memory_space<vmem_shared>>) offsets(%dma_start3A_101 : memref<128xi32, #tpu.memory_space<vmem>>) semaphore(%run_scoped3A : memref<!tpu.dma_semaphore, #tpu.memory_space<semaphore_mem>>) {add = true}
          %dma_wait3A_105 = arith.constant 0 : i32
          %dma_wait3A_106 = tpu.memref_slice %arg7[%add3A_88, %dma_wait3A_105] : memref<40x128xi32, #tpu.memory_space<vmem>> -> memref<1x128xi32, #tpu.memory_space<vmem>>
          %dma_wait3A_107 = tpu.memref_squeeze %dma_wait3A_106 : memref<1x128xi32, #tpu.memory_space<vmem>> -> memref<128xi32, #tpu.memory_space<vmem>>
          %dma_wait3A_108 = arith.constant 0 : i32
          %dma_wait3A_109 = arith.constant 0 : i32
          %dma_wait3A_110 = tpu.memref_slice %arg10[%dma_wait3A_108, %dma_wait3A_109] : memref<10240x128xf32, #tpu.memory_space<vmem_shared>> -> memref<10240x128xf32, #tpu.memory_space<vmem_shared>>
          tpu.wait_indirect_dma semaphore(%run_scoped3A : memref<!tpu.dma_semaphore, #tpu.memory_space<semaphore_mem>>) src(%arg8 : memref<128x128xf32, #tpu.memory_space<vmem>>) dst(%dma_wait3A_110 : memref<10240x128xf32, #tpu.memory_space<vmem_shared>>)
          tpu.yield
        }) : () -> ()
        %add3A_89 = arith.constant 1 : i32
        %add3A_90 = arith.addi %mul3A_64, %add3A_89 : i32
        %dma_wait3A_91 = arith.constant 0 : i32
        %dma_wait3A_92 = tpu.memref_slice %arg6[%add3A_90, %dma_wait3A_91] : memref<40x128xi32, #tpu.memory_space<vmem>> -> memref<1x128xi32, #tpu.memory_space<vmem>>
        %dma_wait3A_93 = tpu.memref_squeeze %dma_wait3A_92 : memref<1x128xi32, #tpu.memory_space<vmem>> -> memref<128xi32, #tpu.memory_space<vmem>>
        %dma_wait3A_94 = arith.constant 0 : i32
        %dma_wait3A_95 = arith.constant 0 : i32
        %dma_wait3A_96 = tpu.memref_slice %arg2[%dma_wait3A_94, %dma_wait3A_95] : memref<10000x128xf32, #tpu.memory_space<hbm>> -> memref<10000x128xf32, #tpu.memory_space<hbm>>
        tpu.wait_indirect_dma semaphore(%arg12 : memref<!tpu.dma_semaphore, #tpu.memory_space<semaphore_mem>>) src(%dma_wait3A_96 : memref<10000x128xf32, #tpu.memory_space<hbm>>) dst(%arg9 : memref<128x128xf32, #tpu.memory_space<vmem>>)
        %add3A_97 = arith.constant 1 : i32
        %add3A_98 = arith.addi %mul3A_64, %add3A_97 : i32
        "tpu.region"() ({
          %run_scoped3A = tpu.sem_alloc : memref<!tpu.dma_semaphore, #tpu.memory_space<semaphore_mem>>
          %dma_start3A_99 = arith.constant 0 : i32
          %dma_start3A_100 = tpu.memref_slice %arg7[%add3A_98, %dma_start3A_99] : memref<40x128xi32, #tpu.memory_space<vmem>> -> memref<1x128xi32, #tpu.memory_space<vmem>>
          %dma_start3A_101 = tpu.memref_squeeze %dma_start3A_100 : memref<1x128xi32, #tpu.memory_space<vmem>> -> memref<128xi32, #tpu.memory_space<vmem>>
          %dma_start3A_102 = arith.constant 0 : i32
          %dma_start3A_103 = arith.constant 0 : i32
          %dma_start3A_104 = tpu.memref_slice %arg10[%dma_start3A_102, %dma_start3A_103] : memref<10240x128xf32, #tpu.memory_space<vmem_shared>> -> memref<10240x128xf32, #tpu.memory_space<vmem_shared>>
          tpu.enqueue_indirect_dma source(%arg9 : memref<128x128xf32, #tpu.memory_space<vmem>>) target(%dma_start3A_104 : memref<10240x128xf32, #tpu.memory_space<vmem_shared>>) offsets(%dma_start3A_101 : memref<128xi32, #tpu.memory_space<vmem>>) semaphore(%run_scoped3A : memref<!tpu.dma_semaphore, #tpu.memory_space<semaphore_mem>>) {add = true}
          %dma_wait3A_105 = arith.constant 0 : i32
          %dma_wait3A_106 = tpu.memref_slice %arg7[%add3A_98, %dma_wait3A_105] : memref<40x128xi32, #tpu.memory_space<vmem>> -> memref<1x128xi32, #tpu.memory_space<vmem>>
          %dma_wait3A_107 = tpu.memref_squeeze %dma_wait3A_106 : memref<1x128xi32, #tpu.memory_space<vmem>> -> memref<128xi32, #tpu.memory_space<vmem>>
          %dma_wait3A_108 = arith.constant 0 : i32
          %dma_wait3A_109 = arith.constant 0 : i32
          %dma_wait3A_110 = tpu.memref_slice %arg10[%dma_wait3A_108, %dma_wait3A_109] : memref<10240x128xf32, #tpu.memory_space<vmem_shared>> -> memref<10240x128xf32, #tpu.memory_space<vmem_shared>>
          tpu.wait_indirect_dma semaphore(%run_scoped3A : memref<!tpu.dma_semaphore, #tpu.memory_space<semaphore_mem>>) src(%arg9 : memref<128x128xf32, #tpu.memory_space<vmem>>) dst(%dma_wait3A_110 : memref<10240x128xf32, #tpu.memory_space<vmem_shared>>)
          tpu.yield
        }) : () -> ()
      }
      %scan3A_43 = arith.constant 20 : i32
      %add3A_44 = arith.constant 40 : i32
      %add3A_45 = arith.addi %mul3A_35, %add3A_44 : i32
      %multiple_of3A_46 = tpu.assume_multiple %add3A_45, 8 : i32
      "tpu.region"() ({
        %run_scoped3A = tpu.sem_alloc : memref<!tpu.dma_semaphore, #tpu.memory_space<semaphore_mem>>
        %dma_start3A = arith.constant 0 : i32
        %dma_start3A_62 = tpu.memref_slice %arg3[%multiple_of3A_46, %dma_start3A] : memref<2592x128xi32, #tpu.memory_space<hbm>> -> memref<40x128xi32, #tpu.memory_space<hbm>>
        %dma_start3A_63 = arith.constant 0 : i32
        %dma_start3A_64 = tpu.memref_slice %arg3[%multiple_of3A_46, %dma_start3A_63] : memref<2592x128xi32, #tpu.memory_space<hbm>> -> memref<40x128xi32, #tpu.memory_space<hbm>>
        tpu.enqueue_dma source(%dma_start3A_64 : memref<40x128xi32, #tpu.memory_space<hbm>>) target(%arg6 : memref<40x128xi32, #tpu.memory_space<vmem>>) target_semaphore(%run_scoped3A : memref<!tpu.dma_semaphore, #tpu.memory_space<semaphore_mem>>)
        %dma_wait3A = arith.constant 0 : i32
        %dma_wait3A_65 = tpu.memref_slice %arg3[%multiple_of3A_46, %dma_wait3A] : memref<2592x128xi32, #tpu.memory_space<hbm>> -> memref<40x128xi32, #tpu.memory_space<hbm>>
        %dma_wait3A_66 = arith.constant 0 : i32
        %dma_wait3A_67 = tpu.memref_slice %arg3[%multiple_of3A_46, %dma_wait3A_66] : memref<2592x128xi32, #tpu.memory_space<hbm>> -> memref<40x128xi32, #tpu.memory_space<hbm>>
        tpu.wait_dma2 semaphore(%run_scoped3A : memref<!tpu.dma_semaphore, #tpu.memory_space<semaphore_mem>>) src(%dma_wait3A_67 : memref<40x128xi32, #tpu.memory_space<hbm>>) dst(%arg6 : memref<40x128xi32, #tpu.memory_space<vmem>>)
        tpu.yield
      }) : () -> ()
      "tpu.region"() ({
        %run_scoped3A = tpu.sem_alloc : memref<!tpu.dma_semaphore, #tpu.memory_space<semaphore_mem>>
        %dma_start3A = arith.constant 0 : i32
        %dma_start3A_62 = tpu.memref_slice %arg4[%multiple_of3A_46, %dma_start3A] : memref<2592x128xi32, #tpu.memory_space<hbm>> -> memref<40x128xi32, #tpu.memory_space<hbm>>
        %dma_start3A_63 = arith.constant 0 : i32
        %dma_start3A_64 = tpu.memref_slice %arg4[%multiple_of3A_46, %dma_start3A_63] : memref<2592x128xi32, #tpu.memory_space<hbm>> -> memref<40x128xi32, #tpu.memory_space<hbm>>
        tpu.enqueue_dma source(%dma_start3A_64 : memref<40x128xi32, #tpu.memory_space<hbm>>) target(%arg7 : memref<40x128xi32, #tpu.memory_space<vmem>>) target_semaphore(%run_scoped3A : memref<!tpu.dma_semaphore, #tpu.memory_space<semaphore_mem>>)
        %dma_wait3A = arith.constant 0 : i32
        %dma_wait3A_65 = tpu.memref_slice %arg4[%multiple_of3A_46, %dma_wait3A] : memref<2592x128xi32, #tpu.memory_space<hbm>> -> memref<40x128xi32, #tpu.memory_space<hbm>>
        %dma_wait3A_66 = arith.constant 0 : i32
        %dma_wait3A_67 = tpu.memref_slice %arg4[%multiple_of3A_46, %dma_wait3A_66] : memref<2592x128xi32, #tpu.memory_space<hbm>> -> memref<40x128xi32, #tpu.memory_space<hbm>>
        tpu.wait_dma2 semaphore(%run_scoped3A : memref<!tpu.dma_semaphore, #tpu.memory_space<semaphore_mem>>) src(%dma_wait3A_67 : memref<40x128xi32, #tpu.memory_space<hbm>>) dst(%arg7 : memref<40x128xi32, #tpu.memory_space<vmem>>)
        tpu.yield
      }) : () -> ()
      %scan3A_47 = arith.constant 0 : i32
      %scan3A_48 = arith.constant 0 : i32
      %scan3A_49 = arith.constant 20 : i32
      %scan3A_50 = arith.addi %scan3A_48, %scan3A_49 : i32
      %scan3A_51 = arith.constant 1 : i32
      scf.for %scan3A_62 = %scan3A_48 to %scan3A_50 step %scan3A_51  : i32 {
        %mul3A_63 = arith.constant 2 : i32
        %mul3A_64 = arith.muli %scan3A_62, %mul3A_63 : i32
        %add3A_65 = arith.constant 0 : i32
        %add3A_66 = arith.addi %mul3A_64, %add3A_65 : i32
        %dma_start3A = arith.constant 0 : i32
        %dma_start3A_67 = tpu.memref_slice %arg6[%add3A_66, %dma_start3A] : memref<40x128xi32, #tpu.memory_space<vmem>> -> memref<1x128xi32, #tpu.memory_space<vmem>>
        %dma_start3A_68 = tpu.memref_squeeze %dma_start3A_67 : memref<1x128xi32, #tpu.memory_space<vmem>> -> memref<128xi32, #tpu.memory_space<vmem>>
        %dma_start3A_69 = arith.constant 0 : i32
        %dma_start3A_70 = arith.constant 0 : i32
        %dma_start3A_71 = tpu.memref_slice %arg2[%dma_start3A_69, %dma_start3A_70] : memref<10000x128xf32, #tpu.memory_space<hbm>> -> memref<10000x128xf32, #tpu.memory_space<hbm>>
        tpu.enqueue_indirect_dma source(%dma_start3A_71 : memref<10000x128xf32, #tpu.memory_space<hbm>>) target(%arg8 : memref<128x128xf32, #tpu.memory_space<vmem>>) offsets(%dma_start3A_68 : memref<128xi32, #tpu.memory_space<vmem>>) semaphore(%arg11 : memref<!tpu.dma_semaphore, #tpu.memory_space<semaphore_mem>>)
        %add3A_72 = arith.constant 1 : i32
        %add3A_73 = arith.addi %mul3A_64, %add3A_72 : i32
        %dma_start3A_74 = arith.constant 0 : i32
        %dma_start3A_75 = tpu.memref_slice %arg6[%add3A_73, %dma_start3A_74] : memref<40x128xi32, #tpu.memory_space<vmem>> -> memref<1x128xi32, #tpu.memory_space<vmem>>
        %dma_start3A_76 = tpu.memref_squeeze %dma_start3A_75 : memref<1x128xi32, #tpu.memory_space<vmem>> -> memref<128xi32, #tpu.memory_space<vmem>>
        %dma_start3A_77 = arith.constant 0 : i32
        %dma_start3A_78 = arith.constant 0 : i32
        %dma_start3A_79 = tpu.memref_slice %arg2[%dma_start3A_77, %dma_start3A_78] : memref<10000x128xf32, #tpu.memory_space<hbm>> -> memref<10000x128xf32, #tpu.memory_space<hbm>>
        tpu.enqueue_indirect_dma source(%dma_start3A_79 : memref<10000x128xf32, #tpu.memory_space<hbm>>) target(%arg9 : memref<128x128xf32, #tpu.memory_space<vmem>>) offsets(%dma_start3A_76 : memref<128xi32, #tpu.memory_space<vmem>>) semaphore(%arg12 : memref<!tpu.dma_semaphore, #tpu.memory_space<semaphore_mem>>)
        %add3A_80 = arith.constant 0 : i32
        %add3A_81 = arith.addi %mul3A_64, %add3A_80 : i32
        %dma_wait3A = arith.constant 0 : i32
        %dma_wait3A_82 = tpu.memref_slice %arg6[%add3A_81, %dma_wait3A] : memref<40x128xi32, #tpu.memory_space<vmem>> -> memref<1x128xi32, #tpu.memory_space<vmem>>
        %dma_wait3A_83 = tpu.memref_squeeze %dma_wait3A_82 : memref<1x128xi32, #tpu.memory_space<vmem>> -> memref<128xi32, #tpu.memory_space<vmem>>
        %dma_wait3A_84 = arith.constant 0 : i32
        %dma_wait3A_85 = arith.constant 0 : i32
        %dma_wait3A_86 = tpu.memref_slice %arg2[%dma_wait3A_84, %dma_wait3A_85] : memref<10000x128xf32, #tpu.memory_space<hbm>> -> memref<10000x128xf32, #tpu.memory_space<hbm>>
        tpu.wait_indirect_dma semaphore(%arg11 : memref<!tpu.dma_semaphore, #tpu.memory_space<semaphore_mem>>) src(%dma_wait3A_86 : memref<10000x128xf32, #tpu.memory_space<hbm>>) dst(%arg8 : memref<128x128xf32, #tpu.memory_space<vmem>>)
        %add3A_87 = arith.constant 0 : i32
        %add3A_88 = arith.addi %mul3A_64, %add3A_87 : i32
        "tpu.region"() ({
          %run_scoped3A = tpu.sem_alloc : memref<!tpu.dma_semaphore, #tpu.memory_space<semaphore_mem>>
          %dma_start3A_99 = arith.constant 0 : i32
          %dma_start3A_100 = tpu.memref_slice %arg7[%add3A_88, %dma_start3A_99] : memref<40x128xi32, #tpu.memory_space<vmem>> -> memref<1x128xi32, #tpu.memory_space<vmem>>
          %dma_start3A_101 = tpu.memref_squeeze %dma_start3A_100 : memref<1x128xi32, #tpu.memory_space<vmem>> -> memref<128xi32, #tpu.memory_space<vmem>>
          %dma_start3A_102 = arith.constant 0 : i32
          %dma_start3A_103 = arith.constant 0 : i32
          %dma_start3A_104 = tpu.memref_slice %arg10[%dma_start3A_102, %dma_start3A_103] : memref<10240x128xf32, #tpu.memory_space<vmem_shared>> -> memref<10240x128xf32, #tpu.memory_space<vmem_shared>>
          tpu.enqueue_indirect_dma source(%arg8 : memref<128x128xf32, #tpu.memory_space<vmem>>) target(%dma_start3A_104 : memref<10240x128xf32, #tpu.memory_space<vmem_shared>>) offsets(%dma_start3A_101 : memref<128xi32, #tpu.memory_space<vmem>>) semaphore(%run_scoped3A : memref<!tpu.dma_semaphore, #tpu.memory_space<semaphore_mem>>) {add = true}
          %dma_wait3A_105 = arith.constant 0 : i32
          %dma_wait3A_106 = tpu.memref_slice %arg7[%add3A_88, %dma_wait3A_105] : memref<40x128xi32, #tpu.memory_space<vmem>> -> memref<1x128xi32, #tpu.memory_space<vmem>>
          %dma_wait3A_107 = tpu.memref_squeeze %dma_wait3A_106 : memref<1x128xi32, #tpu.memory_space<vmem>> -> memref<128xi32, #tpu.memory_space<vmem>>
          %dma_wait3A_108 = arith.constant 0 : i32
          %dma_wait3A_109 = arith.constant 0 : i32
          %dma_wait3A_110 = tpu.memref_slice %arg10[%dma_wait3A_108, %dma_wait3A_109] : memref<10240x128xf32, #tpu.memory_space<vmem_shared>> -> memref<10240x128xf32, #tpu.memory_space<vmem_shared>>
          tpu.wait_indirect_dma semaphore(%run_scoped3A : memref<!tpu.dma_semaphore, #tpu.memory_space<semaphore_mem>>) src(%arg8 : memref<128x128xf32, #tpu.memory_space<vmem>>) dst(%dma_wait3A_110 : memref<10240x128xf32, #tpu.memory_space<vmem_shared>>)
          tpu.yield
        }) : () -> ()
        %add3A_89 = arith.constant 1 : i32
        %add3A_90 = arith.addi %mul3A_64, %add3A_89 : i32
        %dma_wait3A_91 = arith.constant 0 : i32
        %dma_wait3A_92 = tpu.memref_slice %arg6[%add3A_90, %dma_wait3A_91] : memref<40x128xi32, #tpu.memory_space<vmem>> -> memref<1x128xi32, #tpu.memory_space<vmem>>
        %dma_wait3A_93 = tpu.memref_squeeze %dma_wait3A_92 : memref<1x128xi32, #tpu.memory_space<vmem>> -> memref<128xi32, #tpu.memory_space<vmem>>
        %dma_wait3A_94 = arith.constant 0 : i32
        %dma_wait3A_95 = arith.constant 0 : i32
        %dma_wait3A_96 = tpu.memref_slice %arg2[%dma_wait3A_94, %dma_wait3A_95] : memref<10000x128xf32, #tpu.memory_space<hbm>> -> memref<10000x128xf32, #tpu.memory_space<hbm>>
        tpu.wait_indirect_dma semaphore(%arg12 : memref<!tpu.dma_semaphore, #tpu.memory_space<semaphore_mem>>) src(%dma_wait3A_96 : memref<10000x128xf32, #tpu.memory_space<hbm>>) dst(%arg9 : memref<128x128xf32, #tpu.memory_space<vmem>>)
        %add3A_97 = arith.constant 1 : i32
        %add3A_98 = arith.addi %mul3A_64, %add3A_97 : i32
        "tpu.region"() ({
          %run_scoped3A = tpu.sem_alloc : memref<!tpu.dma_semaphore, #tpu.memory_space<semaphore_mem>>
          %dma_start3A_99 = arith.constant 0 : i32
          %dma_start3A_100 = tpu.memref_slice %arg7[%add3A_98, %dma_start3A_99] : memref<40x128xi32, #tpu.memory_space<vmem>> -> memref<1x128xi32, #tpu.memory_space<vmem>>
          %dma_start3A_101 = tpu.memref_squeeze %dma_start3A_100 : memref<1x128xi32, #tpu.memory_space<vmem>> -> memref<128xi32, #tpu.memory_space<vmem>>
          %dma_start3A_102 = arith.constant 0 : i32
          %dma_start3A_103 = arith.constant 0 : i32
          %dma_start3A_104 = tpu.memref_slice %arg10[%dma_start3A_102, %dma_start3A_103] : memref<10240x128xf32, #tpu.memory_space<vmem_shared>> -> memref<10240x128xf32, #tpu.memory_space<vmem_shared>>
          tpu.enqueue_indirect_dma source(%arg9 : memref<128x128xf32, #tpu.memory_space<vmem>>) target(%dma_start3A_104 : memref<10240x128xf32, #tpu.memory_space<vmem_shared>>) offsets(%dma_start3A_101 : memref<128xi32, #tpu.memory_space<vmem>>) semaphore(%run_scoped3A : memref<!tpu.dma_semaphore, #tpu.memory_space<semaphore_mem>>) {add = true}
          %dma_wait3A_105 = arith.constant 0 : i32
          %dma_wait3A_106 = tpu.memref_slice %arg7[%add3A_98, %dma_wait3A_105] : memref<40x128xi32, #tpu.memory_space<vmem>> -> memref<1x128xi32, #tpu.memory_space<vmem>>
          %dma_wait3A_107 = tpu.memref_squeeze %dma_wait3A_106 : memref<1x128xi32, #tpu.memory_space<vmem>> -> memref<128xi32, #tpu.memory_space<vmem>>
          %dma_wait3A_108 = arith.constant 0 : i32
          %dma_wait3A_109 = arith.constant 0 : i32
          %dma_wait3A_110 = tpu.memref_slice %arg10[%dma_wait3A_108, %dma_wait3A_109] : memref<10240x128xf32, #tpu.memory_space<vmem_shared>> -> memref<10240x128xf32, #tpu.memory_space<vmem_shared>>
          tpu.wait_indirect_dma semaphore(%run_scoped3A : memref<!tpu.dma_semaphore, #tpu.memory_space<semaphore_mem>>) src(%arg9 : memref<128x128xf32, #tpu.memory_space<vmem>>) dst(%dma_wait3A_110 : memref<10240x128xf32, #tpu.memory_space<vmem_shared>>)
          tpu.yield
        }) : () -> ()
      }
      %scan3A_52 = arith.constant 20 : i32
      %add3A_53 = arith.constant 80 : i32
      %add3A_54 = arith.addi %mul3A_35, %add3A_53 : i32
      %multiple_of3A_55 = tpu.assume_multiple %add3A_54, 8 : i32
      "tpu.region"() ({
        %run_scoped3A = tpu.sem_alloc : memref<!tpu.dma_semaphore, #tpu.memory_space<semaphore_mem>>
        %dma_start3A = arith.constant 0 : i32
        %dma_start3A_62 = tpu.memref_slice %arg3[%multiple_of3A_55, %dma_start3A] : memref<2592x128xi32, #tpu.memory_space<hbm>> -> memref<40x128xi32, #tpu.memory_space<hbm>>
        %dma_start3A_63 = arith.constant 0 : i32
        %dma_start3A_64 = tpu.memref_slice %arg3[%multiple_of3A_55, %dma_start3A_63] : memref<2592x128xi32, #tpu.memory_space<hbm>> -> memref<40x128xi32, #tpu.memory_space<hbm>>
        tpu.enqueue_dma source(%dma_start3A_64 : memref<40x128xi32, #tpu.memory_space<hbm>>) target(%arg6 : memref<40x128xi32, #tpu.memory_space<vmem>>) target_semaphore(%run_scoped3A : memref<!tpu.dma_semaphore, #tpu.memory_space<semaphore_mem>>)
        %dma_wait3A = arith.constant 0 : i32
        %dma_wait3A_65 = tpu.memref_slice %arg3[%multiple_of3A_55, %dma_wait3A] : memref<2592x128xi32, #tpu.memory_space<hbm>> -> memref<40x128xi32, #tpu.memory_space<hbm>>
        %dma_wait3A_66 = arith.constant 0 : i32
        %dma_wait3A_67 = tpu.memref_slice %arg3[%multiple_of3A_55, %dma_wait3A_66] : memref<2592x128xi32, #tpu.memory_space<hbm>> -> memref<40x128xi32, #tpu.memory_space<hbm>>
        tpu.wait_dma2 semaphore(%run_scoped3A : memref<!tpu.dma_semaphore, #tpu.memory_space<semaphore_mem>>) src(%dma_wait3A_67 : memref<40x128xi32, #tpu.memory_space<hbm>>) dst(%arg6 : memref<40x128xi32, #tpu.memory_space<vmem>>)
        tpu.yield
      }) : () -> ()
      "tpu.region"() ({
        %run_scoped3A = tpu.sem_alloc : memref<!tpu.dma_semaphore, #tpu.memory_space<semaphore_mem>>
        %dma_start3A = arith.constant 0 : i32
        %dma_start3A_62 = tpu.memref_slice %arg4[%multiple_of3A_55, %dma_start3A] : memref<2592x128xi32, #tpu.memory_space<hbm>> -> memref<40x128xi32, #tpu.memory_space<hbm>>
        %dma_start3A_63 = arith.constant 0 : i32
        %dma_start3A_64 = tpu.memref_slice %arg4[%multiple_of3A_55, %dma_start3A_63] : memref<2592x128xi32, #tpu.memory_space<hbm>> -> memref<40x128xi32, #tpu.memory_space<hbm>>
        tpu.enqueue_dma source(%dma_start3A_64 : memref<40x128xi32, #tpu.memory_space<hbm>>) target(%arg7 : memref<40x128xi32, #tpu.memory_space<vmem>>) target_semaphore(%run_scoped3A : memref<!tpu.dma_semaphore, #tpu.memory_space<semaphore_mem>>)
        %dma_wait3A = arith.constant 0 : i32
        %dma_wait3A_65 = tpu.memref_slice %arg4[%multiple_of3A_55, %dma_wait3A] : memref<2592x128xi32, #tpu.memory_space<hbm>> -> memref<40x128xi32, #tpu.memory_space<hbm>>
        %dma_wait3A_66 = arith.constant 0 : i32
        %dma_wait3A_67 = tpu.memref_slice %arg4[%multiple_of3A_55, %dma_wait3A_66] : memref<2592x128xi32, #tpu.memory_space<hbm>> -> memref<40x128xi32, #tpu.memory_space<hbm>>
        tpu.wait_dma2 semaphore(%run_scoped3A : memref<!tpu.dma_semaphore, #tpu.memory_space<semaphore_mem>>) src(%dma_wait3A_67 : memref<40x128xi32, #tpu.memory_space<hbm>>) dst(%arg7 : memref<40x128xi32, #tpu.memory_space<vmem>>)
        tpu.yield
      }) : () -> ()
      %scan3A_56 = arith.constant 0 : i32
      %scan3A_57 = arith.constant 0 : i32
      %scan3A_58 = arith.constant 20 : i32
      %scan3A_59 = arith.addi %scan3A_57, %scan3A_58 : i32
      %scan3A_60 = arith.constant 1 : i32
      scf.for %scan3A_62 = %scan3A_57 to %scan3A_59 step %scan3A_60  : i32 {
        %mul3A_63 = arith.constant 2 : i32
        %mul3A_64 = arith.muli %scan3A_62, %mul3A_63 : i32
        %add3A_65 = arith.constant 0 : i32
        %add3A_66 = arith.addi %mul3A_64, %add3A_65 : i32
        %dma_start3A = arith.constant 0 : i32
        %dma_start3A_67 = tpu.memref_slice %arg6[%add3A_66, %dma_start3A] : memref<40x128xi32, #tpu.memory_space<vmem>> -> memref<1x128xi32, #tpu.memory_space<vmem>>
        %dma_start3A_68 = tpu.memref_squeeze %dma_start3A_67 : memref<1x128xi32, #tpu.memory_space<vmem>> -> memref<128xi32, #tpu.memory_space<vmem>>
        %dma_start3A_69 = arith.constant 0 : i32
        %dma_start3A_70 = arith.constant 0 : i32
        %dma_start3A_71 = tpu.memref_slice %arg2[%dma_start3A_69, %dma_start3A_70] : memref<10000x128xf32, #tpu.memory_space<hbm>> -> memref<10000x128xf32, #tpu.memory_space<hbm>>
        tpu.enqueue_indirect_dma source(%dma_start3A_71 : memref<10000x128xf32, #tpu.memory_space<hbm>>) target(%arg8 : memref<128x128xf32, #tpu.memory_space<vmem>>) offsets(%dma_start3A_68 : memref<128xi32, #tpu.memory_space<vmem>>) semaphore(%arg11 : memref<!tpu.dma_semaphore, #tpu.memory_space<semaphore_mem>>)
        %add3A_72 = arith.constant 1 : i32
        %add3A_73 = arith.addi %mul3A_64, %add3A_72 : i32
        %dma_start3A_74 = arith.constant 0 : i32
        %dma_start3A_75 = tpu.memref_slice %arg6[%add3A_73, %dma_start3A_74] : memref<40x128xi32, #tpu.memory_space<vmem>> -> memref<1x128xi32, #tpu.memory_space<vmem>>
        %dma_start3A_76 = tpu.memref_squeeze %dma_start3A_75 : memref<1x128xi32, #tpu.memory_space<vmem>> -> memref<128xi32, #tpu.memory_space<vmem>>
        %dma_start3A_77 = arith.constant 0 : i32
        %dma_start3A_78 = arith.constant 0 : i32
        %dma_start3A_79 = tpu.memref_slice %arg2[%dma_start3A_77, %dma_start3A_78] : memref<10000x128xf32, #tpu.memory_space<hbm>> -> memref<10000x128xf32, #tpu.memory_space<hbm>>
        tpu.enqueue_indirect_dma source(%dma_start3A_79 : memref<10000x128xf32, #tpu.memory_space<hbm>>) target(%arg9 : memref<128x128xf32, #tpu.memory_space<vmem>>) offsets(%dma_start3A_76 : memref<128xi32, #tpu.memory_space<vmem>>) semaphore(%arg12 : memref<!tpu.dma_semaphore, #tpu.memory_space<semaphore_mem>>)
        %add3A_80 = arith.constant 0 : i32
        %add3A_81 = arith.addi %mul3A_64, %add3A_80 : i32
        %dma_wait3A = arith.constant 0 : i32
        %dma_wait3A_82 = tpu.memref_slice %arg6[%add3A_81, %dma_wait3A] : memref<40x128xi32, #tpu.memory_space<vmem>> -> memref<1x128xi32, #tpu.memory_space<vmem>>
        %dma_wait3A_83 = tpu.memref_squeeze %dma_wait3A_82 : memref<1x128xi32, #tpu.memory_space<vmem>> -> memref<128xi32, #tpu.memory_space<vmem>>
        %dma_wait3A_84 = arith.constant 0 : i32
        %dma_wait3A_85 = arith.constant 0 : i32
        %dma_wait3A_86 = tpu.memref_slice %arg2[%dma_wait3A_84, %dma_wait3A_85] : memref<10000x128xf32, #tpu.memory_space<hbm>> -> memref<10000x128xf32, #tpu.memory_space<hbm>>
        tpu.wait_indirect_dma semaphore(%arg11 : memref<!tpu.dma_semaphore, #tpu.memory_space<semaphore_mem>>) src(%dma_wait3A_86 : memref<10000x128xf32, #tpu.memory_space<hbm>>) dst(%arg8 : memref<128x128xf32, #tpu.memory_space<vmem>>)
        %add3A_87 = arith.constant 0 : i32
        %add3A_88 = arith.addi %mul3A_64, %add3A_87 : i32
        "tpu.region"() ({
          %run_scoped3A = tpu.sem_alloc : memref<!tpu.dma_semaphore, #tpu.memory_space<semaphore_mem>>
          %dma_start3A_99 = arith.constant 0 : i32
          %dma_start3A_100 = tpu.memref_slice %arg7[%add3A_88, %dma_start3A_99] : memref<40x128xi32, #tpu.memory_space<vmem>> -> memref<1x128xi32, #tpu.memory_space<vmem>>
          %dma_start3A_101 = tpu.memref_squeeze %dma_start3A_100 : memref<1x128xi32, #tpu.memory_space<vmem>> -> memref<128xi32, #tpu.memory_space<vmem>>
          %dma_start3A_102 = arith.constant 0 : i32
          %dma_start3A_103 = arith.constant 0 : i32
          %dma_start3A_104 = tpu.memref_slice %arg10[%dma_start3A_102, %dma_start3A_103] : memref<10240x128xf32, #tpu.memory_space<vmem_shared>> -> memref<10240x128xf32, #tpu.memory_space<vmem_shared>>
          tpu.enqueue_indirect_dma source(%arg8 : memref<128x128xf32, #tpu.memory_space<vmem>>) target(%dma_start3A_104 : memref<10240x128xf32, #tpu.memory_space<vmem_shared>>) offsets(%dma_start3A_101 : memref<128xi32, #tpu.memory_space<vmem>>) semaphore(%run_scoped3A : memref<!tpu.dma_semaphore, #tpu.memory_space<semaphore_mem>>) {add = true}
          %dma_wait3A_105 = arith.constant 0 : i32
          %dma_wait3A_106 = tpu.memref_slice %arg7[%add3A_88, %dma_wait3A_105] : memref<40x128xi32, #tpu.memory_space<vmem>> -> memref<1x128xi32, #tpu.memory_space<vmem>>
          %dma_wait3A_107 = tpu.memref_squeeze %dma_wait3A_106 : memref<1x128xi32, #tpu.memory_space<vmem>> -> memref<128xi32, #tpu.memory_space<vmem>>
          %dma_wait3A_108 = arith.constant 0 : i32
          %dma_wait3A_109 = arith.constant 0 : i32
          %dma_wait3A_110 = tpu.memref_slice %arg10[%dma_wait3A_108, %dma_wait3A_109] : memref<10240x128xf32, #tpu.memory_space<vmem_shared>> -> memref<10240x128xf32, #tpu.memory_space<vmem_shared>>
          tpu.wait_indirect_dma semaphore(%run_scoped3A : memref<!tpu.dma_semaphore, #tpu.memory_space<semaphore_mem>>) src(%arg8 : memref<128x128xf32, #tpu.memory_space<vmem>>) dst(%dma_wait3A_110 : memref<10240x128xf32, #tpu.memory_space<vmem_shared>>)
          tpu.yield
        }) : () -> ()
        %add3A_89 = arith.constant 1 : i32
        %add3A_90 = arith.addi %mul3A_64, %add3A_89 : i32
        %dma_wait3A_91 = arith.constant 0 : i32
        %dma_wait3A_92 = tpu.memref_slice %arg6[%add3A_90, %dma_wait3A_91] : memref<40x128xi32, #tpu.memory_space<vmem>> -> memref<1x128xi32, #tpu.memory_space<vmem>>
        %dma_wait3A_93 = tpu.memref_squeeze %dma_wait3A_92 : memref<1x128xi32, #tpu.memory_space<vmem>> -> memref<128xi32, #tpu.memory_space<vmem>>
        %dma_wait3A_94 = arith.constant 0 : i32
        %dma_wait3A_95 = arith.constant 0 : i32
        %dma_wait3A_96 = tpu.memref_slice %arg2[%dma_wait3A_94, %dma_wait3A_95] : memref<10000x128xf32, #tpu.memory_space<hbm>> -> memref<10000x128xf32, #tpu.memory_space<hbm>>
        tpu.wait_indirect_dma semaphore(%arg12 : memref<!tpu.dma_semaphore, #tpu.memory_space<semaphore_mem>>) src(%dma_wait3A_96 : memref<10000x128xf32, #tpu.memory_space<hbm>>) dst(%arg9 : memref<128x128xf32, #tpu.memory_space<vmem>>)
        %add3A_97 = arith.constant 1 : i32
        %add3A_98 = arith.addi %mul3A_64, %add3A_97 : i32
        "tpu.region"() ({
          %run_scoped3A = tpu.sem_alloc : memref<!tpu.dma_semaphore, #tpu.memory_space<semaphore_mem>>
          %dma_start3A_99 = arith.constant 0 : i32
          %dma_start3A_100 = tpu.memref_slice %arg7[%add3A_98, %dma_start3A_99] : memref<40x128xi32, #tpu.memory_space<vmem>> -> memref<1x128xi32, #tpu.memory_space<vmem>>
          %dma_start3A_101 = tpu.memref_squeeze %dma_start3A_100 : memref<1x128xi32, #tpu.memory_space<vmem>> -> memref<128xi32, #tpu.memory_space<vmem>>
          %dma_start3A_102 = arith.constant 0 : i32
          %dma_start3A_103 = arith.constant 0 : i32
          %dma_start3A_104 = tpu.memref_slice %arg10[%dma_start3A_102, %dma_start3A_103] : memref<10240x128xf32, #tpu.memory_space<vmem_shared>> -> memref<10240x128xf32, #tpu.memory_space<vmem_shared>>
          tpu.enqueue_indirect_dma source(%arg9 : memref<128x128xf32, #tpu.memory_space<vmem>>) target(%dma_start3A_104 : memref<10240x128xf32, #tpu.memory_space<vmem_shared>>) offsets(%dma_start3A_101 : memref<128xi32, #tpu.memory_space<vmem>>) semaphore(%run_scoped3A : memref<!tpu.dma_semaphore, #tpu.memory_space<semaphore_mem>>) {add = true}
          %dma_wait3A_105 = arith.constant 0 : i32
          %dma_wait3A_106 = tpu.memref_slice %arg7[%add3A_98, %dma_wait3A_105] : memref<40x128xi32, #tpu.memory_space<vmem>> -> memref<1x128xi32, #tpu.memory_space<vmem>>
          %dma_wait3A_107 = tpu.memref_squeeze %dma_wait3A_106 : memref<1x128xi32, #tpu.memory_space<vmem>> -> memref<128xi32, #tpu.memory_space<vmem>>
          %dma_wait3A_108 = arith.constant 0 : i32
          %dma_wait3A_109 = arith.constant 0 : i32
          %dma_wait3A_110 = tpu.memref_slice %arg10[%dma_wait3A_108, %dma_wait3A_109] : memref<10240x128xf32, #tpu.memory_space<vmem_shared>> -> memref<10240x128xf32, #tpu.memory_space<vmem_shared>>
          tpu.wait_indirect_dma semaphore(%run_scoped3A : memref<!tpu.dma_semaphore, #tpu.memory_space<semaphore_mem>>) src(%arg9 : memref<128x128xf32, #tpu.memory_space<vmem>>) dst(%dma_wait3A_110 : memref<10240x128xf32, #tpu.memory_space<vmem_shared>>)
          tpu.yield
        }) : () -> ()
      }
      %scan3A_61 = arith.constant 20 : i32
    } else {
    }
    %barrier3A_29 = arith.constant 0 : index
    tpu.barrier barrier_id(%barrier3A_29)
    %mul3A_30 = arith.constant 640 : i32
    %mul3A_31 = arith.muli %arg1, %mul3A_30 : i32
    %mul3A_32 = arith.constant 640 : i32
    %mul3A_33 = arith.muli %arg1, %mul3A_32 : i32
    "tpu.region"() ({
      %run_scoped3A = tpu.sem_alloc : memref<!tpu.dma_semaphore, #tpu.memory_space<semaphore_mem>>
      %dma_start3A = arith.constant 0 : i32
      %dma_start3A_34 = arith.constant 0 : i32
      %dma_start3A_35 = tpu.memref_slice %arg5[%arg0, %dma_start3A, %dma_start3A_34] : memref<2x10240x128xf32, #tpu.memory_space<hbm>> -> memref<1x10240x128xf32, #tpu.memory_space<hbm>>
      %dma_start3A_36 = tpu.memref_squeeze %dma_start3A_35 : memref<1x10240x128xf32, #tpu.memory_space<hbm>> -> memref<10240x128xf32, #tpu.memory_space<hbm>>
      %dma_start3A_37 = arith.constant 0 : i32
      %dma_start3A_38 = tpu.memref_slice %dma_start3A_36[%mul3A_33, %dma_start3A_37] : memref<10240x128xf32, #tpu.memory_space<hbm>> -> memref<640x128xf32, #tpu.memory_space<hbm>>
      %dma_start3A_39 = arith.constant 0 : i32
      %dma_start3A_40 = tpu.memref_slice %arg10[%mul3A_31, %dma_start3A_39] : memref<10240x128xf32, #tpu.memory_space<vmem_shared>> -> memref<640x128xf32, #tpu.memory_space<vmem_shared>>
      tpu.enqueue_dma source(%dma_start3A_40 : memref<640x128xf32, #tpu.memory_space<vmem_shared>>) target(%dma_start3A_38 : memref<640x128xf32, #tpu.memory_space<hbm>>) target_semaphore(%run_scoped3A : memref<!tpu.dma_semaphore, #tpu.memory_space<semaphore_mem>>)
      %dma_wait3A = arith.constant 0 : i32
      %dma_wait3A_41 = arith.constant 0 : i32
      %dma_wait3A_42 = tpu.memref_slice %arg5[%arg0, %dma_wait3A, %dma_wait3A_41] : memref<2x10240x128xf32, #tpu.memory_space<hbm>> -> memref<1x10240x128xf32, #tpu.memory_space<hbm>>
      %dma_wait3A_43 = tpu.memref_squeeze %dma_wait3A_42 : memref<1x10240x128xf32, #tpu.memory_space<hbm>> -> memref<10240x128xf32, #tpu.memory_space<hbm>>
      %dma_wait3A_44 = arith.constant 0 : i32
      %dma_wait3A_45 = tpu.memref_slice %dma_wait3A_43[%mul3A_33, %dma_wait3A_44] : memref<10240x128xf32, #tpu.memory_space<hbm>> -> memref<640x128xf32, #tpu.memory_space<hbm>>
      %dma_wait3A_46 = arith.constant 0 : i32
      %dma_wait3A_47 = tpu.memref_slice %arg10[%mul3A_31, %dma_wait3A_46] : memref<10240x128xf32, #tpu.memory_space<vmem_shared>> -> memref<640x128xf32, #tpu.memory_space<vmem_shared>>
      tpu.wait_dma2 semaphore(%run_scoped3A : memref<!tpu.dma_semaphore, #tpu.memory_space<semaphore_mem>>) src(%dma_wait3A_47 : memref<640x128xf32, #tpu.memory_space<vmem_shared>>) dst(%dma_wait3A_45 : memref<640x128xf32, #tpu.memory_space<hbm>>)
      tpu.yield
    }) : () -> ()
    return
  }
}

#map = affine_map<(d0, d1) -> (0, 0)>
#map1 = affine_map<(d0, d1) -> (0, 0, 0)>
module attributes {stable_mosaic.version = 14 : i64} {
  func.func @_sc_scatter(%arg0: i32, %arg1: i32, %arg2: memref<10000x128xf32, #tpu.memory_space<hbm>>, %arg3: memref<2592x128xi32, #tpu.memory_space<hbm>>, %arg4: memref<2592x128xi32, #tpu.memory_space<hbm>>, %arg5: memref<2x10240x128xf32, #tpu.memory_space<hbm>>, %arg6: memref<40x128xi32, #tpu.memory_space<vmem>>, %arg7: memref<40x128xi32, #tpu.memory_space<vmem>>, %arg8: memref<128x128xf32, #tpu.memory_space<vmem>>, %arg9: memref<128x128xf32, #tpu.memory_space<vmem>>, %arg10: memref<10240x128xf32, #tpu.memory_space<vmem_shared>>, %arg11: memref<!tpu.dma_semaphore, #tpu.memory_space<semaphore_mem>>, %arg12: memref<!tpu.dma_semaphore, #tpu.memory_space<semaphore_mem>>) attributes {dimension_semantics = [#tpu.dimension_semantics<core_parallel>, #tpu.dimension_semantics<subcore_parallel>], iteration_bounds = array<i64: 2, 16>, scalar_prefetch = 0 : i64, scratch_operands = 7 : i64, tpu.core_type = #tpu.core_type<sc_vector_subcore>, window_params = [{transform_indices = #map}, {transform_indices = #map}, {transform_indices = #map}, {transform_indices = #map1}]} {
    %scan3A = arith.constant 0 : i32
    %scan3A_0 = arith.constant 0 : i32
    %scan3A_1 = arith.constant 128 : i32
    %scan3A_2 = arith.addi %scan3A_0, %scan3A_1 : i32
    %scan3A_3 = arith.constant 1 : i32
    scf.for %scan3A_34 = %scan3A_0 to %scan3A_2 step %scan3A_3  : i32 {
      %broadcast_in_dim3A = arith.constant 0.000000e+00 : f32
      %broadcast_in_dim3A_35 = vector.broadcast %broadcast_in_dim3A : f32 to vector<16xf32>
      %swap3A = arith.index_cast %scan3A_34 : i32 to index
      %swap3A_36 = arith.constant 0 : index
      %swap3A_37 = tpu.vector_load %arg8[%swap3A, %swap3A_36] {strides = array<i32>} : memref<128x128xf32, #tpu.memory_space<vmem>>, vector<1x16xf32>,
      %swap3A_38 = vector.shape_cast %swap3A_37 : vector<1x16xf32> to vector<16xf32>
      %swap3A_39 = vector.shape_cast %broadcast_in_dim3A_35 : vector<16xf32> to vector<1x16xf32>
      tpu.vector_store %arg8[%swap3A, %swap3A_36], %swap3A_39 {strides = array<i32>} : memref<128x128xf32, #tpu.memory_space<vmem>>, vector<1x16xf32>,
      %broadcast_in_dim3A_40 = arith.constant 0.000000e+00 : f32
      %broadcast_in_dim3A_41 = vector.broadcast %broadcast_in_dim3A_40 : f32 to vector<16xf32>
      %swap3A_42 = arith.index_cast %scan3A_34 : i32 to index
      %swap3A_43 = arith.constant 16 : index
      %swap3A_44 = tpu.vector_load %arg8[%swap3A_42, %swap3A_43] {strides = array<i32>} : memref<128x128xf32, #tpu.memory_space<vmem>>, vector<1x16xf32>,
      %swap3A_45 = vector.shape_cast %swap3A_44 : vector<1x16xf32> to vector<16xf32>
      %swap3A_46 = vector.shape_cast %broadcast_in_dim3A_41 : vector<16xf32> to vector<1x16xf32>
      tpu.vector_store %arg8[%swap3A_42, %swap3A_43], %swap3A_46 {strides = array<i32>} : memref<128x128xf32, #tpu.memory_space<vmem>>, vector<1x16xf32>,
      %broadcast_in_dim3A_47 = arith.constant 0.000000e+00 : f32
      %broadcast_in_dim3A_48 = vector.broadcast %broadcast_in_dim3A_47 : f32 to vector<16xf32>
      %swap3A_49 = arith.index_cast %scan3A_34 : i32 to index
      %swap3A_50 = arith.constant 32 : index
      %swap3A_51 = tpu.vector_load %arg8[%swap3A_49, %swap3A_50] {strides = array<i32>} : memref<128x128xf32, #tpu.memory_space<vmem>>, vector<1x16xf32>,
      %swap3A_52 = vector.shape_cast %swap3A_51 : vector<1x16xf32> to vector<16xf32>
      %swap3A_53 = vector.shape_cast %broadcast_in_dim3A_48 : vector<16xf32> to vector<1x16xf32>
      tpu.vector_store %arg8[%swap3A_49, %swap3A_50], %swap3A_53 {strides = array<i32>} : memref<128x128xf32, #tpu.memory_space<vmem>>, vector<1x16xf32>,
      %broadcast_in_dim3A_54 = arith.constant 0.000000e+00 : f32
      %broadcast_in_dim3A_55 = vector.broadcast %broadcast_in_dim3A_54 : f32 to vector<16xf32>
      %swap3A_56 = arith.index_cast %scan3A_34 : i32 to index
      %swap3A_57 = arith.constant 48 : index
      %swap3A_58 = tpu.vector_load %arg8[%swap3A_56, %swap3A_57] {strides = array<i32>} : memref<128x128xf32, #tpu.memory_space<vmem>>, vector<1x16xf32>,
      %swap3A_59 = vector.shape_cast %swap3A_58 : vector<1x16xf32> to vector<16xf32>
      %swap3A_60 = vector.shape_cast %broadcast_in_dim3A_55 : vector<16xf32> to vector<1x16xf32>
      tpu.vector_store %arg8[%swap3A_56, %swap3A_57], %swap3A_60 {strides = array<i32>} : memref<128x128xf32, #tpu.memory_space<vmem>>, vector<1x16xf32>,
      %broadcast_in_dim3A_61 = arith.constant 0.000000e+00 : f32
      %broadcast_in_dim3A_62 = vector.broadcast %broadcast_in_dim3A_61 : f32 to vector<16xf32>
      %swap3A_63 = arith.index_cast %scan3A_34 : i32 to index
      %swap3A_64 = arith.constant 64 : index
      %swap3A_65 = tpu.vector_load %arg8[%swap3A_63, %swap3A_64] {strides = array<i32>} : memref<128x128xf32, #tpu.memory_space<vmem>>, vector<1x16xf32>,
      %swap3A_66 = vector.shape_cast %swap3A_65 : vector<1x16xf32> to vector<16xf32>
      %swap3A_67 = vector.shape_cast %broadcast_in_dim3A_62 : vector<16xf32> to vector<1x16xf32>
      tpu.vector_store %arg8[%swap3A_63, %swap3A_64], %swap3A_67 {strides = array<i32>} : memref<128x128xf32, #tpu.memory_space<vmem>>, vector<1x16xf32>,
      %broadcast_in_dim3A_68 = arith.constant 0.000000e+00 : f32
      %broadcast_in_dim3A_69 = vector.broadcast %broadcast_in_dim3A_68 : f32 to vector<16xf32>
      %swap3A_70 = arith.index_cast %scan3A_34 : i32 to index
      %swap3A_71 = arith.constant 80 : index
      %swap3A_72 = tpu.vector_load %arg8[%swap3A_70, %swap3A_71] {strides = array<i32>} : memref<128x128xf32, #tpu.memory_space<vmem>>, vector<1x16xf32>,
      %swap3A_73 = vector.shape_cast %swap3A_72 : vector<1x16xf32> to vector<16xf32>
      %swap3A_74 = vector.shape_cast %broadcast_in_dim3A_69 : vector<16xf32> to vector<1x16xf32>
      tpu.vector_store %arg8[%swap3A_70, %swap3A_71], %swap3A_74 {strides = array<i32>} : memref<128x128xf32, #tpu.memory_space<vmem>>, vector<1x16xf32>,
      %broadcast_in_dim3A_75 = arith.constant 0.000000e+00 : f32
      %broadcast_in_dim3A_76 = vector.broadcast %broadcast_in_dim3A_75 : f32 to vector<16xf32>
      %swap3A_77 = arith.index_cast %scan3A_34 : i32 to index
      %swap3A_78 = arith.constant 96 : index
      %swap3A_79 = tpu.vector_load %arg8[%swap3A_77, %swap3A_78] {strides = array<i32>} : memref<128x128xf32, #tpu.memory_space<vmem>>, vector<1x16xf32>,
      %swap3A_80 = vector.shape_cast %swap3A_79 : vector<1x16xf32> to vector<16xf32>
      %swap3A_81 = vector.shape_cast %broadcast_in_dim3A_76 : vector<16xf32> to vector<1x16xf32>
      tpu.vector_store %arg8[%swap3A_77, %swap3A_78], %swap3A_81 {strides = array<i32>} : memref<128x128xf32, #tpu.memory_space<vmem>>, vector<1x16xf32>,
      %broadcast_in_dim3A_82 = arith.constant 0.000000e+00 : f32
      %broadcast_in_dim3A_83 = vector.broadcast %broadcast_in_dim3A_82 : f32 to vector<16xf32>
      %swap3A_84 = arith.index_cast %scan3A_34 : i32 to index
      %swap3A_85 = arith.constant 112 : index
      %swap3A_86 = tpu.vector_load %arg8[%swap3A_84, %swap3A_85] {strides = array<i32>} : memref<128x128xf32, #tpu.memory_space<vmem>>, vector<1x16xf32>,
      %swap3A_87 = vector.shape_cast %swap3A_86 : vector<1x16xf32> to vector<16xf32>
      %swap3A_88 = vector.shape_cast %broadcast_in_dim3A_83 : vector<16xf32> to vector<1x16xf32>
      tpu.vector_store %arg8[%swap3A_84, %swap3A_85], %swap3A_88 {strides = array<i32>} : memref<128x128xf32, #tpu.memory_space<vmem>>, vector<1x16xf32>,
    }
    %scan3A_4 = arith.constant 128 : i32
    %mul3A = arith.constant 640 : i32
    %mul3A_5 = arith.muli %arg1, %mul3A : i32
    %add3A = arith.constant 0 : i32
    %add3A_6 = arith.addi %mul3A_5, %add3A : i32
    "tpu.region"() ({
      %run_scoped3A = tpu.sem_alloc : memref<!tpu.dma_semaphore, #tpu.memory_space<semaphore_mem>>
      %dma_start3A = arith.constant 0 : i32
      %dma_start3A_34 = tpu.memref_slice %arg10[%add3A_6, %dma_start3A] : memref<10240x128xf32, #tpu.memory_space<vmem_shared>> -> memref<128x128xf32, #tpu.memory_space<vmem_shared>>
      %dma_start3A_35 = arith.constant 0 : i32
      %dma_start3A_36 = tpu.memref_slice %arg10[%add3A_6, %dma_start3A_35] : memref<10240x128xf32, #tpu.memory_space<vmem_shared>> -> memref<128x128xf32, #tpu.memory_space<vmem_shared>>
      tpu.enqueue_dma source(%arg8 : memref<128x128xf32, #tpu.memory_space<vmem>>) target(%dma_start3A_36 : memref<128x128xf32, #tpu.memory_space<vmem_shared>>) target_semaphore(%run_scoped3A : memref<!tpu.dma_semaphore, #tpu.memory_space<semaphore_mem>>)
      %dma_wait3A = arith.constant 0 : i32
      %dma_wait3A_37 = tpu.memref_slice %arg10[%add3A_6, %dma_wait3A] : memref<10240x128xf32, #tpu.memory_space<vmem_shared>> -> memref<128x128xf32, #tpu.memory_space<vmem_shared>>
      %dma_wait3A_38 = arith.constant 0 : i32
      %dma_wait3A_39 = tpu.memref_slice %arg10[%add3A_6, %dma_wait3A_38] : memref<10240x128xf32, #tpu.memory_space<vmem_shared>> -> memref<128x128xf32, #tpu.memory_space<vmem_shared>>
      tpu.wait_dma2 semaphore(%run_scoped3A : memref<!tpu.dma_semaphore, #tpu.memory_space<semaphore_mem>>) src(%arg8 : memref<128x128xf32, #tpu.memory_space<vmem>>) dst(%dma_wait3A_39 : memref<128x128xf32, #tpu.memory_space<vmem_shared>>)
      tpu.yield
    }) : () -> ()
    %mul3A_7 = arith.constant 640 : i32
    %mul3A_8 = arith.muli %arg1, %mul3A_7 : i32
    %add3A_9 = arith.constant 128 : i32
    %add3A_10 = arith.addi %mul3A_8, %add3A_9 : i32
    "tpu.region"() ({
      %run_scoped3A = tpu.sem_alloc : memref<!tpu.dma_semaphore, #tpu.memory_space<semaphore_mem>>
      %dma_start3A = arith.constant 0 : i32
      %dma_start3A_34 = tpu.memref_slice %arg10[%add3A_10, %dma_start3A] : memref<10240x128xf32, #tpu.memory_space<vmem_shared>> -> memref<128x128xf32, #tpu.memory_space<vmem_shared>>
      %dma_start3A_35 = arith.constant 0 : i32
      %dma_start3A_36 = tpu.memref_slice %arg10[%add3A_10, %dma_start3A_35] : memref<10240x128xf32, #tpu.memory_space<vmem_shared>> -> memref<128x128xf32, #tpu.memory_space<vmem_shared>>
      tpu.enqueue_dma source(%arg8 : memref<128x128xf32, #tpu.memory_space<vmem>>) target(%dma_start3A_36 : memref<128x128xf32, #tpu.memory_space<vmem_shared>>) target_semaphore(%run_scoped3A : memref<!tpu.dma_semaphore, #tpu.memory_space<semaphore_mem>>)
      %dma_wait3A = arith.constant 0 : i32
      %dma_wait3A_37 = tpu.memref_slice %arg10[%add3A_10, %dma_wait3A] : memref<10240x128xf32, #tpu.memory_space<vmem_shared>> -> memref<128x128xf32, #tpu.memory_space<vmem_shared>>
      %dma_wait3A_38 = arith.constant 0 : i32
      %dma_wait3A_39 = tpu.memref_slice %arg10[%add3A_10, %dma_wait3A_38] : memref<10240x128xf32, #tpu.memory_space<vmem_shared>> -> memref<128x128xf32, #tpu.memory_space<vmem_shared>>
      tpu.wait_dma2 semaphore(%run_scoped3A : memref<!tpu.dma_semaphore, #tpu.memory_space<semaphore_mem>>) src(%arg8 : memref<128x128xf32, #tpu.memory_space<vmem>>) dst(%dma_wait3A_39 : memref<128x128xf32, #tpu.memory_space<vmem_shared>>)
      tpu.yield
    }) : () -> ()
    %mul3A_11 = arith.constant 640 : i32
    %mul3A_12 = arith.muli %arg1, %mul3A_11 : i32
    %add3A_13 = arith.constant 256 : i32
    %add3A_14 = arith.addi %mul3A_12, %add3A_13 : i32
    "tpu.region"() ({
      %run_scoped3A = tpu.sem_alloc : memref<!tpu.dma_semaphore, #tpu.memory_space<semaphore_mem>>
      %dma_start3A = arith.constant 0 : i32
      %dma_start3A_34 = tpu.memref_slice %arg10[%add3A_14, %dma_start3A] : memref<10240x128xf32, #tpu.memory_space<vmem_shared>> -> memref<128x128xf32, #tpu.memory_space<vmem_shared>>
      %dma_start3A_35 = arith.constant 0 : i32
      %dma_start3A_36 = tpu.memref_slice %arg10[%add3A_14, %dma_start3A_35] : memref<10240x128xf32, #tpu.memory_space<vmem_shared>> -> memref<128x128xf32, #tpu.memory_space<vmem_shared>>
      tpu.enqueue_dma source(%arg8 : memref<128x128xf32, #tpu.memory_space<vmem>>) target(%dma_start3A_36 : memref<128x128xf32, #tpu.memory_space<vmem_shared>>) target_semaphore(%run_scoped3A : memref<!tpu.dma_semaphore, #tpu.memory_space<semaphore_mem>>)
      %dma_wait3A = arith.constant 0 : i32
      %dma_wait3A_37 = tpu.memref_slice %arg10[%add3A_14, %dma_wait3A] : memref<10240x128xf32, #tpu.memory_space<vmem_shared>> -> memref<128x128xf32, #tpu.memory_space<vmem_shared>>
      %dma_wait3A_38 = arith.constant 0 : i32
      %dma_wait3A_39 = tpu.memref_slice %arg10[%add3A_14, %dma_wait3A_38] : memref<10240x128xf32, #tpu.memory_space<vmem_shared>> -> memref<128x128xf32, #tpu.memory_space<vmem_shared>>
      tpu.wait_dma2 semaphore(%run_scoped3A : memref<!tpu.dma_semaphore, #tpu.memory_space<semaphore_mem>>) src(%arg8 : memref<128x128xf32, #tpu.memory_space<vmem>>) dst(%dma_wait3A_39 : memref<128x128xf32, #tpu.memory_space<vmem_shared>>)
      tpu.yield
    }) : () -> ()
    %mul3A_15 = arith.constant 640 : i32
    %mul3A_16 = arith.muli %arg1, %mul3A_15 : i32
    %add3A_17 = arith.constant 384 : i32
    %add3A_18 = arith.addi %mul3A_16, %add3A_17 : i32
    "tpu.region"() ({
      %run_scoped3A = tpu.sem_alloc : memref<!tpu.dma_semaphore, #tpu.memory_space<semaphore_mem>>
      %dma_start3A = arith.constant 0 : i32
      %dma_start3A_34 = tpu.memref_slice %arg10[%add3A_18, %dma_start3A] : memref<10240x128xf32, #tpu.memory_space<vmem_shared>> -> memref<128x128xf32, #tpu.memory_space<vmem_shared>>
      %dma_start3A_35 = arith.constant 0 : i32
      %dma_start3A_36 = tpu.memref_slice %arg10[%add3A_18, %dma_start3A_35] : memref<10240x128xf32, #tpu.memory_space<vmem_shared>> -> memref<128x128xf32, #tpu.memory_space<vmem_shared>>
      tpu.enqueue_dma source(%arg8 : memref<128x128xf32, #tpu.memory_space<vmem>>) target(%dma_start3A_36 : memref<128x128xf32, #tpu.memory_space<vmem_shared>>) target_semaphore(%run_scoped3A : memref<!tpu.dma_semaphore, #tpu.memory_space<semaphore_mem>>)
      %dma_wait3A = arith.constant 0 : i32
      %dma_wait3A_37 = tpu.memref_slice %arg10[%add3A_18, %dma_wait3A] : memref<10240x128xf32, #tpu.memory_space<vmem_shared>> -> memref<128x128xf32, #tpu.memory_space<vmem_shared>>
      %dma_wait3A_38 = arith.constant 0 : i32
      %dma_wait3A_39 = tpu.memref_slice %arg10[%add3A_18, %dma_wait3A_38] : memref<10240x128xf32, #tpu.memory_space<vmem_shared>> -> memref<128x128xf32, #tpu.memory_space<vmem_shared>>
      tpu.wait_dma2 semaphore(%run_scoped3A : memref<!tpu.dma_semaphore, #tpu.memory_space<semaphore_mem>>) src(%arg8 : memref<128x128xf32, #tpu.memory_space<vmem>>) dst(%dma_wait3A_39 : memref<128x128xf32, #tpu.memory_space<vmem_shared>>)
      tpu.yield
    }) : () -> ()
    %mul3A_19 = arith.constant 640 : i32
    %mul3A_20 = arith.muli %arg1, %mul3A_19 : i32
    %add3A_21 = arith.constant 512 : i32
    %add3A_22 = arith.addi %mul3A_20, %add3A_21 : i32
    "tpu.region"() ({
      %run_scoped3A = tpu.sem_alloc : memref<!tpu.dma_semaphore, #tpu.memory_space<semaphore_mem>>
      %dma_start3A = arith.constant 0 : i32
      %dma_start3A_34 = tpu.memref_slice %arg10[%add3A_22, %dma_start3A] : memref<10240x128xf32, #tpu.memory_space<vmem_shared>> -> memref<128x128xf32, #tpu.memory_space<vmem_shared>>
      %dma_start3A_35 = arith.constant 0 : i32
      %dma_start3A_36 = tpu.memref_slice %arg10[%add3A_22, %dma_start3A_35] : memref<10240x128xf32, #tpu.memory_space<vmem_shared>> -> memref<128x128xf32, #tpu.memory_space<vmem_shared>>
      tpu.enqueue_dma source(%arg8 : memref<128x128xf32, #tpu.memory_space<vmem>>) target(%dma_start3A_36 : memref<128x128xf32, #tpu.memory_space<vmem_shared>>) target_semaphore(%run_scoped3A : memref<!tpu.dma_semaphore, #tpu.memory_space<semaphore_mem>>)
      %dma_wait3A = arith.constant 0 : i32
      %dma_wait3A_37 = tpu.memref_slice %arg10[%add3A_22, %dma_wait3A] : memref<10240x128xf32, #tpu.memory_space<vmem_shared>> -> memref<128x128xf32, #tpu.memory_space<vmem_shared>>
      %dma_wait3A_38 = arith.constant 0 : i32
      %dma_wait3A_39 = tpu.memref_slice %arg10[%add3A_22, %dma_wait3A_38] : memref<10240x128xf32, #tpu.memory_space<vmem_shared>> -> memref<128x128xf32, #tpu.memory_space<vmem_shared>>
      tpu.wait_dma2 semaphore(%run_scoped3A : memref<!tpu.dma_semaphore, #tpu.memory_space<semaphore_mem>>) src(%arg8 : memref<128x128xf32, #tpu.memory_space<vmem>>) dst(%dma_wait3A_39 : memref<128x128xf32, #tpu.memory_space<vmem_shared>>)
      tpu.yield
    }) : () -> ()
    %barrier3A = arith.constant 0 : index
    tpu.barrier barrier_id(%barrier3A)
    %eq3A = arith.constant 0 : i32
    %eq3A_23 = arith.cmpi eq, %arg0, %eq3A : i32
    %convert_element_type3A = arith.extui %eq3A_23 : i1 to i32
    %cond3A = arith.constant 0 : i32
    %cond3A_24 = arith.cmpi ne, %convert_element_type3A, %cond3A : i32
    scf.if %cond3A_24 {
      %mul3A_34 = arith.constant 160 : i32
      %mul3A_35 = arith.muli %arg1, %mul3A_34 : i32
      %add3A_36 = arith.constant 120 : i32
      %add3A_37 = arith.addi %mul3A_35, %add3A_36 : i32
      %add3A_38 = arith.constant 0 : i32
      %add3A_39 = arith.addi %add3A_37, %add3A_38 : i32
      %multiple_of3A = tpu.assume_multiple %add3A_39, 8 : i32
      "tpu.region"() ({
        %run_scoped3A = tpu.sem_alloc : memref<!tpu.dma_semaphore, #tpu.memory_space<semaphore_mem>>
        %dma_start3A = arith.constant 0 : i32
        %dma_start3A_46 = tpu.memref_slice %arg3[%multiple_of3A, %dma_start3A] : memref<2592x128xi32, #tpu.memory_space<hbm>> -> memref<40x128xi32, #tpu.memory_space<hbm>>
        %dma_start3A_47 = arith.constant 0 : i32
        %dma_start3A_48 = tpu.memref_slice %arg3[%multiple_of3A, %dma_start3A_47] : memref<2592x128xi32, #tpu.memory_space<hbm>> -> memref<40x128xi32, #tpu.memory_space<hbm>>
        tpu.enqueue_dma source(%dma_start3A_48 : memref<40x128xi32, #tpu.memory_space<hbm>>) target(%arg6 : memref<40x128xi32, #tpu.memory_space<vmem>>) target_semaphore(%run_scoped3A : memref<!tpu.dma_semaphore, #tpu.memory_space<semaphore_mem>>)
        %dma_wait3A = arith.constant 0 : i32
        %dma_wait3A_49 = tpu.memref_slice %arg3[%multiple_of3A, %dma_wait3A] : memref<2592x128xi32, #tpu.memory_space<hbm>> -> memref<40x128xi32, #tpu.memory_space<hbm>>
        %dma_wait3A_50 = arith.constant 0 : i32
        %dma_wait3A_51 = tpu.memref_slice %arg3[%multiple_of3A, %dma_wait3A_50] : memref<2592x128xi32, #tpu.memory_space<hbm>> -> memref<40x128xi32, #tpu.memory_space<hbm>>
        tpu.wait_dma2 semaphore(%run_scoped3A : memref<!tpu.dma_semaphore, #tpu.memory_space<semaphore_mem>>) src(%dma_wait3A_51 : memref<40x128xi32, #tpu.memory_space<hbm>>) dst(%arg6 : memref<40x128xi32, #tpu.memory_space<vmem>>)
        tpu.yield
      }) : () -> ()
      "tpu.region"() ({
        %run_scoped3A = tpu.sem_alloc : memref<!tpu.dma_semaphore, #tpu.memory_space<semaphore_mem>>
        %dma_start3A = arith.constant 0 : i32
        %dma_start3A_46 = tpu.memref_slice %arg4[%multiple_of3A, %dma_start3A] : memref<2592x128xi32, #tpu.memory_space<hbm>> -> memref<40x128xi32, #tpu.memory_space<hbm>>
        %dma_start3A_47 = arith.constant 0 : i32
        %dma_start3A_48 = tpu.memref_slice %arg4[%multiple_of3A, %dma_start3A_47] : memref<2592x128xi32, #tpu.memory_space<hbm>> -> memref<40x128xi32, #tpu.memory_space<hbm>>
        tpu.enqueue_dma source(%dma_start3A_48 : memref<40x128xi32, #tpu.memory_space<hbm>>) target(%arg7 : memref<40x128xi32, #tpu.memory_space<vmem>>) target_semaphore(%run_scoped3A : memref<!tpu.dma_semaphore, #tpu.memory_space<semaphore_mem>>)
        %dma_wait3A = arith.constant 0 : i32
        %dma_wait3A_49 = tpu.memref_slice %arg4[%multiple_of3A, %dma_wait3A] : memref<2592x128xi32, #tpu.memory_space<hbm>> -> memref<40x128xi32, #tpu.memory_space<hbm>>
        %dma_wait3A_50 = arith.constant 0 : i32
        %dma_wait3A_51 = tpu.memref_slice %arg4[%multiple_of3A, %dma_wait3A_50] : memref<2592x128xi32, #tpu.memory_space<hbm>> -> memref<40x128xi32, #tpu.memory_space<hbm>>
        tpu.wait_dma2 semaphore(%run_scoped3A : memref<!tpu.dma_semaphore, #tpu.memory_space<semaphore_mem>>) src(%dma_wait3A_51 : memref<40x128xi32, #tpu.memory_space<hbm>>) dst(%arg7 : memref<40x128xi32, #tpu.memory_space<vmem>>)
        tpu.yield
      }) : () -> ()
      %scan3A_40 = arith.constant 0 : i32
      %scan3A_41 = arith.constant 0 : i32
      %scan3A_42 = arith.constant 20 : i32
      %scan3A_43 = arith.addi %scan3A_41, %scan3A_42 : i32
      %scan3A_44 = arith.constant 1 : i32
      scf.for %scan3A_46 = %scan3A_41 to %scan3A_43 step %scan3A_44  : i32 {
        %mul3A_47 = arith.constant 2 : i32
        %mul3A_48 = arith.muli %scan3A_46, %mul3A_47 : i32
        %add3A_49 = arith.constant 0 : i32
        %add3A_50 = arith.addi %mul3A_48, %add3A_49 : i32
        %dma_start3A = arith.constant 0 : i32
        %dma_start3A_51 = tpu.memref_slice %arg6[%add3A_50, %dma_start3A] : memref<40x128xi32, #tpu.memory_space<vmem>> -> memref<1x128xi32, #tpu.memory_space<vmem>>
        %dma_start3A_52 = tpu.memref_squeeze %dma_start3A_51 : memref<1x128xi32, #tpu.memory_space<vmem>> -> memref<128xi32, #tpu.memory_space<vmem>>
        %dma_start3A_53 = arith.constant 0 : i32
        %dma_start3A_54 = arith.constant 0 : i32
        %dma_start3A_55 = tpu.memref_slice %arg2[%dma_start3A_53, %dma_start3A_54] : memref<10000x128xf32, #tpu.memory_space<hbm>> -> memref<10000x128xf32, #tpu.memory_space<hbm>>
        tpu.enqueue_indirect_dma source(%dma_start3A_55 : memref<10000x128xf32, #tpu.memory_space<hbm>>) target(%arg8 : memref<128x128xf32, #tpu.memory_space<vmem>>) offsets(%dma_start3A_52 : memref<128xi32, #tpu.memory_space<vmem>>) semaphore(%arg11 : memref<!tpu.dma_semaphore, #tpu.memory_space<semaphore_mem>>)
        %add3A_56 = arith.constant 1 : i32
        %add3A_57 = arith.addi %mul3A_48, %add3A_56 : i32
        %dma_start3A_58 = arith.constant 0 : i32
        %dma_start3A_59 = tpu.memref_slice %arg6[%add3A_57, %dma_start3A_58] : memref<40x128xi32, #tpu.memory_space<vmem>> -> memref<1x128xi32, #tpu.memory_space<vmem>>
        %dma_start3A_60 = tpu.memref_squeeze %dma_start3A_59 : memref<1x128xi32, #tpu.memory_space<vmem>> -> memref<128xi32, #tpu.memory_space<vmem>>
        %dma_start3A_61 = arith.constant 0 : i32
        %dma_start3A_62 = arith.constant 0 : i32
        %dma_start3A_63 = tpu.memref_slice %arg2[%dma_start3A_61, %dma_start3A_62] : memref<10000x128xf32, #tpu.memory_space<hbm>> -> memref<10000x128xf32, #tpu.memory_space<hbm>>
        tpu.enqueue_indirect_dma source(%dma_start3A_63 : memref<10000x128xf32, #tpu.memory_space<hbm>>) target(%arg9 : memref<128x128xf32, #tpu.memory_space<vmem>>) offsets(%dma_start3A_60 : memref<128xi32, #tpu.memory_space<vmem>>) semaphore(%arg12 : memref<!tpu.dma_semaphore, #tpu.memory_space<semaphore_mem>>)
        %add3A_64 = arith.constant 0 : i32
        %add3A_65 = arith.addi %mul3A_48, %add3A_64 : i32
        %dma_wait3A = arith.constant 0 : i32
        %dma_wait3A_66 = tpu.memref_slice %arg6[%add3A_65, %dma_wait3A] : memref<40x128xi32, #tpu.memory_space<vmem>> -> memref<1x128xi32, #tpu.memory_space<vmem>>
        %dma_wait3A_67 = tpu.memref_squeeze %dma_wait3A_66 : memref<1x128xi32, #tpu.memory_space<vmem>> -> memref<128xi32, #tpu.memory_space<vmem>>
        %dma_wait3A_68 = arith.constant 0 : i32
        %dma_wait3A_69 = arith.constant 0 : i32
        %dma_wait3A_70 = tpu.memref_slice %arg2[%dma_wait3A_68, %dma_wait3A_69] : memref<10000x128xf32, #tpu.memory_space<hbm>> -> memref<10000x128xf32, #tpu.memory_space<hbm>>
        tpu.wait_indirect_dma semaphore(%arg11 : memref<!tpu.dma_semaphore, #tpu.memory_space<semaphore_mem>>) src(%dma_wait3A_70 : memref<10000x128xf32, #tpu.memory_space<hbm>>) dst(%arg8 : memref<128x128xf32, #tpu.memory_space<vmem>>)
        %add3A_71 = arith.constant 0 : i32
        %add3A_72 = arith.addi %mul3A_48, %add3A_71 : i32
        "tpu.region"() ({
          %run_scoped3A = tpu.sem_alloc : memref<!tpu.dma_semaphore, #tpu.memory_space<semaphore_mem>>
          %dma_start3A_83 = arith.constant 0 : i32
          %dma_start3A_84 = tpu.memref_slice %arg7[%add3A_72, %dma_start3A_83] : memref<40x128xi32, #tpu.memory_space<vmem>> -> memref<1x128xi32, #tpu.memory_space<vmem>>
          %dma_start3A_85 = tpu.memref_squeeze %dma_start3A_84 : memref<1x128xi32, #tpu.memory_space<vmem>> -> memref<128xi32, #tpu.memory_space<vmem>>
          %dma_start3A_86 = arith.constant 0 : i32
          %dma_start3A_87 = arith.constant 0 : i32
          %dma_start3A_88 = tpu.memref_slice %arg10[%dma_start3A_86, %dma_start3A_87] : memref<10240x128xf32, #tpu.memory_space<vmem_shared>> -> memref<10240x128xf32, #tpu.memory_space<vmem_shared>>
          tpu.enqueue_indirect_dma source(%arg8 : memref<128x128xf32, #tpu.memory_space<vmem>>) target(%dma_start3A_88 : memref<10240x128xf32, #tpu.memory_space<vmem_shared>>) offsets(%dma_start3A_85 : memref<128xi32, #tpu.memory_space<vmem>>) semaphore(%run_scoped3A : memref<!tpu.dma_semaphore, #tpu.memory_space<semaphore_mem>>) {add = true}
          %dma_wait3A_89 = arith.constant 0 : i32
          %dma_wait3A_90 = tpu.memref_slice %arg7[%add3A_72, %dma_wait3A_89] : memref<40x128xi32, #tpu.memory_space<vmem>> -> memref<1x128xi32, #tpu.memory_space<vmem>>
          %dma_wait3A_91 = tpu.memref_squeeze %dma_wait3A_90 : memref<1x128xi32, #tpu.memory_space<vmem>> -> memref<128xi32, #tpu.memory_space<vmem>>
          %dma_wait3A_92 = arith.constant 0 : i32
          %dma_wait3A_93 = arith.constant 0 : i32
          %dma_wait3A_94 = tpu.memref_slice %arg10[%dma_wait3A_92, %dma_wait3A_93] : memref<10240x128xf32, #tpu.memory_space<vmem_shared>> -> memref<10240x128xf32, #tpu.memory_space<vmem_shared>>
          tpu.wait_indirect_dma semaphore(%run_scoped3A : memref<!tpu.dma_semaphore, #tpu.memory_space<semaphore_mem>>) src(%arg8 : memref<128x128xf32, #tpu.memory_space<vmem>>) dst(%dma_wait3A_94 : memref<10240x128xf32, #tpu.memory_space<vmem_shared>>)
          tpu.yield
        }) : () -> ()
        %add3A_73 = arith.constant 1 : i32
        %add3A_74 = arith.addi %mul3A_48, %add3A_73 : i32
        %dma_wait3A_75 = arith.constant 0 : i32
        %dma_wait3A_76 = tpu.memref_slice %arg6[%add3A_74, %dma_wait3A_75] : memref<40x128xi32, #tpu.memory_space<vmem>> -> memref<1x128xi32, #tpu.memory_space<vmem>>
        %dma_wait3A_77 = tpu.memref_squeeze %dma_wait3A_76 : memref<1x128xi32, #tpu.memory_space<vmem>> -> memref<128xi32, #tpu.memory_space<vmem>>
        %dma_wait3A_78 = arith.constant 0 : i32
        %dma_wait3A_79 = arith.constant 0 : i32
        %dma_wait3A_80 = tpu.memref_slice %arg2[%dma_wait3A_78, %dma_wait3A_79] : memref<10000x128xf32, #tpu.memory_space<hbm>> -> memref<10000x128xf32, #tpu.memory_space<hbm>>
        tpu.wait_indirect_dma semaphore(%arg12 : memref<!tpu.dma_semaphore, #tpu.memory_space<semaphore_mem>>) src(%dma_wait3A_80 : memref<10000x128xf32, #tpu.memory_space<hbm>>) dst(%arg9 : memref<128x128xf32, #tpu.memory_space<vmem>>)
        %add3A_81 = arith.constant 1 : i32
        %add3A_82 = arith.addi %mul3A_48, %add3A_81 : i32
        "tpu.region"() ({
          %run_scoped3A = tpu.sem_alloc : memref<!tpu.dma_semaphore, #tpu.memory_space<semaphore_mem>>
          %dma_start3A_83 = arith.constant 0 : i32
          %dma_start3A_84 = tpu.memref_slice %arg7[%add3A_82, %dma_start3A_83] : memref<40x128xi32, #tpu.memory_space<vmem>> -> memref<1x128xi32, #tpu.memory_space<vmem>>
          %dma_start3A_85 = tpu.memref_squeeze %dma_start3A_84 : memref<1x128xi32, #tpu.memory_space<vmem>> -> memref<128xi32, #tpu.memory_space<vmem>>
          %dma_start3A_86 = arith.constant 0 : i32
          %dma_start3A_87 = arith.constant 0 : i32
          %dma_start3A_88 = tpu.memref_slice %arg10[%dma_start3A_86, %dma_start3A_87] : memref<10240x128xf32, #tpu.memory_space<vmem_shared>> -> memref<10240x128xf32, #tpu.memory_space<vmem_shared>>
          tpu.enqueue_indirect_dma source(%arg9 : memref<128x128xf32, #tpu.memory_space<vmem>>) target(%dma_start3A_88 : memref<10240x128xf32, #tpu.memory_space<vmem_shared>>) offsets(%dma_start3A_85 : memref<128xi32, #tpu.memory_space<vmem>>) semaphore(%run_scoped3A : memref<!tpu.dma_semaphore, #tpu.memory_space<semaphore_mem>>) {add = true}
          %dma_wait3A_89 = arith.constant 0 : i32
          %dma_wait3A_90 = tpu.memref_slice %arg7[%add3A_82, %dma_wait3A_89] : memref<40x128xi32, #tpu.memory_space<vmem>> -> memref<1x128xi32, #tpu.memory_space<vmem>>
          %dma_wait3A_91 = tpu.memref_squeeze %dma_wait3A_90 : memref<1x128xi32, #tpu.memory_space<vmem>> -> memref<128xi32, #tpu.memory_space<vmem>>
          %dma_wait3A_92 = arith.constant 0 : i32
          %dma_wait3A_93 = arith.constant 0 : i32
          %dma_wait3A_94 = tpu.memref_slice %arg10[%dma_wait3A_92, %dma_wait3A_93] : memref<10240x128xf32, #tpu.memory_space<vmem_shared>> -> memref<10240x128xf32, #tpu.memory_space<vmem_shared>>
          tpu.wait_indirect_dma semaphore(%run_scoped3A : memref<!tpu.dma_semaphore, #tpu.memory_space<semaphore_mem>>) src(%arg9 : memref<128x128xf32, #tpu.memory_space<vmem>>) dst(%dma_wait3A_94 : memref<10240x128xf32, #tpu.memory_space<vmem_shared>>)
          tpu.yield
        }) : () -> ()
      }
      %scan3A_45 = arith.constant 20 : i32
    } else {
    }
    %ne3A = arith.constant 0 : i32
    %ne3A_25 = arith.cmpi ne, %arg0, %ne3A : i32
    %convert_element_type3A_26 = arith.extui %ne3A_25 : i1 to i32
    %cond3A_27 = arith.constant 0 : i32
    %cond3A_28 = arith.cmpi ne, %convert_element_type3A_26, %cond3A_27 : i32
    scf.if %cond3A_28 {
      %mul3A_34 = arith.constant 160 : i32
      %mul3A_35 = arith.muli %arg1, %mul3A_34 : i32
      %add3A_36 = arith.constant 0 : i32
      %add3A_37 = arith.addi %mul3A_35, %add3A_36 : i32
      %multiple_of3A = tpu.assume_multiple %add3A_37, 8 : i32
      "tpu.region"() ({
        %run_scoped3A = tpu.sem_alloc : memref<!tpu.dma_semaphore, #tpu.memory_space<semaphore_mem>>
        %dma_start3A = arith.constant 0 : i32
        %dma_start3A_62 = tpu.memref_slice %arg3[%multiple_of3A, %dma_start3A] : memref<2592x128xi32, #tpu.memory_space<hbm>> -> memref<40x128xi32, #tpu.memory_space<hbm>>
        %dma_start3A_63 = arith.constant 0 : i32
        %dma_start3A_64 = tpu.memref_slice %arg3[%multiple_of3A, %dma_start3A_63] : memref<2592x128xi32, #tpu.memory_space<hbm>> -> memref<40x128xi32, #tpu.memory_space<hbm>>
        tpu.enqueue_dma source(%dma_start3A_64 : memref<40x128xi32, #tpu.memory_space<hbm>>) target(%arg6 : memref<40x128xi32, #tpu.memory_space<vmem>>) target_semaphore(%run_scoped3A : memref<!tpu.dma_semaphore, #tpu.memory_space<semaphore_mem>>)
        %dma_wait3A = arith.constant 0 : i32
        %dma_wait3A_65 = tpu.memref_slice %arg3[%multiple_of3A, %dma_wait3A] : memref<2592x128xi32, #tpu.memory_space<hbm>> -> memref<40x128xi32, #tpu.memory_space<hbm>>
        %dma_wait3A_66 = arith.constant 0 : i32
        %dma_wait3A_67 = tpu.memref_slice %arg3[%multiple_of3A, %dma_wait3A_66] : memref<2592x128xi32, #tpu.memory_space<hbm>> -> memref<40x128xi32, #tpu.memory_space<hbm>>
        tpu.wait_dma2 semaphore(%run_scoped3A : memref<!tpu.dma_semaphore, #tpu.memory_space<semaphore_mem>>) src(%dma_wait3A_67 : memref<40x128xi32, #tpu.memory_space<hbm>>) dst(%arg6 : memref<40x128xi32, #tpu.memory_space<vmem>>)
        tpu.yield
      }) : () -> ()
      "tpu.region"() ({
        %run_scoped3A = tpu.sem_alloc : memref<!tpu.dma_semaphore, #tpu.memory_space<semaphore_mem>>
        %dma_start3A = arith.constant 0 : i32
        %dma_start3A_62 = tpu.memref_slice %arg4[%multiple_of3A, %dma_start3A] : memref<2592x128xi32, #tpu.memory_space<hbm>> -> memref<40x128xi32, #tpu.memory_space<hbm>>
        %dma_start3A_63 = arith.constant 0 : i32
        %dma_start3A_64 = tpu.memref_slice %arg4[%multiple_of3A, %dma_start3A_63] : memref<2592x128xi32, #tpu.memory_space<hbm>> -> memref<40x128xi32, #tpu.memory_space<hbm>>
        tpu.enqueue_dma source(%dma_start3A_64 : memref<40x128xi32, #tpu.memory_space<hbm>>) target(%arg7 : memref<40x128xi32, #tpu.memory_space<vmem>>) target_semaphore(%run_scoped3A : memref<!tpu.dma_semaphore, #tpu.memory_space<semaphore_mem>>)
        %dma_wait3A = arith.constant 0 : i32
        %dma_wait3A_65 = tpu.memref_slice %arg4[%multiple_of3A, %dma_wait3A] : memref<2592x128xi32, #tpu.memory_space<hbm>> -> memref<40x128xi32, #tpu.memory_space<hbm>>
        %dma_wait3A_66 = arith.constant 0 : i32
        %dma_wait3A_67 = tpu.memref_slice %arg4[%multiple_of3A, %dma_wait3A_66] : memref<2592x128xi32, #tpu.memory_space<hbm>> -> memref<40x128xi32, #tpu.memory_space<hbm>>
        tpu.wait_dma2 semaphore(%run_scoped3A : memref<!tpu.dma_semaphore, #tpu.memory_space<semaphore_mem>>) src(%dma_wait3A_67 : memref<40x128xi32, #tpu.memory_space<hbm>>) dst(%arg7 : memref<40x128xi32, #tpu.memory_space<vmem>>)
        tpu.yield
      }) : () -> ()
      %scan3A_38 = arith.constant 0 : i32
      %scan3A_39 = arith.constant 0 : i32
      %scan3A_40 = arith.constant 20 : i32
      %scan3A_41 = arith.addi %scan3A_39, %scan3A_40 : i32
      %scan3A_42 = arith.constant 1 : i32
      scf.for %scan3A_62 = %scan3A_39 to %scan3A_41 step %scan3A_42  : i32 {
        %mul3A_63 = arith.constant 2 : i32
        %mul3A_64 = arith.muli %scan3A_62, %mul3A_63 : i32
        %add3A_65 = arith.constant 0 : i32
        %add3A_66 = arith.addi %mul3A_64, %add3A_65 : i32
        %dma_start3A = arith.constant 0 : i32
        %dma_start3A_67 = tpu.memref_slice %arg6[%add3A_66, %dma_start3A] : memref<40x128xi32, #tpu.memory_space<vmem>> -> memref<1x128xi32, #tpu.memory_space<vmem>>
        %dma_start3A_68 = tpu.memref_squeeze %dma_start3A_67 : memref<1x128xi32, #tpu.memory_space<vmem>> -> memref<128xi32, #tpu.memory_space<vmem>>
        %dma_start3A_69 = arith.constant 0 : i32
        %dma_start3A_70 = arith.constant 0 : i32
        %dma_start3A_71 = tpu.memref_slice %arg2[%dma_start3A_69, %dma_start3A_70] : memref<10000x128xf32, #tpu.memory_space<hbm>> -> memref<10000x128xf32, #tpu.memory_space<hbm>>
        tpu.enqueue_indirect_dma source(%dma_start3A_71 : memref<10000x128xf32, #tpu.memory_space<hbm>>) target(%arg8 : memref<128x128xf32, #tpu.memory_space<vmem>>) offsets(%dma_start3A_68 : memref<128xi32, #tpu.memory_space<vmem>>) semaphore(%arg11 : memref<!tpu.dma_semaphore, #tpu.memory_space<semaphore_mem>>)
        %add3A_72 = arith.constant 1 : i32
        %add3A_73 = arith.addi %mul3A_64, %add3A_72 : i32
        %dma_start3A_74 = arith.constant 0 : i32
        %dma_start3A_75 = tpu.memref_slice %arg6[%add3A_73, %dma_start3A_74] : memref<40x128xi32, #tpu.memory_space<vmem>> -> memref<1x128xi32, #tpu.memory_space<vmem>>
        %dma_start3A_76 = tpu.memref_squeeze %dma_start3A_75 : memref<1x128xi32, #tpu.memory_space<vmem>> -> memref<128xi32, #tpu.memory_space<vmem>>
        %dma_start3A_77 = arith.constant 0 : i32
        %dma_start3A_78 = arith.constant 0 : i32
        %dma_start3A_79 = tpu.memref_slice %arg2[%dma_start3A_77, %dma_start3A_78] : memref<10000x128xf32, #tpu.memory_space<hbm>> -> memref<10000x128xf32, #tpu.memory_space<hbm>>
        tpu.enqueue_indirect_dma source(%dma_start3A_79 : memref<10000x128xf32, #tpu.memory_space<hbm>>) target(%arg9 : memref<128x128xf32, #tpu.memory_space<vmem>>) offsets(%dma_start3A_76 : memref<128xi32, #tpu.memory_space<vmem>>) semaphore(%arg12 : memref<!tpu.dma_semaphore, #tpu.memory_space<semaphore_mem>>)
        %add3A_80 = arith.constant 0 : i32
        %add3A_81 = arith.addi %mul3A_64, %add3A_80 : i32
        %dma_wait3A = arith.constant 0 : i32
        %dma_wait3A_82 = tpu.memref_slice %arg6[%add3A_81, %dma_wait3A] : memref<40x128xi32, #tpu.memory_space<vmem>> -> memref<1x128xi32, #tpu.memory_space<vmem>>
        %dma_wait3A_83 = tpu.memref_squeeze %dma_wait3A_82 : memref<1x128xi32, #tpu.memory_space<vmem>> -> memref<128xi32, #tpu.memory_space<vmem>>
        %dma_wait3A_84 = arith.constant 0 : i32
        %dma_wait3A_85 = arith.constant 0 : i32
        %dma_wait3A_86 = tpu.memref_slice %arg2[%dma_wait3A_84, %dma_wait3A_85] : memref<10000x128xf32, #tpu.memory_space<hbm>> -> memref<10000x128xf32, #tpu.memory_space<hbm>>
        tpu.wait_indirect_dma semaphore(%arg11 : memref<!tpu.dma_semaphore, #tpu.memory_space<semaphore_mem>>) src(%dma_wait3A_86 : memref<10000x128xf32, #tpu.memory_space<hbm>>) dst(%arg8 : memref<128x128xf32, #tpu.memory_space<vmem>>)
        %add3A_87 = arith.constant 0 : i32
        %add3A_88 = arith.addi %mul3A_64, %add3A_87 : i32
        "tpu.region"() ({
          %run_scoped3A = tpu.sem_alloc : memref<!tpu.dma_semaphore, #tpu.memory_space<semaphore_mem>>
          %dma_start3A_99 = arith.constant 0 : i32
          %dma_start3A_100 = tpu.memref_slice %arg7[%add3A_88, %dma_start3A_99] : memref<40x128xi32, #tpu.memory_space<vmem>> -> memref<1x128xi32, #tpu.memory_space<vmem>>
          %dma_start3A_101 = tpu.memref_squeeze %dma_start3A_100 : memref<1x128xi32, #tpu.memory_space<vmem>> -> memref<128xi32, #tpu.memory_space<vmem>>
          %dma_start3A_102 = arith.constant 0 : i32
          %dma_start3A_103 = arith.constant 0 : i32
          %dma_start3A_104 = tpu.memref_slice %arg10[%dma_start3A_102, %dma_start3A_103] : memref<10240x128xf32, #tpu.memory_space<vmem_shared>> -> memref<10240x128xf32, #tpu.memory_space<vmem_shared>>
          tpu.enqueue_indirect_dma source(%arg8 : memref<128x128xf32, #tpu.memory_space<vmem>>) target(%dma_start3A_104 : memref<10240x128xf32, #tpu.memory_space<vmem_shared>>) offsets(%dma_start3A_101 : memref<128xi32, #tpu.memory_space<vmem>>) semaphore(%run_scoped3A : memref<!tpu.dma_semaphore, #tpu.memory_space<semaphore_mem>>) {add = true}
          %dma_wait3A_105 = arith.constant 0 : i32
          %dma_wait3A_106 = tpu.memref_slice %arg7[%add3A_88, %dma_wait3A_105] : memref<40x128xi32, #tpu.memory_space<vmem>> -> memref<1x128xi32, #tpu.memory_space<vmem>>
          %dma_wait3A_107 = tpu.memref_squeeze %dma_wait3A_106 : memref<1x128xi32, #tpu.memory_space<vmem>> -> memref<128xi32, #tpu.memory_space<vmem>>
          %dma_wait3A_108 = arith.constant 0 : i32
          %dma_wait3A_109 = arith.constant 0 : i32
          %dma_wait3A_110 = tpu.memref_slice %arg10[%dma_wait3A_108, %dma_wait3A_109] : memref<10240x128xf32, #tpu.memory_space<vmem_shared>> -> memref<10240x128xf32, #tpu.memory_space<vmem_shared>>
          tpu.wait_indirect_dma semaphore(%run_scoped3A : memref<!tpu.dma_semaphore, #tpu.memory_space<semaphore_mem>>) src(%arg8 : memref<128x128xf32, #tpu.memory_space<vmem>>) dst(%dma_wait3A_110 : memref<10240x128xf32, #tpu.memory_space<vmem_shared>>)
          tpu.yield
        }) : () -> ()
        %add3A_89 = arith.constant 1 : i32
        %add3A_90 = arith.addi %mul3A_64, %add3A_89 : i32
        %dma_wait3A_91 = arith.constant 0 : i32
        %dma_wait3A_92 = tpu.memref_slice %arg6[%add3A_90, %dma_wait3A_91] : memref<40x128xi32, #tpu.memory_space<vmem>> -> memref<1x128xi32, #tpu.memory_space<vmem>>
        %dma_wait3A_93 = tpu.memref_squeeze %dma_wait3A_92 : memref<1x128xi32, #tpu.memory_space<vmem>> -> memref<128xi32, #tpu.memory_space<vmem>>
        %dma_wait3A_94 = arith.constant 0 : i32
        %dma_wait3A_95 = arith.constant 0 : i32
        %dma_wait3A_96 = tpu.memref_slice %arg2[%dma_wait3A_94, %dma_wait3A_95] : memref<10000x128xf32, #tpu.memory_space<hbm>> -> memref<10000x128xf32, #tpu.memory_space<hbm>>
        tpu.wait_indirect_dma semaphore(%arg12 : memref<!tpu.dma_semaphore, #tpu.memory_space<semaphore_mem>>) src(%dma_wait3A_96 : memref<10000x128xf32, #tpu.memory_space<hbm>>) dst(%arg9 : memref<128x128xf32, #tpu.memory_space<vmem>>)
        %add3A_97 = arith.constant 1 : i32
        %add3A_98 = arith.addi %mul3A_64, %add3A_97 : i32
        "tpu.region"() ({
          %run_scoped3A = tpu.sem_alloc : memref<!tpu.dma_semaphore, #tpu.memory_space<semaphore_mem>>
          %dma_start3A_99 = arith.constant 0 : i32
          %dma_start3A_100 = tpu.memref_slice %arg7[%add3A_98, %dma_start3A_99] : memref<40x128xi32, #tpu.memory_space<vmem>> -> memref<1x128xi32, #tpu.memory_space<vmem>>
          %dma_start3A_101 = tpu.memref_squeeze %dma_start3A_100 : memref<1x128xi32, #tpu.memory_space<vmem>> -> memref<128xi32, #tpu.memory_space<vmem>>
          %dma_start3A_102 = arith.constant 0 : i32
          %dma_start3A_103 = arith.constant 0 : i32
          %dma_start3A_104 = tpu.memref_slice %arg10[%dma_start3A_102, %dma_start3A_103] : memref<10240x128xf32, #tpu.memory_space<vmem_shared>> -> memref<10240x128xf32, #tpu.memory_space<vmem_shared>>
          tpu.enqueue_indirect_dma source(%arg9 : memref<128x128xf32, #tpu.memory_space<vmem>>) target(%dma_start3A_104 : memref<10240x128xf32, #tpu.memory_space<vmem_shared>>) offsets(%dma_start3A_101 : memref<128xi32, #tpu.memory_space<vmem>>) semaphore(%run_scoped3A : memref<!tpu.dma_semaphore, #tpu.memory_space<semaphore_mem>>) {add = true}
          %dma_wait3A_105 = arith.constant 0 : i32
          %dma_wait3A_106 = tpu.memref_slice %arg7[%add3A_98, %dma_wait3A_105] : memref<40x128xi32, #tpu.memory_space<vmem>> -> memref<1x128xi32, #tpu.memory_space<vmem>>
          %dma_wait3A_107 = tpu.memref_squeeze %dma_wait3A_106 : memref<1x128xi32, #tpu.memory_space<vmem>> -> memref<128xi32, #tpu.memory_space<vmem>>
          %dma_wait3A_108 = arith.constant 0 : i32
          %dma_wait3A_109 = arith.constant 0 : i32
          %dma_wait3A_110 = tpu.memref_slice %arg10[%dma_wait3A_108, %dma_wait3A_109] : memref<10240x128xf32, #tpu.memory_space<vmem_shared>> -> memref<10240x128xf32, #tpu.memory_space<vmem_shared>>
          tpu.wait_indirect_dma semaphore(%run_scoped3A : memref<!tpu.dma_semaphore, #tpu.memory_space<semaphore_mem>>) src(%arg9 : memref<128x128xf32, #tpu.memory_space<vmem>>) dst(%dma_wait3A_110 : memref<10240x128xf32, #tpu.memory_space<vmem_shared>>)
          tpu.yield
        }) : () -> ()
      }
      %scan3A_43 = arith.constant 20 : i32
      %add3A_44 = arith.constant 40 : i32
      %add3A_45 = arith.addi %mul3A_35, %add3A_44 : i32
      %multiple_of3A_46 = tpu.assume_multiple %add3A_45, 8 : i32
      "tpu.region"() ({
        %run_scoped3A = tpu.sem_alloc : memref<!tpu.dma_semaphore, #tpu.memory_space<semaphore_mem>>
        %dma_start3A = arith.constant 0 : i32
        %dma_start3A_62 = tpu.memref_slice %arg3[%multiple_of3A_46, %dma_start3A] : memref<2592x128xi32, #tpu.memory_space<hbm>> -> memref<40x128xi32, #tpu.memory_space<hbm>>
        %dma_start3A_63 = arith.constant 0 : i32
        %dma_start3A_64 = tpu.memref_slice %arg3[%multiple_of3A_46, %dma_start3A_63] : memref<2592x128xi32, #tpu.memory_space<hbm>> -> memref<40x128xi32, #tpu.memory_space<hbm>>
        tpu.enqueue_dma source(%dma_start3A_64 : memref<40x128xi32, #tpu.memory_space<hbm>>) target(%arg6 : memref<40x128xi32, #tpu.memory_space<vmem>>) target_semaphore(%run_scoped3A : memref<!tpu.dma_semaphore, #tpu.memory_space<semaphore_mem>>)
        %dma_wait3A = arith.constant 0 : i32
        %dma_wait3A_65 = tpu.memref_slice %arg3[%multiple_of3A_46, %dma_wait3A] : memref<2592x128xi32, #tpu.memory_space<hbm>> -> memref<40x128xi32, #tpu.memory_space<hbm>>
        %dma_wait3A_66 = arith.constant 0 : i32
        %dma_wait3A_67 = tpu.memref_slice %arg3[%multiple_of3A_46, %dma_wait3A_66] : memref<2592x128xi32, #tpu.memory_space<hbm>> -> memref<40x128xi32, #tpu.memory_space<hbm>>
        tpu.wait_dma2 semaphore(%run_scoped3A : memref<!tpu.dma_semaphore, #tpu.memory_space<semaphore_mem>>) src(%dma_wait3A_67 : memref<40x128xi32, #tpu.memory_space<hbm>>) dst(%arg6 : memref<40x128xi32, #tpu.memory_space<vmem>>)
        tpu.yield
      }) : () -> ()
      "tpu.region"() ({
        %run_scoped3A = tpu.sem_alloc : memref<!tpu.dma_semaphore, #tpu.memory_space<semaphore_mem>>
        %dma_start3A = arith.constant 0 : i32
        %dma_start3A_62 = tpu.memref_slice %arg4[%multiple_of3A_46, %dma_start3A] : memref<2592x128xi32, #tpu.memory_space<hbm>> -> memref<40x128xi32, #tpu.memory_space<hbm>>
        %dma_start3A_63 = arith.constant 0 : i32
        %dma_start3A_64 = tpu.memref_slice %arg4[%multiple_of3A_46, %dma_start3A_63] : memref<2592x128xi32, #tpu.memory_space<hbm>> -> memref<40x128xi32, #tpu.memory_space<hbm>>
        tpu.enqueue_dma source(%dma_start3A_64 : memref<40x128xi32, #tpu.memory_space<hbm>>) target(%arg7 : memref<40x128xi32, #tpu.memory_space<vmem>>) target_semaphore(%run_scoped3A : memref<!tpu.dma_semaphore, #tpu.memory_space<semaphore_mem>>)
        %dma_wait3A = arith.constant 0 : i32
        %dma_wait3A_65 = tpu.memref_slice %arg4[%multiple_of3A_46, %dma_wait3A] : memref<2592x128xi32, #tpu.memory_space<hbm>> -> memref<40x128xi32, #tpu.memory_space<hbm>>
        %dma_wait3A_66 = arith.constant 0 : i32
        %dma_wait3A_67 = tpu.memref_slice %arg4[%multiple_of3A_46, %dma_wait3A_66] : memref<2592x128xi32, #tpu.memory_space<hbm>> -> memref<40x128xi32, #tpu.memory_space<hbm>>
        tpu.wait_dma2 semaphore(%run_scoped3A : memref<!tpu.dma_semaphore, #tpu.memory_space<semaphore_mem>>) src(%dma_wait3A_67 : memref<40x128xi32, #tpu.memory_space<hbm>>) dst(%arg7 : memref<40x128xi32, #tpu.memory_space<vmem>>)
        tpu.yield
      }) : () -> ()
      %scan3A_47 = arith.constant 0 : i32
      %scan3A_48 = arith.constant 0 : i32
      %scan3A_49 = arith.constant 20 : i32
      %scan3A_50 = arith.addi %scan3A_48, %scan3A_49 : i32
      %scan3A_51 = arith.constant 1 : i32
      scf.for %scan3A_62 = %scan3A_48 to %scan3A_50 step %scan3A_51  : i32 {
        %mul3A_63 = arith.constant 2 : i32
        %mul3A_64 = arith.muli %scan3A_62, %mul3A_63 : i32
        %add3A_65 = arith.constant 0 : i32
        %add3A_66 = arith.addi %mul3A_64, %add3A_65 : i32
        %dma_start3A = arith.constant 0 : i32
        %dma_start3A_67 = tpu.memref_slice %arg6[%add3A_66, %dma_start3A] : memref<40x128xi32, #tpu.memory_space<vmem>> -> memref<1x128xi32, #tpu.memory_space<vmem>>
        %dma_start3A_68 = tpu.memref_squeeze %dma_start3A_67 : memref<1x128xi32, #tpu.memory_space<vmem>> -> memref<128xi32, #tpu.memory_space<vmem>>
        %dma_start3A_69 = arith.constant 0 : i32
        %dma_start3A_70 = arith.constant 0 : i32
        %dma_start3A_71 = tpu.memref_slice %arg2[%dma_start3A_69, %dma_start3A_70] : memref<10000x128xf32, #tpu.memory_space<hbm>> -> memref<10000x128xf32, #tpu.memory_space<hbm>>
        tpu.enqueue_indirect_dma source(%dma_start3A_71 : memref<10000x128xf32, #tpu.memory_space<hbm>>) target(%arg8 : memref<128x128xf32, #tpu.memory_space<vmem>>) offsets(%dma_start3A_68 : memref<128xi32, #tpu.memory_space<vmem>>) semaphore(%arg11 : memref<!tpu.dma_semaphore, #tpu.memory_space<semaphore_mem>>)
        %add3A_72 = arith.constant 1 : i32
        %add3A_73 = arith.addi %mul3A_64, %add3A_72 : i32
        %dma_start3A_74 = arith.constant 0 : i32
        %dma_start3A_75 = tpu.memref_slice %arg6[%add3A_73, %dma_start3A_74] : memref<40x128xi32, #tpu.memory_space<vmem>> -> memref<1x128xi32, #tpu.memory_space<vmem>>
        %dma_start3A_76 = tpu.memref_squeeze %dma_start3A_75 : memref<1x128xi32, #tpu.memory_space<vmem>> -> memref<128xi32, #tpu.memory_space<vmem>>
        %dma_start3A_77 = arith.constant 0 : i32
        %dma_start3A_78 = arith.constant 0 : i32
        %dma_start3A_79 = tpu.memref_slice %arg2[%dma_start3A_77, %dma_start3A_78] : memref<10000x128xf32, #tpu.memory_space<hbm>> -> memref<10000x128xf32, #tpu.memory_space<hbm>>
        tpu.enqueue_indirect_dma source(%dma_start3A_79 : memref<10000x128xf32, #tpu.memory_space<hbm>>) target(%arg9 : memref<128x128xf32, #tpu.memory_space<vmem>>) offsets(%dma_start3A_76 : memref<128xi32, #tpu.memory_space<vmem>>) semaphore(%arg12 : memref<!tpu.dma_semaphore, #tpu.memory_space<semaphore_mem>>)
        %add3A_80 = arith.constant 0 : i32
        %add3A_81 = arith.addi %mul3A_64, %add3A_80 : i32
        %dma_wait3A = arith.constant 0 : i32
        %dma_wait3A_82 = tpu.memref_slice %arg6[%add3A_81, %dma_wait3A] : memref<40x128xi32, #tpu.memory_space<vmem>> -> memref<1x128xi32, #tpu.memory_space<vmem>>
        %dma_wait3A_83 = tpu.memref_squeeze %dma_wait3A_82 : memref<1x128xi32, #tpu.memory_space<vmem>> -> memref<128xi32, #tpu.memory_space<vmem>>
        %dma_wait3A_84 = arith.constant 0 : i32
        %dma_wait3A_85 = arith.constant 0 : i32
        %dma_wait3A_86 = tpu.memref_slice %arg2[%dma_wait3A_84, %dma_wait3A_85] : memref<10000x128xf32, #tpu.memory_space<hbm>> -> memref<10000x128xf32, #tpu.memory_space<hbm>>
        tpu.wait_indirect_dma semaphore(%arg11 : memref<!tpu.dma_semaphore, #tpu.memory_space<semaphore_mem>>) src(%dma_wait3A_86 : memref<10000x128xf32, #tpu.memory_space<hbm>>) dst(%arg8 : memref<128x128xf32, #tpu.memory_space<vmem>>)
        %add3A_87 = arith.constant 0 : i32
        %add3A_88 = arith.addi %mul3A_64, %add3A_87 : i32
        "tpu.region"() ({
          %run_scoped3A = tpu.sem_alloc : memref<!tpu.dma_semaphore, #tpu.memory_space<semaphore_mem>>
          %dma_start3A_99 = arith.constant 0 : i32
          %dma_start3A_100 = tpu.memref_slice %arg7[%add3A_88, %dma_start3A_99] : memref<40x128xi32, #tpu.memory_space<vmem>> -> memref<1x128xi32, #tpu.memory_space<vmem>>
          %dma_start3A_101 = tpu.memref_squeeze %dma_start3A_100 : memref<1x128xi32, #tpu.memory_space<vmem>> -> memref<128xi32, #tpu.memory_space<vmem>>
          %dma_start3A_102 = arith.constant 0 : i32
          %dma_start3A_103 = arith.constant 0 : i32
          %dma_start3A_104 = tpu.memref_slice %arg10[%dma_start3A_102, %dma_start3A_103] : memref<10240x128xf32, #tpu.memory_space<vmem_shared>> -> memref<10240x128xf32, #tpu.memory_space<vmem_shared>>
          tpu.enqueue_indirect_dma source(%arg8 : memref<128x128xf32, #tpu.memory_space<vmem>>) target(%dma_start3A_104 : memref<10240x128xf32, #tpu.memory_space<vmem_shared>>) offsets(%dma_start3A_101 : memref<128xi32, #tpu.memory_space<vmem>>) semaphore(%run_scoped3A : memref<!tpu.dma_semaphore, #tpu.memory_space<semaphore_mem>>) {add = true}
          %dma_wait3A_105 = arith.constant 0 : i32
          %dma_wait3A_106 = tpu.memref_slice %arg7[%add3A_88, %dma_wait3A_105] : memref<40x128xi32, #tpu.memory_space<vmem>> -> memref<1x128xi32, #tpu.memory_space<vmem>>
          %dma_wait3A_107 = tpu.memref_squeeze %dma_wait3A_106 : memref<1x128xi32, #tpu.memory_space<vmem>> -> memref<128xi32, #tpu.memory_space<vmem>>
          %dma_wait3A_108 = arith.constant 0 : i32
          %dma_wait3A_109 = arith.constant 0 : i32
          %dma_wait3A_110 = tpu.memref_slice %arg10[%dma_wait3A_108, %dma_wait3A_109] : memref<10240x128xf32, #tpu.memory_space<vmem_shared>> -> memref<10240x128xf32, #tpu.memory_space<vmem_shared>>
          tpu.wait_indirect_dma semaphore(%run_scoped3A : memref<!tpu.dma_semaphore, #tpu.memory_space<semaphore_mem>>) src(%arg8 : memref<128x128xf32, #tpu.memory_space<vmem>>) dst(%dma_wait3A_110 : memref<10240x128xf32, #tpu.memory_space<vmem_shared>>)
          tpu.yield
        }) : () -> ()
        %add3A_89 = arith.constant 1 : i32
        %add3A_90 = arith.addi %mul3A_64, %add3A_89 : i32
        %dma_wait3A_91 = arith.constant 0 : i32
        %dma_wait3A_92 = tpu.memref_slice %arg6[%add3A_90, %dma_wait3A_91] : memref<40x128xi32, #tpu.memory_space<vmem>> -> memref<1x128xi32, #tpu.memory_space<vmem>>
        %dma_wait3A_93 = tpu.memref_squeeze %dma_wait3A_92 : memref<1x128xi32, #tpu.memory_space<vmem>> -> memref<128xi32, #tpu.memory_space<vmem>>
        %dma_wait3A_94 = arith.constant 0 : i32
        %dma_wait3A_95 = arith.constant 0 : i32
        %dma_wait3A_96 = tpu.memref_slice %arg2[%dma_wait3A_94, %dma_wait3A_95] : memref<10000x128xf32, #tpu.memory_space<hbm>> -> memref<10000x128xf32, #tpu.memory_space<hbm>>
        tpu.wait_indirect_dma semaphore(%arg12 : memref<!tpu.dma_semaphore, #tpu.memory_space<semaphore_mem>>) src(%dma_wait3A_96 : memref<10000x128xf32, #tpu.memory_space<hbm>>) dst(%arg9 : memref<128x128xf32, #tpu.memory_space<vmem>>)
        %add3A_97 = arith.constant 1 : i32
        %add3A_98 = arith.addi %mul3A_64, %add3A_97 : i32
        "tpu.region"() ({
          %run_scoped3A = tpu.sem_alloc : memref<!tpu.dma_semaphore, #tpu.memory_space<semaphore_mem>>
          %dma_start3A_99 = arith.constant 0 : i32
          %dma_start3A_100 = tpu.memref_slice %arg7[%add3A_98, %dma_start3A_99] : memref<40x128xi32, #tpu.memory_space<vmem>> -> memref<1x128xi32, #tpu.memory_space<vmem>>
          %dma_start3A_101 = tpu.memref_squeeze %dma_start3A_100 : memref<1x128xi32, #tpu.memory_space<vmem>> -> memref<128xi32, #tpu.memory_space<vmem>>
          %dma_start3A_102 = arith.constant 0 : i32
          %dma_start3A_103 = arith.constant 0 : i32
          %dma_start3A_104 = tpu.memref_slice %arg10[%dma_start3A_102, %dma_start3A_103] : memref<10240x128xf32, #tpu.memory_space<vmem_shared>> -> memref<10240x128xf32, #tpu.memory_space<vmem_shared>>
          tpu.enqueue_indirect_dma source(%arg9 : memref<128x128xf32, #tpu.memory_space<vmem>>) target(%dma_start3A_104 : memref<10240x128xf32, #tpu.memory_space<vmem_shared>>) offsets(%dma_start3A_101 : memref<128xi32, #tpu.memory_space<vmem>>) semaphore(%run_scoped3A : memref<!tpu.dma_semaphore, #tpu.memory_space<semaphore_mem>>) {add = true}
          %dma_wait3A_105 = arith.constant 0 : i32
          %dma_wait3A_106 = tpu.memref_slice %arg7[%add3A_98, %dma_wait3A_105] : memref<40x128xi32, #tpu.memory_space<vmem>> -> memref<1x128xi32, #tpu.memory_space<vmem>>
          %dma_wait3A_107 = tpu.memref_squeeze %dma_wait3A_106 : memref<1x128xi32, #tpu.memory_space<vmem>> -> memref<128xi32, #tpu.memory_space<vmem>>
          %dma_wait3A_108 = arith.constant 0 : i32
          %dma_wait3A_109 = arith.constant 0 : i32
          %dma_wait3A_110 = tpu.memref_slice %arg10[%dma_wait3A_108, %dma_wait3A_109] : memref<10240x128xf32, #tpu.memory_space<vmem_shared>> -> memref<10240x128xf32, #tpu.memory_space<vmem_shared>>
          tpu.wait_indirect_dma semaphore(%run_scoped3A : memref<!tpu.dma_semaphore, #tpu.memory_space<semaphore_mem>>) src(%arg9 : memref<128x128xf32, #tpu.memory_space<vmem>>) dst(%dma_wait3A_110 : memref<10240x128xf32, #tpu.memory_space<vmem_shared>>)
          tpu.yield
        }) : () -> ()
      }
      %scan3A_52 = arith.constant 20 : i32
      %add3A_53 = arith.constant 80 : i32
      %add3A_54 = arith.addi %mul3A_35, %add3A_53 : i32
      %multiple_of3A_55 = tpu.assume_multiple %add3A_54, 8 : i32
      "tpu.region"() ({
        %run_scoped3A = tpu.sem_alloc : memref<!tpu.dma_semaphore, #tpu.memory_space<semaphore_mem>>
        %dma_start3A = arith.constant 0 : i32
        %dma_start3A_62 = tpu.memref_slice %arg3[%multiple_of3A_55, %dma_start3A] : memref<2592x128xi32, #tpu.memory_space<hbm>> -> memref<40x128xi32, #tpu.memory_space<hbm>>
        %dma_start3A_63 = arith.constant 0 : i32
        %dma_start3A_64 = tpu.memref_slice %arg3[%multiple_of3A_55, %dma_start3A_63] : memref<2592x128xi32, #tpu.memory_space<hbm>> -> memref<40x128xi32, #tpu.memory_space<hbm>>
        tpu.enqueue_dma source(%dma_start3A_64 : memref<40x128xi32, #tpu.memory_space<hbm>>) target(%arg6 : memref<40x128xi32, #tpu.memory_space<vmem>>) target_semaphore(%run_scoped3A : memref<!tpu.dma_semaphore, #tpu.memory_space<semaphore_mem>>)
        %dma_wait3A = arith.constant 0 : i32
        %dma_wait3A_65 = tpu.memref_slice %arg3[%multiple_of3A_55, %dma_wait3A] : memref<2592x128xi32, #tpu.memory_space<hbm>> -> memref<40x128xi32, #tpu.memory_space<hbm>>
        %dma_wait3A_66 = arith.constant 0 : i32
        %dma_wait3A_67 = tpu.memref_slice %arg3[%multiple_of3A_55, %dma_wait3A_66] : memref<2592x128xi32, #tpu.memory_space<hbm>> -> memref<40x128xi32, #tpu.memory_space<hbm>>
        tpu.wait_dma2 semaphore(%run_scoped3A : memref<!tpu.dma_semaphore, #tpu.memory_space<semaphore_mem>>) src(%dma_wait3A_67 : memref<40x128xi32, #tpu.memory_space<hbm>>) dst(%arg6 : memref<40x128xi32, #tpu.memory_space<vmem>>)
        tpu.yield
      }) : () -> ()
      "tpu.region"() ({
        %run_scoped3A = tpu.sem_alloc : memref<!tpu.dma_semaphore, #tpu.memory_space<semaphore_mem>>
        %dma_start3A = arith.constant 0 : i32
        %dma_start3A_62 = tpu.memref_slice %arg4[%multiple_of3A_55, %dma_start3A] : memref<2592x128xi32, #tpu.memory_space<hbm>> -> memref<40x128xi32, #tpu.memory_space<hbm>>
        %dma_start3A_63 = arith.constant 0 : i32
        %dma_start3A_64 = tpu.memref_slice %arg4[%multiple_of3A_55, %dma_start3A_63] : memref<2592x128xi32, #tpu.memory_space<hbm>> -> memref<40x128xi32, #tpu.memory_space<hbm>>
        tpu.enqueue_dma source(%dma_start3A_64 : memref<40x128xi32, #tpu.memory_space<hbm>>) target(%arg7 : memref<40x128xi32, #tpu.memory_space<vmem>>) target_semaphore(%run_scoped3A : memref<!tpu.dma_semaphore, #tpu.memory_space<semaphore_mem>>)
        %dma_wait3A = arith.constant 0 : i32
        %dma_wait3A_65 = tpu.memref_slice %arg4[%multiple_of3A_55, %dma_wait3A] : memref<2592x128xi32, #tpu.memory_space<hbm>> -> memref<40x128xi32, #tpu.memory_space<hbm>>
        %dma_wait3A_66 = arith.constant 0 : i32
        %dma_wait3A_67 = tpu.memref_slice %arg4[%multiple_of3A_55, %dma_wait3A_66] : memref<2592x128xi32, #tpu.memory_space<hbm>> -> memref<40x128xi32, #tpu.memory_space<hbm>>
        tpu.wait_dma2 semaphore(%run_scoped3A : memref<!tpu.dma_semaphore, #tpu.memory_space<semaphore_mem>>) src(%dma_wait3A_67 : memref<40x128xi32, #tpu.memory_space<hbm>>) dst(%arg7 : memref<40x128xi32, #tpu.memory_space<vmem>>)
        tpu.yield
      }) : () -> ()
      %scan3A_56 = arith.constant 0 : i32
      %scan3A_57 = arith.constant 0 : i32
      %scan3A_58 = arith.constant 20 : i32
      %scan3A_59 = arith.addi %scan3A_57, %scan3A_58 : i32
      %scan3A_60 = arith.constant 1 : i32
      scf.for %scan3A_62 = %scan3A_57 to %scan3A_59 step %scan3A_60  : i32 {
        %mul3A_63 = arith.constant 2 : i32
        %mul3A_64 = arith.muli %scan3A_62, %mul3A_63 : i32
        %add3A_65 = arith.constant 0 : i32
        %add3A_66 = arith.addi %mul3A_64, %add3A_65 : i32
        %dma_start3A = arith.constant 0 : i32
        %dma_start3A_67 = tpu.memref_slice %arg6[%add3A_66, %dma_start3A] : memref<40x128xi32, #tpu.memory_space<vmem>> -> memref<1x128xi32, #tpu.memory_space<vmem>>
        %dma_start3A_68 = tpu.memref_squeeze %dma_start3A_67 : memref<1x128xi32, #tpu.memory_space<vmem>> -> memref<128xi32, #tpu.memory_space<vmem>>
        %dma_start3A_69 = arith.constant 0 : i32
        %dma_start3A_70 = arith.constant 0 : i32
        %dma_start3A_71 = tpu.memref_slice %arg2[%dma_start3A_69, %dma_start3A_70] : memref<10000x128xf32, #tpu.memory_space<hbm>> -> memref<10000x128xf32, #tpu.memory_space<hbm>>
        tpu.enqueue_indirect_dma source(%dma_start3A_71 : memref<10000x128xf32, #tpu.memory_space<hbm>>) target(%arg8 : memref<128x128xf32, #tpu.memory_space<vmem>>) offsets(%dma_start3A_68 : memref<128xi32, #tpu.memory_space<vmem>>) semaphore(%arg11 : memref<!tpu.dma_semaphore, #tpu.memory_space<semaphore_mem>>)
        %add3A_72 = arith.constant 1 : i32
        %add3A_73 = arith.addi %mul3A_64, %add3A_72 : i32
        %dma_start3A_74 = arith.constant 0 : i32
        %dma_start3A_75 = tpu.memref_slice %arg6[%add3A_73, %dma_start3A_74] : memref<40x128xi32, #tpu.memory_space<vmem>> -> memref<1x128xi32, #tpu.memory_space<vmem>>
        %dma_start3A_76 = tpu.memref_squeeze %dma_start3A_75 : memref<1x128xi32, #tpu.memory_space<vmem>> -> memref<128xi32, #tpu.memory_space<vmem>>
        %dma_start3A_77 = arith.constant 0 : i32
        %dma_start3A_78 = arith.constant 0 : i32
        %dma_start3A_79 = tpu.memref_slice %arg2[%dma_start3A_77, %dma_start3A_78] : memref<10000x128xf32, #tpu.memory_space<hbm>> -> memref<10000x128xf32, #tpu.memory_space<hbm>>
        tpu.enqueue_indirect_dma source(%dma_start3A_79 : memref<10000x128xf32, #tpu.memory_space<hbm>>) target(%arg9 : memref<128x128xf32, #tpu.memory_space<vmem>>) offsets(%dma_start3A_76 : memref<128xi32, #tpu.memory_space<vmem>>) semaphore(%arg12 : memref<!tpu.dma_semaphore, #tpu.memory_space<semaphore_mem>>)
        %add3A_80 = arith.constant 0 : i32
        %add3A_81 = arith.addi %mul3A_64, %add3A_80 : i32
        %dma_wait3A = arith.constant 0 : i32
        %dma_wait3A_82 = tpu.memref_slice %arg6[%add3A_81, %dma_wait3A] : memref<40x128xi32, #tpu.memory_space<vmem>> -> memref<1x128xi32, #tpu.memory_space<vmem>>
        %dma_wait3A_83 = tpu.memref_squeeze %dma_wait3A_82 : memref<1x128xi32, #tpu.memory_space<vmem>> -> memref<128xi32, #tpu.memory_space<vmem>>
        %dma_wait3A_84 = arith.constant 0 : i32
        %dma_wait3A_85 = arith.constant 0 : i32
        %dma_wait3A_86 = tpu.memref_slice %arg2[%dma_wait3A_84, %dma_wait3A_85] : memref<10000x128xf32, #tpu.memory_space<hbm>> -> memref<10000x128xf32, #tpu.memory_space<hbm>>
        tpu.wait_indirect_dma semaphore(%arg11 : memref<!tpu.dma_semaphore, #tpu.memory_space<semaphore_mem>>) src(%dma_wait3A_86 : memref<10000x128xf32, #tpu.memory_space<hbm>>) dst(%arg8 : memref<128x128xf32, #tpu.memory_space<vmem>>)
        %add3A_87 = arith.constant 0 : i32
        %add3A_88 = arith.addi %mul3A_64, %add3A_87 : i32
        "tpu.region"() ({
          %run_scoped3A = tpu.sem_alloc : memref<!tpu.dma_semaphore, #tpu.memory_space<semaphore_mem>>
          %dma_start3A_99 = arith.constant 0 : i32
          %dma_start3A_100 = tpu.memref_slice %arg7[%add3A_88, %dma_start3A_99] : memref<40x128xi32, #tpu.memory_space<vmem>> -> memref<1x128xi32, #tpu.memory_space<vmem>>
          %dma_start3A_101 = tpu.memref_squeeze %dma_start3A_100 : memref<1x128xi32, #tpu.memory_space<vmem>> -> memref<128xi32, #tpu.memory_space<vmem>>
          %dma_start3A_102 = arith.constant 0 : i32
          %dma_start3A_103 = arith.constant 0 : i32
          %dma_start3A_104 = tpu.memref_slice %arg10[%dma_start3A_102, %dma_start3A_103] : memref<10240x128xf32, #tpu.memory_space<vmem_shared>> -> memref<10240x128xf32, #tpu.memory_space<vmem_shared>>
          tpu.enqueue_indirect_dma source(%arg8 : memref<128x128xf32, #tpu.memory_space<vmem>>) target(%dma_start3A_104 : memref<10240x128xf32, #tpu.memory_space<vmem_shared>>) offsets(%dma_start3A_101 : memref<128xi32, #tpu.memory_space<vmem>>) semaphore(%run_scoped3A : memref<!tpu.dma_semaphore, #tpu.memory_space<semaphore_mem>>) {add = true}
          %dma_wait3A_105 = arith.constant 0 : i32
          %dma_wait3A_106 = tpu.memref_slice %arg7[%add3A_88, %dma_wait3A_105] : memref<40x128xi32, #tpu.memory_space<vmem>> -> memref<1x128xi32, #tpu.memory_space<vmem>>
          %dma_wait3A_107 = tpu.memref_squeeze %dma_wait3A_106 : memref<1x128xi32, #tpu.memory_space<vmem>> -> memref<128xi32, #tpu.memory_space<vmem>>
          %dma_wait3A_108 = arith.constant 0 : i32
          %dma_wait3A_109 = arith.constant 0 : i32
          %dma_wait3A_110 = tpu.memref_slice %arg10[%dma_wait3A_108, %dma_wait3A_109] : memref<10240x128xf32, #tpu.memory_space<vmem_shared>> -> memref<10240x128xf32, #tpu.memory_space<vmem_shared>>
          tpu.wait_indirect_dma semaphore(%run_scoped3A : memref<!tpu.dma_semaphore, #tpu.memory_space<semaphore_mem>>) src(%arg8 : memref<128x128xf32, #tpu.memory_space<vmem>>) dst(%dma_wait3A_110 : memref<10240x128xf32, #tpu.memory_space<vmem_shared>>)
          tpu.yield
        }) : () -> ()
        %add3A_89 = arith.constant 1 : i32
        %add3A_90 = arith.addi %mul3A_64, %add3A_89 : i32
        %dma_wait3A_91 = arith.constant 0 : i32
        %dma_wait3A_92 = tpu.memref_slice %arg6[%add3A_90, %dma_wait3A_91] : memref<40x128xi32, #tpu.memory_space<vmem>> -> memref<1x128xi32, #tpu.memory_space<vmem>>
        %dma_wait3A_93 = tpu.memref_squeeze %dma_wait3A_92 : memref<1x128xi32, #tpu.memory_space<vmem>> -> memref<128xi32, #tpu.memory_space<vmem>>
        %dma_wait3A_94 = arith.constant 0 : i32
        %dma_wait3A_95 = arith.constant 0 : i32
        %dma_wait3A_96 = tpu.memref_slice %arg2[%dma_wait3A_94, %dma_wait3A_95] : memref<10000x128xf32, #tpu.memory_space<hbm>> -> memref<10000x128xf32, #tpu.memory_space<hbm>>
        tpu.wait_indirect_dma semaphore(%arg12 : memref<!tpu.dma_semaphore, #tpu.memory_space<semaphore_mem>>) src(%dma_wait3A_96 : memref<10000x128xf32, #tpu.memory_space<hbm>>) dst(%arg9 : memref<128x128xf32, #tpu.memory_space<vmem>>)
        %add3A_97 = arith.constant 1 : i32
        %add3A_98 = arith.addi %mul3A_64, %add3A_97 : i32
        "tpu.region"() ({
          %run_scoped3A = tpu.sem_alloc : memref<!tpu.dma_semaphore, #tpu.memory_space<semaphore_mem>>
          %dma_start3A_99 = arith.constant 0 : i32
          %dma_start3A_100 = tpu.memref_slice %arg7[%add3A_98, %dma_start3A_99] : memref<40x128xi32, #tpu.memory_space<vmem>> -> memref<1x128xi32, #tpu.memory_space<vmem>>
          %dma_start3A_101 = tpu.memref_squeeze %dma_start3A_100 : memref<1x128xi32, #tpu.memory_space<vmem>> -> memref<128xi32, #tpu.memory_space<vmem>>
          %dma_start3A_102 = arith.constant 0 : i32
          %dma_start3A_103 = arith.constant 0 : i32
          %dma_start3A_104 = tpu.memref_slice %arg10[%dma_start3A_102, %dma_start3A_103] : memref<10240x128xf32, #tpu.memory_space<vmem_shared>> -> memref<10240x128xf32, #tpu.memory_space<vmem_shared>>
          tpu.enqueue_indirect_dma source(%arg9 : memref<128x128xf32, #tpu.memory_space<vmem>>) target(%dma_start3A_104 : memref<10240x128xf32, #tpu.memory_space<vmem_shared>>) offsets(%dma_start3A_101 : memref<128xi32, #tpu.memory_space<vmem>>) semaphore(%run_scoped3A : memref<!tpu.dma_semaphore, #tpu.memory_space<semaphore_mem>>) {add = true}
          %dma_wait3A_105 = arith.constant 0 : i32
          %dma_wait3A_106 = tpu.memref_slice %arg7[%add3A_98, %dma_wait3A_105] : memref<40x128xi32, #tpu.memory_space<vmem>> -> memref<1x128xi32, #tpu.memory_space<vmem>>
          %dma_wait3A_107 = tpu.memref_squeeze %dma_wait3A_106 : memref<1x128xi32, #tpu.memory_space<vmem>> -> memref<128xi32, #tpu.memory_space<vmem>>
          %dma_wait3A_108 = arith.constant 0 : i32
          %dma_wait3A_109 = arith.constant 0 : i32
          %dma_wait3A_110 = tpu.memref_slice %arg10[%dma_wait3A_108, %dma_wait3A_109] : memref<10240x128xf32, #tpu.memory_space<vmem_shared>> -> memref<10240x128xf32, #tpu.memory_space<vmem_shared>>
          tpu.wait_indirect_dma semaphore(%run_scoped3A : memref<!tpu.dma_semaphore, #tpu.memory_space<semaphore_mem>>) src(%arg9 : memref<128x128xf32, #tpu.memory_space<vmem>>) dst(%dma_wait3A_110 : memref<10240x128xf32, #tpu.memory_space<vmem_shared>>)
          tpu.yield
        }) : () -> ()
      }
      %scan3A_61 = arith.constant 20 : i32
    } else {
    }
    %barrier3A_29 = arith.constant 0 : index
    tpu.barrier barrier_id(%barrier3A_29)
    %mul3A_30 = arith.constant 640 : i32
    %mul3A_31 = arith.muli %arg1, %mul3A_30 : i32
    %mul3A_32 = arith.constant 640 : i32
    %mul3A_33 = arith.muli %arg1, %mul3A_32 : i32
    "tpu.region"() ({
      %run_scoped3A = tpu.sem_alloc : memref<!tpu.dma_semaphore, #tpu.memory_space<semaphore_mem>>
      %dma_start3A = arith.constant 0 : i32
      %dma_start3A_34 = arith.constant 0 : i32
      %dma_start3A_35 = tpu.memref_slice %arg5[%arg0, %dma_start3A, %dma_start3A_34] : memref<2x10240x128xf32, #tpu.memory_space<hbm>> -> memref<1x10240x128xf32, #tpu.memory_space<hbm>>
      %dma_start3A_36 = tpu.memref_squeeze %dma_start3A_35 : memref<1x10240x128xf32, #tpu.memory_space<hbm>> -> memref<10240x128xf32, #tpu.memory_space<hbm>>
      %dma_start3A_37 = arith.constant 0 : i32
      %dma_start3A_38 = tpu.memref_slice %dma_start3A_36[%mul3A_33, %dma_start3A_37] : memref<10240x128xf32, #tpu.memory_space<hbm>> -> memref<640x128xf32, #tpu.memory_space<hbm>>
      %dma_start3A_39 = arith.constant 0 : i32
      %dma_start3A_40 = tpu.memref_slice %arg10[%mul3A_31, %dma_start3A_39] : memref<10240x128xf32, #tpu.memory_space<vmem_shared>> -> memref<640x128xf32, #tpu.memory_space<vmem_shared>>
      tpu.enqueue_dma source(%dma_start3A_40 : memref<640x128xf32, #tpu.memory_space<vmem_shared>>) target(%dma_start3A_38 : memref<640x128xf32, #tpu.memory_space<hbm>>) target_semaphore(%run_scoped3A : memref<!tpu.dma_semaphore, #tpu.memory_space<semaphore_mem>>)
      %dma_wait3A = arith.constant 0 : i32
      %dma_wait3A_41 = arith.constant 0 : i32
      %dma_wait3A_42 = tpu.memref_slice %arg5[%arg0, %dma_wait3A, %dma_wait3A_41] : memref<2x10240x128xf32, #tpu.memory_space<hbm>> -> memref<1x10240x128xf32, #tpu.memory_space<hbm>>
      %dma_wait3A_43 = tpu.memref_squeeze %dma_wait3A_42 : memref<1x10240x128xf32, #tpu.memory_space<hbm>> -> memref<10240x128xf32, #tpu.memory_space<hbm>>
      %dma_wait3A_44 = arith.constant 0 : i32
      %dma_wait3A_45 = tpu.memref_slice %dma_wait3A_43[%mul3A_33, %dma_wait3A_44] : memref<10240x128xf32, #tpu.memory_space<hbm>> -> memref<640x128xf32, #tpu.memory_space<hbm>>
      %dma_wait3A_46 = arith.constant 0 : i32
      %dma_wait3A_47 = tpu.memref_slice %arg10[%mul3A_31, %dma_wait3A_46] : memref<10240x128xf32, #tpu.memory_space<vmem_shared>> -> memref<640x128xf32, #tpu.memory_space<vmem_shared>>
      tpu.wait_dma2 semaphore(%run_scoped3A : memref<!tpu.dma_semaphore, #tpu.memory_space<semaphore_mem>>) src(%dma_wait3A_47 : memref<640x128xf32, #tpu.memory_space<vmem_shared>>) dst(%dma_wait3A_45 : memref<640x128xf32, #tpu.memory_space<hbm>>)
      tpu.yield
    }) : () -> ()
    return
  }
}

module attributes {stable_mosaic.version = 14 : i64} {
  func.func @_tcmm_body(%arg0: memref<10000x128xf32, #tpu.memory_space<vmem>>, %arg1: memref<128x128xf32, #tpu.memory_space<vmem>>, %arg2: memref<10000x128xf32, #tpu.memory_space<vmem>>) attributes {dimension_semantics = [], scalar_prefetch = 0 : i64, scratch_operands = 0 : i64, tpu.core_type = #tpu.core_type<tc>} {
    %get3A = arith.constant 0 : index
    %get3A_0 = arith.constant 0 : index
    %get3A_1 = vector.load %arg0[%get3A, %get3A_0] : memref<10000x128xf32, #tpu.memory_space<vmem>>, vector<10000x128xf32>
    %get3A_2 = arith.constant 0 : index
    %get3A_3 = arith.constant 0 : index
    %get3A_4 = vector.load %arg1[%get3A_2, %get3A_3] : memref<128x128xf32, #tpu.memory_space<vmem>>, vector<128x128xf32>
    %dot_general3A = arith.constant dense<0.000000e+00> : vector<10000x128xf32>
    %dot_general3A_5 = tpu.matmul %get3A_1, %get3A_4, %dot_general3A {dimension_numbers = #tpu.dot_dimension_numbers<[1], [0], [0], [1], [0, 0, 1, 1], [], []>, transpose_lhs_hint = false} : vector<10000x128xf32>, vector<128x128xf32>, vector<10000x128xf32> -> vector<10000x128xf32>
    %swap3A = arith.constant 0 : index
    %swap3A_6 = arith.constant 0 : index
    %swap3A_7 = vector.load %arg2[%swap3A, %swap3A_6] : memref<10000x128xf32, #tpu.memory_space<vmem>>, vector<10000x128xf32>
    tpu.vector_store %arg2[%swap3A, %swap3A_6], %dot_general3A_5 {strides = array<i32>} : memref<10000x128xf32, #tpu.memory_space<vmem>>, vector<10000x128xf32>,
    return
  }
}

module attributes {stable_mosaic.version = 14 : i64} {
  func.func @_tc1_body(%arg0: memref<10000x128xf32, #tpu.memory_space<vmem>>, %arg1: memref<10000x1xf32, #tpu.memory_space<vmem>>, %arg2: memref<10000x1xf32, #tpu.memory_space<vmem>>, %arg3: memref<10000x128xf32, #tpu.memory_space<vmem>>, %arg4: memref<10000x1xf32, #tpu.memory_space<vmem>>) attributes {dimension_semantics = [], scalar_prefetch = 0 : i64, scratch_operands = 0 : i64, tpu.core_type = #tpu.core_type<tc>} {
    %get3A = arith.constant 0 : index
    %get3A_0 = arith.constant 0 : index
    %get3A_1 = vector.load %arg1[%get3A, %get3A_0] : memref<10000x1xf32, #tpu.memory_space<vmem>>, vector<10000x1xf32>
    %get3A_2 = arith.constant 0 : index
    %get3A_3 = arith.constant 0 : index
    %get3A_4 = vector.load %arg2[%get3A_2, %get3A_3] : memref<10000x1xf32, #tpu.memory_space<vmem>>, vector<10000x1xf32>
    %add3A = arith.addf %get3A_1, %get3A_4 : vector<10000x1xf32>
    %add3A_5 = arith.constant 1.000000e+00 : f32
    %add3A_6 = vector.broadcast %add3A_5 : f32 to vector<10000x1xf32>
    %add3A_7 = arith.addf %add3A, %add3A_6 : vector<10000x1xf32>
    %rsqrt3A = math.rsqrt %add3A_7 : vector<10000x1xf32>
    %swap3A = arith.constant 0 : index
    %swap3A_8 = arith.constant 0 : index
    %swap3A_9 = vector.load %arg4[%swap3A, %swap3A_8] : memref<10000x1xf32, #tpu.memory_space<vmem>>, vector<10000x1xf32>
    tpu.vector_store %arg4[%swap3A, %swap3A_8], %rsqrt3A {strides = array<i32>} : memref<10000x1xf32, #tpu.memory_space<vmem>>, vector<10000x1xf32>,
    %get3A_10 = arith.constant 0 : index
    %get3A_11 = arith.constant 0 : index
    %get3A_12 = vector.load %arg0[%get3A_10, %get3A_11] : memref<10000x128xf32, #tpu.memory_space<vmem>>, vector<10000x128xf32>
    %mul3A = vector.broadcast %rsqrt3A : vector<10000x1xf32> to vector<10000x128xf32>
    %mul3A_13 = arith.mulf %get3A_12, %mul3A : vector<10000x128xf32>
    %swap3A_14 = arith.constant 0 : index
    %swap3A_15 = arith.constant 0 : index
    %swap3A_16 = vector.load %arg3[%swap3A_14, %swap3A_15] : memref<10000x128xf32, #tpu.memory_space<vmem>>, vector<10000x128xf32>
    tpu.vector_store %arg3[%swap3A_14, %swap3A_15], %mul3A_13 {strides = array<i32>} : memref<10000x128xf32, #tpu.memory_space<vmem>>, vector<10000x128xf32>,
    return
  }
}

module attributes {stable_mosaic.version = 14 : i64} {
  func.func @_tcmid_body(%arg0: memref<10000x128xf32, #tpu.memory_space<vmem>>, %arg1: memref<10000x128xf32, #tpu.memory_space<vmem>>, %arg2: memref<10000x128xf32, #tpu.memory_space<vmem>>, %arg3: memref<10000x1xf32, #tpu.memory_space<vmem>>, %arg4: memref<1x128xf32, #tpu.memory_space<vmem>>, %arg5: memref<1x128xf32, #tpu.memory_space<vmem>>, %arg6: memref<1x128xf32, #tpu.memory_space<vmem>>, %arg7: memref<128x128xf32, #tpu.memory_space<vmem>>, %arg8: memref<10000x128xf32, #tpu.memory_space<vmem>>) attributes {dimension_semantics = [], scalar_prefetch = 0 : i64, scratch_operands = 0 : i64, tpu.core_type = #tpu.core_type<tc>} {
    %get3A = arith.constant 0 : index
    %get3A_0 = arith.constant 0 : index
    %get3A_1 = vector.load %arg3[%get3A, %get3A_0] : memref<10000x1xf32, #tpu.memory_space<vmem>>, vector<10000x1xf32>
    %get3A_2 = arith.constant 0 : index
    %get3A_3 = arith.constant 0 : index
    %get3A_4 = vector.load %arg0[%get3A_2, %get3A_3] : memref<10000x128xf32, #tpu.memory_space<vmem>>, vector<10000x128xf32>
    %get3A_5 = arith.constant 0 : index
    %get3A_6 = arith.constant 0 : index
    %get3A_7 = vector.load %arg1[%get3A_5, %get3A_6] : memref<10000x128xf32, #tpu.memory_space<vmem>>, vector<10000x128xf32>
    %add3A = arith.addf %get3A_4, %get3A_7 : vector<10000x128xf32>
    %get3A_8 = arith.constant 0 : index
    %get3A_9 = arith.constant 0 : index
    %get3A_10 = vector.load %arg2[%get3A_8, %get3A_9] : memref<10000x128xf32, #tpu.memory_space<vmem>>, vector<10000x128xf32>
    %add3A_11 = arith.addf %add3A, %get3A_10 : vector<10000x128xf32>
    %mul3A = vector.broadcast %get3A_1 : vector<10000x1xf32> to vector<10000x128xf32>
    %mul3A_12 = arith.mulf %mul3A, %add3A_11 : vector<10000x128xf32>
    %get3A_13 = arith.constant 0 : index
    %get3A_14 = arith.constant 0 : index
    %get3A_15 = vector.load %arg4[%get3A_13, %get3A_14] : memref<1x128xf32, #tpu.memory_space<vmem>>, vector<1x128xf32>
    %add3A_16 = vector.broadcast %get3A_15 : vector<1x128xf32> to vector<10000x128xf32>
    %add3A_17 = arith.addf %mul3A_12, %add3A_16 : vector<10000x128xf32>
    %max3A = arith.constant 0.000000e+00 : f32
    %max3A_18 = vector.broadcast %max3A : f32 to vector<10000x128xf32>
    %max3A_19 = arith.maximumf %add3A_17, %max3A_18 : vector<10000x128xf32>
    %reduce_sum3A = arith.constant dense<0.000000e+00> : vector<128xf32>
    %reduce_sum3A_20 = vector.multi_reduction <add>, %max3A_19, %reduce_sum3A [0] : vector<10000x128xf32> to vector<128xf32>
    %broadcast_in_dim3A = vector.shape_cast %reduce_sum3A_20 : vector<128xf32> to vector<1x128xf32>
    %div3A = arith.constant 1.000000e+04 : f32
    %div3A_21 = vector.broadcast %div3A : f32 to vector<1x128xf32>
    %div3A_22 = arith.divf %broadcast_in_dim3A, %div3A_21 : vector<1x128xf32>
    %sub3A = vector.broadcast %div3A_22 : vector<1x128xf32> to vector<10000x128xf32>
    %sub3A_23 = arith.subf %max3A_19, %sub3A : vector<10000x128xf32>
    %integer_pow3A = arith.mulf %sub3A_23, %sub3A_23 : vector<10000x128xf32>
    %reduce_sum3A_24 = arith.constant dense<0.000000e+00> : vector<128xf32>
    %reduce_sum3A_25 = vector.multi_reduction <add>, %integer_pow3A, %reduce_sum3A_24 [0] : vector<10000x128xf32> to vector<128xf32>
    %broadcast_in_dim3A_26 = vector.shape_cast %reduce_sum3A_25 : vector<128xf32> to vector<1x128xf32>
    %div3A_27 = arith.constant 1.000000e+04 : f32
    %div3A_28 = vector.broadcast %div3A_27 : f32 to vector<1x128xf32>
    %div3A_29 = arith.divf %broadcast_in_dim3A_26, %div3A_28 : vector<1x128xf32>
    %sub3A_30 = vector.broadcast %div3A_22 : vector<1x128xf32> to vector<10000x128xf32>
    %sub3A_31 = arith.subf %max3A_19, %sub3A_30 : vector<10000x128xf32>
    %add3A_32 = arith.constant 9.99999974E-6 : f32
    %add3A_33 = vector.broadcast %add3A_32 : f32 to vector<1x128xf32>
    %add3A_34 = arith.addf %div3A_29, %add3A_33 : vector<1x128xf32>
    %rsqrt3A = math.rsqrt %add3A_34 : vector<1x128xf32>
    %mul3A_35 = vector.broadcast %rsqrt3A : vector<1x128xf32> to vector<10000x128xf32>
    %mul3A_36 = arith.mulf %sub3A_31, %mul3A_35 : vector<10000x128xf32>
    %get3A_37 = arith.constant 0 : index
    %get3A_38 = arith.constant 0 : index
    %get3A_39 = vector.load %arg5[%get3A_37, %get3A_38] : memref<1x128xf32, #tpu.memory_space<vmem>>, vector<1x128xf32>
    %mul3A_40 = vector.broadcast %get3A_39 : vector<1x128xf32> to vector<10000x128xf32>
    %mul3A_41 = arith.mulf %mul3A_36, %mul3A_40 : vector<10000x128xf32>
    %get3A_42 = arith.constant 0 : index
    %get3A_43 = arith.constant 0 : index
    %get3A_44 = vector.load %arg6[%get3A_42, %get3A_43] : memref<1x128xf32, #tpu.memory_space<vmem>>, vector<1x128xf32>
    %add3A_45 = vector.broadcast %get3A_44 : vector<1x128xf32> to vector<10000x128xf32>
    %add3A_46 = arith.addf %mul3A_41, %add3A_45 : vector<10000x128xf32>
    %get3A_47 = arith.constant 0 : index
    %get3A_48 = arith.constant 0 : index
    %get3A_49 = vector.load %arg7[%get3A_47, %get3A_48] : memref<128x128xf32, #tpu.memory_space<vmem>>, vector<128x128xf32>
    %dot_general3A = arith.constant dense<0.000000e+00> : vector<10000x128xf32>
    %dot_general3A_50 = tpu.matmul %add3A_46, %get3A_49, %dot_general3A {dimension_numbers = #tpu.dot_dimension_numbers<[1], [0], [0], [1], [0, 0, 1, 1], [], []>, transpose_lhs_hint = false} : vector<10000x128xf32>, vector<128x128xf32>, vector<10000x128xf32> -> vector<10000x128xf32>
    %mul3A_51 = vector.broadcast %get3A_1 : vector<10000x1xf32> to vector<10000x128xf32>
    %mul3A_52 = arith.mulf %dot_general3A_50, %mul3A_51 : vector<10000x128xf32>
    %swap3A = arith.constant 0 : index
    %swap3A_53 = arith.constant 0 : index
    %swap3A_54 = vector.load %arg8[%swap3A, %swap3A_53] : memref<10000x128xf32, #tpu.memory_space<vmem>>, vector<10000x128xf32>
    tpu.vector_store %arg8[%swap3A, %swap3A_53], %mul3A_52 {strides = array<i32>} : memref<10000x128xf32, #tpu.memory_space<vmem>>, vector<10000x128xf32>,
    return
  }
}

module attributes {stable_mosaic.version = 14 : i64} {
  func.func @_tcfin_body(%arg0: memref<10000x128xf32, #tpu.memory_space<vmem>>, %arg1: memref<10000x128xf32, #tpu.memory_space<vmem>>, %arg2: memref<10000x128xf32, #tpu.memory_space<vmem>>, %arg3: memref<10000x1xf32, #tpu.memory_space<vmem>>, %arg4: memref<1x128xf32, #tpu.memory_space<vmem>>, %arg5: memref<1x128xf32, #tpu.memory_space<vmem>>, %arg6: memref<1x128xf32, #tpu.memory_space<vmem>>, %arg7: memref<128x2xf32, #tpu.memory_space<vmem>>, %arg8: memref<1x2xf32, #tpu.memory_space<vmem>>, %arg9: memref<10000x2xf32, #tpu.memory_space<vmem>>) attributes {dimension_semantics = [], scalar_prefetch = 0 : i64, scratch_operands = 0 : i64, tpu.core_type = #tpu.core_type<tc>} {
    %get3A = arith.constant 0 : index
    %get3A_0 = arith.constant 0 : index
    %get3A_1 = vector.load %arg3[%get3A, %get3A_0] : memref<10000x1xf32, #tpu.memory_space<vmem>>, vector<10000x1xf32>
    %get3A_2 = arith.constant 0 : index
    %get3A_3 = arith.constant 0 : index
    %get3A_4 = vector.load %arg0[%get3A_2, %get3A_3] : memref<10000x128xf32, #tpu.memory_space<vmem>>, vector<10000x128xf32>
    %get3A_5 = arith.constant 0 : index
    %get3A_6 = arith.constant 0 : index
    %get3A_7 = vector.load %arg1[%get3A_5, %get3A_6] : memref<10000x128xf32, #tpu.memory_space<vmem>>, vector<10000x128xf32>
    %add3A = arith.addf %get3A_4, %get3A_7 : vector<10000x128xf32>
    %get3A_8 = arith.constant 0 : index
    %get3A_9 = arith.constant 0 : index
    %get3A_10 = vector.load %arg2[%get3A_8, %get3A_9] : memref<10000x128xf32, #tpu.memory_space<vmem>>, vector<10000x128xf32>
    %add3A_11 = arith.addf %add3A, %get3A_10 : vector<10000x128xf32>
    %mul3A = vector.broadcast %get3A_1 : vector<10000x1xf32> to vector<10000x128xf32>
    %mul3A_12 = arith.mulf %mul3A, %add3A_11 : vector<10000x128xf32>
    %get3A_13 = arith.constant 0 : index
    %get3A_14 = arith.constant 0 : index
    %get3A_15 = vector.load %arg4[%get3A_13, %get3A_14] : memref<1x128xf32, #tpu.memory_space<vmem>>, vector<1x128xf32>
    %add3A_16 = vector.broadcast %get3A_15 : vector<1x128xf32> to vector<10000x128xf32>
    %add3A_17 = arith.addf %mul3A_12, %add3A_16 : vector<10000x128xf32>
    %max3A = arith.constant 0.000000e+00 : f32
    %max3A_18 = vector.broadcast %max3A : f32 to vector<10000x128xf32>
    %max3A_19 = arith.maximumf %add3A_17, %max3A_18 : vector<10000x128xf32>
    %reduce_sum3A = arith.constant dense<0.000000e+00> : vector<128xf32>
    %reduce_sum3A_20 = vector.multi_reduction <add>, %max3A_19, %reduce_sum3A [0] : vector<10000x128xf32> to vector<128xf32>
    %broadcast_in_dim3A = vector.shape_cast %reduce_sum3A_20 : vector<128xf32> to vector<1x128xf32>
    %div3A = arith.constant 1.000000e+04 : f32
    %div3A_21 = vector.broadcast %div3A : f32 to vector<1x128xf32>
    %div3A_22 = arith.divf %broadcast_in_dim3A, %div3A_21 : vector<1x128xf32>
    %sub3A = vector.broadcast %div3A_22 : vector<1x128xf32> to vector<10000x128xf32>
    %sub3A_23 = arith.subf %max3A_19, %sub3A : vector<10000x128xf32>
    %integer_pow3A = arith.mulf %sub3A_23, %sub3A_23 : vector<10000x128xf32>
    %reduce_sum3A_24 = arith.constant dense<0.000000e+00> : vector<128xf32>
    %reduce_sum3A_25 = vector.multi_reduction <add>, %integer_pow3A, %reduce_sum3A_24 [0] : vector<10000x128xf32> to vector<128xf32>
    %broadcast_in_dim3A_26 = vector.shape_cast %reduce_sum3A_25 : vector<128xf32> to vector<1x128xf32>
    %div3A_27 = arith.constant 1.000000e+04 : f32
    %div3A_28 = vector.broadcast %div3A_27 : f32 to vector<1x128xf32>
    %div3A_29 = arith.divf %broadcast_in_dim3A_26, %div3A_28 : vector<1x128xf32>
    %sub3A_30 = vector.broadcast %div3A_22 : vector<1x128xf32> to vector<10000x128xf32>
    %sub3A_31 = arith.subf %max3A_19, %sub3A_30 : vector<10000x128xf32>
    %add3A_32 = arith.constant 9.99999974E-6 : f32
    %add3A_33 = vector.broadcast %add3A_32 : f32 to vector<1x128xf32>
    %add3A_34 = arith.addf %div3A_29, %add3A_33 : vector<1x128xf32>
    %rsqrt3A = math.rsqrt %add3A_34 : vector<1x128xf32>
    %mul3A_35 = vector.broadcast %rsqrt3A : vector<1x128xf32> to vector<10000x128xf32>
    %mul3A_36 = arith.mulf %sub3A_31, %mul3A_35 : vector<10000x128xf32>
    %get3A_37 = arith.constant 0 : index
    %get3A_38 = arith.constant 0 : index
    %get3A_39 = vector.load %arg5[%get3A_37, %get3A_38] : memref<1x128xf32, #tpu.memory_space<vmem>>, vector<1x128xf32>
    %mul3A_40 = vector.broadcast %get3A_39 : vector<1x128xf32> to vector<10000x128xf32>
    %mul3A_41 = arith.mulf %mul3A_36, %mul3A_40 : vector<10000x128xf32>
    %get3A_42 = arith.constant 0 : index
    %get3A_43 = arith.constant 0 : index
    %get3A_44 = vector.load %arg6[%get3A_42, %get3A_43] : memref<1x128xf32, #tpu.memory_space<vmem>>, vector<1x128xf32>
    %add3A_45 = vector.broadcast %get3A_44 : vector<1x128xf32> to vector<10000x128xf32>
    %add3A_46 = arith.addf %mul3A_41, %add3A_45 : vector<10000x128xf32>
    %get3A_47 = arith.constant 0 : index
    %get3A_48 = arith.constant 0 : index
    %get3A_49 = vector.load %arg7[%get3A_47, %get3A_48] : memref<128x2xf32, #tpu.memory_space<vmem>>, vector<128x2xf32>
    %dot_general3A = arith.constant dense<0.000000e+00> : vector<10000x2xf32>
    %dot_general3A_50 = tpu.matmul %add3A_46, %get3A_49, %dot_general3A {dimension_numbers = #tpu.dot_dimension_numbers<[1], [0], [0], [1], [0, 0, 1, 1], [], []>, transpose_lhs_hint = false} : vector<10000x128xf32>, vector<128x2xf32>, vector<10000x2xf32> -> vector<10000x2xf32>
    %get3A_51 = arith.constant 0 : index
    %get3A_52 = arith.constant 0 : index
    %get3A_53 = vector.load %arg8[%get3A_51, %get3A_52] : memref<1x2xf32, #tpu.memory_space<vmem>>, vector<1x2xf32>
    %add3A_54 = vector.broadcast %get3A_53 : vector<1x2xf32> to vector<10000x2xf32>
    %add3A_55 = arith.addf %dot_general3A_50, %add3A_54 : vector<10000x2xf32>
    %swap3A = arith.constant 0 : index
    %swap3A_56 = arith.constant 0 : index
    %swap3A_57 = vector.load %arg9[%swap3A, %swap3A_56] : memref<10000x2xf32, #tpu.memory_space<vmem>>, vector<10000x2xf32>
    tpu.vector_store %arg9[%swap3A, %swap3A_56], %add3A_55 {strides = array<i32>} : memref<10000x2xf32, #tpu.memory_space<vmem>>, vector<10000x2xf32>,
    return
  }
}

</mosaic_0001>

<sc_bundles>
// kernel: kernel.11.cloned.1.call-start
scs
__scs_entry_jumppad:
0x0: {  	(pc) =	sbr.rel $0x88, $3  }
0x1: {  	(tag) =	ssettag $0x0;
	lr =	simm.s32 $0x1  }
0x2: {  	[smem:$0x3F91] =	sst lr;
	_ =	strace $0xD0000000  }
0x3: {  	_ = 	snop  }
0x4: {  	_ = 	snop  }
0x5: {  	_ = 	snop  }
0x6: {  	_ = 	snop  }
0x7: {  	_ = 	snop  }
__scs_overlays_trampoline_lowered:
0x8: {  	[smem:$0x3FA0] =	sst s0  }
0x9: {  	[smem:$0x3FA1] =	sst s1  }
0xa: {  	[smem:$0x3FA2] =	sst s2  }
0xb: {  	[smem:$0x3FA3] =	sst s3  }
0xc: {  	[smem:$0x3FA4] =	sst s4  }
0xd: {  	[smem:$0x3FA5] =	sst s5  }
0xe: {  	[smem:$0x3FA6] =	sst s6  }
0xf: {  	[smem:$0x3FA7] =	sst s7  }
0x10: {  	[smem:$0x3FA8] =	sst s8  }
0x11: {  	[smem:$0x3FA9] =	sst s9;
	s0 =	simm.s32 @!p0 $0x0  }
0x12: {  	s1 =	sld [smem:$0x3F8F];
	s0 =	simm.s32 @p0 $0x1  }
0x13: {  	[smem:$0x3FAA] =	sst s0;
	s0 =	simm.s32 @!p1 $0x0  }
0x14: {  	s2 =	sld [smem:$0x3F8E];
	s0 =	simm.s32 @p1 $0x1  }
0x15: {  	[smem:$0x3FAB] =	sst s0;
	s0 =	simm.s32 @!p2 $0x0  }
0x16: {  	s3 =	sld [smem:$0x3FDB];
	s0 =	simm.s32 @p2 $0x1  }
0x17: {  	s4 =	simm.s32 $0x1BF5;
	[smem:$0x3FAD] =	sst s0  }
0x18: {  	s0 =	sld [smem:$0x3F90];
	_ =	swait.ge [sflag:s4], $0x0  }
0x19: {  	s7 =	sld [smem:$0x3F91]  }
0x1a: {  	s8 =	sadd.s32 $0xFFFFE003, lr  }
0x1b: {  	s9 =	sadd.s32 $0xFFFFFEF7, lr;
	s5 =	simm.s32 $0xFFFFFFFF;
	p2 =	slt.u32 s8, $0xFFFFF086  }
0x1c: {  	p1 =	slt.u32 s9, $0xF7A;
	s5 =	simm.s32 @!p2 $0x0  }
0x1d: {  	s5 =	simm.s32 @p1 $0x1;
	p0 =	seq.s32 s7, s2  }
0x1e: {  	s7 =	smul.u32 @!p0 $0xF7A, s2;
	p2 =	seq.s32 @!p0 s5, $0x0  }
0x1f: {  	s9 =	smul.u32 $0xF7A, s1;
	s8 =	simm.s32 @!p0 $0x1BF5;
	p2 =	por !p2, p0  }
0x20: {  	[sflag:s8] =	ssyncset.s32 @!p0 $0xFFFFF086;
	s6 =	sadd.s32 @!p0 s3, s7;
	s7 =	simm.s32 @!p0 $0x108  }
0x21: {  	s3 =	sadd.s32 s3, s9;
	s6 =	sadd.s32 @!p0 $0x88, s6;
	s7 =	simm.s32 @p2 $0x1082  }
0x22: {  	[simem:s7], [sflag:s8] =	dma.local @!p0 [hbm:s6], $0xF7A  }
0x23: {  	s9 =	sor.u32 $0xD0000000, s2;
	s6 =	simm.s32 $0x108;
	_ =	swait.ge @!p0 [sflag:s8], $0x0  }
0x24: {  	s3 =	sadd.s32 $0x88, s3;
	s6 =	simm.s32 @!p1 $0x1082;
	[sflag:s4] =	ssyncset.s32 $0xFFFFF086  }
0x25: {  	[simem:s6], [sflag:s4] =	dma.local [hbm:s3], $0xF7A  }
0x26: {  	[smem:$0x3F91] =	sst s1;
	(tag) =	ssettag s2;
	_ =	strace s9  }
0x27: {  	s1 =	sld [smem:$0x3FA1]  }
0x28: {  	s2 =	sld [smem:$0x3FA2]  }
0x29: {  	s4 =	sld [smem:$0x3FA4]  }
0x2a: {  	p0 =	seq.s32 s5, $0x0;
	s5 =	sld [smem:$0x3FA5]  }
0x2b: {  	s6 =	sld [smem:$0x3FA6]  }
0x2c: {  	s7 =	sld [smem:$0x3FA7]  }
0x2d: {  	s3 =	simm.s32 $0x108;
	s8 =	sld [smem:$0x3FA8]  }
0x2e: {  	s3 =	simm.s32 @!p0 $0x1082;
	s9 =	sld [smem:$0x3FA9]  }
0x2f: {  	lr =	sadd.s32 s0, s3;
	s0 =	sld [smem:$0x3FA0]  }
0x30: {  	s3 =	sld [smem:$0x3FA3]  }
0x31: {  	[smem:$0x3FAC] =	sst s10  }
0x32: {  	s10 =	sld [smem:$0x3FAA];
	_ =	sdelay $0x3  }
0x33: {  	p0 =	seq.s32 s10, $0x1;
	s10 =	sld [smem:$0x3FAC];
	_ =	sdelay $0x3  }
0x34: {  	[smem:$0x3FAC] =	sst s10  }
0x35: {  	s10 =	sld [smem:$0x3FAB];
	_ =	sdelay $0x3  }
0x36: {  	p1 =	seq.s32 s10, $0x1;
	s10 =	sld [smem:$0x3FAC];
	_ =	sdelay $0x3  }
0x37: {  	[smem:$0x3FAC] =	sst s10  }
0x38: {  	s10 =	sld [smem:$0x3FAD]  }
0x39: {  	_ = 	snop;
	(pc) =	sbr.ind lr, $3  }
0x3a: {  	_ = 	snop  }
0x3b: {  	_ = 	snop  }
0x3c: {  	p2 =	seq.s32 s10, $0x1;
	s10 =	sld [smem:$0x3FAC]  }
0x3d: {  	_ =	shalt  }
0x3e: {  	_ =	shalt  }
0x3f: {  	_ =	shalt  }
0x40: {  	_ =	shalt  }
0x41: {  	_ =	shalt  }
0x42: {  	_ =	shalt  }
0x43: {  	_ =	shalt  }
0x44: {  	_ =	shalt  }
0x45: {  	_ =	shalt  }
0x46: {  	_ =	shalt  }
0x47: {  	_ =	shalt  }
0x48: {  	_ =	shalt  }
0x49: {  	_ =	shalt  }
0x4a: {  	_ =	shalt  }
0x4b: {  	_ =	shalt  }
0x4c: {  	_ =	shalt  }
0x4d: {  	_ =	shalt  }
0x4e: {  	_ =	shalt  }
0x4f: {  	_ =	shalt  }
0x50: {  	_ =	shalt  }
0x51: {  	_ =	shalt  }
0x52: {  	_ =	shalt  }
0x53: {  	_ =	shalt  }
0x54: {  	_ =	shalt  }
0x55: {  	_ =	shalt  }
0x56: {  	_ =	shalt  }
0x57: {  	_ =	shalt  }
0x58: {  	_ =	shalt  }
0x59: {  	_ =	shalt  }
0x5a: {  	_ =	shalt  }
0x5b: {  	_ =	shalt  }
0x5c: {  	_ =	shalt  }
0x5d: {  	_ =	shalt  }
0x5e: {  	_ =	shalt  }
0x5f: {  	_ =	shalt  }
0x60: {  	_ =	shalt  }
0x61: {  	_ =	shalt  }
0x62: {  	_ =	shalt  }
0x63: {  	_ =	shalt  }
0x64: {  	_ =	shalt  }
0x65: {  	_ =	shalt  }
0x66: {  	_ =	shalt  }
0x67: {  	_ =	shalt  }
0x68: {  	_ =	shalt  }
0x69: {  	_ =	shalt  }
0x6a: {  	_ =	shalt  }
0x6b: {  	_ =	shalt  }
0x6c: {  	_ =	shalt  }
0x6d: {  	_ =	shalt  }
0x6e: {  	_ =	shalt  }
0x6f: {  	_ =	shalt  }
0x70: {  	_ =	shalt  }
0x71: {  	_ =	shalt  }
0x72: {  	_ =	shalt  }
0x73: {  	_ =	shalt  }
0x74: {  	_ =	shalt  }
0x75: {  	_ =	shalt  }
0x76: {  	_ =	shalt  }
0x77: {  	_ =	shalt  }
0x78: {  	_ =	shalt  }
0x79: {  	_ =	shalt  }
0x7a: {  	_ =	shalt  }
0x7b: {  	_ =	shalt  }
0x7c: {  	_ =	shalt  }
0x7d: {  	_ =	shalt  }
0x7e: {  	_ =	shalt  }
0x7f: {  	_ =	shalt  }
0x80: {  	_ =	shalt  }
0x81: {  	_ =	shalt  }
0x82: {  	_ =	shalt  }
0x83: {  	_ =	shalt  }
0x84: {  	_ =	shalt  }
0x85: {  	_ =	shalt  }
0x86: {  	_ =	shalt  }
0x87: {  	_ =	shalt  }
.Lfunc_end0:
.L_simem_size_0:
called_computation_lowered:
.L_overlay_start_0:
0x88: {  	s2 =	sld [smem:$0x3FD9]  }
0x89: {  	s3 =	sld [smem:$0x3FFE];
	_ =	sdelay $0x1  }
0x8a: {  	s1 =	srdreg.scid  }
0x8b: {  	s0 =	sand.u32 $0x1, s1  }
0x8c: {  	s17 =	sshll.u32 s0, $0xA;
	s2 =	sadd.s32 s3, s2  }
0x8d: {  	s2 =	sadd.s32 s2, s17  }
0x8e: {  	[smem:$0x3FB8] =	sst s2  }
0x8f: {  	_ = 	snop  }
0x90: {  	s2 =	sld [smem:$0x3FD0];
	(tm) =	ssettm $0x1  }
0x91: {  	s18 =	sld [smem:$0x3FFB];
	_ =	sdelay $0x3  }
0x92: {  	_ =	strace s18  }
0x93: {  	s3 =	sld [smem:$0x3FFC];
	_ =	sdelay $0x3  }
0x94: {  	_ =	strace s3  }
0x95: {  	s3 =	sld [smem:$0x3FFD];
	_ =	sdelay $0x3  }
0x96: {  	_ =	strace s3  }
0x97: {  	_ =	strace $0x8FFFFFFF  }
0x98: {  	s19 =	sld [smem:$0x3FDB];
	_ =	sdelay $0x1  }
0x99: {  	s4 =	simm.s32 $_scs_section_size  }
0x9a: {  	s5 =	simm.s32 $_size__tile_overlayer_lowered;
	s6 =	simm.s32 $_tile_overlayer_lowered  }
0x9b: {  	s22 =	simm.s32 $0x1BFF;
	s21 =	sshll.u32 s6, $0x1;
	s3 =	sadd.s32 s4, s19  }
0x9c: {  	s7 =	simm.s32 $0x0;
	s20 =	sshll.u32 s5, $0x1;
	s5 =	sadd.s32 s21, s3  }
0x9d: {  	[timem:s7], [sflag:s22] =	dma.local [hbm:s5], s20  }
0x9e: {  	_ =	swait.ge [sflag:s22], s20  }
0x9f: {  	s4 =	ssub.s32 $0x0, s20;
	[sflag:s22] =	ssyncset.done $0x0  }
0xa0: {  	[sflag:s22] =	ssyncadd.s32 s4;
	_ =	sdelay $0x1  }
0xa1: {  	s23 =	simm.s32 $0x1B8B  }
0xa2: {  	_ =	swait.ge [sflag:s23], $0x1  }
0xa3: {  	[sflag:s23] =	ssyncset.done $0x0  }
0xa4: {  	s25 =	simm.s32 $0x1B8E;
	s24 =	sld [smem:$0x3FFE];
	[sflag:s23] =	ssyncadd.s32 $0xFFFFFFFF  }
0xa5: {  	s26 =	simm.s32 $execute0_lowered;
	[smem:$0x3FD2] =	sst s25  }
0xa6: {  	s5 =	sshll.u32 s26, $0x1;
	_ =	strace $0x80000046;
	[dreg:$0x1] =	wrdreg $0xFFFFFFFF  }
0xa7: {  	s28 =	simm.s32 $_size_execute0_lowered;
	s3 =	sadd.s32 s3, s5;
	[dreg:$0x0] =	wrdreg $0x0  }
0xa8: {  	s5 =	sshll.u32 s28, $0x1;
	[dreg:$0x2] =	wrdreg s3  }
0xa9: {  	[dreg:$0x3] =	wrdreg s5  }
0xaa: {  	[dreg:$0x4] =	wrdreg $0xC0  }
0xab: {  	_ =	task [dreg:s7], $0x5FFFF  }
0xac: {  	[dreg:$0x1] =	wrdreg $0xFFFFFFFF  }
0xad: {  	[dreg:$0x0] =	wrdreg $0x60  }
0xae: {  	[dreg:$0x2] =	wrdreg s24  }
0xaf: {  	[dreg:$0x3] =	wrdreg s2  }
0xb0: {  	[dreg:$0x4] =	wrdreg $0x68000  }
0xb1: {  	[dreg:$0x5] =	wrdreg $0x9  }
0xb2: {  	_ =	task.clear_ibuf [dreg:s7], $0x6FFFF;
	_ =	strace $0x90000046  }
0xb3: {  	s29 =	simm.s32 $0x9;
	_ =	strace $0x80000048  }
0xb4: {  	_ =	swait.ge [sflag:s29], $0x1  }
0xb5: {  	[sflag:s29] =	ssyncadd.s32 $0xFFFFFFFF  }
0xb6: {  	_ =	strace $0x90000048  }
0xb7: {  	_ =	sfence  }
0xb8: {  	s30 =	sld [smem:$0x0];
	_ =	sdelay $0x2  }
0xb9: {  	s31 =	sshll.u32 s1, $0xD;
	s1 =	sshrl.u32 s1, $0x2  }
0xba: {  	s3 =	sand.u32 $0x4000, s31;
	s1 =	sadd.s32 s1, s30  }
0xbb: {  	s0 =	sor.u32 s3, s0;
	s1 =	sshll.u32 s1, $0x11  }
0xbc: {  	s0 =	sor.u32 s1, s0  }
0xbd: {  	s0 =	sadd.s32 $0x8F2B, s0  }
0xbe: {  	[sflag:s0] =	ssyncadd.remote.s32 $0x1  }
0xbf: {  	_ =	sfence.sel $0xFFFF  }
0xc0: {  	[dreg:$0x0] =	wrdreg $0xFFFFFFFF;
	(pc) =	sbr.abs _section_cstart, $3  }
0xc1: {  	[dreg:$0x1] =	wrdreg $0xFFFFFFFF  }
0xc2: {  	_ =	task.clear_ibuf [dreg:s7], $0x2FFFF;
	_ =	strace $0x9FFFFFFF  }
0xc3: {  	(tm) =	ssettm $0x7FFFFFFF  }
tec
execute0_lowered:
.L_overlay_start_1:
0x0: {  	(tag) =	ssettag $0x1  }
0x1: {  	s5 =	rddreg [dreg:$0x0];
	s1 =	srdreg.scid  }
0x2: {  	s0 =	stileid.u32;
	s2 =	rddreg [dreg:$0x1]  }
0x3: {  	s3 =	rddreg [dreg:$0x2];
	s4 =	simm.s32 $0x0;
	s13 =	simm.s32 $0x1  }
0x4: {  	s14 =	simm.s32 $0x80;
	s6 =	sand.u32 $0x1, s1;
	s8 =	smul.u32 $0x50000, s0  }
0x5: {  	s30 =	sshll.u32 s0, $0x1;
	s1 =	rddreg [dreg:$0x3];
	s16 =	smul.u32 $0x2800, s0  }
0x6: {  	[smem:$0x7FF] =	sst s4;
	s7 =	sor.u32 s6, s30;
	s9 =	smul.u32 $0x28000, s6  }
0x7: {  	s17 =	sshll.u32 s0, $0x6;
	s6 =	ssub.s32 $0x2, s6;
	s7 =	smul.u32 $0x500, s7  }
0x8: {  	_ =	strace $0x80000047;
	s31 =	sshrl.u32 s6, $0x1;
	s8 =	sshrl.u32 s8, $0x2  }
0x9: {  	s11 =	sadd.s32 s9, s5;
	s12 =	ssub.s32 s6, s31;
	s10 =	sadd.s32 s7, s5  }
0xa: {  	s5 =	sadd.s32 s8, s3;
	s15 =	sadd.s32 $0xFA00, s11;
	s11 =	smax.u32 s12, $0x1  }
0xb: {  	s12 =	simm.s32 $0x2800;
	s6 =	sadd.s32 $0x4000, s5;
	s7 =	sadd.s32 $0x8000, s5  }
0xc: {  	s8 =	sadd.s32 $0xC000, s5;
	s9 =	sadd.s32 $0x10000, s5;
	s10 =	sadd.s32 $0x5800, s10  }
0xd: {  	v0 =	vimm.f32 $0.0e+00;
	s15 =	sadd.s32 s16, s15;
	s16 =	sor.u32 $0x1C01, s17;
	s17 =	sshrl.u32 s5, $0x3  }
.LBB2_1:
0xe: {  	s18 =	simm.s32 $0x0;
	s19 =	simm.s32 $0x200  }
.LBB2_2:
0xf: {  	p0 =	sne.s32 s19, $0xFE00;
	[tilespmem:s18+$0x2870] =	vst v0  }
0x10: {  	[tilespmem:s18+$0x2800] =	vst v0  }
0x11: {  	[tilespmem:s18+$0x2810] =	vst v0  }
.Ltmp0:
0x12: {  	[tilespmem:s18+$0x2820] =	vst v0;
	(pc) =	sbr.rel @p0 .LBB2_2-.Ltmp0, $4  }
0x13: {  	[tilespmem:s18+$0x2830] =	vst v0  }
0x14: {  	[tilespmem:s18+$0x2840] =	vst v0  }
0x15: {  	[tilespmem:s18+$0x2850] =	vst v0  }
0x16: {  	[tilespmem:s18+$0x2860] =	vst v0;
	s18 =	sshra.s32 s19, $0x2;
	s19 =	sadd.s32 $0x200, s19  }
0x17: {  	[tilespmem:s18+$0x2870] =	vst v0  }
0x18: {  	[tilespmem:s18+$0x2800] =	vst v0  }
0x19: {  	[tilespmem:s18+$0x2810] =	vst v0  }
0x1a: {  	[tilespmem:s18+$0x2820] =	vst v0  }
0x1b: {  	[tilespmem:s18+$0x2830] =	vst v0  }
0x1c: {  	[tilespmem:s18+$0x2840] =	vst v0  }
0x1d: {  	[tilespmem:s18+$0x2850] =	vst v0  }
0x1e: {  	[tilespmem:s18+$0x2860] =	vst v0  }
0x1f: {  	[spmem:s5] =	stream.linear.scatter [tilespmem:s12], [sflag:$0x1], $0x4000, $0x38;
	[tilespmem:$0x1A800] =	vst v63  }
0x20: {  	_ =	swait.ge [sflag:s13], $0x4000  }
0x21: {  	[sflag:s13] =	ssyncset.done $0x0  }
0x22: {  	[sflag:s13] =	ssyncadd.s32 $0xFFFFC000  }
0x23: {  	[spmem:s6] =	stream.linear.scatter [tilespmem:s12], [sflag:$0x1], $0x4000, $0x38;
	[tilespmem:$0x1A800] =	vst v63  }
0x24: {  	_ =	swait.ge [sflag:s13], $0x4000  }
0x25: {  	[sflag:s13] =	ssyncset.done $0x0  }
0x26: {  	[sflag:s13] =	ssyncadd.s32 $0xFFFFC000  }
0x27: {  	[spmem:s7] =	stream.linear.scatter [tilespmem:s12], [sflag:$0x1], $0x4000, $0x38;
	[tilespmem:$0x1A800] =	vst v63  }
0x28: {  	_ =	swait.ge [sflag:s13], $0x4000  }
0x29: {  	[sflag:s13] =	ssyncset.done $0x0  }
0x2a: {  	[sflag:s13] =	ssyncadd.s32 $0xFFFFC000  }
0x2b: {  	[spmem:s8] =	stream.linear.scatter [tilespmem:s12], [sflag:$0x1], $0x4000, $0x38;
	[tilespmem:$0x1A800] =	vst v63  }
0x2c: {  	_ =	swait.ge [sflag:s13], $0x4000  }
0x2d: {  	[sflag:s13] =	ssyncset.done $0x0  }
0x2e: {  	[sflag:s13] =	ssyncadd.s32 $0xFFFFC000  }
0x2f: {  	[spmem:s9] =	stream.linear.scatter [tilespmem:s12], [sflag:$0x1], $0x4000, $0x38;
	[tilespmem:$0x1A800] =	vst v63  }
0x30: {  	_ =	swait.ge [sflag:s13], $0x4000  }
0x31: {  	[sflag:s13] =	ssyncset.done $0x0  }
0x32: {  	s30 =	simm.s32 $0x0;
	[sflag:s13] =	ssyncadd.s32 $0xFFFFC000  }
0x33: {  	[tilespmem:s12], [sflag:$0x1] =	stream.linear.gather [hbm4b:s2+s30], $0x4000, $0x38;
	[tilespmem:$0x1A800] =	vst v63  }
0x34: {  	_ =	swait.ge [sflag:s13], $0x4000  }
0x35: {  	[sflag:s13] =	ssyncset.done $0x0  }
0x36: {  	[sflag:s13] =	ssyncadd.s32 $0xFFFFC000  }
0x37: {  	[tilespmem:s30], [sflag:$0x1] =	stream.linear.gather [hbm4b:s10+s30], $0x2800, $0x38;
	[tilespmem:$0x1A800] =	vst v63  }
0x38: {  	_ =	swait.ge [sflag:s13], $0x2800  }
0x39: {  	[sflag:s13] =	ssyncset.done $0x0  }
0x3a: {  	[sflag:s13] =	ssyncadd.s32 $0xFFFFD800  }
0x3b: {  	s31 =	simm.s32 $0x0;
	[bflag:$0x0] =	sbarrier.arrive $0xFFFF  }
0x3c: {  	[spmem:s3] =	stream.indirect.scatter.add.f32 [tilespmem:s12], [sflag:$0x1], $0x80, s31, s14, $0xb8;
	[tilespmem:$0x1A800] =	vst v63  }
0x3d: {  	_ =	swait.ge [sflag:s13], $0x4000  }
0x3e: {  	s18 =	simm.s32 $0x200;
	[sflag:s13] =	ssyncset.done $0x0  }
.LBB2_4:
0x3f: {  	s19 =	sshra.s32 s18, $0x2;
	[sflag:s13] =	ssyncadd.s32 $0xFFFFC000;
	p0 =	sne.s32 s18, $0x9E00  }
0x40: {  	[spmem:s3] =	stream.indirect.scatter.add.f32 [tilespmem:s12], [sflag:$0x1], $0x80, s19, s14, $0xb8;
	[tilespmem:$0x1A800] =	vst v63  }
.Ltmp1:
0x41: {  	_ = 	snop;
	(pc) =	sbr.rel @p0 .LBB2_4-.Ltmp1, $4  }
0x42: {  	_ = 	snop  }
0x43: {  	s18 =	sadd.s32 $0x200, s18  }
0x44: {  	_ =	swait.ge [sflag:s13], $0x4000  }
0x45: {  	[sflag:s13] =	ssyncset.done $0x0  }
0x46: {  	s4 =	sadd.s32 $0x1, s4  }
0x47: {  	[sflag:s13] =	ssyncadd.s32 $0xFFFFC000;
	p0 =	sne.s32 s4, s11  }
.Ltmp2:
0x48: {  	[bflag:$0x0] =	sbarrier.arrive $0xFFFF;
	(pc) =	sbr.rel @p0 .LBB2_1-.Ltmp2, $4  }
0x49: {  	[hbm:s15], [sflag:s16] =	dma.local [spmem:s17], $0x2800  }
0x4a: {  	_ =	swait.ge [sflag:s13], $0x2800  }
0x4b: {  	[sflag:s13] =	ssyncset.done $0x0  }
0x4c: {  	[sflag:s13] =	ssyncadd.s32 $0xFFFFD800  }
0x4d: {  	_ =	sfence.sel $0x180000  }
0x4e: {  	[bflag:$0x0] =	sbarrier.arrive $0xFFFF  }
0x4f: {  	p0 =	sne.s32 s0, $0x0;
	_ =	strace $0x90000047  }
0x50: {  	s0 =	sadd.s32 @!p0 $0x100000, s1;
	[bflag:$0x2] =	sbarrier.arrive $0xFFFF  }
0x51: {  	[sflag:s0] =	ssyncadd.tile.s32 @!p0 $0x1;
	_ =	shalt  }
.Lfunc_end2:
_tile_overlayer_lowered:
.L_overlay_start_2:
0x52: {  	(tag) =	ssettag $0x2  }
0x53: {  	s0 =	rddreg [dreg:$0x0];
	s2 =	stileid.u32  }
0x54: {  	s1 =	rddreg [dreg:$0x1];
	p0 =	sne.s32 s2, $0x0  }
0x55: {  	s3 =	rddreg [dreg:$0x2];
	[bflag:$0x3] =	sbarrier.arrive $0xFFFF;
	s2 =	simm.s32 @!p0 $0x1C01  }
0x56: {  	[timem:s3], [sflag:s2] =	dma.local @!p0 [hbm:s0], s1  }
0x57: {  	s0 =	simm.s32 @!p0 $0x1  }
0x58: {  	_ =	swait.ge @!p0 [sflag:s0], s1  }
0x59: {  	s1 =	ssub.s32 @!p0 $0x0, s1;
	[sflag:s0] =	ssyncset.done @!p0 $0x0  }
0x5a: {  	[sflag:s0] =	ssyncadd.s32 @!p0 s1  }
0x5b: {  	[bflag:$0x3] =	sbarrier.arrive $0xFFFF  }
0x5c: {  	_ =	shalt  }

// kernel: kernel.14.cloned.1.call-start
scs
__scs_entry_jumppad:
0x0: {  	(pc) =	sbr.rel $0x88, $3  }
0x1: {  	(tag) =	ssettag $0x0;
	lr =	simm.s32 $0x1  }
0x2: {  	[smem:$0x3F91] =	sst lr;
	_ =	strace $0xD0000000  }
0x3: {  	_ = 	snop  }
0x4: {  	_ = 	snop  }
0x5: {  	_ = 	snop  }
0x6: {  	_ = 	snop  }
0x7: {  	_ = 	snop  }
__scs_overlays_trampoline_lowered:
0x8: {  	[smem:$0x3FA0] =	sst s0  }
0x9: {  	[smem:$0x3FA1] =	sst s1  }
0xa: {  	[smem:$0x3FA2] =	sst s2  }
0xb: {  	[smem:$0x3FA3] =	sst s3  }
0xc: {  	[smem:$0x3FA4] =	sst s4  }
0xd: {  	[smem:$0x3FA5] =	sst s5  }
0xe: {  	[smem:$0x3FA6] =	sst s6  }
0xf: {  	[smem:$0x3FA7] =	sst s7  }
0x10: {  	[smem:$0x3FA8] =	sst s8  }
0x11: {  	[smem:$0x3FA9] =	sst s9;
	s0 =	simm.s32 @!p0 $0x0  }
0x12: {  	s1 =	sld [smem:$0x3F8F];
	s0 =	simm.s32 @p0 $0x1  }
0x13: {  	[smem:$0x3FAA] =	sst s0;
	s0 =	simm.s32 @!p1 $0x0  }
0x14: {  	s2 =	sld [smem:$0x3F8E];
	s0 =	simm.s32 @p1 $0x1  }
0x15: {  	[smem:$0x3FAB] =	sst s0;
	s0 =	simm.s32 @!p2 $0x0  }
0x16: {  	s3 =	sld [smem:$0x3FDB];
	s0 =	simm.s32 @p2 $0x1  }
0x17: {  	s4 =	simm.s32 $0x1BF5;
	[smem:$0x3FAD] =	sst s0  }
0x18: {  	s0 =	sld [smem:$0x3F90];
	_ =	swait.ge [sflag:s4], $0x0  }
0x19: {  	s7 =	sld [smem:$0x3F91]  }
0x1a: {  	s8 =	sadd.s32 $0xFFFFE003, lr  }
0x1b: {  	s9 =	sadd.s32 $0xFFFFFEF7, lr;
	s5 =	simm.s32 $0xFFFFFFFF;
	p2 =	slt.u32 s8, $0xFFFFF086  }
0x1c: {  	p1 =	slt.u32 s9, $0xF7A;
	s5 =	simm.s32 @!p2 $0x0  }
0x1d: {  	s5 =	simm.s32 @p1 $0x1;
	p0 =	seq.s32 s7, s2  }
0x1e: {  	s7 =	smul.u32 @!p0 $0xF7A, s2;
	p2 =	seq.s32 @!p0 s5, $0x0  }
0x1f: {  	s9 =	smul.u32 $0xF7A, s1;
	s8 =	simm.s32 @!p0 $0x1BF5;
	p2 =	por !p2, p0  }
0x20: {  	[sflag:s8] =	ssyncset.s32 @!p0 $0xFFFFF086;
	s6 =	sadd.s32 @!p0 s3, s7;
	s7 =	simm.s32 @!p0 $0x108  }
0x21: {  	s3 =	sadd.s32 s3, s9;
	s6 =	sadd.s32 @!p0 $0x88, s6;
	s7 =	simm.s32 @p2 $0x1082  }
0x22: {  	[simem:s7], [sflag:s8] =	dma.local @!p0 [hbm:s6], $0xF7A  }
0x23: {  	s9 =	sor.u32 $0xD0000000, s2;
	s6 =	simm.s32 $0x108;
	_ =	swait.ge @!p0 [sflag:s8], $0x0  }
0x24: {  	s3 =	sadd.s32 $0x88, s3;
	s6 =	simm.s32 @!p1 $0x1082;
	[sflag:s4] =	ssyncset.s32 $0xFFFFF086  }
0x25: {  	[simem:s6], [sflag:s4] =	dma.local [hbm:s3], $0xF7A  }
0x26: {  	[smem:$0x3F91] =	sst s1;
	(tag) =	ssettag s2;
	_ =	strace s9  }
0x27: {  	s1 =	sld [smem:$0x3FA1]  }
0x28: {  	s2 =	sld [smem:$0x3FA2]  }
0x29: {  	s4 =	sld [smem:$0x3FA4]  }
0x2a: {  	p0 =	seq.s32 s5, $0x0;
	s5 =	sld [smem:$0x3FA5]  }
0x2b: {  	s6 =	sld [smem:$0x3FA6]  }
0x2c: {  	s7 =	sld [smem:$0x3FA7]  }
0x2d: {  	s3 =	simm.s32 $0x108;
	s8 =	sld [smem:$0x3FA8]  }
0x2e: {  	s3 =	simm.s32 @!p0 $0x1082;
	s9 =	sld [smem:$0x3FA9]  }
0x2f: {  	lr =	sadd.s32 s0, s3;
	s0 =	sld [smem:$0x3FA0]  }
0x30: {  	s3 =	sld [smem:$0x3FA3]  }
0x31: {  	[smem:$0x3FAC] =	sst s10  }
0x32: {  	s10 =	sld [smem:$0x3FAA];
	_ =	sdelay $0x3  }
0x33: {  	p0 =	seq.s32 s10, $0x1;
	s10 =	sld [smem:$0x3FAC];
	_ =	sdelay $0x3  }
0x34: {  	[smem:$0x3FAC] =	sst s10  }
0x35: {  	s10 =	sld [smem:$0x3FAB];
	_ =	sdelay $0x3  }
0x36: {  	p1 =	seq.s32 s10, $0x1;
	s10 =	sld [smem:$0x3FAC];
	_ =	sdelay $0x3  }
0x37: {  	[smem:$0x3FAC] =	sst s10  }
0x38: {  	s10 =	sld [smem:$0x3FAD]  }
0x39: {  	_ = 	snop;
	(pc) =	sbr.ind lr, $3  }
0x3a: {  	_ = 	snop  }
0x3b: {  	_ = 	snop  }
0x3c: {  	p2 =	seq.s32 s10, $0x1;
	s10 =	sld [smem:$0x3FAC]  }
0x3d: {  	_ =	shalt  }
0x3e: {  	_ =	shalt  }
0x3f: {  	_ =	shalt  }
0x40: {  	_ =	shalt  }
0x41: {  	_ =	shalt  }
0x42: {  	_ =	shalt  }
0x43: {  	_ =	shalt  }
0x44: {  	_ =	shalt  }
0x45: {  	_ =	shalt  }
0x46: {  	_ =	shalt  }
0x47: {  	_ =	shalt  }
0x48: {  	_ =	shalt  }
0x49: {  	_ =	shalt  }
0x4a: {  	_ =	shalt  }
0x4b: {  	_ =	shalt  }
0x4c: {  	_ =	shalt  }
0x4d: {  	_ =	shalt  }
0x4e: {  	_ =	shalt  }
0x4f: {  	_ =	shalt  }
0x50: {  	_ =	shalt  }
0x51: {  	_ =	shalt  }
0x52: {  	_ =	shalt  }
0x53: {  	_ =	shalt  }
0x54: {  	_ =	shalt  }
0x55: {  	_ =	shalt  }
0x56: {  	_ =	shalt  }
0x57: {  	_ =	shalt  }
0x58: {  	_ =	shalt  }
0x59: {  	_ =	shalt  }
0x5a: {  	_ =	shalt  }
0x5b: {  	_ =	shalt  }
0x5c: {  	_ =	shalt  }
0x5d: {  	_ =	shalt  }
0x5e: {  	_ =	shalt  }
0x5f: {  	_ =	shalt  }
0x60: {  	_ =	shalt  }
0x61: {  	_ =	shalt  }
0x62: {  	_ =	shalt  }
0x63: {  	_ =	shalt  }
0x64: {  	_ =	shalt  }
0x65: {  	_ =	shalt  }
0x66: {  	_ =	shalt  }
0x67: {  	_ =	shalt  }
0x68: {  	_ =	shalt  }
0x69: {  	_ =	shalt  }
0x6a: {  	_ =	shalt  }
0x6b: {  	_ =	shalt  }
0x6c: {  	_ =	shalt  }
0x6d: {  	_ =	shalt  }
0x6e: {  	_ =	shalt  }
0x6f: {  	_ =	shalt  }
0x70: {  	_ =	shalt  }
0x71: {  	_ =	shalt  }
0x72: {  	_ =	shalt  }
0x73: {  	_ =	shalt  }
0x74: {  	_ =	shalt  }
0x75: {  	_ =	shalt  }
0x76: {  	_ =	shalt  }
0x77: {  	_ =	shalt  }
0x78: {  	_ =	shalt  }
0x79: {  	_ =	shalt  }
0x7a: {  	_ =	shalt  }
0x7b: {  	_ =	shalt  }
0x7c: {  	_ =	shalt  }
0x7d: {  	_ =	shalt  }
0x7e: {  	_ =	shalt  }
0x7f: {  	_ =	shalt  }
0x80: {  	_ =	shalt  }
0x81: {  	_ =	shalt  }
0x82: {  	_ =	shalt  }
0x83: {  	_ =	shalt  }
0x84: {  	_ =	shalt  }
0x85: {  	_ =	shalt  }
0x86: {  	_ =	shalt  }
0x87: {  	_ =	shalt  }
.Lfunc_end0:
.L_simem_size_0:
called_computation.1_lowered:
.L_overlay_start_0:
0x88: {  	s2 =	sld [smem:$0x3FD9]  }
0x89: {  	s3 =	sld [smem:$0x3FFE];
	_ =	sdelay $0x1  }
0x8a: {  	s1 =	srdreg.scid  }
0x8b: {  	s0 =	sand.u32 $0x1, s1  }
0x8c: {  	s16 =	sshll.u32 s0, $0xA;
	s2 =	sadd.s32 s3, s2  }
0x8d: {  	s2 =	sadd.s32 s2, s16  }
0x8e: {  	[smem:$0x3FB8] =	sst s2  }
0x8f: {  	_ = 	snop  }
0x90: {  	(tm) =	ssettm $0x1  }
0x91: {  	s17 =	sld [smem:$0x3FFB];
	_ =	sdelay $0x3  }
0x92: {  	_ =	strace s17  }
0x93: {  	s2 =	sld [smem:$0x3FFC];
	_ =	sdelay $0x3  }
0x94: {  	_ =	strace s2  }
0x95: {  	s2 =	sld [smem:$0x3FFD];
	_ =	sdelay $0x3  }
0x96: {  	_ =	strace s2  }
0x97: {  	_ =	strace $0x8FFFFFFF  }
0x98: {  	s18 =	sld [smem:$0x3FDB];
	_ =	sdelay $0x1  }
0x99: {  	s19 =	simm.s32 $_scs_section_size  }
0x9a: {  	s4 =	simm.s32 $_size__tile_overlayer_lowered;
	s5 =	simm.s32 $_tile_overlayer_lowered  }
0x9b: {  	s22 =	simm.s32 $0x1BFF;
	s21 =	sshll.u32 s5, $0x1;
	s2 =	sadd.s32 s19, s18  }
0x9c: {  	s6 =	simm.s32 $0x0;
	s20 =	sshll.u32 s4, $0x1;
	s4 =	sadd.s32 s21, s2  }
0x9d: {  	[timem:s6], [sflag:s22] =	dma.local [hbm:s4], s20  }
0x9e: {  	_ =	swait.ge [sflag:s22], s20  }
0x9f: {  	s3 =	ssub.s32 $0x0, s20;
	[sflag:s22] =	ssyncset.done $0x0  }
0xa0: {  	[sflag:s22] =	ssyncadd.s32 s3;
	_ =	sdelay $0x1  }
0xa1: {  	s23 =	simm.s32 $0x1B8B  }
0xa2: {  	_ =	swait.ge [sflag:s23], $0x1  }
0xa3: {  	[sflag:s23] =	ssyncset.done $0x0  }
0xa4: {  	s25 =	simm.s32 $0x1B8E;
	s24 =	sld [smem:$0x3FFE];
	[sflag:s23] =	ssyncadd.s32 $0xFFFFFFFF  }
0xa5: {  	s26 =	simm.s32 $execute0_lowered;
	[smem:$0x3FD2] =	sst s25  }
0xa6: {  	s4 =	sshll.u32 s26, $0x1;
	_ =	strace $0x80000049;
	[dreg:$0x1] =	wrdreg $0xFFFFFFFF  }
0xa7: {  	s28 =	simm.s32 $_size_execute0_lowered;
	s2 =	sadd.s32 s2, s4;
	[dreg:$0x0] =	wrdreg $0x0  }
0xa8: {  	s4 =	sshll.u32 s28, $0x1;
	[dreg:$0x2] =	wrdreg s2  }
0xa9: {  	[dreg:$0x3] =	wrdreg s4  }
0xaa: {  	[dreg:$0x4] =	wrdreg $0xC0  }
0xab: {  	_ =	task [dreg:s6], $0x5FFFF  }
0xac: {  	[dreg:$0x1] =	wrdreg $0xFFFFFFFF  }
0xad: {  	[dreg:$0x0] =	wrdreg $0x60  }
0xae: {  	[dreg:$0x2] =	wrdreg s24  }
0xaf: {  	[dreg:$0x3] =	wrdreg $0xA8000  }
0xb0: {  	[dreg:$0x4] =	wrdreg $0x9  }
0xb1: {  	_ =	task.clear_ibuf [dreg:s6], $0x5FFFF;
	_ =	strace $0x90000049  }
0xb2: {  	s29 =	simm.s32 $0x9;
	_ =	strace $0x8000004B  }
0xb3: {  	_ =	swait.ge [sflag:s29], $0x1  }
0xb4: {  	[sflag:s29] =	ssyncadd.s32 $0xFFFFFFFF  }
0xb5: {  	_ =	strace $0x9000004B  }
0xb6: {  	_ =	sfence  }
0xb7: {  	s30 =	sld [smem:$0x0];
	_ =	sdelay $0x2  }
0xb8: {  	s31 =	sshll.u32 s1, $0xD;
	s1 =	sshrl.u32 s1, $0x2  }
0xb9: {  	s3 =	sand.u32 $0x4000, s31;
	s1 =	sadd.s32 s1, s30  }
0xba: {  	s0 =	sor.u32 s3, s0;
	s1 =	sshll.u32 s1, $0x11  }
0xbb: {  	s0 =	sor.u32 s1, s0  }
0xbc: {  	s0 =	sadd.s32 $0x8F2B, s0  }
0xbd: {  	[sflag:s0] =	ssyncadd.remote.s32 $0x1  }
0xbe: {  	_ =	sfence.sel $0xFFFF  }
0xbf: {  	[dreg:$0x0] =	wrdreg $0xFFFFFFFF;
	(pc) =	sbr.abs _section_cstart, $3  }
0xc0: {  	[dreg:$0x1] =	wrdreg $0xFFFFFFFF  }
0xc1: {  	_ =	task.clear_ibuf [dreg:s6], $0x2FFFF;
	_ =	strace $0x9FFFFFFF  }
0xc2: {  	(tm) =	ssettm $0x7FFFFFFF  }
0xc3: {  	_ =	shalt  }
tec
execute0_lowered:
.L_overlay_start_1:
0x0: {  	(tag) =	ssettag $0x1  }
0x1: {  	s5 =	rddreg [dreg:$0x0]  }
0x2: {  	s1 =	rddreg [dreg:$0x1];
	s3 =	srdreg.scid  }
0x3: {  	s0 =	rddreg [dreg:$0x2];
	s2 =	simm.s32 $0x0;
	s19 =	sand.u32 $0x1, s3  }
0x4: {  	s23 =	simm.s32 $0x6800;
	s3 =	stileid.u32;
	s6 =	smul.u32 $0x28000, s19  }
0x5: {  	s26 =	simm.s32 $0x2;
	[smem:$0x7FF] =	sst s2;
	s7 =	smul.u32 $0x50000, s3  }
0x6: {  	s4 =	sadd.s32 $0xFA00, s5;
	s16 =	sadd.s32 $0x5FA00, s5;
	s9 =	smul.u32 $0x5000, s3  }
0x7: {  	s17 =	sadd.s32 $0x5800, s5;
	_ =	strace $0x8000004A;
	s11 =	smul.u32 $0xA00, s3  }
0x8: {  	s29 =	ssub.s32 $0x2, s19;
	s25 =	smul.u32 $0x2800, s3;
	p0 =	sne.s32 s19, $0x0  }
0x9: {  	s19 =	simm.s32 $0x2800;
	s31 =	sshrl.u32 s29, $0x1;
	s18 =	sadd.s32 s6, s5  }
0xa: {  	s30 =	sshrl.u32 s7, $0x2;
	s20 =	ssub.s32 s29, s31;
	s15 =	sshrl.u32 s9, $0x3  }
0xb: {  	s10 =	sadd.s32 s16, s11;
	s11 =	sadd.s32 s17, s11;
	s5 =	sadd.s32 s30, s1  }
0xc: {  	s13 =	sadd.s32 $0x280, s15;
	s21 =	sadd.s32 $0x500, s15;
	s22 =	sadd.s32 $0x780, s15  }
0xd: {  	s24 =	sadd.s32 $0x69C00, s18;
	s18 =	smax.u32 s20, $0x1;
	s20 =	simm.s32 $0x3  }
.Ltmp0:
0xe: {  	s6 =	sadd.s32 $0x4000, s5;
	s7 =	sadd.s32 $0x8000, s5;
	(pc) =	sbr.rel .LBB2_1-.Ltmp0, $4  }
0xf: {  	s8 =	sadd.s32 $0xC000, s5;
	s9 =	sadd.s32 $0x10000, s5;
	s12 =	sadd.s32 s16, s13  }
0x10: {  	s13 =	sadd.s32 s17, s13;
	s14 =	sadd.s32 s16, s21;
	s15 =	sadd.s32 s17, s21  }
0x11: {  	s16 =	sadd.s32 s16, s22;
	s17 =	sadd.s32 s17, s22;
	s21 =	simm.s32 $0x1400  }
0x12: {  	v0 =	vimm.f32 $0.0e+00;
	s22 =	simm.s32 $0x80;
	s24 =	sadd.s32 s25, s24;
	s25 =	simm.s32 $0x1  }
.LBB2_13:
0x13: {  	s28 =	sshra.s32 s28, $0x2;
	[sflag:s20] =	ssyncadd.s32 $0xFFFFC000  }
0x14: {  	[tilespmem:s19], [sflag:$0x1] =	stream.indirect.gather [hbm4b:s4+s22], $0x80, s28, s22, $0xb8;
	[tilespmem:$0x1E800] =	vst v63  }
0x15: {  	s29 =	sadd.s32 $0x80, s28  }
0x16: {  	[tilespmem:s23], [sflag:$0x2] =	stream.indirect.gather [hbm4b:s4+s22], $0x80, s29, s22, $0xb8;
	[tilespmem:$0x1E800] =	vst v63  }
0x17: {  	_ =	swait.ge [sflag:s25], $0x4000  }
0x18: {  	[sflag:s25] =	ssyncset.done $0x0  }
0x19: {  	s31 =	sadd.s32 $0x1400, s28;
	[sflag:s25] =	ssyncadd.s32 $0xFFFFC000  }
0x1a: {  	[spmem:s1] =	stream.indirect.scatter.add.f32 [tilespmem:s19], [sflag:$0x3], $0x80, s31, s22, $0xb8;
	[tilespmem:$0x1E800] =	vst v63  }
0x1b: {  	_ =	swait.ge [sflag:s20], $0x4000  }
0x1c: {  	[sflag:s20] =	ssyncset.done $0x0  }
0x1d: {  	[sflag:s20] =	ssyncadd.s32 $0xFFFFC000  }
0x1e: {  	_ =	swait.ge [sflag:s26], $0x4000  }
0x1f: {  	[sflag:s26] =	ssyncset.done $0x0  }
0x20: {  	s28 =	sadd.s32 $0x1480, s28;
	[sflag:s26] =	ssyncadd.s32 $0xFFFFC000  }
0x21: {  	[spmem:s1] =	stream.indirect.scatter.add.f32 [tilespmem:s23], [sflag:$0x3], $0x80, s28, s22, $0xb8;
	[tilespmem:$0x1E800] =	vst v63  }
0x22: {  	_ =	swait.ge [sflag:s20], $0x4000  }
0x23: {  	[sflag:s20] =	ssyncset.done $0x0  }
0x24: {  	[sflag:s20] =	ssyncadd.s32 $0xFFFFC000  }
.LBB2_14:
0x25: {  	s2 =	sadd.s32 $0x1, s2  }
0x26: {  	s28 =	sshll.u32 s3, $0x6;
	[bflag:$0x0] =	sbarrier.arrive $0xFFFF;
	p1 =	sne.s32 s2, s18  }
.Ltmp1:
0x27: {  	s29 =	sshrl.u32 s5, $0x3;
	s28 =	sor.u32 $0x1C03, s28;
	(pc) =	sbr.rel @!p1 .LBB2_15-.Ltmp1, $4  }
0x28: {  	[hbm:s24], [sflag:s28] =	dma.local [spmem:s29], $0x2800  }
0x29: {  	_ =	swait.ge [sflag:s20], $0x2800  }
0x2a: {  	[sflag:s20] =	ssyncset.done $0x0  }
0x2b: {  	[sflag:s20] =	ssyncadd.s32 $0xFFFFD800  }
.LBB2_1:
0x2c: {  	s28 =	simm.s32 $0x0;
	s29 =	simm.s32 $0x200  }
.LBB2_2:
0x2d: {  	p1 =	sne.s32 s29, $0xFE00;
	[tilespmem:s28+$0x2870] =	vst v0  }
0x2e: {  	[tilespmem:s28+$0x2800] =	vst v0  }
0x2f: {  	[tilespmem:s28+$0x2810] =	vst v0  }
.Ltmp2:
0x30: {  	[tilespmem:s28+$0x2820] =	vst v0;
	(pc) =	sbr.rel @p1 .LBB2_2-.Ltmp2, $4  }
0x31: {  	[tilespmem:s28+$0x2830] =	vst v0  }
0x32: {  	[tilespmem:s28+$0x2840] =	vst v0  }
0x33: {  	[tilespmem:s28+$0x2850] =	vst v0  }
0x34: {  	[tilespmem:s28+$0x2860] =	vst v0;
	s28 =	sshra.s32 s29, $0x2;
	s29 =	sadd.s32 $0x200, s29  }
0x35: {  	[tilespmem:s28+$0x2870] =	vst v0  }
0x36: {  	[tilespmem:s28+$0x2800] =	vst v0  }
0x37: {  	[tilespmem:s28+$0x2810] =	vst v0  }
0x38: {  	[tilespmem:s28+$0x2820] =	vst v0  }
0x39: {  	[tilespmem:s28+$0x2830] =	vst v0  }
0x3a: {  	[tilespmem:s28+$0x2840] =	vst v0  }
0x3b: {  	[tilespmem:s28+$0x2850] =	vst v0  }
0x3c: {  	[tilespmem:s28+$0x2860] =	vst v0  }
0x3d: {  	[spmem:s5] =	stream.linear.scatter [tilespmem:s19], [sflag:$0x3], $0x4000, $0x38;
	[tilespmem:$0x1E800] =	vst v63  }
0x3e: {  	_ =	swait.ge [sflag:s20], $0x4000  }
0x3f: {  	[sflag:s20] =	ssyncset.done $0x0  }
0x40: {  	[sflag:s20] =	ssyncadd.s32 $0xFFFFC000  }
0x41: {  	[spmem:s6] =	stream.linear.scatter [tilespmem:s19], [sflag:$0x3], $0x4000, $0x38;
	[tilespmem:$0x1E800] =	vst v63  }
0x42: {  	_ =	swait.ge [sflag:s20], $0x4000  }
0x43: {  	[sflag:s20] =	ssyncset.done $0x0  }
0x44: {  	[sflag:s20] =	ssyncadd.s32 $0xFFFFC000  }
0x45: {  	[spmem:s7] =	stream.linear.scatter [tilespmem:s19], [sflag:$0x3], $0x4000, $0x38;
	[tilespmem:$0x1E800] =	vst v63  }
0x46: {  	_ =	swait.ge [sflag:s20], $0x4000  }
0x47: {  	[sflag:s20] =	ssyncset.done $0x0  }
0x48: {  	[sflag:s20] =	ssyncadd.s32 $0xFFFFC000  }
0x49: {  	[spmem:s8] =	stream.linear.scatter [tilespmem:s19], [sflag:$0x3], $0x4000, $0x38;
	[tilespmem:$0x1E800] =	vst v63  }
0x4a: {  	_ =	swait.ge [sflag:s20], $0x4000  }
0x4b: {  	[sflag:s20] =	ssyncset.done $0x0  }
0x4c: {  	[sflag:s20] =	ssyncadd.s32 $0xFFFFC000  }
0x4d: {  	[spmem:s9] =	stream.linear.scatter [tilespmem:s19], [sflag:$0x3], $0x4000, $0x38;
	[tilespmem:$0x1E800] =	vst v63  }
.Ltmp3:
0x4e: {  	_ =	swait.ge [sflag:s20], $0x4000;
	(pc) =	sbr.rel @p0 .LBB2_7-.Ltmp3, $4  }
0x4f: {  	[sflag:s20] =	ssyncset.done $0x0  }
0x50: {  	[sflag:s20] =	ssyncadd.s32 $0xFFFFC000  }
0x51: {  	[bflag:$0x0] =	sbarrier.arrive $0xFFFF  }
0x52: {  	s28 =	simm.s32 $0x0  }
0x53: {  	[tilespmem:s28], [sflag:$0x3] =	stream.linear.gather [hbm4b:s16+s28], $0x1400, $0x38;
	[tilespmem:$0x1E800] =	vst v63  }
0x54: {  	_ =	swait.ge [sflag:s20], $0x1400  }
0x55: {  	[sflag:s20] =	ssyncset.done $0x0  }
0x56: {  	[sflag:s20] =	ssyncadd.s32 $0xFFFFEC00  }
0x57: {  	[tilespmem:s21], [sflag:$0x3] =	stream.linear.gather [hbm4b:s17+s28], $0x1400, $0x38;
	[tilespmem:$0x1E800] =	vst v63  }
0x58: {  	_ =	swait.ge [sflag:s20], $0x1400  }
0x59: {  	[sflag:s20] =	ssyncset.done $0x0  }
0x5a: {  	s28 =	simm.s32 $0x0;
	[sflag:s20] =	ssyncadd.s32 $0xFFFFEC00  }
0x5b: {  	[tilespmem:s19], [sflag:$0x1] =	stream.indirect.gather [hbm4b:s4+s22], $0x80, s28, s22, $0xb8;
	[tilespmem:$0x1E800] =	vst v63  }
0x5c: {  	s28 =	simm.s32 $0x80  }
0x5d: {  	[tilespmem:s23], [sflag:$0x2] =	stream.indirect.gather [hbm4b:s4+s22], $0x80, s28, s22, $0xb8;
	[tilespmem:$0x1E800] =	vst v63  }
0x5e: {  	_ =	swait.ge [sflag:s25], $0x4000  }
0x5f: {  	[sflag:s25] =	ssyncset.done $0x0  }
0x60: {  	s28 =	simm.s32 $0x1400;
	[sflag:s25] =	ssyncadd.s32 $0xFFFFC000  }
0x61: {  	[spmem:s1] =	stream.indirect.scatter.add.f32 [tilespmem:s19], [sflag:$0x3], $0x80, s28, s22, $0xb8;
	[tilespmem:$0x1E800] =	vst v63  }
0x62: {  	_ =	swait.ge [sflag:s20], $0x4000  }
0x63: {  	[sflag:s20] =	ssyncset.done $0x0  }
0x64: {  	[sflag:s20] =	ssyncadd.s32 $0xFFFFC000  }
0x65: {  	_ =	swait.ge [sflag:s26], $0x4000  }
0x66: {  	[sflag:s26] =	ssyncset.done $0x0  }
0x67: {  	s28 =	simm.s32 $0x1480;
	[sflag:s26] =	ssyncadd.s32 $0xFFFFC000  }
0x68: {  	[spmem:s1] =	stream.indirect.scatter.add.f32 [tilespmem:s23], [sflag:$0x3], $0x80, s28, s22, $0xb8;
	[tilespmem:$0x1E800] =	vst v63  }
0x69: {  	_ =	swait.ge [sflag:s20], $0x4000  }
0x6a: {  	s29 =	simm.s32 $0x800;
	s28 =	simm.s32 $0x400;
	[sflag:s20] =	ssyncset.done $0x0  }
.LBB2_5:
0x6b: {  	s30 =	sshra.s32 s28, $0x2  }
0x6c: {  	[sflag:s20] =	ssyncadd.s32 $0xFFFFC000;
	s28 =	smov.u32 s29;
	s31 =	sadd.s32 $0x400, s29  }
0x6d: {  	[tilespmem:s19], [sflag:$0x1] =	stream.indirect.gather [hbm4b:s4+s22], $0x80, s30, s22, $0xb8;
	[tilespmem:$0x1E800] =	vst v63  }
0x6e: {  	p1 =	seq.s32 s29, $0x4C00;
	s29 =	sadd.s32 $0x80, s30  }
0x6f: {  	[tilespmem:s23], [sflag:$0x2] =	stream.indirect.gather [hbm4b:s4+s22], $0x80, s29, s22, $0xb8;
	[tilespmem:$0x1E800] =	vst v63  }
0x70: {  	_ =	swait.ge [sflag:s25], $0x4000  }
0x71: {  	[sflag:s25] =	ssyncset.done $0x0  }
0x72: {  	s29 =	sadd.s32 $0x1400, s30;
	[sflag:s25] =	ssyncadd.s32 $0xFFFFC000  }
0x73: {  	[spmem:s1] =	stream.indirect.scatter.add.f32 [tilespmem:s19], [sflag:$0x3], $0x80, s29, s22, $0xb8;
	[tilespmem:$0x1E800] =	vst v63  }
0x74: {  	_ =	swait.ge [sflag:s20], $0x4000  }
0x75: {  	[sflag:s20] =	ssyncset.done $0x0  }
0x76: {  	[sflag:s20] =	ssyncadd.s32 $0xFFFFC000  }
0x77: {  	_ =	swait.ge [sflag:s26], $0x4000  }
.Ltmp4:
0x78: {  	[sflag:s26] =	ssyncset.done $0x0;
	(pc) =	sbr.rel @!p1 .LBB2_5-.Ltmp4, $4  }
0x79: {  	s29 =	sadd.s32 $0x1480, s30;
	[sflag:s26] =	ssyncadd.s32 $0xFFFFC000  }
0x7a: {  	[spmem:s1] =	stream.indirect.scatter.add.f32 [tilespmem:s23], [sflag:$0x3], $0x80, s29, s22, $0xb8;
	[tilespmem:$0x1E800] =	vst v63  }
0x7b: {  	_ =	swait.ge [sflag:s20], $0x4000  }
0x7c: {  	s29 =	smov.u32 s31;
	[sflag:s20] =	ssyncset.done $0x0  }
0x7d: {  	s28 =	sshra.s32 s28, $0x2;
	[sflag:s20] =	ssyncadd.s32 $0xFFFFC000  }
0x7e: {  	[tilespmem:s19], [sflag:$0x1] =	stream.indirect.gather [hbm4b:s4+s22], $0x80, s28, s22, $0xb8;
	[tilespmem:$0x1E800] =	vst v63  }
0x7f: {  	s29 =	sadd.s32 $0x80, s28  }
0x80: {  	[tilespmem:s23], [sflag:$0x2] =	stream.indirect.gather [hbm4b:s4+s22], $0x80, s29, s22, $0xb8;
	[tilespmem:$0x1E800] =	vst v63  }
0x81: {  	_ =	swait.ge [sflag:s25], $0x4000  }
0x82: {  	[sflag:s25] =	ssyncset.done $0x0  }
0x83: {  	s31 =	sadd.s32 $0x1400, s28;
	[sflag:s25] =	ssyncadd.s32 $0xFFFFC000  }
0x84: {  	[spmem:s1] =	stream.indirect.scatter.add.f32 [tilespmem:s19], [sflag:$0x3], $0x80, s31, s22, $0xb8;
	[tilespmem:$0x1E800] =	vst v63  }
0x85: {  	_ =	swait.ge [sflag:s20], $0x4000  }
0x86: {  	[sflag:s20] =	ssyncset.done $0x0  }
0x87: {  	[sflag:s20] =	ssyncadd.s32 $0xFFFFC000  }
0x88: {  	_ =	swait.ge [sflag:s26], $0x4000  }
0x89: {  	[sflag:s26] =	ssyncset.done $0x0  }
.Ltmp5:
0x8a: {  	s28 =	sadd.s32 $0x1480, s28;
	[sflag:s26] =	ssyncadd.s32 $0xFFFFC000;
	(pc) =	sbr.rel .LBB2_14-.Ltmp5, $4  }
0x8b: {  	[spmem:s1] =	stream.indirect.scatter.add.f32 [tilespmem:s23], [sflag:$0x3], $0x80, s28, s22, $0xb8;
	[tilespmem:$0x1E800] =	vst v63  }
0x8c: {  	_ =	swait.ge [sflag:s20], $0x4000  }
0x8d: {  	[sflag:s20] =	ssyncset.done $0x0  }
0x8e: {  	[sflag:s20] =	ssyncadd.s32 $0xFFFFC000  }
.LBB2_7:
0x8f: {  	[tilespmem:s28], [sflag:$0x3] =	stream.linear.gather [hbm4b:s10+s28], $0x1400, $0x38;
	[tilespmem:$0x1E800] =	vst v63  }
0x90: {  	_ =	swait.ge [sflag:s20], $0x1400  }
0x91: {  	[sflag:s20] =	ssyncset.done $0x0  }
0x92: {  	[sflag:s20] =	ssyncadd.s32 $0xFFFFEC00  }
0x93: {  	[tilespmem:s21], [sflag:$0x3] =	stream.linear.gather [hbm4b:s11+s28], $0x1400, $0x38;
	[tilespmem:$0x1E800] =	vst v63  }
0x94: {  	_ =	swait.ge [sflag:s20], $0x1400  }
0x95: {  	[sflag:s20] =	ssyncset.done $0x0  }
0x96: {  	s28 =	simm.s32 $0x0;
	[sflag:s20] =	ssyncadd.s32 $0xFFFFEC00  }
0x97: {  	[tilespmem:s19], [sflag:$0x1] =	stream.indirect.gather [hbm4b:s4+s22], $0x80, s28, s22, $0xb8;
	[tilespmem:$0x1E800] =	vst v63  }
0x98: {  	s28 =	simm.s32 $0x80  }
0x99: {  	[tilespmem:s23], [sflag:$0x2] =	stream.indirect.gather [hbm4b:s4+s22], $0x80, s28, s22, $0xb8;
	[tilespmem:$0x1E800] =	vst v63  }
0x9a: {  	_ =	swait.ge [sflag:s25], $0x4000  }
0x9b: {  	[sflag:s25] =	ssyncset.done $0x0  }
0x9c: {  	s28 =	simm.s32 $0x1400;
	[sflag:s25] =	ssyncadd.s32 $0xFFFFC000  }
0x9d: {  	[spmem:s1] =	stream.indirect.scatter.add.f32 [tilespmem:s19], [sflag:$0x3], $0x80, s28, s22, $0xb8;
	[tilespmem:$0x1E800] =	vst v63  }
0x9e: {  	_ =	swait.ge [sflag:s20], $0x4000  }
0x9f: {  	[sflag:s20] =	ssyncset.done $0x0  }
0xa0: {  	[sflag:s20] =	ssyncadd.s32 $0xFFFFC000  }
0xa1: {  	_ =	swait.ge [sflag:s26], $0x4000  }
0xa2: {  	[sflag:s26] =	ssyncset.done $0x0  }
0xa3: {  	s28 =	simm.s32 $0x1480;
	[sflag:s26] =	ssyncadd.s32 $0xFFFFC000  }
0xa4: {  	[spmem:s1] =	stream.indirect.scatter.add.f32 [tilespmem:s23], [sflag:$0x3], $0x80, s28, s22, $0xb8;
	[tilespmem:$0x1E800] =	vst v63  }
0xa5: {  	_ =	swait.ge [sflag:s20], $0x4000  }
0xa6: {  	s29 =	simm.s32 $0x800;
	s28 =	simm.s32 $0x400;
	[sflag:s20] =	ssyncset.done $0x0  }
.LBB2_8:
0xa7: {  	s30 =	sshra.s32 s28, $0x2  }
0xa8: {  	[sflag:s20] =	ssyncadd.s32 $0xFFFFC000;
	s28 =	smov.u32 s29;
	s31 =	sadd.s32 $0x400, s29  }
0xa9: {  	[tilespmem:s19], [sflag:$0x1] =	stream.indirect.gather [hbm4b:s4+s22], $0x80, s30, s22, $0xb8;
	[tilespmem:$0x1E800] =	vst v63  }
0xaa: {  	p1 =	sne.s32 s29, $0x4C00;
	s29 =	sadd.s32 $0x80, s30  }
0xab: {  	[tilespmem:s23], [sflag:$0x2] =	stream.indirect.gather [hbm4b:s4+s22], $0x80, s29, s22, $0xb8;
	[tilespmem:$0x1E800] =	vst v63  }
0xac: {  	_ =	swait.ge [sflag:s25], $0x4000  }
0xad: {  	[sflag:s25] =	ssyncset.done $0x0  }
0xae: {  	s29 =	sadd.s32 $0x1400, s30;
	[sflag:s25] =	ssyncadd.s32 $0xFFFFC000  }
0xaf: {  	[spmem:s1] =	stream.indirect.scatter.add.f32 [tilespmem:s19], [sflag:$0x3], $0x80, s29, s22, $0xb8;
	[tilespmem:$0x1E800] =	vst v63  }
0xb0: {  	_ =	swait.ge [sflag:s20], $0x4000  }
0xb1: {  	[sflag:s20] =	ssyncset.done $0x0  }
0xb2: {  	[sflag:s20] =	ssyncadd.s32 $0xFFFFC000  }
0xb3: {  	_ =	swait.ge [sflag:s26], $0x4000  }
.Ltmp6:
0xb4: {  	[sflag:s26] =	ssyncset.done $0x0;
	(pc) =	sbr.rel @p1 .LBB2_8-.Ltmp6, $4  }
0xb5: {  	s29 =	sadd.s32 $0x1480, s30;
	[sflag:s26] =	ssyncadd.s32 $0xFFFFC000  }
0xb6: {  	[spmem:s1] =	stream.indirect.scatter.add.f32 [tilespmem:s23], [sflag:$0x3], $0x80, s29, s22, $0xb8;
	[tilespmem:$0x1E800] =	vst v63  }
0xb7: {  	_ =	swait.ge [sflag:s20], $0x4000  }
0xb8: {  	s29 =	smov.u32 s31;
	[sflag:s20] =	ssyncset.done $0x0  }
0xb9: {  	s28 =	sshra.s32 s28, $0x2;
	[sflag:s20] =	ssyncadd.s32 $0xFFFFC000  }
0xba: {  	[tilespmem:s19], [sflag:$0x1] =	stream.indirect.gather [hbm4b:s4+s22], $0x80, s28, s22, $0xb8;
	[tilespmem:$0x1E800] =	vst v63  }
0xbb: {  	s29 =	sadd.s32 $0x80, s28  }
0xbc: {  	[tilespmem:s23], [sflag:$0x2] =	stream.indirect.gather [hbm4b:s4+s22], $0x80, s29, s22, $0xb8;
	[tilespmem:$0x1E800] =	vst v63  }
0xbd: {  	_ =	swait.ge [sflag:s25], $0x4000  }
0xbe: {  	[sflag:s25] =	ssyncset.done $0x0  }
0xbf: {  	s29 =	sadd.s32 $0x1400, s28;
	[sflag:s25] =	ssyncadd.s32 $0xFFFFC000  }
0xc0: {  	[spmem:s1] =	stream.indirect.scatter.add.f32 [tilespmem:s19], [sflag:$0x3], $0x80, s29, s22, $0xb8;
	[tilespmem:$0x1E800] =	vst v63  }
0xc1: {  	_ =	swait.ge [sflag:s20], $0x4000  }
0xc2: {  	[sflag:s20] =	ssyncset.done $0x0  }
0xc3: {  	[sflag:s20] =	ssyncadd.s32 $0xFFFFC000  }
0xc4: {  	_ =	swait.ge [sflag:s26], $0x4000  }
0xc5: {  	[sflag:s26] =	ssyncset.done $0x0  }
0xc6: {  	s28 =	sadd.s32 $0x1480, s28;
	[sflag:s26] =	ssyncadd.s32 $0xFFFFC000  }
0xc7: {  	[spmem:s1] =	stream.indirect.scatter.add.f32 [tilespmem:s23], [sflag:$0x3], $0x80, s28, s22, $0xb8;
	[tilespmem:$0x1E800] =	vst v63  }
0xc8: {  	_ =	swait.ge [sflag:s20], $0x4000  }
0xc9: {  	[sflag:s20] =	ssyncset.done $0x0  }
0xca: {  	s28 =	simm.s32 $0x0;
	[sflag:s20] =	ssyncadd.s32 $0xFFFFC000  }
0xcb: {  	[tilespmem:s28], [sflag:$0x3] =	stream.linear.gather [hbm4b:s12+s28], $0x1400, $0x38;
	[tilespmem:$0x1E800] =	vst v63  }
0xcc: {  	_ =	swait.ge [sflag:s20], $0x1400  }
0xcd: {  	[sflag:s20] =	ssyncset.done $0x0  }
0xce: {  	[sflag:s20] =	ssyncadd.s32 $0xFFFFEC00  }
0xcf: {  	[tilespmem:s21], [sflag:$0x3] =	stream.linear.gather [hbm4b:s13+s28], $0x1400, $0x38;
	[tilespmem:$0x1E800] =	vst v63  }
0xd0: {  	_ =	swait.ge [sflag:s20], $0x1400  }
0xd1: {  	[sflag:s20] =	ssyncset.done $0x0  }
0xd2: {  	s28 =	simm.s32 $0x0;
	[sflag:s20] =	ssyncadd.s32 $0xFFFFEC00  }
0xd3: {  	[tilespmem:s19], [sflag:$0x1] =	stream.indirect.gather [hbm4b:s4+s22], $0x80, s28, s22, $0xb8;
	[tilespmem:$0x1E800] =	vst v63  }
0xd4: {  	s28 =	simm.s32 $0x80  }
0xd5: {  	[tilespmem:s23], [sflag:$0x2] =	stream.indirect.gather [hbm4b:s4+s22], $0x80, s28, s22, $0xb8;
	[tilespmem:$0x1E800] =	vst v63  }
0xd6: {  	_ =	swait.ge [sflag:s25], $0x4000  }
0xd7: {  	[sflag:s25] =	ssyncset.done $0x0  }
0xd8: {  	s28 =	simm.s32 $0x1400;
	[sflag:s25] =	ssyncadd.s32 $0xFFFFC000  }
0xd9: {  	[spmem:s1] =	stream.indirect.scatter.add.f32 [tilespmem:s19], [sflag:$0x3], $0x80, s28, s22, $0xb8;
	[tilespmem:$0x1E800] =	vst v63  }
0xda: {  	_ =	swait.ge [sflag:s20], $0x4000  }
0xdb: {  	[sflag:s20] =	ssyncset.done $0x0  }
0xdc: {  	[sflag:s20] =	ssyncadd.s32 $0xFFFFC000  }
0xdd: {  	_ =	swait.ge [sflag:s26], $0x4000  }
0xde: {  	[sflag:s26] =	ssyncset.done $0x0  }
0xdf: {  	s28 =	simm.s32 $0x1480;
	[sflag:s26] =	ssyncadd.s32 $0xFFFFC000  }
0xe0: {  	[spmem:s1] =	stream.indirect.scatter.add.f32 [tilespmem:s23], [sflag:$0x3], $0x80, s28, s22, $0xb8;
	[tilespmem:$0x1E800] =	vst v63  }
0xe1: {  	_ =	swait.ge [sflag:s20], $0x4000  }
0xe2: {  	s29 =	simm.s32 $0x800;
	s28 =	simm.s32 $0x400;
	[sflag:s20] =	ssyncset.done $0x0  }
.LBB2_10:
0xe3: {  	s30 =	sshra.s32 s28, $0x2  }
0xe4: {  	[sflag:s20] =	ssyncadd.s32 $0xFFFFC000;
	s28 =	smov.u32 s29;
	s31 =	sadd.s32 $0x400, s29  }
0xe5: {  	[tilespmem:s19], [sflag:$0x1] =	stream.indirect.gather [hbm4b:s4+s22], $0x80, s30, s22, $0xb8;
	[tilespmem:$0x1E800] =	vst v63  }
0xe6: {  	p1 =	sne.s32 s29, $0x4C00;
	s29 =	sadd.s32 $0x80, s30  }
0xe7: {  	[tilespmem:s23], [sflag:$0x2] =	stream.indirect.gather [hbm4b:s4+s22], $0x80, s29, s22, $0xb8;
	[tilespmem:$0x1E800] =	vst v63  }
0xe8: {  	_ =	swait.ge [sflag:s25], $0x4000  }
0xe9: {  	[sflag:s25] =	ssyncset.done $0x0  }
0xea: {  	s29 =	sadd.s32 $0x1400, s30;
	[sflag:s25] =	ssyncadd.s32 $0xFFFFC000  }
0xeb: {  	[spmem:s1] =	stream.indirect.scatter.add.f32 [tilespmem:s19], [sflag:$0x3], $0x80, s29, s22, $0xb8;
	[tilespmem:$0x1E800] =	vst v63  }
0xec: {  	_ =	swait.ge [sflag:s20], $0x4000  }
0xed: {  	[sflag:s20] =	ssyncset.done $0x0  }
0xee: {  	[sflag:s20] =	ssyncadd.s32 $0xFFFFC000  }
0xef: {  	_ =	swait.ge [sflag:s26], $0x4000  }
.Ltmp7:
0xf0: {  	[sflag:s26] =	ssyncset.done $0x0;
	(pc) =	sbr.rel @p1 .LBB2_10-.Ltmp7, $4  }
0xf1: {  	s29 =	sadd.s32 $0x1480, s30;
	[sflag:s26] =	ssyncadd.s32 $0xFFFFC000  }
0xf2: {  	[spmem:s1] =	stream.indirect.scatter.add.f32 [tilespmem:s23], [sflag:$0x3], $0x80, s29, s22, $0xb8;
	[tilespmem:$0x1E800] =	vst v63  }
0xf3: {  	_ =	swait.ge [sflag:s20], $0x4000  }
0xf4: {  	s29 =	smov.u32 s31;
	[sflag:s20] =	ssyncset.done $0x0  }
0xf5: {  	s28 =	sshra.s32 s28, $0x2;
	[sflag:s20] =	ssyncadd.s32 $0xFFFFC000  }
0xf6: {  	[tilespmem:s19], [sflag:$0x1] =	stream.indirect.gather [hbm4b:s4+s22], $0x80, s28, s22, $0xb8;
	[tilespmem:$0x1E800] =	vst v63  }
0xf7: {  	s29 =	sadd.s32 $0x80, s28  }
0xf8: {  	[tilespmem:s23], [sflag:$0x2] =	stream.indirect.gather [hbm4b:s4+s22], $0x80, s29, s22, $0xb8;
	[tilespmem:$0x1E800] =	vst v63  }
0xf9: {  	_ =	swait.ge [sflag:s25], $0x4000  }
0xfa: {  	[sflag:s25] =	ssyncset.done $0x0  }
0xfb: {  	s29 =	sadd.s32 $0x1400, s28;
	[sflag:s25] =	ssyncadd.s32 $0xFFFFC000  }
0xfc: {  	[spmem:s1] =	stream.indirect.scatter.add.f32 [tilespmem:s19], [sflag:$0x3], $0x80, s29, s22, $0xb8;
	[tilespmem:$0x1E800] =	vst v63  }
0xfd: {  	_ =	swait.ge [sflag:s20], $0x4000  }
0xfe: {  	[sflag:s20] =	ssyncset.done $0x0  }
0xff: {  	[sflag:s20] =	ssyncadd.s32 $0xFFFFC000  }
0x100: {  	_ =	swait.ge [sflag:s26], $0x4000  }
0x101: {  	[sflag:s26] =	ssyncset.done $0x0  }
0x102: {  	s28 =	sadd.s32 $0x1480, s28;
	[sflag:s26] =	ssyncadd.s32 $0xFFFFC000  }
0x103: {  	[spmem:s1] =	stream.indirect.scatter.add.f32 [tilespmem:s23], [sflag:$0x3], $0x80, s28, s22, $0xb8;
	[tilespmem:$0x1E800] =	vst v63  }
0x104: {  	_ =	swait.ge [sflag:s20], $0x4000  }
0x105: {  	[sflag:s20] =	ssyncset.done $0x0  }
0x106: {  	s28 =	simm.s32 $0x0;
	[sflag:s20] =	ssyncadd.s32 $0xFFFFC000  }
0x107: {  	[tilespmem:s28], [sflag:$0x3] =	stream.linear.gather [hbm4b:s14+s28], $0x1400, $0x38;
	[tilespmem:$0x1E800] =	vst v63  }
0x108: {  	_ =	swait.ge [sflag:s20], $0x1400  }
0x109: {  	[sflag:s20] =	ssyncset.done $0x0  }
0x10a: {  	[sflag:s20] =	ssyncadd.s32 $0xFFFFEC00  }
0x10b: {  	[tilespmem:s21], [sflag:$0x3] =	stream.linear.gather [hbm4b:s15+s28], $0x1400, $0x38;
	[tilespmem:$0x1E800] =	vst v63  }
0x10c: {  	_ =	swait.ge [sflag:s20], $0x1400  }
0x10d: {  	[sflag:s20] =	ssyncset.done $0x0  }
0x10e: {  	s28 =	simm.s32 $0x0;
	[sflag:s20] =	ssyncadd.s32 $0xFFFFEC00  }
0x10f: {  	[tilespmem:s19], [sflag:$0x1] =	stream.indirect.gather [hbm4b:s4+s22], $0x80, s28, s22, $0xb8;
	[tilespmem:$0x1E800] =	vst v63  }
0x110: {  	s28 =	simm.s32 $0x80  }
0x111: {  	[tilespmem:s23], [sflag:$0x2] =	stream.indirect.gather [hbm4b:s4+s22], $0x80, s28, s22, $0xb8;
	[tilespmem:$0x1E800] =	vst v63  }
0x112: {  	_ =	swait.ge [sflag:s25], $0x4000  }
0x113: {  	[sflag:s25] =	ssyncset.done $0x0  }
0x114: {  	s28 =	simm.s32 $0x1400;
	[sflag:s25] =	ssyncadd.s32 $0xFFFFC000  }
0x115: {  	[spmem:s1] =	stream.indirect.scatter.add.f32 [tilespmem:s19], [sflag:$0x3], $0x80, s28, s22, $0xb8;
	[tilespmem:$0x1E800] =	vst v63  }
0x116: {  	_ =	swait.ge [sflag:s20], $0x4000  }
0x117: {  	[sflag:s20] =	ssyncset.done $0x0  }
0x118: {  	[sflag:s20] =	ssyncadd.s32 $0xFFFFC000  }
0x119: {  	_ =	swait.ge [sflag:s26], $0x4000  }
0x11a: {  	[sflag:s26] =	ssyncset.done $0x0  }
0x11b: {  	s28 =	simm.s32 $0x1480;
	[sflag:s26] =	ssyncadd.s32 $0xFFFFC000  }
0x11c: {  	[spmem:s1] =	stream.indirect.scatter.add.f32 [tilespmem:s23], [sflag:$0x3], $0x80, s28, s22, $0xb8;
	[tilespmem:$0x1E800] =	vst v63  }
0x11d: {  	_ =	swait.ge [sflag:s20], $0x4000  }
0x11e: {  	s29 =	simm.s32 $0x800;
	s28 =	simm.s32 $0x400;
	[sflag:s20] =	ssyncset.done $0x0  }
.LBB2_12:
0x11f: {  	s30 =	sshra.s32 s28, $0x2  }
0x120: {  	[sflag:s20] =	ssyncadd.s32 $0xFFFFC000;
	s28 =	smov.u32 s29;
	s31 =	sadd.s32 $0x400, s29  }
0x121: {  	[tilespmem:s19], [sflag:$0x1] =	stream.indirect.gather [hbm4b:s4+s22], $0x80, s30, s22, $0xb8;
	[tilespmem:$0x1E800] =	vst v63  }
0x122: {  	p1 =	sne.s32 s29, $0x4C00;
	s29 =	sadd.s32 $0x80, s30  }
0x123: {  	[tilespmem:s23], [sflag:$0x2] =	stream.indirect.gather [hbm4b:s4+s22], $0x80, s29, s22, $0xb8;
	[tilespmem:$0x1E800] =	vst v63  }
0x124: {  	_ =	swait.ge [sflag:s25], $0x4000  }
0x125: {  	[sflag:s25] =	ssyncset.done $0x0  }
0x126: {  	s29 =	sadd.s32 $0x1400, s30;
	[sflag:s25] =	ssyncadd.s32 $0xFFFFC000  }
0x127: {  	[spmem:s1] =	stream.indirect.scatter.add.f32 [tilespmem:s19], [sflag:$0x3], $0x80, s29, s22, $0xb8;
	[tilespmem:$0x1E800] =	vst v63  }
0x128: {  	_ =	swait.ge [sflag:s20], $0x4000  }
0x129: {  	[sflag:s20] =	ssyncset.done $0x0  }
0x12a: {  	[sflag:s20] =	ssyncadd.s32 $0xFFFFC000  }
0x12b: {  	_ =	swait.ge [sflag:s26], $0x4000  }
.Ltmp8:
0x12c: {  	[sflag:s26] =	ssyncset.done $0x0;
	(pc) =	sbr.rel @p1 .LBB2_12-.Ltmp8, $4  }
0x12d: {  	s29 =	sadd.s32 $0x1480, s30;
	[sflag:s26] =	ssyncadd.s32 $0xFFFFC000  }
0x12e: {  	[spmem:s1] =	stream.indirect.scatter.add.f32 [tilespmem:s23], [sflag:$0x3], $0x80, s29, s22, $0xb8;
	[tilespmem:$0x1E800] =	vst v63  }
0x12f: {  	_ =	swait.ge [sflag:s20], $0x4000  }
0x130: {  	s29 =	smov.u32 s31;
	[sflag:s20] =	ssyncset.done $0x0  }
.Ltmp9:
0x131: {  	_ = 	snop;
	(pc) =	sbr.rel .LBB2_13-.Ltmp9, $1  }
0x132: {  	_ =	sdelay $0x3  }
.LBB2_15:
0x133: {  	_ =	sfence.sel $0x180000  }
0x134: {  	[bflag:$0x0] =	sbarrier.arrive $0xFFFF  }
0x135: {  	p0 =	sne.s32 s3, $0x0;
	_ =	strace $0x9000004A  }
0x136: {  	s0 =	sadd.s32 @!p0 $0x100000, s0;
	[bflag:$0x2] =	sbarrier.arrive $0xFFFF  }
0x137: {  	[sflag:s0] =	ssyncadd.tile.s32 @!p0 $0x1;
	_ =	shalt  }
.Lfunc_end2:
_tile_overlayer_lowered:
.L_overlay_start_2:
0x138: {  	(tag) =	ssettag $0x2  }
0x139: {  	s0 =	rddreg [dreg:$0x0];
	s2 =	stileid.u32  }
0x13a: {  	s1 =	rddreg [dreg:$0x1];
	p0 =	sne.s32 s2, $0x0  }
0x13b: {  	s3 =	rddreg [dreg:$0x2];
	[bflag:$0x3] =	sbarrier.arrive $0xFFFF;
	s2 =	simm.s32 @!p0 $0x1C03  }
0x13c: {  	[timem:s3], [sflag:s2] =	dma.local @!p0 [hbm:s0], s1  }
0x13d: {  	s0 =	simm.s32 @!p0 $0x3  }
0x13e: {  	_ =	swait.ge @!p0 [sflag:s0], s1  }
0x13f: {  	s1 =	ssub.s32 @!p0 $0x0, s1;
	[sflag:s0] =	ssyncset.done @!p0 $0x0  }
0x140: {  	[sflag:s0] =	ssyncadd.s32 @!p0 s1  }
0x141: {  	[bflag:$0x3] =	sbarrier.arrive $0xFFFF  }
0x142: {  	_ =	shalt  }

// kernel: kernel.17.cloned.1.call-start
scs
__scs_entry_jumppad:
0x0: {  	(pc) =	sbr.rel $0x88, $3  }
0x1: {  	(tag) =	ssettag $0x0;
	lr =	simm.s32 $0x1  }
0x2: {  	[smem:$0x3F91] =	sst lr;
	_ =	strace $0xD0000000  }
0x3: {  	_ = 	snop  }
0x4: {  	_ = 	snop  }
0x5: {  	_ = 	snop  }
0x6: {  	_ = 	snop  }
0x7: {  	_ = 	snop  }
__scs_overlays_trampoline_lowered:
0x8: {  	[smem:$0x3FA0] =	sst s0  }
0x9: {  	[smem:$0x3FA1] =	sst s1  }
0xa: {  	[smem:$0x3FA2] =	sst s2  }
0xb: {  	[smem:$0x3FA3] =	sst s3  }
0xc: {  	[smem:$0x3FA4] =	sst s4  }
0xd: {  	[smem:$0x3FA5] =	sst s5  }
0xe: {  	[smem:$0x3FA6] =	sst s6  }
0xf: {  	[smem:$0x3FA7] =	sst s7  }
0x10: {  	[smem:$0x3FA8] =	sst s8  }
0x11: {  	[smem:$0x3FA9] =	sst s9;
	s0 =	simm.s32 @!p0 $0x0  }
0x12: {  	s1 =	sld [smem:$0x3F8F];
	s0 =	simm.s32 @p0 $0x1  }
0x13: {  	[smem:$0x3FAA] =	sst s0;
	s0 =	simm.s32 @!p1 $0x0  }
0x14: {  	s2 =	sld [smem:$0x3F8E];
	s0 =	simm.s32 @p1 $0x1  }
0x15: {  	[smem:$0x3FAB] =	sst s0;
	s0 =	simm.s32 @!p2 $0x0  }
0x16: {  	s3 =	sld [smem:$0x3FDB];
	s0 =	simm.s32 @p2 $0x1  }
0x17: {  	s4 =	simm.s32 $0x1BF5;
	[smem:$0x3FAD] =	sst s0  }
0x18: {  	s0 =	sld [smem:$0x3F90];
	_ =	swait.ge [sflag:s4], $0x0  }
0x19: {  	s7 =	sld [smem:$0x3F91]  }
0x1a: {  	s8 =	sadd.s32 $0xFFFFE003, lr  }
0x1b: {  	s9 =	sadd.s32 $0xFFFFFEF7, lr;
	s5 =	simm.s32 $0xFFFFFFFF;
	p2 =	slt.u32 s8, $0xFFFFF086  }
0x1c: {  	p1 =	slt.u32 s9, $0xF7A;
	s5 =	simm.s32 @!p2 $0x0  }
0x1d: {  	s5 =	simm.s32 @p1 $0x1;
	p0 =	seq.s32 s7, s2  }
0x1e: {  	s7 =	smul.u32 @!p0 $0xF7A, s2;
	p2 =	seq.s32 @!p0 s5, $0x0  }
0x1f: {  	s9 =	smul.u32 $0xF7A, s1;
	s8 =	simm.s32 @!p0 $0x1BF5;
	p2 =	por !p2, p0  }
0x20: {  	[sflag:s8] =	ssyncset.s32 @!p0 $0xFFFFF086;
	s6 =	sadd.s32 @!p0 s3, s7;
	s7 =	simm.s32 @!p0 $0x108  }
0x21: {  	s3 =	sadd.s32 s3, s9;
	s6 =	sadd.s32 @!p0 $0x88, s6;
	s7 =	simm.s32 @p2 $0x1082  }
0x22: {  	[simem:s7], [sflag:s8] =	dma.local @!p0 [hbm:s6], $0xF7A  }
0x23: {  	s9 =	sor.u32 $0xD0000000, s2;
	s6 =	simm.s32 $0x108;
	_ =	swait.ge @!p0 [sflag:s8], $0x0  }
0x24: {  	s3 =	sadd.s32 $0x88, s3;
	s6 =	simm.s32 @!p1 $0x1082;
	[sflag:s4] =	ssyncset.s32 $0xFFFFF086  }
0x25: {  	[simem:s6], [sflag:s4] =	dma.local [hbm:s3], $0xF7A  }
0x26: {  	[smem:$0x3F91] =	sst s1;
	(tag) =	ssettag s2;
	_ =	strace s9  }
0x27: {  	s1 =	sld [smem:$0x3FA1]  }
0x28: {  	s2 =	sld [smem:$0x3FA2]  }
0x29: {  	s4 =	sld [smem:$0x3FA4]  }
0x2a: {  	p0 =	seq.s32 s5, $0x0;
	s5 =	sld [smem:$0x3FA5]  }
0x2b: {  	s6 =	sld [smem:$0x3FA6]  }
0x2c: {  	s7 =	sld [smem:$0x3FA7]  }
0x2d: {  	s3 =	simm.s32 $0x108;
	s8 =	sld [smem:$0x3FA8]  }
0x2e: {  	s3 =	simm.s32 @!p0 $0x1082;
	s9 =	sld [smem:$0x3FA9]  }
0x2f: {  	lr =	sadd.s32 s0, s3;
	s0 =	sld [smem:$0x3FA0]  }
0x30: {  	s3 =	sld [smem:$0x3FA3]  }
0x31: {  	[smem:$0x3FAC] =	sst s10  }
0x32: {  	s10 =	sld [smem:$0x3FAA];
	_ =	sdelay $0x3  }
0x33: {  	p0 =	seq.s32 s10, $0x1;
	s10 =	sld [smem:$0x3FAC];
	_ =	sdelay $0x3  }
0x34: {  	[smem:$0x3FAC] =	sst s10  }
0x35: {  	s10 =	sld [smem:$0x3FAB];
	_ =	sdelay $0x3  }
0x36: {  	p1 =	seq.s32 s10, $0x1;
	s10 =	sld [smem:$0x3FAC];
	_ =	sdelay $0x3  }
0x37: {  	[smem:$0x3FAC] =	sst s10  }
0x38: {  	s10 =	sld [smem:$0x3FAD]  }
0x39: {  	_ = 	snop;
	(pc) =	sbr.ind lr, $3  }
0x3a: {  	_ = 	snop  }
0x3b: {  	_ = 	snop  }
0x3c: {  	p2 =	seq.s32 s10, $0x1;
	s10 =	sld [smem:$0x3FAC]  }
0x3d: {  	_ =	shalt  }
0x3e: {  	_ =	shalt  }
0x3f: {  	_ =	shalt  }
0x40: {  	_ =	shalt  }
0x41: {  	_ =	shalt  }
0x42: {  	_ =	shalt  }
0x43: {  	_ =	shalt  }
0x44: {  	_ =	shalt  }
0x45: {  	_ =	shalt  }
0x46: {  	_ =	shalt  }
0x47: {  	_ =	shalt  }
0x48: {  	_ =	shalt  }
0x49: {  	_ =	shalt  }
0x4a: {  	_ =	shalt  }
0x4b: {  	_ =	shalt  }
0x4c: {  	_ =	shalt  }
0x4d: {  	_ =	shalt  }
0x4e: {  	_ =	shalt  }
0x4f: {  	_ =	shalt  }
0x50: {  	_ =	shalt  }
0x51: {  	_ =	shalt  }
0x52: {  	_ =	shalt  }
0x53: {  	_ =	shalt  }
0x54: {  	_ =	shalt  }
0x55: {  	_ =	shalt  }
0x56: {  	_ =	shalt  }
0x57: {  	_ =	shalt  }
0x58: {  	_ =	shalt  }
0x59: {  	_ =	shalt  }
0x5a: {  	_ =	shalt  }
0x5b: {  	_ =	shalt  }
0x5c: {  	_ =	shalt  }
0x5d: {  	_ =	shalt  }
0x5e: {  	_ =	shalt  }
0x5f: {  	_ =	shalt  }
0x60: {  	_ =	shalt  }
0x61: {  	_ =	shalt  }
0x62: {  	_ =	shalt  }
0x63: {  	_ =	shalt  }
0x64: {  	_ =	shalt  }
0x65: {  	_ =	shalt  }
0x66: {  	_ =	shalt  }
0x67: {  	_ =	shalt  }
0x68: {  	_ =	shalt  }
0x69: {  	_ =	shalt  }
0x6a: {  	_ =	shalt  }
0x6b: {  	_ =	shalt  }
0x6c: {  	_ =	shalt  }
0x6d: {  	_ =	shalt  }
0x6e: {  	_ =	shalt  }
0x6f: {  	_ =	shalt  }
0x70: {  	_ =	shalt  }
0x71: {  	_ =	shalt  }
0x72: {  	_ =	shalt  }
0x73: {  	_ =	shalt  }
0x74: {  	_ =	shalt  }
0x75: {  	_ =	shalt  }
0x76: {  	_ =	shalt  }
0x77: {  	_ =	shalt  }
0x78: {  	_ =	shalt  }
0x79: {  	_ =	shalt  }
0x7a: {  	_ =	shalt  }
0x7b: {  	_ =	shalt  }
0x7c: {  	_ =	shalt  }
0x7d: {  	_ =	shalt  }
0x7e: {  	_ =	shalt  }
0x7f: {  	_ =	shalt  }
0x80: {  	_ =	shalt  }
0x81: {  	_ =	shalt  }
0x82: {  	_ =	shalt  }
0x83: {  	_ =	shalt  }
0x84: {  	_ =	shalt  }
0x85: {  	_ =	shalt  }
0x86: {  	_ =	shalt  }
0x87: {  	_ =	shalt  }
.Lfunc_end0:
.L_simem_size_0:
called_computation.2_lowered:
.L_overlay_start_0:
0x88: {  	s2 =	sld [smem:$0x3FD9]  }
0x89: {  	s3 =	sld [smem:$0x3FFE];
	_ =	sdelay $0x1  }
0x8a: {  	s1 =	srdreg.scid  }
0x8b: {  	s0 =	sand.u32 $0x1, s1  }
0x8c: {  	s16 =	sshll.u32 s0, $0xA;
	s2 =	sadd.s32 s3, s2  }
0x8d: {  	s2 =	sadd.s32 s2, s16  }
0x8e: {  	[smem:$0x3FB8] =	sst s2  }
0x8f: {  	_ = 	snop  }
0x90: {  	(tm) =	ssettm $0x1  }
0x91: {  	s17 =	sld [smem:$0x3FFB];
	_ =	sdelay $0x3  }
0x92: {  	_ =	strace s17  }
0x93: {  	s2 =	sld [smem:$0x3FFC];
	_ =	sdelay $0x3  }
0x94: {  	_ =	strace s2  }
0x95: {  	s2 =	sld [smem:$0x3FFD];
	_ =	sdelay $0x3  }
0x96: {  	_ =	strace s2  }
0x97: {  	_ =	strace $0x8FFFFFFF  }
0x98: {  	s18 =	sld [smem:$0x3FDB];
	_ =	sdelay $0x1  }
0x99: {  	s19 =	simm.s32 $_scs_section_size  }
0x9a: {  	s4 =	simm.s32 $_size__tile_overlayer_lowered;
	s5 =	simm.s32 $_tile_overlayer_lowered  }
0x9b: {  	s22 =	simm.s32 $0x1BFF;
	s21 =	sshll.u32 s5, $0x1;
	s2 =	sadd.s32 s19, s18  }
0x9c: {  	s6 =	simm.s32 $0x0;
	s20 =	sshll.u32 s4, $0x1;
	s4 =	sadd.s32 s21, s2  }
0x9d: {  	[timem:s6], [sflag:s22] =	dma.local [hbm:s4], s20  }
0x9e: {  	_ =	swait.ge [sflag:s22], s20  }
0x9f: {  	s3 =	ssub.s32 $0x0, s20;
	[sflag:s22] =	ssyncset.done $0x0  }
0xa0: {  	[sflag:s22] =	ssyncadd.s32 s3;
	_ =	sdelay $0x1  }
0xa1: {  	s23 =	simm.s32 $0x1B8B  }
0xa2: {  	_ =	swait.ge [sflag:s23], $0x1  }
0xa3: {  	[sflag:s23] =	ssyncset.done $0x0  }
0xa4: {  	s25 =	simm.s32 $0x1B8E;
	s24 =	sld [smem:$0x3FFE];
	[sflag:s23] =	ssyncadd.s32 $0xFFFFFFFF  }
0xa5: {  	s26 =	simm.s32 $execute0_lowered;
	[smem:$0x3FD2] =	sst s25  }
0xa6: {  	s4 =	sshll.u32 s26, $0x1;
	_ =	strace $0x8000004C;
	[dreg:$0x1] =	wrdreg $0xFFFFFFFF  }
0xa7: {  	s28 =	simm.s32 $_size_execute0_lowered;
	s2 =	sadd.s32 s2, s4;
	[dreg:$0x0] =	wrdreg $0x0  }
0xa8: {  	s4 =	sshll.u32 s28, $0x1;
	[dreg:$0x2] =	wrdreg s2  }
0xa9: {  	[dreg:$0x3] =	wrdreg s4  }
0xaa: {  	[dreg:$0x4] =	wrdreg $0xC0  }
0xab: {  	_ =	task [dreg:s6], $0x5FFFF  }
0xac: {  	[dreg:$0x1] =	wrdreg $0xFFFFFFFF  }
0xad: {  	[dreg:$0x0] =	wrdreg $0x60  }
0xae: {  	[dreg:$0x2] =	wrdreg s24  }
0xaf: {  	[dreg:$0x3] =	wrdreg $0xA8000  }
0xb0: {  	[dreg:$0x4] =	wrdreg $0x9  }
0xb1: {  	_ =	task.clear_ibuf [dreg:s6], $0x5FFFF;
	_ =	strace $0x9000004C  }
0xb2: {  	s29 =	simm.s32 $0x9;
	_ =	strace $0x8000004E  }
0xb3: {  	_ =	swait.ge [sflag:s29], $0x1  }
0xb4: {  	[sflag:s29] =	ssyncadd.s32 $0xFFFFFFFF  }
0xb5: {  	_ =	strace $0x9000004E  }
0xb6: {  	_ =	sfence  }
0xb7: {  	s30 =	sld [smem:$0x0];
	_ =	sdelay $0x2  }
0xb8: {  	s31 =	sshll.u32 s1, $0xD;
	s1 =	sshrl.u32 s1, $0x2  }
0xb9: {  	s3 =	sand.u32 $0x4000, s31;
	s1 =	sadd.s32 s1, s30  }
0xba: {  	s0 =	sor.u32 s3, s0;
	s1 =	sshll.u32 s1, $0x11  }
0xbb: {  	s0 =	sor.u32 s1, s0  }
0xbc: {  	s0 =	sadd.s32 $0x8F2B, s0  }
0xbd: {  	[sflag:s0] =	ssyncadd.remote.s32 $0x1  }
0xbe: {  	_ =	sfence.sel $0xFFFF  }
0xbf: {  	[dreg:$0x0] =	wrdreg $0xFFFFFFFF;
	(pc) =	sbr.abs _section_cstart, $3  }
0xc0: {  	[dreg:$0x1] =	wrdreg $0xFFFFFFFF  }
0xc1: {  	_ =	task.clear_ibuf [dreg:s6], $0x2FFFF;
	_ =	strace $0x9FFFFFFF  }
0xc2: {  	(tm) =	ssettm $0x7FFFFFFF  }
0xc3: {  	_ =	shalt  }
tec
execute0_lowered:
.L_overlay_start_1:
0x0: {  	(tag) =	ssettag $0x1  }
0x1: {  	s5 =	rddreg [dreg:$0x0]  }
0x2: {  	s1 =	rddreg [dreg:$0x1];
	s3 =	srdreg.scid  }
0x3: {  	s0 =	rddreg [dreg:$0x2];
	s2 =	simm.s32 $0x0;
	s19 =	sand.u32 $0x1, s3  }
0x4: {  	s23 =	simm.s32 $0x6800;
	s3 =	stileid.u32;
	s6 =	smul.u32 $0x28000, s19  }
0x5: {  	s26 =	simm.s32 $0x2;
	[smem:$0x7FF] =	sst s2;
	s7 =	smul.u32 $0x50000, s3  }
0x6: {  	s4 =	sadd.s32 $0xFA00, s5;
	s16 =	sadd.s32 $0x5FA00, s5;
	s9 =	smul.u32 $0x5000, s3  }
0x7: {  	s17 =	sadd.s32 $0x5800, s5;
	_ =	strace $0x8000004D;
	s11 =	smul.u32 $0xA00, s3  }
0x8: {  	s29 =	ssub.s32 $0x2, s19;
	s25 =	smul.u32 $0x2800, s3;
	p0 =	sne.s32 s19, $0x0  }
0x9: {  	s19 =	simm.s32 $0x2800;
	s31 =	sshrl.u32 s29, $0x1;
	s18 =	sadd.s32 s6, s5  }
0xa: {  	s30 =	sshrl.u32 s7, $0x2;
	s20 =	ssub.s32 s29, s31;
	s15 =	sshrl.u32 s9, $0x3  }
0xb: {  	s10 =	sadd.s32 s16, s11;
	s11 =	sadd.s32 s17, s11;
	s5 =	sadd.s32 s30, s1  }
0xc: {  	s13 =	sadd.s32 $0x280, s15;
	s21 =	sadd.s32 $0x500, s15;
	s22 =	sadd.s32 $0x780, s15  }
0xd: {  	s24 =	sadd.s32 $0x69C00, s18;
	s18 =	smax.u32 s20, $0x1;
	s20 =	simm.s32 $0x3  }
.Ltmp0:
0xe: {  	s6 =	sadd.s32 $0x4000, s5;
	s7 =	sadd.s32 $0x8000, s5;
	(pc) =	sbr.rel .LBB2_1-.Ltmp0, $4  }
0xf: {  	s8 =	sadd.s32 $0xC000, s5;
	s9 =	sadd.s32 $0x10000, s5;
	s12 =	sadd.s32 s16, s13  }
0x10: {  	s13 =	sadd.s32 s17, s13;
	s14 =	sadd.s32 s16, s21;
	s15 =	sadd.s32 s17, s21  }
0x11: {  	s16 =	sadd.s32 s16, s22;
	s17 =	sadd.s32 s17, s22;
	s21 =	simm.s32 $0x1400  }
0x12: {  	v0 =	vimm.f32 $0.0e+00;
	s22 =	simm.s32 $0x80;
	s24 =	sadd.s32 s25, s24;
	s25 =	simm.s32 $0x1  }
.LBB2_13:
0x13: {  	s28 =	sshra.s32 s28, $0x2;
	[sflag:s20] =	ssyncadd.s32 $0xFFFFC000  }
0x14: {  	[tilespmem:s19], [sflag:$0x1] =	stream.indirect.gather [hbm4b:s4+s22], $0x80, s28, s22, $0xb8;
	[tilespmem:$0x1E800] =	vst v63  }
0x15: {  	s29 =	sadd.s32 $0x80, s28  }
0x16: {  	[tilespmem:s23], [sflag:$0x2] =	stream.indirect.gather [hbm4b:s4+s22], $0x80, s29, s22, $0xb8;
	[tilespmem:$0x1E800] =	vst v63  }
0x17: {  	_ =	swait.ge [sflag:s25], $0x4000  }
0x18: {  	[sflag:s25] =	ssyncset.done $0x0  }
0x19: {  	s31 =	sadd.s32 $0x1400, s28;
	[sflag:s25] =	ssyncadd.s32 $0xFFFFC000  }
0x1a: {  	[spmem:s1] =	stream.indirect.scatter.add.f32 [tilespmem:s19], [sflag:$0x3], $0x80, s31, s22, $0xb8;
	[tilespmem:$0x1E800] =	vst v63  }
0x1b: {  	_ =	swait.ge [sflag:s20], $0x4000  }
0x1c: {  	[sflag:s20] =	ssyncset.done $0x0  }
0x1d: {  	[sflag:s20] =	ssyncadd.s32 $0xFFFFC000  }
0x1e: {  	_ =	swait.ge [sflag:s26], $0x4000  }
0x1f: {  	[sflag:s26] =	ssyncset.done $0x0  }
0x20: {  	s28 =	sadd.s32 $0x1480, s28;
	[sflag:s26] =	ssyncadd.s32 $0xFFFFC000  }
0x21: {  	[spmem:s1] =	stream.indirect.scatter.add.f32 [tilespmem:s23], [sflag:$0x3], $0x80, s28, s22, $0xb8;
	[tilespmem:$0x1E800] =	vst v63  }
0x22: {  	_ =	swait.ge [sflag:s20], $0x4000  }
0x23: {  	[sflag:s20] =	ssyncset.done $0x0  }
0x24: {  	[sflag:s20] =	ssyncadd.s32 $0xFFFFC000  }
.LBB2_14:
0x25: {  	s2 =	sadd.s32 $0x1, s2  }
0x26: {  	s28 =	sshll.u32 s3, $0x6;
	[bflag:$0x0] =	sbarrier.arrive $0xFFFF;
	p1 =	sne.s32 s2, s18  }
.Ltmp1:
0x27: {  	s29 =	sshrl.u32 s5, $0x3;
	s28 =	sor.u32 $0x1C03, s28;
	(pc) =	sbr.rel @!p1 .LBB2_15-.Ltmp1, $4  }
0x28: {  	[hbm:s24], [sflag:s28] =	dma.local [spmem:s29], $0x2800  }
0x29: {  	_ =	swait.ge [sflag:s20], $0x2800  }
0x2a: {  	[sflag:s20] =	ssyncset.done $0x0  }
0x2b: {  	[sflag:s20] =	ssyncadd.s32 $0xFFFFD800  }
.LBB2_1:
0x2c: {  	s28 =	simm.s32 $0x0;
	s29 =	simm.s32 $0x200  }
.LBB2_2:
0x2d: {  	p1 =	sne.s32 s29, $0xFE00;
	[tilespmem:s28+$0x2870] =	vst v0  }
0x2e: {  	[tilespmem:s28+$0x2800] =	vst v0  }
0x2f: {  	[tilespmem:s28+$0x2810] =	vst v0  }
.Ltmp2:
0x30: {  	[tilespmem:s28+$0x2820] =	vst v0;
	(pc) =	sbr.rel @p1 .LBB2_2-.Ltmp2, $4  }
0x31: {  	[tilespmem:s28+$0x2830] =	vst v0  }
0x32: {  	[tilespmem:s28+$0x2840] =	vst v0  }
0x33: {  	[tilespmem:s28+$0x2850] =	vst v0  }
0x34: {  	[tilespmem:s28+$0x2860] =	vst v0;
	s28 =	sshra.s32 s29, $0x2;
	s29 =	sadd.s32 $0x200, s29  }
0x35: {  	[tilespmem:s28+$0x2870] =	vst v0  }
0x36: {  	[tilespmem:s28+$0x2800] =	vst v0  }
0x37: {  	[tilespmem:s28+$0x2810] =	vst v0  }
0x38: {  	[tilespmem:s28+$0x2820] =	vst v0  }
0x39: {  	[tilespmem:s28+$0x2830] =	vst v0  }
0x3a: {  	[tilespmem:s28+$0x2840] =	vst v0  }
0x3b: {  	[tilespmem:s28+$0x2850] =	vst v0  }
0x3c: {  	[tilespmem:s28+$0x2860] =	vst v0  }
0x3d: {  	[spmem:s5] =	stream.linear.scatter [tilespmem:s19], [sflag:$0x3], $0x4000, $0x38;
	[tilespmem:$0x1E800] =	vst v63  }
0x3e: {  	_ =	swait.ge [sflag:s20], $0x4000  }
0x3f: {  	[sflag:s20] =	ssyncset.done $0x0  }
0x40: {  	[sflag:s20] =	ssyncadd.s32 $0xFFFFC000  }
0x41: {  	[spmem:s6] =	stream.linear.scatter [tilespmem:s19], [sflag:$0x3], $0x4000, $0x38;
	[tilespmem:$0x1E800] =	vst v63  }
0x42: {  	_ =	swait.ge [sflag:s20], $0x4000  }
0x43: {  	[sflag:s20] =	ssyncset.done $0x0  }
0x44: {  	[sflag:s20] =	ssyncadd.s32 $0xFFFFC000  }
0x45: {  	[spmem:s7] =	stream.linear.scatter [tilespmem:s19], [sflag:$0x3], $0x4000, $0x38;
	[tilespmem:$0x1E800] =	vst v63  }
0x46: {  	_ =	swait.ge [sflag:s20], $0x4000  }
0x47: {  	[sflag:s20] =	ssyncset.done $0x0  }
0x48: {  	[sflag:s20] =	ssyncadd.s32 $0xFFFFC000  }
0x49: {  	[spmem:s8] =	stream.linear.scatter [tilespmem:s19], [sflag:$0x3], $0x4000, $0x38;
	[tilespmem:$0x1E800] =	vst v63  }
0x4a: {  	_ =	swait.ge [sflag:s20], $0x4000  }
0x4b: {  	[sflag:s20] =	ssyncset.done $0x0  }
0x4c: {  	[sflag:s20] =	ssyncadd.s32 $0xFFFFC000  }
0x4d: {  	[spmem:s9] =	stream.linear.scatter [tilespmem:s19], [sflag:$0x3], $0x4000, $0x38;
	[tilespmem:$0x1E800] =	vst v63  }
.Ltmp3:
0x4e: {  	_ =	swait.ge [sflag:s20], $0x4000;
	(pc) =	sbr.rel @p0 .LBB2_7-.Ltmp3, $4  }
0x4f: {  	[sflag:s20] =	ssyncset.done $0x0  }
0x50: {  	[sflag:s20] =	ssyncadd.s32 $0xFFFFC000  }
0x51: {  	[bflag:$0x0] =	sbarrier.arrive $0xFFFF  }
0x52: {  	s28 =	simm.s32 $0x0  }
0x53: {  	[tilespmem:s28], [sflag:$0x3] =	stream.linear.gather [hbm4b:s16+s28], $0x1400, $0x38;
	[tilespmem:$0x1E800] =	vst v63  }
0x54: {  	_ =	swait.ge [sflag:s20], $0x1400  }
0x55: {  	[sflag:s20] =	ssyncset.done $0x0  }
0x56: {  	[sflag:s20] =	ssyncadd.s32 $0xFFFFEC00  }
0x57: {  	[tilespmem:s21], [sflag:$0x3] =	stream.linear.gather [hbm4b:s17+s28], $0x1400, $0x38;
	[tilespmem:$0x1E800] =	vst v63  }
0x58: {  	_ =	swait.ge [sflag:s20], $0x1400  }
0x59: {  	[sflag:s20] =	ssyncset.done $0x0  }
0x5a: {  	s28 =	simm.s32 $0x0;
	[sflag:s20] =	ssyncadd.s32 $0xFFFFEC00  }
0x5b: {  	[tilespmem:s19], [sflag:$0x1] =	stream.indirect.gather [hbm4b:s4+s22], $0x80, s28, s22, $0xb8;
	[tilespmem:$0x1E800] =	vst v63  }
0x5c: {  	s28 =	simm.s32 $0x80  }
0x5d: {  	[tilespmem:s23], [sflag:$0x2] =	stream.indirect.gather [hbm4b:s4+s22], $0x80, s28, s22, $0xb8;
	[tilespmem:$0x1E800] =	vst v63  }
0x5e: {  	_ =	swait.ge [sflag:s25], $0x4000  }
0x5f: {  	[sflag:s25] =	ssyncset.done $0x0  }
0x60: {  	s28 =	simm.s32 $0x1400;
	[sflag:s25] =	ssyncadd.s32 $0xFFFFC000  }
0x61: {  	[spmem:s1] =	stream.indirect.scatter.add.f32 [tilespmem:s19], [sflag:$0x3], $0x80, s28, s22, $0xb8;
	[tilespmem:$0x1E800] =	vst v63  }
0x62: {  	_ =	swait.ge [sflag:s20], $0x4000  }
0x63: {  	[sflag:s20] =	ssyncset.done $0x0  }
0x64: {  	[sflag:s20] =	ssyncadd.s32 $0xFFFFC000  }
0x65: {  	_ =	swait.ge [sflag:s26], $0x4000  }
0x66: {  	[sflag:s26] =	ssyncset.done $0x0  }
0x67: {  	s28 =	simm.s32 $0x1480;
	[sflag:s26] =	ssyncadd.s32 $0xFFFFC000  }
0x68: {  	[spmem:s1] =	stream.indirect.scatter.add.f32 [tilespmem:s23], [sflag:$0x3], $0x80, s28, s22, $0xb8;
	[tilespmem:$0x1E800] =	vst v63  }
0x69: {  	_ =	swait.ge [sflag:s20], $0x4000  }
0x6a: {  	s29 =	simm.s32 $0x800;
	s28 =	simm.s32 $0x400;
	[sflag:s20] =	ssyncset.done $0x0  }
.LBB2_5:
0x6b: {  	s30 =	sshra.s32 s28, $0x2  }
0x6c: {  	[sflag:s20] =	ssyncadd.s32 $0xFFFFC000;
	s28 =	smov.u32 s29;
	s31 =	sadd.s32 $0x400, s29  }
0x6d: {  	[tilespmem:s19], [sflag:$0x1] =	stream.indirect.gather [hbm4b:s4+s22], $0x80, s30, s22, $0xb8;
	[tilespmem:$0x1E800] =	vst v63  }
0x6e: {  	p1 =	seq.s32 s29, $0x4C00;
	s29 =	sadd.s32 $0x80, s30  }
0x6f: {  	[tilespmem:s23], [sflag:$0x2] =	stream.indirect.gather [hbm4b:s4+s22], $0x80, s29, s22, $0xb8;
	[tilespmem:$0x1E800] =	vst v63  }
0x70: {  	_ =	swait.ge [sflag:s25], $0x4000  }
0x71: {  	[sflag:s25] =	ssyncset.done $0x0  }
0x72: {  	s29 =	sadd.s32 $0x1400, s30;
	[sflag:s25] =	ssyncadd.s32 $0xFFFFC000  }
0x73: {  	[spmem:s1] =	stream.indirect.scatter.add.f32 [tilespmem:s19], [sflag:$0x3], $0x80, s29, s22, $0xb8;
	[tilespmem:$0x1E800] =	vst v63  }
0x74: {  	_ =	swait.ge [sflag:s20], $0x4000  }
0x75: {  	[sflag:s20] =	ssyncset.done $0x0  }
0x76: {  	[sflag:s20] =	ssyncadd.s32 $0xFFFFC000  }
0x77: {  	_ =	swait.ge [sflag:s26], $0x4000  }
.Ltmp4:
0x78: {  	[sflag:s26] =	ssyncset.done $0x0;
	(pc) =	sbr.rel @!p1 .LBB2_5-.Ltmp4, $4  }
0x79: {  	s29 =	sadd.s32 $0x1480, s30;
	[sflag:s26] =	ssyncadd.s32 $0xFFFFC000  }
0x7a: {  	[spmem:s1] =	stream.indirect.scatter.add.f32 [tilespmem:s23], [sflag:$0x3], $0x80, s29, s22, $0xb8;
	[tilespmem:$0x1E800] =	vst v63  }
0x7b: {  	_ =	swait.ge [sflag:s20], $0x4000  }
0x7c: {  	s29 =	smov.u32 s31;
	[sflag:s20] =	ssyncset.done $0x0  }
0x7d: {  	s28 =	sshra.s32 s28, $0x2;
	[sflag:s20] =	ssyncadd.s32 $0xFFFFC000  }
0x7e: {  	[tilespmem:s19], [sflag:$0x1] =	stream.indirect.gather [hbm4b:s4+s22], $0x80, s28, s22, $0xb8;
	[tilespmem:$0x1E800] =	vst v63  }
0x7f: {  	s29 =	sadd.s32 $0x80, s28  }
0x80: {  	[tilespmem:s23], [sflag:$0x2] =	stream.indirect.gather [hbm4b:s4+s22], $0x80, s29, s22, $0xb8;
	[tilespmem:$0x1E800] =	vst v63  }
0x81: {  	_ =	swait.ge [sflag:s25], $0x4000  }
0x82: {  	[sflag:s25] =	ssyncset.done $0x0  }
0x83: {  	s31 =	sadd.s32 $0x1400, s28;
	[sflag:s25] =	ssyncadd.s32 $0xFFFFC000  }
0x84: {  	[spmem:s1] =	stream.indirect.scatter.add.f32 [tilespmem:s19], [sflag:$0x3], $0x80, s31, s22, $0xb8;
	[tilespmem:$0x1E800] =	vst v63  }
0x85: {  	_ =	swait.ge [sflag:s20], $0x4000  }
0x86: {  	[sflag:s20] =	ssyncset.done $0x0  }
0x87: {  	[sflag:s20] =	ssyncadd.s32 $0xFFFFC000  }
0x88: {  	_ =	swait.ge [sflag:s26], $0x4000  }
0x89: {  	[sflag:s26] =	ssyncset.done $0x0  }
.Ltmp5:
0x8a: {  	s28 =	sadd.s32 $0x1480, s28;
	[sflag:s26] =	ssyncadd.s32 $0xFFFFC000;
	(pc) =	sbr.rel .LBB2_14-.Ltmp5, $4  }
0x8b: {  	[spmem:s1] =	stream.indirect.scatter.add.f32 [tilespmem:s23], [sflag:$0x3], $0x80, s28, s22, $0xb8;
	[tilespmem:$0x1E800] =	vst v63  }
0x8c: {  	_ =	swait.ge [sflag:s20], $0x4000  }
0x8d: {  	[sflag:s20] =	ssyncset.done $0x0  }
0x8e: {  	[sflag:s20] =	ssyncadd.s32 $0xFFFFC000  }
.LBB2_7:
0x8f: {  	[tilespmem:s28], [sflag:$0x3] =	stream.linear.gather [hbm4b:s10+s28], $0x1400, $0x38;
	[tilespmem:$0x1E800] =	vst v63  }
0x90: {  	_ =	swait.ge [sflag:s20], $0x1400  }
0x91: {  	[sflag:s20] =	ssyncset.done $0x0  }
0x92: {  	[sflag:s20] =	ssyncadd.s32 $0xFFFFEC00  }
0x93: {  	[tilespmem:s21], [sflag:$0x3] =	stream.linear.gather [hbm4b:s11+s28], $0x1400, $0x38;
	[tilespmem:$0x1E800] =	vst v63  }
0x94: {  	_ =	swait.ge [sflag:s20], $0x1400  }
0x95: {  	[sflag:s20] =	ssyncset.done $0x0  }
0x96: {  	s28 =	simm.s32 $0x0;
	[sflag:s20] =	ssyncadd.s32 $0xFFFFEC00  }
0x97: {  	[tilespmem:s19], [sflag:$0x1] =	stream.indirect.gather [hbm4b:s4+s22], $0x80, s28, s22, $0xb8;
	[tilespmem:$0x1E800] =	vst v63  }
0x98: {  	s28 =	simm.s32 $0x80  }
0x99: {  	[tilespmem:s23], [sflag:$0x2] =	stream.indirect.gather [hbm4b:s4+s22], $0x80, s28, s22, $0xb8;
	[tilespmem:$0x1E800] =	vst v63  }
0x9a: {  	_ =	swait.ge [sflag:s25], $0x4000  }
0x9b: {  	[sflag:s25] =	ssyncset.done $0x0  }
0x9c: {  	s28 =	simm.s32 $0x1400;
	[sflag:s25] =	ssyncadd.s32 $0xFFFFC000  }
0x9d: {  	[spmem:s1] =	stream.indirect.scatter.add.f32 [tilespmem:s19], [sflag:$0x3], $0x80, s28, s22, $0xb8;
	[tilespmem:$0x1E800] =	vst v63  }
0x9e: {  	_ =	swait.ge [sflag:s20], $0x4000  }
0x9f: {  	[sflag:s20] =	ssyncset.done $0x0  }
0xa0: {  	[sflag:s20] =	ssyncadd.s32 $0xFFFFC000  }
0xa1: {  	_ =	swait.ge [sflag:s26], $0x4000  }
0xa2: {  	[sflag:s26] =	ssyncset.done $0x0  }
0xa3: {  	s28 =	simm.s32 $0x1480;
	[sflag:s26] =	ssyncadd.s32 $0xFFFFC000  }
0xa4: {  	[spmem:s1] =	stream.indirect.scatter.add.f32 [tilespmem:s23], [sflag:$0x3], $0x80, s28, s22, $0xb8;
	[tilespmem:$0x1E800] =	vst v63  }
0xa5: {  	_ =	swait.ge [sflag:s20], $0x4000  }
0xa6: {  	s29 =	simm.s32 $0x800;
	s28 =	simm.s32 $0x400;
	[sflag:s20] =	ssyncset.done $0x0  }
.LBB2_8:
0xa7: {  	s30 =	sshra.s32 s28, $0x2  }
0xa8: {  	[sflag:s20] =	ssyncadd.s32 $0xFFFFC000;
	s28 =	smov.u32 s29;
	s31 =	sadd.s32 $0x400, s29  }
0xa9: {  	[tilespmem:s19], [sflag:$0x1] =	stream.indirect.gather [hbm4b:s4+s22], $0x80, s30, s22, $0xb8;
	[tilespmem:$0x1E800] =	vst v63  }
0xaa: {  	p1 =	sne.s32 s29, $0x4C00;
	s29 =	sadd.s32 $0x80, s30  }
0xab: {  	[tilespmem:s23], [sflag:$0x2] =	stream.indirect.gather [hbm4b:s4+s22], $0x80, s29, s22, $0xb8;
	[tilespmem:$0x1E800] =	vst v63  }
0xac: {  	_ =	swait.ge [sflag:s25], $0x4000  }
0xad: {  	[sflag:s25] =	ssyncset.done $0x0  }
0xae: {  	s29 =	sadd.s32 $0x1400, s30;
	[sflag:s25] =	ssyncadd.s32 $0xFFFFC000  }
0xaf: {  	[spmem:s1] =	stream.indirect.scatter.add.f32 [tilespmem:s19], [sflag:$0x3], $0x80, s29, s22, $0xb8;
	[tilespmem:$0x1E800] =	vst v63  }
0xb0: {  	_ =	swait.ge [sflag:s20], $0x4000  }
0xb1: {  	[sflag:s20] =	ssyncset.done $0x0  }
0xb2: {  	[sflag:s20] =	ssyncadd.s32 $0xFFFFC000  }
0xb3: {  	_ =	swait.ge [sflag:s26], $0x4000  }
.Ltmp6:
0xb4: {  	[sflag:s26] =	ssyncset.done $0x0;
	(pc) =	sbr.rel @p1 .LBB2_8-.Ltmp6, $4  }
0xb5: {  	s29 =	sadd.s32 $0x1480, s30;
	[sflag:s26] =	ssyncadd.s32 $0xFFFFC000  }
0xb6: {  	[spmem:s1] =	stream.indirect.scatter.add.f32 [tilespmem:s23], [sflag:$0x3], $0x80, s29, s22, $0xb8;
	[tilespmem:$0x1E800] =	vst v63  }
0xb7: {  	_ =	swait.ge [sflag:s20], $0x4000  }
0xb8: {  	s29 =	smov.u32 s31;
	[sflag:s20] =	ssyncset.done $0x0  }
0xb9: {  	s28 =	sshra.s32 s28, $0x2;
	[sflag:s20] =	ssyncadd.s32 $0xFFFFC000  }
0xba: {  	[tilespmem:s19], [sflag:$0x1] =	stream.indirect.gather [hbm4b:s4+s22], $0x80, s28, s22, $0xb8;
	[tilespmem:$0x1E800] =	vst v63  }
0xbb: {  	s29 =	sadd.s32 $0x80, s28  }
0xbc: {  	[tilespmem:s23], [sflag:$0x2] =	stream.indirect.gather [hbm4b:s4+s22], $0x80, s29, s22, $0xb8;
	[tilespmem:$0x1E800] =	vst v63  }
0xbd: {  	_ =	swait.ge [sflag:s25], $0x4000  }
0xbe: {  	[sflag:s25] =	ssyncset.done $0x0  }
0xbf: {  	s29 =	sadd.s32 $0x1400, s28;
	[sflag:s25] =	ssyncadd.s32 $0xFFFFC000  }
0xc0: {  	[spmem:s1] =	stream.indirect.scatter.add.f32 [tilespmem:s19], [sflag:$0x3], $0x80, s29, s22, $0xb8;
	[tilespmem:$0x1E800] =	vst v63  }
0xc1: {  	_ =	swait.ge [sflag:s20], $0x4000  }
0xc2: {  	[sflag:s20] =	ssyncset.done $0x0  }
0xc3: {  	[sflag:s20] =	ssyncadd.s32 $0xFFFFC000  }
0xc4: {  	_ =	swait.ge [sflag:s26], $0x4000  }
0xc5: {  	[sflag:s26] =	ssyncset.done $0x0  }
0xc6: {  	s28 =	sadd.s32 $0x1480, s28;
	[sflag:s26] =	ssyncadd.s32 $0xFFFFC000  }
0xc7: {  	[spmem:s1] =	stream.indirect.scatter.add.f32 [tilespmem:s23], [sflag:$0x3], $0x80, s28, s22, $0xb8;
	[tilespmem:$0x1E800] =	vst v63  }
0xc8: {  	_ =	swait.ge [sflag:s20], $0x4000  }
0xc9: {  	[sflag:s20] =	ssyncset.done $0x0  }
0xca: {  	s28 =	simm.s32 $0x0;
	[sflag:s20] =	ssyncadd.s32 $0xFFFFC000  }
0xcb: {  	[tilespmem:s28], [sflag:$0x3] =	stream.linear.gather [hbm4b:s12+s28], $0x1400, $0x38;
	[tilespmem:$0x1E800] =	vst v63  }
0xcc: {  	_ =	swait.ge [sflag:s20], $0x1400  }
0xcd: {  	[sflag:s20] =	ssyncset.done $0x0  }
0xce: {  	[sflag:s20] =	ssyncadd.s32 $0xFFFFEC00  }
0xcf: {  	[tilespmem:s21], [sflag:$0x3] =	stream.linear.gather [hbm4b:s13+s28], $0x1400, $0x38;
	[tilespmem:$0x1E800] =	vst v63  }
0xd0: {  	_ =	swait.ge [sflag:s20], $0x1400  }
0xd1: {  	[sflag:s20] =	ssyncset.done $0x0  }
0xd2: {  	s28 =	simm.s32 $0x0;
	[sflag:s20] =	ssyncadd.s32 $0xFFFFEC00  }
0xd3: {  	[tilespmem:s19], [sflag:$0x1] =	stream.indirect.gather [hbm4b:s4+s22], $0x80, s28, s22, $0xb8;
	[tilespmem:$0x1E800] =	vst v63  }
0xd4: {  	s28 =	simm.s32 $0x80  }
0xd5: {  	[tilespmem:s23], [sflag:$0x2] =	stream.indirect.gather [hbm4b:s4+s22], $0x80, s28, s22, $0xb8;
	[tilespmem:$0x1E800] =	vst v63  }
0xd6: {  	_ =	swait.ge [sflag:s25], $0x4000  }
0xd7: {  	[sflag:s25] =	ssyncset.done $0x0  }
0xd8: {  	s28 =	simm.s32 $0x1400;
	[sflag:s25] =	ssyncadd.s32 $0xFFFFC000  }
0xd9: {  	[spmem:s1] =	stream.indirect.scatter.add.f32 [tilespmem:s19], [sflag:$0x3], $0x80, s28, s22, $0xb8;
	[tilespmem:$0x1E800] =	vst v63  }
0xda: {  	_ =	swait.ge [sflag:s20], $0x4000  }
0xdb: {  	[sflag:s20] =	ssyncset.done $0x0  }
0xdc: {  	[sflag:s20] =	ssyncadd.s32 $0xFFFFC000  }
0xdd: {  	_ =	swait.ge [sflag:s26], $0x4000  }
0xde: {  	[sflag:s26] =	ssyncset.done $0x0  }
0xdf: {  	s28 =	simm.s32 $0x1480;
	[sflag:s26] =	ssyncadd.s32 $0xFFFFC000  }
0xe0: {  	[spmem:s1] =	stream.indirect.scatter.add.f32 [tilespmem:s23], [sflag:$0x3], $0x80, s28, s22, $0xb8;
	[tilespmem:$0x1E800] =	vst v63  }
0xe1: {  	_ =	swait.ge [sflag:s20], $0x4000  }
0xe2: {  	s29 =	simm.s32 $0x800;
	s28 =	simm.s32 $0x400;
	[sflag:s20] =	ssyncset.done $0x0  }
.LBB2_10:
0xe3: {  	s30 =	sshra.s32 s28, $0x2  }
0xe4: {  	[sflag:s20] =	ssyncadd.s32 $0xFFFFC000;
	s28 =	smov.u32 s29;
	s31 =	sadd.s32 $0x400, s29  }
0xe5: {  	[tilespmem:s19], [sflag:$0x1] =	stream.indirect.gather [hbm4b:s4+s22], $0x80, s30, s22, $0xb8;
	[tilespmem:$0x1E800] =	vst v63  }
0xe6: {  	p1 =	sne.s32 s29, $0x4C00;
	s29 =	sadd.s32 $0x80, s30  }
0xe7: {  	[tilespmem:s23], [sflag:$0x2] =	stream.indirect.gather [hbm4b:s4+s22], $0x80, s29, s22, $0xb8;
	[tilespmem:$0x1E800] =	vst v63  }
0xe8: {  	_ =	swait.ge [sflag:s25], $0x4000  }
0xe9: {  	[sflag:s25] =	ssyncset.done $0x0  }
0xea: {  	s29 =	sadd.s32 $0x1400, s30;
	[sflag:s25] =	ssyncadd.s32 $0xFFFFC000  }
0xeb: {  	[spmem:s1] =	stream.indirect.scatter.add.f32 [tilespmem:s19], [sflag:$0x3], $0x80, s29, s22, $0xb8;
	[tilespmem:$0x1E800] =	vst v63  }
0xec: {  	_ =	swait.ge [sflag:s20], $0x4000  }
0xed: {  	[sflag:s20] =	ssyncset.done $0x0  }
0xee: {  	[sflag:s20] =	ssyncadd.s32 $0xFFFFC000  }
0xef: {  	_ =	swait.ge [sflag:s26], $0x4000  }
.Ltmp7:
0xf0: {  	[sflag:s26] =	ssyncset.done $0x0;
	(pc) =	sbr.rel @p1 .LBB2_10-.Ltmp7, $4  }
0xf1: {  	s29 =	sadd.s32 $0x1480, s30;
	[sflag:s26] =	ssyncadd.s32 $0xFFFFC000  }
0xf2: {  	[spmem:s1] =	stream.indirect.scatter.add.f32 [tilespmem:s23], [sflag:$0x3], $0x80, s29, s22, $0xb8;
	[tilespmem:$0x1E800] =	vst v63  }
0xf3: {  	_ =	swait.ge [sflag:s20], $0x4000  }
0xf4: {  	s29 =	smov.u32 s31;
	[sflag:s20] =	ssyncset.done $0x0  }
0xf5: {  	s28 =	sshra.s32 s28, $0x2;
	[sflag:s20] =	ssyncadd.s32 $0xFFFFC000  }
0xf6: {  	[tilespmem:s19], [sflag:$0x1] =	stream.indirect.gather [hbm4b:s4+s22], $0x80, s28, s22, $0xb8;
	[tilespmem:$0x1E800] =	vst v63  }
0xf7: {  	s29 =	sadd.s32 $0x80, s28  }
0xf8: {  	[tilespmem:s23], [sflag:$0x2] =	stream.indirect.gather [hbm4b:s4+s22], $0x80, s29, s22, $0xb8;
	[tilespmem:$0x1E800] =	vst v63  }
0xf9: {  	_ =	swait.ge [sflag:s25], $0x4000  }
0xfa: {  	[sflag:s25] =	ssyncset.done $0x0  }
0xfb: {  	s29 =	sadd.s32 $0x1400, s28;
	[sflag:s25] =	ssyncadd.s32 $0xFFFFC000  }
0xfc: {  	[spmem:s1] =	stream.indirect.scatter.add.f32 [tilespmem:s19], [sflag:$0x3], $0x80, s29, s22, $0xb8;
	[tilespmem:$0x1E800] =	vst v63  }
0xfd: {  	_ =	swait.ge [sflag:s20], $0x4000  }
0xfe: {  	[sflag:s20] =	ssyncset.done $0x0  }
0xff: {  	[sflag:s20] =	ssyncadd.s32 $0xFFFFC000  }
0x100: {  	_ =	swait.ge [sflag:s26], $0x4000  }
0x101: {  	[sflag:s26] =	ssyncset.done $0x0  }
0x102: {  	s28 =	sadd.s32 $0x1480, s28;
	[sflag:s26] =	ssyncadd.s32 $0xFFFFC000  }
0x103: {  	[spmem:s1] =	stream.indirect.scatter.add.f32 [tilespmem:s23], [sflag:$0x3], $0x80, s28, s22, $0xb8;
	[tilespmem:$0x1E800] =	vst v63  }
0x104: {  	_ =	swait.ge [sflag:s20], $0x4000  }
0x105: {  	[sflag:s20] =	ssyncset.done $0x0  }
0x106: {  	s28 =	simm.s32 $0x0;
	[sflag:s20] =	ssyncadd.s32 $0xFFFFC000  }
0x107: {  	[tilespmem:s28], [sflag:$0x3] =	stream.linear.gather [hbm4b:s14+s28], $0x1400, $0x38;
	[tilespmem:$0x1E800] =	vst v63  }
0x108: {  	_ =	swait.ge [sflag:s20], $0x1400  }
0x109: {  	[sflag:s20] =	ssyncset.done $0x0  }
0x10a: {  	[sflag:s20] =	ssyncadd.s32 $0xFFFFEC00  }
0x10b: {  	[tilespmem:s21], [sflag:$0x3] =	stream.linear.gather [hbm4b:s15+s28], $0x1400, $0x38;
	[tilespmem:$0x1E800] =	vst v63  }
0x10c: {  	_ =	swait.ge [sflag:s20], $0x1400  }
0x10d: {  	[sflag:s20] =	ssyncset.done $0x0  }
0x10e: {  	s28 =	simm.s32 $0x0;
	[sflag:s20] =	ssyncadd.s32 $0xFFFFEC00  }
0x10f: {  	[tilespmem:s19], [sflag:$0x1] =	stream.indirect.gather [hbm4b:s4+s22], $0x80, s28, s22, $0xb8;
	[tilespmem:$0x1E800] =	vst v63  }
0x110: {  	s28 =	simm.s32 $0x80  }
0x111: {  	[tilespmem:s23], [sflag:$0x2] =	stream.indirect.gather [hbm4b:s4+s22], $0x80, s28, s22, $0xb8;
	[tilespmem:$0x1E800] =	vst v63  }
0x112: {  	_ =	swait.ge [sflag:s25], $0x4000  }
0x113: {  	[sflag:s25] =	ssyncset.done $0x0  }
0x114: {  	s28 =	simm.s32 $0x1400;
	[sflag:s25] =	ssyncadd.s32 $0xFFFFC000  }
0x115: {  	[spmem:s1] =	stream.indirect.scatter.add.f32 [tilespmem:s19], [sflag:$0x3], $0x80, s28, s22, $0xb8;
	[tilespmem:$0x1E800] =	vst v63  }
0x116: {  	_ =	swait.ge [sflag:s20], $0x4000  }
0x117: {  	[sflag:s20] =	ssyncset.done $0x0  }
0x118: {  	[sflag:s20] =	ssyncadd.s32 $0xFFFFC000  }
0x119: {  	_ =	swait.ge [sflag:s26], $0x4000  }
0x11a: {  	[sflag:s26] =	ssyncset.done $0x0  }
0x11b: {  	s28 =	simm.s32 $0x1480;
	[sflag:s26] =	ssyncadd.s32 $0xFFFFC000  }
0x11c: {  	[spmem:s1] =	stream.indirect.scatter.add.f32 [tilespmem:s23], [sflag:$0x3], $0x80, s28, s22, $0xb8;
	[tilespmem:$0x1E800] =	vst v63  }
0x11d: {  	_ =	swait.ge [sflag:s20], $0x4000  }
0x11e: {  	s29 =	simm.s32 $0x800;
	s28 =	simm.s32 $0x400;
	[sflag:s20] =	ssyncset.done $0x0  }
.LBB2_12:
0x11f: {  	s30 =	sshra.s32 s28, $0x2  }
0x120: {  	[sflag:s20] =	ssyncadd.s32 $0xFFFFC000;
	s28 =	smov.u32 s29;
	s31 =	sadd.s32 $0x400, s29  }
0x121: {  	[tilespmem:s19], [sflag:$0x1] =	stream.indirect.gather [hbm4b:s4+s22], $0x80, s30, s22, $0xb8;
	[tilespmem:$0x1E800] =	vst v63  }
0x122: {  	p1 =	sne.s32 s29, $0x4C00;
	s29 =	sadd.s32 $0x80, s30  }
0x123: {  	[tilespmem:s23], [sflag:$0x2] =	stream.indirect.gather [hbm4b:s4+s22], $0x80, s29, s22, $0xb8;
	[tilespmem:$0x1E800] =	vst v63  }
0x124: {  	_ =	swait.ge [sflag:s25], $0x4000  }
0x125: {  	[sflag:s25] =	ssyncset.done $0x0  }
0x126: {  	s29 =	sadd.s32 $0x1400, s30;
	[sflag:s25] =	ssyncadd.s32 $0xFFFFC000  }
0x127: {  	[spmem:s1] =	stream.indirect.scatter.add.f32 [tilespmem:s19], [sflag:$0x3], $0x80, s29, s22, $0xb8;
	[tilespmem:$0x1E800] =	vst v63  }
0x128: {  	_ =	swait.ge [sflag:s20], $0x4000  }
0x129: {  	[sflag:s20] =	ssyncset.done $0x0  }
0x12a: {  	[sflag:s20] =	ssyncadd.s32 $0xFFFFC000  }
0x12b: {  	_ =	swait.ge [sflag:s26], $0x4000  }
.Ltmp8:
0x12c: {  	[sflag:s26] =	ssyncset.done $0x0;
	(pc) =	sbr.rel @p1 .LBB2_12-.Ltmp8, $4  }
0x12d: {  	s29 =	sadd.s32 $0x1480, s30;
	[sflag:s26] =	ssyncadd.s32 $0xFFFFC000  }
0x12e: {  	[spmem:s1] =	stream.indirect.scatter.add.f32 [tilespmem:s23], [sflag:$0x3], $0x80, s29, s22, $0xb8;
	[tilespmem:$0x1E800] =	vst v63  }
0x12f: {  	_ =	swait.ge [sflag:s20], $0x4000  }
0x130: {  	s29 =	smov.u32 s31;
	[sflag:s20] =	ssyncset.done $0x0  }
.Ltmp9:
0x131: {  	_ = 	snop;
	(pc) =	sbr.rel .LBB2_13-.Ltmp9, $1  }
0x132: {  	_ =	sdelay $0x3  }
.LBB2_15:
0x133: {  	_ =	sfence.sel $0x180000  }
0x134: {  	[bflag:$0x0] =	sbarrier.arrive $0xFFFF  }
0x135: {  	p0 =	sne.s32 s3, $0x0;
	_ =	strace $0x9000004D  }
0x136: {  	s0 =	sadd.s32 @!p0 $0x100000, s0;
	[bflag:$0x2] =	sbarrier.arrive $0xFFFF  }
0x137: {  	[sflag:s0] =	ssyncadd.tile.s32 @!p0 $0x1;
	_ =	shalt  }
.Lfunc_end2:
_tile_overlayer_lowered:
.L_overlay_start_2:
0x138: {  	(tag) =	ssettag $0x2  }
0x139: {  	s0 =	rddreg [dreg:$0x0];
	s2 =	stileid.u32  }
0x13a: {  	s1 =	rddreg [dreg:$0x1];
	p0 =	sne.s32 s2, $0x0  }
0x13b: {  	s3 =	rddreg [dreg:$0x2];
	[bflag:$0x3] =	sbarrier.arrive $0xFFFF;
	s2 =	simm.s32 @!p0 $0x1C03  }
0x13c: {  	[timem:s3], [sflag:s2] =	dma.local @!p0 [hbm:s0], s1  }
0x13d: {  	s0 =	simm.s32 @!p0 $0x3  }
0x13e: {  	_ =	swait.ge @!p0 [sflag:s0], s1  }
0x13f: {  	s1 =	ssub.s32 @!p0 $0x0, s1;
	[sflag:s0] =	ssyncset.done @!p0 $0x0  }
0x140: {  	[sflag:s0] =	ssyncadd.s32 @!p0 s1  }
0x141: {  	[bflag:$0x3] =	sbarrier.arrive $0xFFFF  }
0x142: {  	_ =	shalt  }

// kernel: kernel.20.cloned.1.call-start
scs
__scs_entry_jumppad:
0x0: {  	(pc) =	sbr.rel $0x88, $3  }
0x1: {  	(tag) =	ssettag $0x0;
	lr =	simm.s32 $0x1  }
0x2: {  	[smem:$0x3F91] =	sst lr;
	_ =	strace $0xD0000000  }
0x3: {  	_ = 	snop  }
0x4: {  	_ = 	snop  }
0x5: {  	_ = 	snop  }
0x6: {  	_ = 	snop  }
0x7: {  	_ = 	snop  }
__scs_overlays_trampoline_lowered:
0x8: {  	[smem:$0x3FA0] =	sst s0  }
0x9: {  	[smem:$0x3FA1] =	sst s1  }
0xa: {  	[smem:$0x3FA2] =	sst s2  }
0xb: {  	[smem:$0x3FA3] =	sst s3  }
0xc: {  	[smem:$0x3FA4] =	sst s4  }
0xd: {  	[smem:$0x3FA5] =	sst s5  }
0xe: {  	[smem:$0x3FA6] =	sst s6  }
0xf: {  	[smem:$0x3FA7] =	sst s7  }
0x10: {  	[smem:$0x3FA8] =	sst s8  }
0x11: {  	[smem:$0x3FA9] =	sst s9;
	s0 =	simm.s32 @!p0 $0x0  }
0x12: {  	s1 =	sld [smem:$0x3F8F];
	s0 =	simm.s32 @p0 $0x1  }
0x13: {  	[smem:$0x3FAA] =	sst s0;
	s0 =	simm.s32 @!p1 $0x0  }
0x14: {  	s2 =	sld [smem:$0x3F8E];
	s0 =	simm.s32 @p1 $0x1  }
0x15: {  	[smem:$0x3FAB] =	sst s0;
	s0 =	simm.s32 @!p2 $0x0  }
0x16: {  	s3 =	sld [smem:$0x3FDB];
	s0 =	simm.s32 @p2 $0x1  }
0x17: {  	s4 =	simm.s32 $0x1BF5;
	[smem:$0x3FAD] =	sst s0  }
0x18: {  	s0 =	sld [smem:$0x3F90];
	_ =	swait.ge [sflag:s4], $0x0  }
0x19: {  	s7 =	sld [smem:$0x3F91]  }
0x1a: {  	s8 =	sadd.s32 $0xFFFFE003, lr  }
0x1b: {  	s9 =	sadd.s32 $0xFFFFFEF7, lr;
	s5 =	simm.s32 $0xFFFFFFFF;
	p2 =	slt.u32 s8, $0xFFFFF086  }
0x1c: {  	p1 =	slt.u32 s9, $0xF7A;
	s5 =	simm.s32 @!p2 $0x0  }
0x1d: {  	s5 =	simm.s32 @p1 $0x1;
	p0 =	seq.s32 s7, s2  }
0x1e: {  	s7 =	smul.u32 @!p0 $0xF7A, s2;
	p2 =	seq.s32 @!p0 s5, $0x0  }
0x1f: {  	s9 =	smul.u32 $0xF7A, s1;
	s8 =	simm.s32 @!p0 $0x1BF5;
	p2 =	por !p2, p0  }
0x20: {  	[sflag:s8] =	ssyncset.s32 @!p0 $0xFFFFF086;
	s6 =	sadd.s32 @!p0 s3, s7;
	s7 =	simm.s32 @!p0 $0x108  }
0x21: {  	s3 =	sadd.s32 s3, s9;
	s6 =	sadd.s32 @!p0 $0x88, s6;
	s7 =	simm.s32 @p2 $0x1082  }
0x22: {  	[simem:s7], [sflag:s8] =	dma.local @!p0 [hbm:s6], $0xF7A  }
0x23: {  	s9 =	sor.u32 $0xD0000000, s2;
	s6 =	simm.s32 $0x108;
	_ =	swait.ge @!p0 [sflag:s8], $0x0  }
0x24: {  	s3 =	sadd.s32 $0x88, s3;
	s6 =	simm.s32 @!p1 $0x1082;
	[sflag:s4] =	ssyncset.s32 $0xFFFFF086  }
0x25: {  	[simem:s6], [sflag:s4] =	dma.local [hbm:s3], $0xF7A  }
0x26: {  	[smem:$0x3F91] =	sst s1;
	(tag) =	ssettag s2;
	_ =	strace s9  }
0x27: {  	s1 =	sld [smem:$0x3FA1]  }
0x28: {  	s2 =	sld [smem:$0x3FA2]  }
0x29: {  	s4 =	sld [smem:$0x3FA4]  }
0x2a: {  	p0 =	seq.s32 s5, $0x0;
	s5 =	sld [smem:$0x3FA5]  }
0x2b: {  	s6 =	sld [smem:$0x3FA6]  }
0x2c: {  	s7 =	sld [smem:$0x3FA7]  }
0x2d: {  	s3 =	simm.s32 $0x108;
	s8 =	sld [smem:$0x3FA8]  }
0x2e: {  	s3 =	simm.s32 @!p0 $0x1082;
	s9 =	sld [smem:$0x3FA9]  }
0x2f: {  	lr =	sadd.s32 s0, s3;
	s0 =	sld [smem:$0x3FA0]  }
0x30: {  	s3 =	sld [smem:$0x3FA3]  }
0x31: {  	[smem:$0x3FAC] =	sst s10  }
0x32: {  	s10 =	sld [smem:$0x3FAA];
	_ =	sdelay $0x3  }
0x33: {  	p0 =	seq.s32 s10, $0x1;
	s10 =	sld [smem:$0x3FAC];
	_ =	sdelay $0x3  }
0x34: {  	[smem:$0x3FAC] =	sst s10  }
0x35: {  	s10 =	sld [smem:$0x3FAB];
	_ =	sdelay $0x3  }
0x36: {  	p1 =	seq.s32 s10, $0x1;
	s10 =	sld [smem:$0x3FAC];
	_ =	sdelay $0x3  }
0x37: {  	[smem:$0x3FAC] =	sst s10  }
0x38: {  	s10 =	sld [smem:$0x3FAD]  }
0x39: {  	_ = 	snop;
	(pc) =	sbr.ind lr, $3  }
0x3a: {  	_ = 	snop  }
0x3b: {  	_ = 	snop  }
0x3c: {  	p2 =	seq.s32 s10, $0x1;
	s10 =	sld [smem:$0x3FAC]  }
0x3d: {  	_ =	shalt  }
0x3e: {  	_ =	shalt  }
0x3f: {  	_ =	shalt  }
0x40: {  	_ =	shalt  }
0x41: {  	_ =	shalt  }
0x42: {  	_ =	shalt  }
0x43: {  	_ =	shalt  }
0x44: {  	_ =	shalt  }
0x45: {  	_ =	shalt  }
0x46: {  	_ =	shalt  }
0x47: {  	_ =	shalt  }
0x48: {  	_ =	shalt  }
0x49: {  	_ =	shalt  }
0x4a: {  	_ =	shalt  }
0x4b: {  	_ =	shalt  }
0x4c: {  	_ =	shalt  }
0x4d: {  	_ =	shalt  }
0x4e: {  	_ =	shalt  }
0x4f: {  	_ =	shalt  }
0x50: {  	_ =	shalt  }
0x51: {  	_ =	shalt  }
0x52: {  	_ =	shalt  }
0x53: {  	_ =	shalt  }
0x54: {  	_ =	shalt  }
0x55: {  	_ =	shalt  }
0x56: {  	_ =	shalt  }
0x57: {  	_ =	shalt  }
0x58: {  	_ =	shalt  }
0x59: {  	_ =	shalt  }
0x5a: {  	_ =	shalt  }
0x5b: {  	_ =	shalt  }
0x5c: {  	_ =	shalt  }
0x5d: {  	_ =	shalt  }
0x5e: {  	_ =	shalt  }
0x5f: {  	_ =	shalt  }
0x60: {  	_ =	shalt  }
0x61: {  	_ =	shalt  }
0x62: {  	_ =	shalt  }
0x63: {  	_ =	shalt  }
0x64: {  	_ =	shalt  }
0x65: {  	_ =	shalt  }
0x66: {  	_ =	shalt  }
0x67: {  	_ =	shalt  }
0x68: {  	_ =	shalt  }
0x69: {  	_ =	shalt  }
0x6a: {  	_ =	shalt  }
0x6b: {  	_ =	shalt  }
0x6c: {  	_ =	shalt  }
0x6d: {  	_ =	shalt  }
0x6e: {  	_ =	shalt  }
0x6f: {  	_ =	shalt  }
0x70: {  	_ =	shalt  }
0x71: {  	_ =	shalt  }
0x72: {  	_ =	shalt  }
0x73: {  	_ =	shalt  }
0x74: {  	_ =	shalt  }
0x75: {  	_ =	shalt  }
0x76: {  	_ =	shalt  }
0x77: {  	_ =	shalt  }
0x78: {  	_ =	shalt  }
0x79: {  	_ =	shalt  }
0x7a: {  	_ =	shalt  }
0x7b: {  	_ =	shalt  }
0x7c: {  	_ =	shalt  }
0x7d: {  	_ =	shalt  }
0x7e: {  	_ =	shalt  }
0x7f: {  	_ =	shalt  }
0x80: {  	_ =	shalt  }
0x81: {  	_ =	shalt  }
0x82: {  	_ =	shalt  }
0x83: {  	_ =	shalt  }
0x84: {  	_ =	shalt  }
0x85: {  	_ =	shalt  }
0x86: {  	_ =	shalt  }
0x87: {  	_ =	shalt  }
.Lfunc_end0:
.L_simem_size_0:
called_computation.3_lowered:
.L_overlay_start_0:
0x88: {  	s2 =	sld [smem:$0x3FD9]  }
0x89: {  	s3 =	sld [smem:$0x3FFE];
	_ =	sdelay $0x1  }
0x8a: {  	s1 =	srdreg.scid  }
0x8b: {  	s0 =	sand.u32 $0x1, s1  }
0x8c: {  	s16 =	sshll.u32 s0, $0xA;
	s2 =	sadd.s32 s3, s2  }
0x8d: {  	s2 =	sadd.s32 s2, s16  }
0x8e: {  	[smem:$0x3FB8] =	sst s2  }
0x8f: {  	_ = 	snop  }
0x90: {  	(tm) =	ssettm $0x1  }
0x91: {  	s17 =	sld [smem:$0x3FFB];
	_ =	sdelay $0x3  }
0x92: {  	_ =	strace s17  }
0x93: {  	s2 =	sld [smem:$0x3FFC];
	_ =	sdelay $0x3  }
0x94: {  	_ =	strace s2  }
0x95: {  	s2 =	sld [smem:$0x3FFD];
	_ =	sdelay $0x3  }
0x96: {  	_ =	strace s2  }
0x97: {  	_ =	strace $0x8FFFFFFF  }
0x98: {  	s18 =	sld [smem:$0x3FDB];
	_ =	sdelay $0x1  }
0x99: {  	s19 =	simm.s32 $_scs_section_size  }
0x9a: {  	s4 =	simm.s32 $_size__tile_overlayer_lowered;
	s5 =	simm.s32 $_tile_overlayer_lowered  }
0x9b: {  	s22 =	simm.s32 $0x1BFF;
	s21 =	sshll.u32 s5, $0x1;
	s2 =	sadd.s32 s19, s18  }
0x9c: {  	s6 =	simm.s32 $0x0;
	s20 =	sshll.u32 s4, $0x1;
	s4 =	sadd.s32 s21, s2  }
0x9d: {  	[timem:s6], [sflag:s22] =	dma.local [hbm:s4], s20  }
0x9e: {  	_ =	swait.ge [sflag:s22], s20  }
0x9f: {  	s3 =	ssub.s32 $0x0, s20;
	[sflag:s22] =	ssyncset.done $0x0  }
0xa0: {  	[sflag:s22] =	ssyncadd.s32 s3;
	_ =	sdelay $0x1  }
0xa1: {  	s23 =	simm.s32 $0x1B8B  }
0xa2: {  	_ =	swait.ge [sflag:s23], $0x1  }
0xa3: {  	[sflag:s23] =	ssyncset.done $0x0  }
0xa4: {  	s25 =	simm.s32 $0x1B8E;
	s24 =	sld [smem:$0x3FFE];
	[sflag:s23] =	ssyncadd.s32 $0xFFFFFFFF  }
0xa5: {  	s26 =	simm.s32 $execute0_lowered;
	[smem:$0x3FD2] =	sst s25  }
0xa6: {  	s4 =	sshll.u32 s26, $0x1;
	_ =	strace $0x8000004F;
	[dreg:$0x1] =	wrdreg $0xFFFFFFFF  }
0xa7: {  	s28 =	simm.s32 $_size_execute0_lowered;
	s2 =	sadd.s32 s2, s4;
	[dreg:$0x0] =	wrdreg $0x0  }
0xa8: {  	s4 =	sshll.u32 s28, $0x1;
	[dreg:$0x2] =	wrdreg s2  }
0xa9: {  	[dreg:$0x3] =	wrdreg s4  }
0xaa: {  	[dreg:$0x4] =	wrdreg $0xC0  }
0xab: {  	_ =	task [dreg:s6], $0x5FFFF  }
0xac: {  	[dreg:$0x1] =	wrdreg $0xFFFFFFFF  }
0xad: {  	[dreg:$0x0] =	wrdreg $0x60  }
0xae: {  	[dreg:$0x2] =	wrdreg s24  }
0xaf: {  	[dreg:$0x3] =	wrdreg $0xA8000  }
0xb0: {  	[dreg:$0x4] =	wrdreg $0x9  }
0xb1: {  	_ =	task.clear_ibuf [dreg:s6], $0x5FFFF;
	_ =	strace $0x9000004F  }
0xb2: {  	s29 =	simm.s32 $0x9;
	_ =	strace $0x80000051  }
0xb3: {  	_ =	swait.ge [sflag:s29], $0x1  }
0xb4: {  	[sflag:s29] =	ssyncadd.s32 $0xFFFFFFFF  }
0xb5: {  	_ =	strace $0x90000051  }
0xb6: {  	_ =	sfence  }
0xb7: {  	s30 =	sld [smem:$0x0];
	_ =	sdelay $0x2  }
0xb8: {  	s31 =	sshll.u32 s1, $0xD;
	s1 =	sshrl.u32 s1, $0x2  }
0xb9: {  	s3 =	sand.u32 $0x4000, s31;
	s1 =	sadd.s32 s1, s30  }
0xba: {  	s0 =	sor.u32 s3, s0;
	s1 =	sshll.u32 s1, $0x11  }
0xbb: {  	s0 =	sor.u32 s1, s0  }
0xbc: {  	s0 =	sadd.s32 $0x8F2B, s0  }
0xbd: {  	[sflag:s0] =	ssyncadd.remote.s32 $0x1  }
0xbe: {  	_ =	sfence.sel $0xFFFF  }
0xbf: {  	[dreg:$0x0] =	wrdreg $0xFFFFFFFF;
	(pc) =	sbr.abs _section_cstart, $3  }
0xc0: {  	[dreg:$0x1] =	wrdreg $0xFFFFFFFF  }
0xc1: {  	_ =	task.clear_ibuf [dreg:s6], $0x2FFFF;
	_ =	strace $0x9FFFFFFF  }
0xc2: {  	(tm) =	ssettm $0x7FFFFFFF  }
0xc3: {  	_ =	shalt  }
tec
execute0_lowered:
.L_overlay_start_1:
0x0: {  	(tag) =	ssettag $0x1  }
0x1: {  	s5 =	rddreg [dreg:$0x0]  }
0x2: {  	s1 =	rddreg [dreg:$0x1];
	s3 =	srdreg.scid  }
0x3: {  	s0 =	rddreg [dreg:$0x2];
	s2 =	simm.s32 $0x0;
	s19 =	sand.u32 $0x1, s3  }
0x4: {  	s23 =	simm.s32 $0x6800;
	s3 =	stileid.u32;
	s6 =	smul.u32 $0x28000, s19  }
0x5: {  	s26 =	simm.s32 $0x2;
	[smem:$0x7FF] =	sst s2;
	s7 =	smul.u32 $0x50000, s3  }
0x6: {  	s4 =	sadd.s32 $0xFA00, s5;
	s16 =	sadd.s32 $0x5FA00, s5;
	s9 =	smul.u32 $0x5000, s3  }
0x7: {  	s17 =	sadd.s32 $0x5800, s5;
	_ =	strace $0x80000050;
	s11 =	smul.u32 $0xA00, s3  }
0x8: {  	s29 =	ssub.s32 $0x2, s19;
	s25 =	smul.u32 $0x2800, s3;
	p0 =	sne.s32 s19, $0x0  }
0x9: {  	s19 =	simm.s32 $0x2800;
	s31 =	sshrl.u32 s29, $0x1;
	s18 =	sadd.s32 s6, s5  }
0xa: {  	s30 =	sshrl.u32 s7, $0x2;
	s20 =	ssub.s32 s29, s31;
	s15 =	sshrl.u32 s9, $0x3  }
0xb: {  	s10 =	sadd.s32 s16, s11;
	s11 =	sadd.s32 s17, s11;
	s5 =	sadd.s32 s30, s1  }
0xc: {  	s13 =	sadd.s32 $0x280, s15;
	s21 =	sadd.s32 $0x500, s15;
	s22 =	sadd.s32 $0x780, s15  }
0xd: {  	s24 =	sadd.s32 $0x69C00, s18;
	s18 =	smax.u32 s20, $0x1;
	s20 =	simm.s32 $0x3  }
.Ltmp0:
0xe: {  	s6 =	sadd.s32 $0x4000, s5;
	s7 =	sadd.s32 $0x8000, s5;
	(pc) =	sbr.rel .LBB2_1-.Ltmp0, $4  }
0xf: {  	s8 =	sadd.s32 $0xC000, s5;
	s9 =	sadd.s32 $0x10000, s5;
	s12 =	sadd.s32 s16, s13  }
0x10: {  	s13 =	sadd.s32 s17, s13;
	s14 =	sadd.s32 s16, s21;
	s15 =	sadd.s32 s17, s21  }
0x11: {  	s16 =	sadd.s32 s16, s22;
	s17 =	sadd.s32 s17, s22;
	s21 =	simm.s32 $0x1400  }
0x12: {  	v0 =	vimm.f32 $0.0e+00;
	s22 =	simm.s32 $0x80;
	s24 =	sadd.s32 s25, s24;
	s25 =	simm.s32 $0x1  }
.LBB2_13:
0x13: {  	s28 =	sshra.s32 s28, $0x2;
	[sflag:s20] =	ssyncadd.s32 $0xFFFFC000  }
0x14: {  	[tilespmem:s19], [sflag:$0x1] =	stream.indirect.gather [hbm4b:s4+s22], $0x80, s28, s22, $0xb8;
	[tilespmem:$0x1E800] =	vst v63  }
0x15: {  	s29 =	sadd.s32 $0x80, s28  }
0x16: {  	[tilespmem:s23], [sflag:$0x2] =	stream.indirect.gather [hbm4b:s4+s22], $0x80, s29, s22, $0xb8;
	[tilespmem:$0x1E800] =	vst v63  }
0x17: {  	_ =	swait.ge [sflag:s25], $0x4000  }
0x18: {  	[sflag:s25] =	ssyncset.done $0x0  }
0x19: {  	s31 =	sadd.s32 $0x1400, s28;
	[sflag:s25] =	ssyncadd.s32 $0xFFFFC000  }
0x1a: {  	[spmem:s1] =	stream.indirect.scatter.add.f32 [tilespmem:s19], [sflag:$0x3], $0x80, s31, s22, $0xb8;
	[tilespmem:$0x1E800] =	vst v63  }
0x1b: {  	_ =	swait.ge [sflag:s20], $0x4000  }
0x1c: {  	[sflag:s20] =	ssyncset.done $0x0  }
0x1d: {  	[sflag:s20] =	ssyncadd.s32 $0xFFFFC000  }
0x1e: {  	_ =	swait.ge [sflag:s26], $0x4000  }
0x1f: {  	[sflag:s26] =	ssyncset.done $0x0  }
0x20: {  	s28 =	sadd.s32 $0x1480, s28;
	[sflag:s26] =	ssyncadd.s32 $0xFFFFC000  }
0x21: {  	[spmem:s1] =	stream.indirect.scatter.add.f32 [tilespmem:s23], [sflag:$0x3], $0x80, s28, s22, $0xb8;
	[tilespmem:$0x1E800] =	vst v63  }
0x22: {  	_ =	swait.ge [sflag:s20], $0x4000  }
0x23: {  	[sflag:s20] =	ssyncset.done $0x0  }
0x24: {  	[sflag:s20] =	ssyncadd.s32 $0xFFFFC000  }
.LBB2_14:
0x25: {  	s2 =	sadd.s32 $0x1, s2  }
0x26: {  	s28 =	sshll.u32 s3, $0x6;
	[bflag:$0x0] =	sbarrier.arrive $0xFFFF;
	p1 =	sne.s32 s2, s18  }
.Ltmp1:
0x27: {  	s29 =	sshrl.u32 s5, $0x3;
	s28 =	sor.u32 $0x1C03, s28;
	(pc) =	sbr.rel @!p1 .LBB2_15-.Ltmp1, $4  }
0x28: {  	[hbm:s24], [sflag:s28] =	dma.local [spmem:s29], $0x2800  }
0x29: {  	_ =	swait.ge [sflag:s20], $0x2800  }
0x2a: {  	[sflag:s20] =	ssyncset.done $0x0  }
0x2b: {  	[sflag:s20] =	ssyncadd.s32 $0xFFFFD800  }
.LBB2_1:
0x2c: {  	s28 =	simm.s32 $0x0;
	s29 =	simm.s32 $0x200  }
.LBB2_2:
0x2d: {  	p1 =	sne.s32 s29, $0xFE00;
	[tilespmem:s28+$0x2870] =	vst v0  }
0x2e: {  	[tilespmem:s28+$0x2800] =	vst v0  }
0x2f: {  	[tilespmem:s28+$0x2810] =	vst v0  }
.Ltmp2:
0x30: {  	[tilespmem:s28+$0x2820] =	vst v0;
	(pc) =	sbr.rel @p1 .LBB2_2-.Ltmp2, $4  }
0x31: {  	[tilespmem:s28+$0x2830] =	vst v0  }
0x32: {  	[tilespmem:s28+$0x2840] =	vst v0  }
0x33: {  	[tilespmem:s28+$0x2850] =	vst v0  }
0x34: {  	[tilespmem:s28+$0x2860] =	vst v0;
	s28 =	sshra.s32 s29, $0x2;
	s29 =	sadd.s32 $0x200, s29  }
0x35: {  	[tilespmem:s28+$0x2870] =	vst v0  }
0x36: {  	[tilespmem:s28+$0x2800] =	vst v0  }
0x37: {  	[tilespmem:s28+$0x2810] =	vst v0  }
0x38: {  	[tilespmem:s28+$0x2820] =	vst v0  }
0x39: {  	[tilespmem:s28+$0x2830] =	vst v0  }
0x3a: {  	[tilespmem:s28+$0x2840] =	vst v0  }
0x3b: {  	[tilespmem:s28+$0x2850] =	vst v0  }
0x3c: {  	[tilespmem:s28+$0x2860] =	vst v0  }
0x3d: {  	[spmem:s5] =	stream.linear.scatter [tilespmem:s19], [sflag:$0x3], $0x4000, $0x38;
	[tilespmem:$0x1E800] =	vst v63  }
0x3e: {  	_ =	swait.ge [sflag:s20], $0x4000  }
0x3f: {  	[sflag:s20] =	ssyncset.done $0x0  }
0x40: {  	[sflag:s20] =	ssyncadd.s32 $0xFFFFC000  }
0x41: {  	[spmem:s6] =	stream.linear.scatter [tilespmem:s19], [sflag:$0x3], $0x4000, $0x38;
	[tilespmem:$0x1E800] =	vst v63  }
0x42: {  	_ =	swait.ge [sflag:s20], $0x4000  }
0x43: {  	[sflag:s20] =	ssyncset.done $0x0  }
0x44: {  	[sflag:s20] =	ssyncadd.s32 $0xFFFFC000  }
0x45: {  	[spmem:s7] =	stream.linear.scatter [tilespmem:s19], [sflag:$0x3], $0x4000, $0x38;
	[tilespmem:$0x1E800] =	vst v63  }
0x46: {  	_ =	swait.ge [sflag:s20], $0x4000  }
0x47: {  	[sflag:s20] =	ssyncset.done $0x0  }
0x48: {  	[sflag:s20] =	ssyncadd.s32 $0xFFFFC000  }
0x49: {  	[spmem:s8] =	stream.linear.scatter [tilespmem:s19], [sflag:$0x3], $0x4000, $0x38;
	[tilespmem:$0x1E800] =	vst v63  }
0x4a: {  	_ =	swait.ge [sflag:s20], $0x4000  }
0x4b: {  	[sflag:s20] =	ssyncset.done $0x0  }
0x4c: {  	[sflag:s20] =	ssyncadd.s32 $0xFFFFC000  }
0x4d: {  	[spmem:s9] =	stream.linear.scatter [tilespmem:s19], [sflag:$0x3], $0x4000, $0x38;
	[tilespmem:$0x1E800] =	vst v63  }
.Ltmp3:
0x4e: {  	_ =	swait.ge [sflag:s20], $0x4000;
	(pc) =	sbr.rel @p0 .LBB2_7-.Ltmp3, $4  }
0x4f: {  	[sflag:s20] =	ssyncset.done $0x0  }
0x50: {  	[sflag:s20] =	ssyncadd.s32 $0xFFFFC000  }
0x51: {  	[bflag:$0x0] =	sbarrier.arrive $0xFFFF  }
0x52: {  	s28 =	simm.s32 $0x0  }
0x53: {  	[tilespmem:s28], [sflag:$0x3] =	stream.linear.gather [hbm4b:s16+s28], $0x1400, $0x38;
	[tilespmem:$0x1E800] =	vst v63  }
0x54: {  	_ =	swait.ge [sflag:s20], $0x1400  }
0x55: {  	[sflag:s20] =	ssyncset.done $0x0  }
0x56: {  	[sflag:s20] =	ssyncadd.s32 $0xFFFFEC00  }
0x57: {  	[tilespmem:s21], [sflag:$0x3] =	stream.linear.gather [hbm4b:s17+s28], $0x1400, $0x38;
	[tilespmem:$0x1E800] =	vst v63  }
0x58: {  	_ =	swait.ge [sflag:s20], $0x1400  }
0x59: {  	[sflag:s20] =	ssyncset.done $0x0  }
0x5a: {  	s28 =	simm.s32 $0x0;
	[sflag:s20] =	ssyncadd.s32 $0xFFFFEC00  }
0x5b: {  	[tilespmem:s19], [sflag:$0x1] =	stream.indirect.gather [hbm4b:s4+s22], $0x80, s28, s22, $0xb8;
	[tilespmem:$0x1E800] =	vst v63  }
0x5c: {  	s28 =	simm.s32 $0x80  }
0x5d: {  	[tilespmem:s23], [sflag:$0x2] =	stream.indirect.gather [hbm4b:s4+s22], $0x80, s28, s22, $0xb8;
	[tilespmem:$0x1E800] =	vst v63  }
0x5e: {  	_ =	swait.ge [sflag:s25], $0x4000  }
0x5f: {  	[sflag:s25] =	ssyncset.done $0x0  }
0x60: {  	s28 =	simm.s32 $0x1400;
	[sflag:s25] =	ssyncadd.s32 $0xFFFFC000  }
0x61: {  	[spmem:s1] =	stream.indirect.scatter.add.f32 [tilespmem:s19], [sflag:$0x3], $0x80, s28, s22, $0xb8;
	[tilespmem:$0x1E800] =	vst v63  }
0x62: {  	_ =	swait.ge [sflag:s20], $0x4000  }
0x63: {  	[sflag:s20] =	ssyncset.done $0x0  }
0x64: {  	[sflag:s20] =	ssyncadd.s32 $0xFFFFC000  }
0x65: {  	_ =	swait.ge [sflag:s26], $0x4000  }
0x66: {  	[sflag:s26] =	ssyncset.done $0x0  }
0x67: {  	s28 =	simm.s32 $0x1480;
	[sflag:s26] =	ssyncadd.s32 $0xFFFFC000  }
0x68: {  	[spmem:s1] =	stream.indirect.scatter.add.f32 [tilespmem:s23], [sflag:$0x3], $0x80, s28, s22, $0xb8;
	[tilespmem:$0x1E800] =	vst v63  }
0x69: {  	_ =	swait.ge [sflag:s20], $0x4000  }
0x6a: {  	s29 =	simm.s32 $0x800;
	s28 =	simm.s32 $0x400;
	[sflag:s20] =	ssyncset.done $0x0  }
.LBB2_5:
0x6b: {  	s30 =	sshra.s32 s28, $0x2  }
0x6c: {  	[sflag:s20] =	ssyncadd.s32 $0xFFFFC000;
	s28 =	smov.u32 s29;
	s31 =	sadd.s32 $0x400, s29  }
0x6d: {  	[tilespmem:s19], [sflag:$0x1] =	stream.indirect.gather [hbm4b:s4+s22], $0x80, s30, s22, $0xb8;
	[tilespmem:$0x1E800] =	vst v63  }
0x6e: {  	p1 =	seq.s32 s29, $0x4C00;
	s29 =	sadd.s32 $0x80, s30  }
0x6f: {  	[tilespmem:s23], [sflag:$0x2] =	stream.indirect.gather [hbm4b:s4+s22], $0x80, s29, s22, $0xb8;
	[tilespmem:$0x1E800] =	vst v63  }
0x70: {  	_ =	swait.ge [sflag:s25], $0x4000  }
0x71: {  	[sflag:s25] =	ssyncset.done $0x0  }
0x72: {  	s29 =	sadd.s32 $0x1400, s30;
	[sflag:s25] =	ssyncadd.s32 $0xFFFFC000  }
0x73: {  	[spmem:s1] =	stream.indirect.scatter.add.f32 [tilespmem:s19], [sflag:$0x3], $0x80, s29, s22, $0xb8;
	[tilespmem:$0x1E800] =	vst v63  }
0x74: {  	_ =	swait.ge [sflag:s20], $0x4000  }
0x75: {  	[sflag:s20] =	ssyncset.done $0x0  }
0x76: {  	[sflag:s20] =	ssyncadd.s32 $0xFFFFC000  }
0x77: {  	_ =	swait.ge [sflag:s26], $0x4000  }
.Ltmp4:
0x78: {  	[sflag:s26] =	ssyncset.done $0x0;
	(pc) =	sbr.rel @!p1 .LBB2_5-.Ltmp4, $4  }
0x79: {  	s29 =	sadd.s32 $0x1480, s30;
	[sflag:s26] =	ssyncadd.s32 $0xFFFFC000  }
0x7a: {  	[spmem:s1] =	stream.indirect.scatter.add.f32 [tilespmem:s23], [sflag:$0x3], $0x80, s29, s22, $0xb8;
	[tilespmem:$0x1E800] =	vst v63  }
0x7b: {  	_ =	swait.ge [sflag:s20], $0x4000  }
0x7c: {  	s29 =	smov.u32 s31;
	[sflag:s20] =	ssyncset.done $0x0  }
0x7d: {  	s28 =	sshra.s32 s28, $0x2;
	[sflag:s20] =	ssyncadd.s32 $0xFFFFC000  }
0x7e: {  	[tilespmem:s19], [sflag:$0x1] =	stream.indirect.gather [hbm4b:s4+s22], $0x80, s28, s22, $0xb8;
	[tilespmem:$0x1E800] =	vst v63  }
0x7f: {  	s29 =	sadd.s32 $0x80, s28  }
0x80: {  	[tilespmem:s23], [sflag:$0x2] =	stream.indirect.gather [hbm4b:s4+s22], $0x80, s29, s22, $0xb8;
	[tilespmem:$0x1E800] =	vst v63  }
0x81: {  	_ =	swait.ge [sflag:s25], $0x4000  }
0x82: {  	[sflag:s25] =	ssyncset.done $0x0  }
0x83: {  	s31 =	sadd.s32 $0x1400, s28;
	[sflag:s25] =	ssyncadd.s32 $0xFFFFC000  }
0x84: {  	[spmem:s1] =	stream.indirect.scatter.add.f32 [tilespmem:s19], [sflag:$0x3], $0x80, s31, s22, $0xb8;
	[tilespmem:$0x1E800] =	vst v63  }
0x85: {  	_ =	swait.ge [sflag:s20], $0x4000  }
0x86: {  	[sflag:s20] =	ssyncset.done $0x0  }
0x87: {  	[sflag:s20] =	ssyncadd.s32 $0xFFFFC000  }
0x88: {  	_ =	swait.ge [sflag:s26], $0x4000  }
0x89: {  	[sflag:s26] =	ssyncset.done $0x0  }
.Ltmp5:
0x8a: {  	s28 =	sadd.s32 $0x1480, s28;
	[sflag:s26] =	ssyncadd.s32 $0xFFFFC000;
	(pc) =	sbr.rel .LBB2_14-.Ltmp5, $4  }
0x8b: {  	[spmem:s1] =	stream.indirect.scatter.add.f32 [tilespmem:s23], [sflag:$0x3], $0x80, s28, s22, $0xb8;
	[tilespmem:$0x1E800] =	vst v63  }
0x8c: {  	_ =	swait.ge [sflag:s20], $0x4000  }
0x8d: {  	[sflag:s20] =	ssyncset.done $0x0  }
0x8e: {  	[sflag:s20] =	ssyncadd.s32 $0xFFFFC000  }
.LBB2_7:
0x8f: {  	[tilespmem:s28], [sflag:$0x3] =	stream.linear.gather [hbm4b:s10+s28], $0x1400, $0x38;
	[tilespmem:$0x1E800] =	vst v63  }
0x90: {  	_ =	swait.ge [sflag:s20], $0x1400  }
0x91: {  	[sflag:s20] =	ssyncset.done $0x0  }
0x92: {  	[sflag:s20] =	ssyncadd.s32 $0xFFFFEC00  }
0x93: {  	[tilespmem:s21], [sflag:$0x3] =	stream.linear.gather [hbm4b:s11+s28], $0x1400, $0x38;
	[tilespmem:$0x1E800] =	vst v63  }
0x94: {  	_ =	swait.ge [sflag:s20], $0x1400  }
0x95: {  	[sflag:s20] =	ssyncset.done $0x0  }
0x96: {  	s28 =	simm.s32 $0x0;
	[sflag:s20] =	ssyncadd.s32 $0xFFFFEC00  }
0x97: {  	[tilespmem:s19], [sflag:$0x1] =	stream.indirect.gather [hbm4b:s4+s22], $0x80, s28, s22, $0xb8;
	[tilespmem:$0x1E800] =	vst v63  }
0x98: {  	s28 =	simm.s32 $0x80  }
0x99: {  	[tilespmem:s23], [sflag:$0x2] =	stream.indirect.gather [hbm4b:s4+s22], $0x80, s28, s22, $0xb8;
	[tilespmem:$0x1E800] =	vst v63  }
0x9a: {  	_ =	swait.ge [sflag:s25], $0x4000  }
0x9b: {  	[sflag:s25] =	ssyncset.done $0x0  }
0x9c: {  	s28 =	simm.s32 $0x1400;
	[sflag:s25] =	ssyncadd.s32 $0xFFFFC000  }
0x9d: {  	[spmem:s1] =	stream.indirect.scatter.add.f32 [tilespmem:s19], [sflag:$0x3], $0x80, s28, s22, $0xb8;
	[tilespmem:$0x1E800] =	vst v63  }
0x9e: {  	_ =	swait.ge [sflag:s20], $0x4000  }
0x9f: {  	[sflag:s20] =	ssyncset.done $0x0  }
0xa0: {  	[sflag:s20] =	ssyncadd.s32 $0xFFFFC000  }
0xa1: {  	_ =	swait.ge [sflag:s26], $0x4000  }
0xa2: {  	[sflag:s26] =	ssyncset.done $0x0  }
0xa3: {  	s28 =	simm.s32 $0x1480;
	[sflag:s26] =	ssyncadd.s32 $0xFFFFC000  }
0xa4: {  	[spmem:s1] =	stream.indirect.scatter.add.f32 [tilespmem:s23], [sflag:$0x3], $0x80, s28, s22, $0xb8;
	[tilespmem:$0x1E800] =	vst v63  }
0xa5: {  	_ =	swait.ge [sflag:s20], $0x4000  }
0xa6: {  	s29 =	simm.s32 $0x800;
	s28 =	simm.s32 $0x400;
	[sflag:s20] =	ssyncset.done $0x0  }
.LBB2_8:
0xa7: {  	s30 =	sshra.s32 s28, $0x2  }
0xa8: {  	[sflag:s20] =	ssyncadd.s32 $0xFFFFC000;
	s28 =	smov.u32 s29;
	s31 =	sadd.s32 $0x400, s29  }
0xa9: {  	[tilespmem:s19], [sflag:$0x1] =	stream.indirect.gather [hbm4b:s4+s22], $0x80, s30, s22, $0xb8;
	[tilespmem:$0x1E800] =	vst v63  }
0xaa: {  	p1 =	sne.s32 s29, $0x4C00;
	s29 =	sadd.s32 $0x80, s30  }
0xab: {  	[tilespmem:s23], [sflag:$0x2] =	stream.indirect.gather [hbm4b:s4+s22], $0x80, s29, s22, $0xb8;
	[tilespmem:$0x1E800] =	vst v63  }
0xac: {  	_ =	swait.ge [sflag:s25], $0x4000  }
0xad: {  	[sflag:s25] =	ssyncset.done $0x0  }
0xae: {  	s29 =	sadd.s32 $0x1400, s30;
	[sflag:s25] =	ssyncadd.s32 $0xFFFFC000  }
0xaf: {  	[spmem:s1] =	stream.indirect.scatter.add.f32 [tilespmem:s19], [sflag:$0x3], $0x80, s29, s22, $0xb8;
	[tilespmem:$0x1E800] =	vst v63  }
0xb0: {  	_ =	swait.ge [sflag:s20], $0x4000  }
0xb1: {  	[sflag:s20] =	ssyncset.done $0x0  }
0xb2: {  	[sflag:s20] =	ssyncadd.s32 $0xFFFFC000  }
0xb3: {  	_ =	swait.ge [sflag:s26], $0x4000  }
.Ltmp6:
0xb4: {  	[sflag:s26] =	ssyncset.done $0x0;
	(pc) =	sbr.rel @p1 .LBB2_8-.Ltmp6, $4  }
0xb5: {  	s29 =	sadd.s32 $0x1480, s30;
	[sflag:s26] =	ssyncadd.s32 $0xFFFFC000  }
0xb6: {  	[spmem:s1] =	stream.indirect.scatter.add.f32 [tilespmem:s23], [sflag:$0x3], $0x80, s29, s22, $0xb8;
	[tilespmem:$0x1E800] =	vst v63  }
0xb7: {  	_ =	swait.ge [sflag:s20], $0x4000  }
0xb8: {  	s29 =	smov.u32 s31;
	[sflag:s20] =	ssyncset.done $0x0  }
0xb9: {  	s28 =	sshra.s32 s28, $0x2;
	[sflag:s20] =	ssyncadd.s32 $0xFFFFC000  }
0xba: {  	[tilespmem:s19], [sflag:$0x1] =	stream.indirect.gather [hbm4b:s4+s22], $0x80, s28, s22, $0xb8;
	[tilespmem:$0x1E800] =	vst v63  }
0xbb: {  	s29 =	sadd.s32 $0x80, s28  }
0xbc: {  	[tilespmem:s23], [sflag:$0x2] =	stream.indirect.gather [hbm4b:s4+s22], $0x80, s29, s22, $0xb8;
	[tilespmem:$0x1E800] =	vst v63  }
0xbd: {  	_ =	swait.ge [sflag:s25], $0x4000  }
0xbe: {  	[sflag:s25] =	ssyncset.done $0x0  }
0xbf: {  	s29 =	sadd.s32 $0x1400, s28;
	[sflag:s25] =	ssyncadd.s32 $0xFFFFC000  }
0xc0: {  	[spmem:s1] =	stream.indirect.scatter.add.f32 [tilespmem:s19], [sflag:$0x3], $0x80, s29, s22, $0xb8;
	[tilespmem:$0x1E800] =	vst v63  }
0xc1: {  	_ =	swait.ge [sflag:s20], $0x4000  }
0xc2: {  	[sflag:s20] =	ssyncset.done $0x0  }
0xc3: {  	[sflag:s20] =	ssyncadd.s32 $0xFFFFC000  }
0xc4: {  	_ =	swait.ge [sflag:s26], $0x4000  }
0xc5: {  	[sflag:s26] =	ssyncset.done $0x0  }
0xc6: {  	s28 =	sadd.s32 $0x1480, s28;
	[sflag:s26] =	ssyncadd.s32 $0xFFFFC000  }
0xc7: {  	[spmem:s1] =	stream.indirect.scatter.add.f32 [tilespmem:s23], [sflag:$0x3], $0x80, s28, s22, $0xb8;
	[tilespmem:$0x1E800] =	vst v63  }
0xc8: {  	_ =	swait.ge [sflag:s20], $0x4000  }
0xc9: {  	[sflag:s20] =	ssyncset.done $0x0  }
0xca: {  	s28 =	simm.s32 $0x0;
	[sflag:s20] =	ssyncadd.s32 $0xFFFFC000  }
0xcb: {  	[tilespmem:s28], [sflag:$0x3] =	stream.linear.gather [hbm4b:s12+s28], $0x1400, $0x38;
	[tilespmem:$0x1E800] =	vst v63  }
0xcc: {  	_ =	swait.ge [sflag:s20], $0x1400  }
0xcd: {  	[sflag:s20] =	ssyncset.done $0x0  }
0xce: {  	[sflag:s20] =	ssyncadd.s32 $0xFFFFEC00  }
0xcf: {  	[tilespmem:s21], [sflag:$0x3] =	stream.linear.gather [hbm4b:s13+s28], $0x1400, $0x38;
	[tilespmem:$0x1E800] =	vst v63  }
0xd0: {  	_ =	swait.ge [sflag:s20], $0x1400  }
0xd1: {  	[sflag:s20] =	ssyncset.done $0x0  }
0xd2: {  	s28 =	simm.s32 $0x0;
	[sflag:s20] =	ssyncadd.s32 $0xFFFFEC00  }
0xd3: {  	[tilespmem:s19], [sflag:$0x1] =	stream.indirect.gather [hbm4b:s4+s22], $0x80, s28, s22, $0xb8;
	[tilespmem:$0x1E800] =	vst v63  }
0xd4: {  	s28 =	simm.s32 $0x80  }
0xd5: {  	[tilespmem:s23], [sflag:$0x2] =	stream.indirect.gather [hbm4b:s4+s22], $0x80, s28, s22, $0xb8;
	[tilespmem:$0x1E800] =	vst v63  }
0xd6: {  	_ =	swait.ge [sflag:s25], $0x4000  }
0xd7: {  	[sflag:s25] =	ssyncset.done $0x0  }
0xd8: {  	s28 =	simm.s32 $0x1400;
	[sflag:s25] =	ssyncadd.s32 $0xFFFFC000  }
0xd9: {  	[spmem:s1] =	stream.indirect.scatter.add.f32 [tilespmem:s19], [sflag:$0x3], $0x80, s28, s22, $0xb8;
	[tilespmem:$0x1E800] =	vst v63  }
0xda: {  	_ =	swait.ge [sflag:s20], $0x4000  }
0xdb: {  	[sflag:s20] =	ssyncset.done $0x0  }
0xdc: {  	[sflag:s20] =	ssyncadd.s32 $0xFFFFC000  }
0xdd: {  	_ =	swait.ge [sflag:s26], $0x4000  }
0xde: {  	[sflag:s26] =	ssyncset.done $0x0  }
0xdf: {  	s28 =	simm.s32 $0x1480;
	[sflag:s26] =	ssyncadd.s32 $0xFFFFC000  }
0xe0: {  	[spmem:s1] =	stream.indirect.scatter.add.f32 [tilespmem:s23], [sflag:$0x3], $0x80, s28, s22, $0xb8;
	[tilespmem:$0x1E800] =	vst v63  }
0xe1: {  	_ =	swait.ge [sflag:s20], $0x4000  }
0xe2: {  	s29 =	simm.s32 $0x800;
	s28 =	simm.s32 $0x400;
	[sflag:s20] =	ssyncset.done $0x0  }
.LBB2_10:
0xe3: {  	s30 =	sshra.s32 s28, $0x2  }
0xe4: {  	[sflag:s20] =	ssyncadd.s32 $0xFFFFC000;
	s28 =	smov.u32 s29;
	s31 =	sadd.s32 $0x400, s29  }
0xe5: {  	[tilespmem:s19], [sflag:$0x1] =	stream.indirect.gather [hbm4b:s4+s22], $0x80, s30, s22, $0xb8;
	[tilespmem:$0x1E800] =	vst v63  }
0xe6: {  	p1 =	sne.s32 s29, $0x4C00;
	s29 =	sadd.s32 $0x80, s30  }
0xe7: {  	[tilespmem:s23], [sflag:$0x2] =	stream.indirect.gather [hbm4b:s4+s22], $0x80, s29, s22, $0xb8;
	[tilespmem:$0x1E800] =	vst v63  }
0xe8: {  	_ =	swait.ge [sflag:s25], $0x4000  }
0xe9: {  	[sflag:s25] =	ssyncset.done $0x0  }
0xea: {  	s29 =	sadd.s32 $0x1400, s30;
	[sflag:s25] =	ssyncadd.s32 $0xFFFFC000  }
0xeb: {  	[spmem:s1] =	stream.indirect.scatter.add.f32 [tilespmem:s19], [sflag:$0x3], $0x80, s29, s22, $0xb8;
	[tilespmem:$0x1E800] =	vst v63  }
0xec: {  	_ =	swait.ge [sflag:s20], $0x4000  }
0xed: {  	[sflag:s20] =	ssyncset.done $0x0  }
0xee: {  	[sflag:s20] =	ssyncadd.s32 $0xFFFFC000  }
0xef: {  	_ =	swait.ge [sflag:s26], $0x4000  }
.Ltmp7:
0xf0: {  	[sflag:s26] =	ssyncset.done $0x0;
	(pc) =	sbr.rel @p1 .LBB2_10-.Ltmp7, $4  }
0xf1: {  	s29 =	sadd.s32 $0x1480, s30;
	[sflag:s26] =	ssyncadd.s32 $0xFFFFC000  }
0xf2: {  	[spmem:s1] =	stream.indirect.scatter.add.f32 [tilespmem:s23], [sflag:$0x3], $0x80, s29, s22, $0xb8;
	[tilespmem:$0x1E800] =	vst v63  }
0xf3: {  	_ =	swait.ge [sflag:s20], $0x4000  }
0xf4: {  	s29 =	smov.u32 s31;
	[sflag:s20] =	ssyncset.done $0x0  }
0xf5: {  	s28 =	sshra.s32 s28, $0x2;
	[sflag:s20] =	ssyncadd.s32 $0xFFFFC000  }
0xf6: {  	[tilespmem:s19], [sflag:$0x1] =	stream.indirect.gather [hbm4b:s4+s22], $0x80, s28, s22, $0xb8;
	[tilespmem:$0x1E800] =	vst v63  }
0xf7: {  	s29 =	sadd.s32 $0x80, s28  }
0xf8: {  	[tilespmem:s23], [sflag:$0x2] =	stream.indirect.gather [hbm4b:s4+s22], $0x80, s29, s22, $0xb8;
	[tilespmem:$0x1E800] =	vst v63  }
0xf9: {  	_ =	swait.ge [sflag:s25], $0x4000  }
0xfa: {  	[sflag:s25] =	ssyncset.done $0x0  }
0xfb: {  	s29 =	sadd.s32 $0x1400, s28;
	[sflag:s25] =	ssyncadd.s32 $0xFFFFC000  }
0xfc: {  	[spmem:s1] =	stream.indirect.scatter.add.f32 [tilespmem:s19], [sflag:$0x3], $0x80, s29, s22, $0xb8;
	[tilespmem:$0x1E800] =	vst v63  }
0xfd: {  	_ =	swait.ge [sflag:s20], $0x4000  }
0xfe: {  	[sflag:s20] =	ssyncset.done $0x0  }
0xff: {  	[sflag:s20] =	ssyncadd.s32 $0xFFFFC000  }
0x100: {  	_ =	swait.ge [sflag:s26], $0x4000  }
0x101: {  	[sflag:s26] =	ssyncset.done $0x0  }
0x102: {  	s28 =	sadd.s32 $0x1480, s28;
	[sflag:s26] =	ssyncadd.s32 $0xFFFFC000  }
0x103: {  	[spmem:s1] =	stream.indirect.scatter.add.f32 [tilespmem:s23], [sflag:$0x3], $0x80, s28, s22, $0xb8;
	[tilespmem:$0x1E800] =	vst v63  }
0x104: {  	_ =	swait.ge [sflag:s20], $0x4000  }
0x105: {  	[sflag:s20] =	ssyncset.done $0x0  }
0x106: {  	s28 =	simm.s32 $0x0;
	[sflag:s20] =	ssyncadd.s32 $0xFFFFC000  }
0x107: {  	[tilespmem:s28], [sflag:$0x3] =	stream.linear.gather [hbm4b:s14+s28], $0x1400, $0x38;
	[tilespmem:$0x1E800] =	vst v63  }
0x108: {  	_ =	swait.ge [sflag:s20], $0x1400  }
0x109: {  	[sflag:s20] =	ssyncset.done $0x0  }
0x10a: {  	[sflag:s20] =	ssyncadd.s32 $0xFFFFEC00  }
0x10b: {  	[tilespmem:s21], [sflag:$0x3] =	stream.linear.gather [hbm4b:s15+s28], $0x1400, $0x38;
	[tilespmem:$0x1E800] =	vst v63  }
0x10c: {  	_ =	swait.ge [sflag:s20], $0x1400  }
0x10d: {  	[sflag:s20] =	ssyncset.done $0x0  }
0x10e: {  	s28 =	simm.s32 $0x0;
	[sflag:s20] =	ssyncadd.s32 $0xFFFFEC00  }
0x10f: {  	[tilespmem:s19], [sflag:$0x1] =	stream.indirect.gather [hbm4b:s4+s22], $0x80, s28, s22, $0xb8;
	[tilespmem:$0x1E800] =	vst v63  }
0x110: {  	s28 =	simm.s32 $0x80  }
0x111: {  	[tilespmem:s23], [sflag:$0x2] =	stream.indirect.gather [hbm4b:s4+s22], $0x80, s28, s22, $0xb8;
	[tilespmem:$0x1E800] =	vst v63  }
0x112: {  	_ =	swait.ge [sflag:s25], $0x4000  }
0x113: {  	[sflag:s25] =	ssyncset.done $0x0  }
0x114: {  	s28 =	simm.s32 $0x1400;
	[sflag:s25] =	ssyncadd.s32 $0xFFFFC000  }
0x115: {  	[spmem:s1] =	stream.indirect.scatter.add.f32 [tilespmem:s19], [sflag:$0x3], $0x80, s28, s22, $0xb8;
	[tilespmem:$0x1E800] =	vst v63  }
0x116: {  	_ =	swait.ge [sflag:s20], $0x4000  }
0x117: {  	[sflag:s20] =	ssyncset.done $0x0  }
0x118: {  	[sflag:s20] =	ssyncadd.s32 $0xFFFFC000  }
0x119: {  	_ =	swait.ge [sflag:s26], $0x4000  }
0x11a: {  	[sflag:s26] =	ssyncset.done $0x0  }
0x11b: {  	s28 =	simm.s32 $0x1480;
	[sflag:s26] =	ssyncadd.s32 $0xFFFFC000  }
0x11c: {  	[spmem:s1] =	stream.indirect.scatter.add.f32 [tilespmem:s23], [sflag:$0x3], $0x80, s28, s22, $0xb8;
	[tilespmem:$0x1E800] =	vst v63  }
0x11d: {  	_ =	swait.ge [sflag:s20], $0x4000  }
0x11e: {  	s29 =	simm.s32 $0x800;
	s28 =	simm.s32 $0x400;
	[sflag:s20] =	ssyncset.done $0x0  }
.LBB2_12:
0x11f: {  	s30 =	sshra.s32 s28, $0x2  }
0x120: {  	[sflag:s20] =	ssyncadd.s32 $0xFFFFC000;
	s28 =	smov.u32 s29;
	s31 =	sadd.s32 $0x400, s29  }
0x121: {  	[tilespmem:s19], [sflag:$0x1] =	stream.indirect.gather [hbm4b:s4+s22], $0x80, s30, s22, $0xb8;
	[tilespmem:$0x1E800] =	vst v63  }
0x122: {  	p1 =	sne.s32 s29, $0x4C00;
	s29 =	sadd.s32 $0x80, s30  }
0x123: {  	[tilespmem:s23], [sflag:$0x2] =	stream.indirect.gather [hbm4b:s4+s22], $0x80, s29, s22, $0xb8;
	[tilespmem:$0x1E800] =	vst v63  }
0x124: {  	_ =	swait.ge [sflag:s25], $0x4000  }
0x125: {  	[sflag:s25] =	ssyncset.done $0x0  }
0x126: {  	s29 =	sadd.s32 $0x1400, s30;
	[sflag:s25] =	ssyncadd.s32 $0xFFFFC000  }
0x127: {  	[spmem:s1] =	stream.indirect.scatter.add.f32 [tilespmem:s19], [sflag:$0x3], $0x80, s29, s22, $0xb8;
	[tilespmem:$0x1E800] =	vst v63  }
0x128: {  	_ =	swait.ge [sflag:s20], $0x4000  }
0x129: {  	[sflag:s20] =	ssyncset.done $0x0  }
0x12a: {  	[sflag:s20] =	ssyncadd.s32 $0xFFFFC000  }
0x12b: {  	_ =	swait.ge [sflag:s26], $0x4000  }
.Ltmp8:
0x12c: {  	[sflag:s26] =	ssyncset.done $0x0;
	(pc) =	sbr.rel @p1 .LBB2_12-.Ltmp8, $4  }
0x12d: {  	s29 =	sadd.s32 $0x1480, s30;
	[sflag:s26] =	ssyncadd.s32 $0xFFFFC000  }
0x12e: {  	[spmem:s1] =	stream.indirect.scatter.add.f32 [tilespmem:s23], [sflag:$0x3], $0x80, s29, s22, $0xb8;
	[tilespmem:$0x1E800] =	vst v63  }
0x12f: {  	_ =	swait.ge [sflag:s20], $0x4000  }
0x130: {  	s29 =	smov.u32 s31;
	[sflag:s20] =	ssyncset.done $0x0  }
.Ltmp9:
0x131: {  	_ = 	snop;
	(pc) =	sbr.rel .LBB2_13-.Ltmp9, $1  }
0x132: {  	_ =	sdelay $0x3  }
.LBB2_15:
0x133: {  	_ =	sfence.sel $0x180000  }
0x134: {  	[bflag:$0x0] =	sbarrier.arrive $0xFFFF  }
0x135: {  	p0 =	sne.s32 s3, $0x0;
	_ =	strace $0x90000050  }
0x136: {  	s0 =	sadd.s32 @!p0 $0x100000, s0;
	[bflag:$0x2] =	sbarrier.arrive $0xFFFF  }
0x137: {  	[sflag:s0] =	ssyncadd.tile.s32 @!p0 $0x1;
	_ =	shalt  }
.Lfunc_end2:
_tile_overlayer_lowered:
.L_overlay_start_2:
0x138: {  	(tag) =	ssettag $0x2  }
0x139: {  	s0 =	rddreg [dreg:$0x0];
	s2 =	stileid.u32  }
0x13a: {  	s1 =	rddreg [dreg:$0x1];
	p0 =	sne.s32 s2, $0x0  }
0x13b: {  	s3 =	rddreg [dreg:$0x2];
	[bflag:$0x3] =	sbarrier.arrive $0xFFFF;
	s2 =	simm.s32 @!p0 $0x1C03  }
0x13c: {  	[timem:s3], [sflag:s2] =	dma.local @!p0 [hbm:s0], s1  }
0x13d: {  	s0 =	simm.s32 @!p0 $0x3  }
0x13e: {  	_ =	swait.ge @!p0 [sflag:s0], s1  }
0x13f: {  	s1 =	ssub.s32 @!p0 $0x0, s1;
	[sflag:s0] =	ssyncset.done @!p0 $0x0  }
0x140: {  	[sflag:s0] =	ssyncadd.s32 @!p0 s1  }
0x141: {  	[bflag:$0x3] =	sbarrier.arrive $0xFFFF  }
0x142: {  	_ =	shalt  }

</sc_bundles>
